<compile_context>
chip_gen: v7x
topology: tpu7x:2x2x1
jax: 0.10.2.dev20260603
libtpu: 0.0.44.dev20260713+nightly
codegen_flags: <defaults>
</compile_context>

<pallas_src>
import functools

import jax
import jax.numpy as jnp
from jax import lax
from jax.experimental import pallas as pl
from jax.experimental.pallas import tpu as pltpu
from jax.experimental.pallas import tpu_sc as plsc

_N = 8192
_M = 2048
_K = 64
_ROW = 80
_R2 = 0.1 * 0.1



def _fps_body(px_ref, py_ref, pz_ref, pxp_ref, pyp_ref, pzp_ref,
              idx_ref, qx_ref, qy_ref, qz_ref):
    pxv = px_ref[...]
    pyv = py_ref[...]
    pzv = pz_ref[...]
    lin = (lax.broadcasted_iota(jnp.int32, (64, 128), 0) * 128
           + lax.broadcasted_iota(jnp.int32, (64, 128), 1))
    r16 = lax.broadcasted_iota(jnp.int32, (16, 128), 0)
    c16 = lax.broadcasted_iota(jnp.int32, (16, 128), 1)
    sub8 = lax.broadcasted_iota(jnp.int32, (8, 128), 0)

    at0 = (r16 == 0) & (c16 == 0)
    idx0 = jnp.zeros((16, 128), jnp.int32)
    qx0 = jnp.where(at0, pxv[0, 0], 0.0)
    qy0 = jnp.where(at0, pyv[0, 0], 0.0)
    qz0 = jnp.where(at0, pzv[0, 0], 0.0)
    lx0 = jnp.full((1, 128), pxv[0, 0], jnp.float32)
    ly0 = jnp.full((1, 128), pyv[0, 0], jnp.float32)
    lz0 = jnp.full((1, 128), pzv[0, 0], jnp.float32)
    mind0 = jnp.full((64, 128), jnp.inf, jnp.float32)

    def one_step(k, carry):
        mind, idxa, qxa, qya, qza, lx, ly, lz = carry
        dx = pxv - lx
        dy = pyv - ly
        dz = pzv - lz
        d = dx * dx + dy * dy + dz * dz
        mind = jnp.minimum(mind, d)
        m = jnp.max(mind)
        sel = jnp.min(jnp.where(mind == m, lin, jnp.int32(_N)))
        base = pl.multiple_of((sel // 8) * 8, 8)
        srow = sub8 == (sel % 8)
        nlx = jnp.sum(jnp.where(srow, pxp_ref[pl.ds(base, 8), :], 0.0),
                      axis=0, keepdims=True)
        nly = jnp.sum(jnp.where(srow, pyp_ref[pl.ds(base, 8), :], 0.0),
                      axis=0, keepdims=True)
        nlz = jnp.sum(jnp.where(srow, pzp_ref[pl.ds(base, 8), :], 0.0),
                      axis=0, keepdims=True)
        pm = (r16 == (k // 128)) & (c16 == (k % 128))
        idxa = jnp.where(pm, sel, idxa)
        qxa = jnp.where(pm, jnp.broadcast_to(nlx, (16, 128)), qxa)
        qya = jnp.where(pm, jnp.broadcast_to(nly, (16, 128)), qya)
        qza = jnp.where(pm, jnp.broadcast_to(nlz, (16, 128)), qza)
        return (mind, idxa, qxa, qya, qza, nlx, nly, nlz)

    def body(i, carry):
        carry = one_step(4 * i + 1, carry)
        carry = one_step(4 * i + 2, carry)
        carry = one_step(4 * i + 3, carry)
        carry = one_step(4 * i + 4, carry)
        return carry

    carry = lax.fori_loop(0, (_M - 4) // 4, body,
                          (mind0, idx0, qx0, qy0, qz0, lx0, ly0, lz0))
    carry = one_step(_M - 3, carry)
    carry = one_step(_M - 2, carry)
    carry = one_step(_M - 1, carry)
    _, idxa, qxa, qya, qza, _, _, _ = carry
    idx_ref[...] = idxa
    qx_ref[...] = qxa
    qy_ref[...] = qya
    qz_ref[...] = qza


_fps_call = pl.pallas_call(
    _fps_body,
    out_shape=(
        jax.ShapeDtypeStruct((16, 128), jnp.int32),
        jax.ShapeDtypeStruct((16, 128), jnp.float32),
        jax.ShapeDtypeStruct((16, 128), jnp.float32),
        jax.ShapeDtypeStruct((16, 128), jnp.float32),
    ),
)



_PAD = 1e-4
_QBF = 256
_NCH = _N // 16


def _chunkmin_body(q_ref, pt_ref, cm_ref):
    qb = q_ref[...]
    pt = pt_ref[...]
    pp = pt[0:1, :] * pt[0:1, :] + pt[1:2, :] * pt[1:2, :] + pt[2:3, :] * pt[2:3, :]
    qq = jnp.sum(qb * qb, axis=1, keepdims=True)
    qp = jnp.dot(qb, pt, precision=lax.Precision.HIGHEST)
    d2 = qq - 2.0 * qp + pp
    cm = jnp.min(d2.reshape(_QBF, 16, _NCH), axis=1)
    cm_ref[...] = cm


_chunkmin_call = pl.pallas_call(
    _chunkmin_body,
    grid=(_M // _QBF,),
    in_specs=[
        pl.BlockSpec((_QBF, 3), lambda i: (i, 0)),
        pl.BlockSpec((3, _N), lambda i: (0, 0)),
    ],
    out_specs=pl.BlockSpec((_QBF, _NCH), lambda i: (i, 0)),
    out_shape=jax.ShapeDtypeStruct((_M, _NCH), jnp.float32),
)



@functools.lru_cache(maxsize=1)
def _sc_select_build():
    info = plsc.get_sparse_core_info()
    nc, ns = info.num_cores, info.num_subcores
    nw = nc * ns
    qpw = _M // nw

    mesh = plsc.VectorSubcoreMesh(core_axis_name="c", subcore_axis_name="s",
                                  num_cores=nc, num_subcores=ns)
    f32 = jnp.float32

    hcap = 128
    hrow = hcap + 16

    out_type = tuple(jax.ShapeDtypeStruct((_M * _ROW,), f32) for _ in range(6)) + (
        jax.ShapeDtypeStruct((_M,), jnp.int32),)
    scratch = (
        [pltpu.VMEM((_N,), f32) for _ in range(6)]
        + [pltpu.VMEM((qpw * 16,), f32) for _ in range(3)]
        + [pltpu.VMEM((qpw * _NCH,), f32)]
        + [pltpu.VMEM((hrow,), jnp.int32)]
        + [pltpu.VMEM((qpw * _ROW,), f32) for _ in range(6)]
        + [pltpu.VMEM((qpw,), jnp.int32)]
    )

    @functools.partial(pl.kernel, out_type=out_type, mesh=mesh,
                       scratch_types=scratch,
                       compiler_params=pltpu.CompilerParams(
                           needs_layout_passes=False))
    def sc_select(pxh, pyh, pzh, xxh, xyh, xzh, qxh, qyh, qzh, cmh,
                  oxx, oxy, oxz, orx, ory, orz, ocnt,
                  pxv, pyv, pzv, xxv, xyv, xzv, qxv, qyv, qzv, cmv, hit,
                  bxx, bxy, bxz, brx, bry, brz, bcnt):
        w = lax.axis_index("s") * nc + lax.axis_index("c")
        pltpu.sync_copy(pxh, pxv)
        pltpu.sync_copy(pyh, pyv)
        pltpu.sync_copy(pzh, pzv)
        pltpu.sync_copy(xxh, xxv)
        pltpu.sync_copy(xyh, xyv)
        pltpu.sync_copy(xzh, xzv)
        pltpu.sync_copy(qxh.at[pl.ds(w * qpw * 16, qpw * 16)], qxv)
        pltpu.sync_copy(qyh.at[pl.ds(w * qpw * 16, qpw * 16)], qyv)
        pltpu.sync_copy(qzh.at[pl.ds(w * qpw * 16, qpw * 16)], qzv)
        pltpu.sync_copy(cmh.at[pl.ds(w * qpw * _NCH, qpw * _NCH)], cmv)

        lane = lax.broadcasted_iota(jnp.int32, (16,), 0)
        thr = jnp.float32(_R2 + _PAD)

        def per_query(qi, cntv):
            qsx = qxv[pl.ds(qi * 16, 16)]
            qsy = qyv[pl.ds(qi * 16, 16)]
            qsz = qzv[pl.ds(qi * 16, 16)]

            def it_a(t, off):
                cmc = cmv[pl.ds(qi * _NCH + t * 16, 16)]
                mk = cmc <= thr
                c = jnp.sum(mk.astype(jnp.int32))

                @pl.when((c > 0) & (off < hcap))
                def _():
                    plsc.store_compressed(hit.at[pl.ds(off, 16)],
                                          t * 16 + lane, mask=mk)

                return off + c

            nhit = lax.fori_loop(0, _NCH // 16, it_a, jnp.int32(0))
            nhit = jnp.minimum(nhit, hcap)
            ngrp = (nhit + 15) // 16

            def it_b(hg, off):
                hc = hit[pl.ds(hg * 16, 16)]
                lv = (hg * 16 + lane) < nhit
                hcs = jnp.where(lv, hc, 0)
                off2 = off
                for s in range(16):
                    pi = hcs + s * _NCH
                    pxg = plsc.load_gather(pxv, [pi])
                    pyg = plsc.load_gather(pyv, [pi])
                    pzg = plsc.load_gather(pzv, [pi])
                    dx = pxg - qsx
                    dy = pyg - qsy
                    dz = pzg - qsz
                    d2 = dx * dx + dy * dy + dz * dz
                    mk = (d2 <= _R2) & lv
                    c = jnp.sum(mk.astype(jnp.int32))

                    @pl.when((c > 0) & (off2 < _K))
                    def _(pi=pi, dx=dx, dy=dy, dz=dz, mk=mk, off2=off2):
                        base = qi * _ROW + off2
                        plsc.store_compressed(bxx.at[pl.ds(base, 16)],
                                              plsc.load_gather(xxv, [pi]),
                                              mask=mk)
                        plsc.store_compressed(bxy.at[pl.ds(base, 16)],
                                              plsc.load_gather(xyv, [pi]),
                                              mask=mk)
                        plsc.store_compressed(bxz.at[pl.ds(base, 16)],
                                              plsc.load_gather(xzv, [pi]),
                                              mask=mk)
                        plsc.store_compressed(brx.at[pl.ds(base, 16)], dx,
                                              mask=mk)
                        plsc.store_compressed(bry.at[pl.ds(base, 16)], dy,
                                              mask=mk)
                        plsc.store_compressed(brz.at[pl.ds(base, 16)], dz,
                                              mask=mk)

                    off2 = off2 + c
                return off2

            off = lax.fori_loop(0, ngrp, it_b, jnp.int32(0))
            cntv = jnp.where(lane == (qi % 16), jnp.minimum(off, _K), cntv)

            @pl.when(qi % 16 == 15)
            def _():
                bcnt[pl.ds(qi - 15, 16)] = cntv

            return cntv

        lax.fori_loop(0, qpw, per_query, jnp.zeros((16,), jnp.int32))

        pltpu.sync_copy(bxx, oxx.at[pl.ds(w * qpw * _ROW, qpw * _ROW)])
        pltpu.sync_copy(bxy, oxy.at[pl.ds(w * qpw * _ROW, qpw * _ROW)])
        pltpu.sync_copy(bxz, oxz.at[pl.ds(w * qpw * _ROW, qpw * _ROW)])
        pltpu.sync_copy(brx, orx.at[pl.ds(w * qpw * _ROW, qpw * _ROW)])
        pltpu.sync_copy(bry, ory.at[pl.ds(w * qpw * _ROW, qpw * _ROW)])
        pltpu.sync_copy(brz, orz.at[pl.ds(w * qpw * _ROW, qpw * _ROW)])
        pltpu.sync_copy(bcnt, ocnt.at[pl.ds(w * qpw, qpw)])

    return sc_select



_QB = 256


def _mlp_body(msg_ref, cnt_ref, w1_ref, b1_ref, w2_ref, b2_ref, w3_ref, b3_ref,
              out_ref):
    h = msg_ref[...]
    h = jnp.maximum(jnp.dot(h, w1_ref[...]) + b1_ref[...], 0.0)
    h = jnp.maximum(jnp.dot(h, w2_ref[...]) + b2_ref[...], 0.0)
    h = jnp.dot(h, w3_ref[...]) + b3_ref[...]
    h = h.reshape(_QB, _K, 128)
    cnt = cnt_ref[...].reshape(_QB, 1, 1)
    slot = lax.broadcasted_iota(jnp.int32, (_QB, _K, 1), 1)
    h = jnp.where(slot < cnt, h, -jnp.inf)
    o = jnp.max(h, axis=1)
    o = jnp.where(cnt.reshape(_QB, 1) > 0, o, 0.0)
    out_ref[...] = o


_mlp_call = pl.pallas_call(
    _mlp_body,
    grid=(_M // _QB,),
    in_specs=[
        pl.BlockSpec((_QB * _K, 8), lambda i: (i, 0)),
        pl.BlockSpec((_QB, 1), lambda i: (i, 0)),
        pl.BlockSpec((8, 64), lambda i: (0, 0)),
        pl.BlockSpec((1, 64), lambda i: (0, 0)),
        pl.BlockSpec((64, 64), lambda i: (0, 0)),
        pl.BlockSpec((1, 64), lambda i: (0, 0)),
        pl.BlockSpec((64, 128), lambda i: (0, 0)),
        pl.BlockSpec((1, 128), lambda i: (0, 0)),
    ],
    out_specs=pl.BlockSpec((_QB, 128), lambda i: (i, 0)),
    out_shape=jax.ShapeDtypeStruct((_M, 128), jnp.float32),
)



def kernel(x, pos, batch, W1, b1, W2, b2, W3, b3):
    px = pos[:, 0]
    py = pos[:, 1]
    pz = pos[:, 2]

    idx2d, qx2d, qy2d, qz2d = _fps_call(px.reshape(64, 128),
                                        py.reshape(64, 128),
                                        pz.reshape(64, 128),
                                        jnp.broadcast_to(px[:, None], (_N, 128)),
                                        jnp.broadcast_to(py[:, None], (_N, 128)),
                                        jnp.broadcast_to(pz[:, None], (_N, 128)))
    idx = idx2d.reshape(_M)
    qx = qx2d.reshape(_M)
    qy = qy2d.reshape(_M)
    qz = qz2d.reshape(_M)
    qpos = jnp.stack([qx, qy, qz], axis=-1)

    cm = _chunkmin_call(qpos, pos.T)

    xx, xy, xz = x[:, 0], x[:, 1], x[:, 2]
    qxr = jnp.repeat(qx, 16)
    qyr = jnp.repeat(qy, 16)
    qzr = jnp.repeat(qz, 16)
    oxx, oxy, oxz, orx, ory, orz, cnt = _sc_select_build()(
        px, py, pz, xx, xy, xz, qxr, qyr, qzr, cm.reshape(-1))

    comps = [a.reshape(_M, _ROW)[:, :_K] for a in (oxx, oxy, oxz, orx, ory, orz)]
    msg = jnp.stack(comps, axis=-1).reshape(_M * _K, 6)
    msg = jnp.pad(msg, ((0, 0), (0, 2)))

    out = _mlp_call(msg, cnt.reshape(_M, 1),
                    jnp.pad(W1, ((0, 2), (0, 0))), b1.reshape(1, 64),
                    W2, b2.reshape(1, 64), W3, b3.reshape(1, 128))

    return (out, qpos, batch[idx])

# --- scband reference (transcript-rebuilt; emitter-appended) ---
"""Pipeline reference for scband-samodule-68719477563 (READ-ONLY COPY).

The authoritative reference and input builder live on the scoring server;
editing this copy changes nothing except your own understanding.
"""

import jax, jax.numpy as jnp
import numpy as np

RATIO = 0.25
RADIUS = 0.1
MAX_NEIGHBORS = 64


def fps(pos, m):
    # farthest point sampling, deterministic start at index 0 (torch_geometric fps semantics)
    pos = jax.lax.stop_gradient(pos)
    n = pos.shape[0]
    sel = jnp.zeros((m,), jnp.int32)
    mind = jnp.full((n,), jnp.inf, jnp.float32)

    def body(i, carry):
        sel, mind = carry
        last = pos[sel[i - 1]]
        d = jnp.sum((pos - last[None, :]) ** 2, axis=-1)
        mind = jnp.minimum(mind, d)
        nxt = jnp.argmax(mind).astype(jnp.int32)
        sel = sel.at[i].set(nxt)
        return (sel, mind)

    sel, _ = jax.lax.fori_loop(1, m, body, (sel, mind))
    return sel


def mlp(h, W1, b1, W2, b2, W3, b3):
    h = jax.nn.relu(h @ W1 + b1)
    h = jax.nn.relu(h @ W2 + b2)
    return h @ W3 + b3


def setup_inputs(seed: int = 0):
    key = jax.random.key(seed)
    ks = jax.random.split(key, 8)
    N = 8192
    x = jax.random.normal(ks[0], (N, 3), jnp.float32)
    pos = jax.random.uniform(ks[1], (N, 3), jnp.float32)
    batch = jnp.zeros((N,), jnp.int32)
    W1 = jax.random.normal(ks[2], (6, 64), jnp.float32) * 0.1
    b1 = jnp.zeros((64,), jnp.float32)
    W2 = jax.random.normal(ks[3], (64, 64), jnp.float32) * 0.1
    b2 = jnp.zeros((64,), jnp.float32)
    W3 = jax.random.normal(ks[4], (64, 128), jnp.float32) * 0.1
    b3 = jnp.zeros((128,), jnp.float32)
    return {"x": x, "pos": pos, "batch": batch, "W1": W1, "b1": b1, "W2": W2, "b2": b2, "W3": W3, "b3": b3}


def reference(x, pos, batch, W1, b1, W2, b2, W3, b3):
    N = pos.shape[0]
    M = int(N * RATIO)
    idx = fps(pos, M)
    q = pos[idx]  # [M, 3] sampled centroids
    # radius neighbor search (non-differentiable index selection, like torch radius)
    d2 = jnp.sum((jax.lax.stop_gradient(q)[:, None, :] - jax.lax.stop_gradient(pos)[None, :, :]) ** 2, axis=-1)  # [M, N]
    neg, col = jax.lax.top_k(-d2, MAX_NEIGHBORS)  # closest MAX_NEIGHBORS candidates per query
    mask = (-neg) <= RADIUS * RADIUS  # [M, 64] within-radius validity
    # PointNetConv message: nn(concat(x_j, pos_j - pos_i)), aggr = max over neighbors
    x_j = x[col]                      # [M, 64, 3]
    rel = pos[col] - q[:, None, :]    # [M, 64, 3]
    msg_in = jnp.concatenate([x_j, rel], axis=-1)  # [M, 64, 6]
    h = mlp(msg_in, W1, b1, W2, b2, W3, b3)        # [M, 64, 128]
    h = jnp.where(mask[:, :, None], h, -jnp.inf)
    out = jnp.max(h, axis=1)
    out = jnp.where(jnp.any(mask, axis=1, keepdims=True), out, 0.0)
    return (out, pos[idx], batch[idx])

if __name__ == "__main__":
    import jax
    _d = setup_inputs()
    print(jax.jit(kernel)(*tuple(_d.values())))

</pallas_src>

<mosaic_0001>
#map = affine_map<(d0, d1) -> (0)>
module attributes {stable_mosaic.version = 14 : i64} {
  func.func @sc_select(%arg0: i32, %arg1: i32, %arg2: memref<8192xf32, #tpu.memory_space<hbm>>, %arg3: memref<8192xf32, #tpu.memory_space<hbm>>, %arg4: memref<8192xf32, #tpu.memory_space<hbm>>, %arg5: memref<8192xf32, #tpu.memory_space<hbm>>, %arg6: memref<8192xf32, #tpu.memory_space<hbm>>, %arg7: memref<8192xf32, #tpu.memory_space<hbm>>, %arg8: memref<32768xf32, #tpu.memory_space<hbm>>, %arg9: memref<32768xf32, #tpu.memory_space<hbm>>, %arg10: memref<32768xf32, #tpu.memory_space<hbm>>, %arg11: memref<1048576xf32, #tpu.memory_space<hbm>>, %arg12: memref<163840xf32, #tpu.memory_space<hbm>>, %arg13: memref<163840xf32, #tpu.memory_space<hbm>>, %arg14: memref<163840xf32, #tpu.memory_space<hbm>>, %arg15: memref<163840xf32, #tpu.memory_space<hbm>>, %arg16: memref<163840xf32, #tpu.memory_space<hbm>>, %arg17: memref<163840xf32, #tpu.memory_space<hbm>>, %arg18: memref<2048xi32, #tpu.memory_space<hbm>>, %arg19: memref<8192xf32, #tpu.memory_space<vmem>>, %arg20: memref<8192xf32, #tpu.memory_space<vmem>>, %arg21: memref<8192xf32, #tpu.memory_space<vmem>>, %arg22: memref<8192xf32, #tpu.memory_space<vmem>>, %arg23: memref<8192xf32, #tpu.memory_space<vmem>>, %arg24: memref<8192xf32, #tpu.memory_space<vmem>>, %arg25: memref<1024xf32, #tpu.memory_space<vmem>>, %arg26: memref<1024xf32, #tpu.memory_space<vmem>>, %arg27: memref<1024xf32, #tpu.memory_space<vmem>>, %arg28: memref<32768xf32, #tpu.memory_space<vmem>>, %arg29: memref<144xi32, #tpu.memory_space<vmem>>, %arg30: memref<5120xf32, #tpu.memory_space<vmem>>, %arg31: memref<5120xf32, #tpu.memory_space<vmem>>, %arg32: memref<5120xf32, #tpu.memory_space<vmem>>, %arg33: memref<5120xf32, #tpu.memory_space<vmem>>, %arg34: memref<5120xf32, #tpu.memory_space<vmem>>, %arg35: memref<5120xf32, #tpu.memory_space<vmem>>, %arg36: memref<64xi32, #tpu.memory_space<vmem>>) attributes {dimension_semantics = [#tpu.dimension_semantics<core_parallel>, #tpu.dimension_semantics<subcore_parallel>], iteration_bounds = array<i64: 2, 16>, scalar_prefetch = 0 : i64, scratch_operands = 18 : i64, tpu.core_type = #tpu.core_type<sc_vector_subcore>, window_params = [{transform_indices = #map}, {transform_indices = #map}, {transform_indices = #map}, {transform_indices = #map}, {transform_indices = #map}, {transform_indices = #map}, {transform_indices = #map}, {transform_indices = #map}, {transform_indices = #map}, {transform_indices = #map}, {transform_indices = #map}, {transform_indices = #map}, {transform_indices = #map}, {transform_indices = #map}, {transform_indices = #map}, {transform_indices = #map}, {transform_indices = #map}]} {
    %mul3A = arith.constant 2 : i32
    %mul3A_0 = arith.muli %arg1, %mul3A : i32
    %add3A = arith.addi %mul3A_0, %arg0 : i32
    "tpu.region"() ({
      %run_scoped3A = tpu.sem_alloc : memref<!tpu.dma_semaphore, #tpu.memory_space<semaphore_mem>>
      tpu.enqueue_dma source(%arg2 : memref<8192xf32, #tpu.memory_space<hbm>>) target(%arg19 : memref<8192xf32, #tpu.memory_space<vmem>>) target_semaphore(%run_scoped3A : memref<!tpu.dma_semaphore, #tpu.memory_space<semaphore_mem>>)
      tpu.wait_dma2 semaphore(%run_scoped3A : memref<!tpu.dma_semaphore, #tpu.memory_space<semaphore_mem>>) src(%arg2 : memref<8192xf32, #tpu.memory_space<hbm>>) dst(%arg19 : memref<8192xf32, #tpu.memory_space<vmem>>)
      tpu.yield
    }) : () -> ()
    "tpu.region"() ({
      %run_scoped3A = tpu.sem_alloc : memref<!tpu.dma_semaphore, #tpu.memory_space<semaphore_mem>>
      tpu.enqueue_dma source(%arg3 : memref<8192xf32, #tpu.memory_space<hbm>>) target(%arg20 : memref<8192xf32, #tpu.memory_space<vmem>>) target_semaphore(%run_scoped3A : memref<!tpu.dma_semaphore, #tpu.memory_space<semaphore_mem>>)
      tpu.wait_dma2 semaphore(%run_scoped3A : memref<!tpu.dma_semaphore, #tpu.memory_space<semaphore_mem>>) src(%arg3 : memref<8192xf32, #tpu.memory_space<hbm>>) dst(%arg20 : memref<8192xf32, #tpu.memory_space<vmem>>)
      tpu.yield
    }) : () -> ()
    "tpu.region"() ({
      %run_scoped3A = tpu.sem_alloc : memref<!tpu.dma_semaphore, #tpu.memory_space<semaphore_mem>>
      tpu.enqueue_dma source(%arg4 : memref<8192xf32, #tpu.memory_space<hbm>>) target(%arg21 : memref<8192xf32, #tpu.memory_space<vmem>>) target_semaphore(%run_scoped3A : memref<!tpu.dma_semaphore, #tpu.memory_space<semaphore_mem>>)
      tpu.wait_dma2 semaphore(%run_scoped3A : memref<!tpu.dma_semaphore, #tpu.memory_space<semaphore_mem>>) src(%arg4 : memref<8192xf32, #tpu.memory_space<hbm>>) dst(%arg21 : memref<8192xf32, #tpu.memory_space<vmem>>)
      tpu.yield
    }) : () -> ()
    "tpu.region"() ({
      %run_scoped3A = tpu.sem_alloc : memref<!tpu.dma_semaphore, #tpu.memory_space<semaphore_mem>>
      tpu.enqueue_dma source(%arg5 : memref<8192xf32, #tpu.memory_space<hbm>>) target(%arg22 : memref<8192xf32, #tpu.memory_space<vmem>>) target_semaphore(%run_scoped3A : memref<!tpu.dma_semaphore, #tpu.memory_space<semaphore_mem>>)
      tpu.wait_dma2 semaphore(%run_scoped3A : memref<!tpu.dma_semaphore, #tpu.memory_space<semaphore_mem>>) src(%arg5 : memref<8192xf32, #tpu.memory_space<hbm>>) dst(%arg22 : memref<8192xf32, #tpu.memory_space<vmem>>)
      tpu.yield
    }) : () -> ()
    "tpu.region"() ({
      %run_scoped3A = tpu.sem_alloc : memref<!tpu.dma_semaphore, #tpu.memory_space<semaphore_mem>>
      tpu.enqueue_dma source(%arg6 : memref<8192xf32, #tpu.memory_space<hbm>>) target(%arg23 : memref<8192xf32, #tpu.memory_space<vmem>>) target_semaphore(%run_scoped3A : memref<!tpu.dma_semaphore, #tpu.memory_space<semaphore_mem>>)
      tpu.wait_dma2 semaphore(%run_scoped3A : memref<!tpu.dma_semaphore, #tpu.memory_space<semaphore_mem>>) src(%arg6 : memref<8192xf32, #tpu.memory_space<hbm>>) dst(%arg23 : memref<8192xf32, #tpu.memory_space<vmem>>)
      tpu.yield
    }) : () -> ()
    "tpu.region"() ({
      %run_scoped3A = tpu.sem_alloc : memref<!tpu.dma_semaphore, #tpu.memory_space<semaphore_mem>>
      tpu.enqueue_dma source(%arg7 : memref<8192xf32, #tpu.memory_space<hbm>>) target(%arg24 : memref<8192xf32, #tpu.memory_space<vmem>>) target_semaphore(%run_scoped3A : memref<!tpu.dma_semaphore, #tpu.memory_space<semaphore_mem>>)
      tpu.wait_dma2 semaphore(%run_scoped3A : memref<!tpu.dma_semaphore, #tpu.memory_space<semaphore_mem>>) src(%arg7 : memref<8192xf32, #tpu.memory_space<hbm>>) dst(%arg24 : memref<8192xf32, #tpu.memory_space<vmem>>)
      tpu.yield
    }) : () -> ()
    %mul3A_1 = arith.constant 64 : i32
    %mul3A_2 = arith.muli %add3A, %mul3A_1 : i32
    %mul3A_3 = arith.constant 16 : i32
    %mul3A_4 = arith.muli %mul3A_2, %mul3A_3 : i32
    "tpu.region"() ({
      %run_scoped3A = tpu.sem_alloc : memref<!tpu.dma_semaphore, #tpu.memory_space<semaphore_mem>>
      %dma_start3A = tpu.memref_slice %arg8[%mul3A_4] : memref<32768xf32, #tpu.memory_space<hbm>> -> memref<1024xf32, #tpu.memory_space<hbm>>
      %dma_start3A_50 = tpu.memref_slice %arg8[%mul3A_4] : memref<32768xf32, #tpu.memory_space<hbm>> -> memref<1024xf32, #tpu.memory_space<hbm>>
      tpu.enqueue_dma source(%dma_start3A_50 : memref<1024xf32, #tpu.memory_space<hbm>>) target(%arg25 : memref<1024xf32, #tpu.memory_space<vmem>>) target_semaphore(%run_scoped3A : memref<!tpu.dma_semaphore, #tpu.memory_space<semaphore_mem>>)
      %dma_wait3A = tpu.memref_slice %arg8[%mul3A_4] : memref<32768xf32, #tpu.memory_space<hbm>> -> memref<1024xf32, #tpu.memory_space<hbm>>
      %dma_wait3A_51 = tpu.memref_slice %arg8[%mul3A_4] : memref<32768xf32, #tpu.memory_space<hbm>> -> memref<1024xf32, #tpu.memory_space<hbm>>
      tpu.wait_dma2 semaphore(%run_scoped3A : memref<!tpu.dma_semaphore, #tpu.memory_space<semaphore_mem>>) src(%dma_wait3A_51 : memref<1024xf32, #tpu.memory_space<hbm>>) dst(%arg25 : memref<1024xf32, #tpu.memory_space<vmem>>)
      tpu.yield
    }) : () -> ()
    %mul3A_5 = arith.constant 64 : i32
    %mul3A_6 = arith.muli %add3A, %mul3A_5 : i32
    %mul3A_7 = arith.constant 16 : i32
    %mul3A_8 = arith.muli %mul3A_6, %mul3A_7 : i32
    "tpu.region"() ({
      %run_scoped3A = tpu.sem_alloc : memref<!tpu.dma_semaphore, #tpu.memory_space<semaphore_mem>>
      %dma_start3A = tpu.memref_slice %arg9[%mul3A_8] : memref<32768xf32, #tpu.memory_space<hbm>> -> memref<1024xf32, #tpu.memory_space<hbm>>
      %dma_start3A_50 = tpu.memref_slice %arg9[%mul3A_8] : memref<32768xf32, #tpu.memory_space<hbm>> -> memref<1024xf32, #tpu.memory_space<hbm>>
      tpu.enqueue_dma source(%dma_start3A_50 : memref<1024xf32, #tpu.memory_space<hbm>>) target(%arg26 : memref<1024xf32, #tpu.memory_space<vmem>>) target_semaphore(%run_scoped3A : memref<!tpu.dma_semaphore, #tpu.memory_space<semaphore_mem>>)
      %dma_wait3A = tpu.memref_slice %arg9[%mul3A_8] : memref<32768xf32, #tpu.memory_space<hbm>> -> memref<1024xf32, #tpu.memory_space<hbm>>
      %dma_wait3A_51 = tpu.memref_slice %arg9[%mul3A_8] : memref<32768xf32, #tpu.memory_space<hbm>> -> memref<1024xf32, #tpu.memory_space<hbm>>
      tpu.wait_dma2 semaphore(%run_scoped3A : memref<!tpu.dma_semaphore, #tpu.memory_space<semaphore_mem>>) src(%dma_wait3A_51 : memref<1024xf32, #tpu.memory_space<hbm>>) dst(%arg26 : memref<1024xf32, #tpu.memory_space<vmem>>)
      tpu.yield
    }) : () -> ()
    %mul3A_9 = arith.constant 64 : i32
    %mul3A_10 = arith.muli %add3A, %mul3A_9 : i32
    %mul3A_11 = arith.constant 16 : i32
    %mul3A_12 = arith.muli %mul3A_10, %mul3A_11 : i32
    "tpu.region"() ({
      %run_scoped3A = tpu.sem_alloc : memref<!tpu.dma_semaphore, #tpu.memory_space<semaphore_mem>>
      %dma_start3A = tpu.memref_slice %arg10[%mul3A_12] : memref<32768xf32, #tpu.memory_space<hbm>> -> memref<1024xf32, #tpu.memory_space<hbm>>
      %dma_start3A_50 = tpu.memref_slice %arg10[%mul3A_12] : memref<32768xf32, #tpu.memory_space<hbm>> -> memref<1024xf32, #tpu.memory_space<hbm>>
      tpu.enqueue_dma source(%dma_start3A_50 : memref<1024xf32, #tpu.memory_space<hbm>>) target(%arg27 : memref<1024xf32, #tpu.memory_space<vmem>>) target_semaphore(%run_scoped3A : memref<!tpu.dma_semaphore, #tpu.memory_space<semaphore_mem>>)
      %dma_wait3A = tpu.memref_slice %arg10[%mul3A_12] : memref<32768xf32, #tpu.memory_space<hbm>> -> memref<1024xf32, #tpu.memory_space<hbm>>
      %dma_wait3A_51 = tpu.memref_slice %arg10[%mul3A_12] : memref<32768xf32, #tpu.memory_space<hbm>> -> memref<1024xf32, #tpu.memory_space<hbm>>
      tpu.wait_dma2 semaphore(%run_scoped3A : memref<!tpu.dma_semaphore, #tpu.memory_space<semaphore_mem>>) src(%dma_wait3A_51 : memref<1024xf32, #tpu.memory_space<hbm>>) dst(%arg27 : memref<1024xf32, #tpu.memory_space<vmem>>)
      tpu.yield
    }) : () -> ()
    %mul3A_13 = arith.constant 64 : i32
    %mul3A_14 = arith.muli %add3A, %mul3A_13 : i32
    %mul3A_15 = arith.constant 512 : i32
    %mul3A_16 = arith.muli %mul3A_14, %mul3A_15 : i32
    "tpu.region"() ({
      %run_scoped3A = tpu.sem_alloc : memref<!tpu.dma_semaphore, #tpu.memory_space<semaphore_mem>>
      %dma_start3A = tpu.memref_slice %arg11[%mul3A_16] : memref<1048576xf32, #tpu.memory_space<hbm>> -> memref<32768xf32, #tpu.memory_space<hbm>>
      %dma_start3A_50 = tpu.memref_slice %arg11[%mul3A_16] : memref<1048576xf32, #tpu.memory_space<hbm>> -> memref<32768xf32, #tpu.memory_space<hbm>>
      tpu.enqueue_dma source(%dma_start3A_50 : memref<32768xf32, #tpu.memory_space<hbm>>) target(%arg28 : memref<32768xf32, #tpu.memory_space<vmem>>) target_semaphore(%run_scoped3A : memref<!tpu.dma_semaphore, #tpu.memory_space<semaphore_mem>>)
      %dma_wait3A = tpu.memref_slice %arg11[%mul3A_16] : memref<1048576xf32, #tpu.memory_space<hbm>> -> memref<32768xf32, #tpu.memory_space<hbm>>
      %dma_wait3A_51 = tpu.memref_slice %arg11[%mul3A_16] : memref<1048576xf32, #tpu.memory_space<hbm>> -> memref<32768xf32, #tpu.memory_space<hbm>>
      tpu.wait_dma2 semaphore(%run_scoped3A : memref<!tpu.dma_semaphore, #tpu.memory_space<semaphore_mem>>) src(%dma_wait3A_51 : memref<32768xf32, #tpu.memory_space<hbm>>) dst(%arg28 : memref<32768xf32, #tpu.memory_space<vmem>>)
      tpu.yield
    }) : () -> ()
    %iota3A = tpu.iota {dimensions = array<i32: 0>} : vector<16xi32>
    %broadcast_in_dim3A = arith.constant 0 : i32
    %broadcast_in_dim3A_17 = vector.broadcast %broadcast_in_dim3A : i32 to vector<16xi32>
    %scan3A = arith.constant 1.010000e-02 : f32
    %scan3A_18 = arith.constant 0 : i32
    %scan3A_19 = arith.constant 64 : i32
    %scan3A_20 = arith.addi %scan3A_18, %scan3A_19 : i32
    %scan3A_21 = arith.constant 1 : i32
    %scan3A_22 = scf.for %scan3A_50 = %scan3A_18 to %scan3A_20 step %scan3A_21 iter_args(%scan3A_51 = %broadcast_in_dim3A_17) -> (vector<16xi32>)  : i32 {
      %mul3A_52 = arith.constant 16 : i32
      %mul3A_53 = arith.muli %scan3A_50, %mul3A_52 : i32
      %get3A = arith.index_cast %mul3A_53 : i32 to index
      %get3A_54 = tpu.vector_load %arg25[%get3A] {strides = array<i32>} : memref<1024xf32, #tpu.memory_space<vmem>>, vector<16xf32>,
      %mul3A_55 = arith.constant 16 : i32
      %mul3A_56 = arith.muli %scan3A_50, %mul3A_55 : i32
      %get3A_57 = arith.index_cast %mul3A_56 : i32 to index
      %get3A_58 = tpu.vector_load %arg26[%get3A_57] {strides = array<i32>} : memref<1024xf32, #tpu.memory_space<vmem>>, vector<16xf32>,
      %mul3A_59 = arith.constant 16 : i32
      %mul3A_60 = arith.muli %scan3A_50, %mul3A_59 : i32
      %get3A_61 = arith.index_cast %mul3A_60 : i32 to index
      %get3A_62 = tpu.vector_load %arg27[%get3A_61] {strides = array<i32>} : memref<1024xf32, #tpu.memory_space<vmem>>, vector<16xf32>,
      %scan3A_63 = arith.constant 0 : i32
      %scan3A_64 = arith.constant 0 : i32
      %scan3A_65 = arith.constant 32 : i32
      %scan3A_66 = arith.addi %scan3A_64, %scan3A_65 : i32
      %scan3A_67 = arith.constant 1 : i32
      %scan3A_68 = scf.for %scan3A_139 = %scan3A_64 to %scan3A_66 step %scan3A_67 iter_args(%scan3A_140 = %scan3A_63) -> (i32)  : i32 {
        %mul3A_141 = arith.constant 512 : i32
        %mul3A_142 = arith.muli %scan3A_50, %mul3A_141 : i32
        %mul3A_143 = arith.constant 16 : i32
        %mul3A_144 = arith.muli %scan3A_139, %mul3A_143 : i32
        %add3A_145 = arith.addi %mul3A_142, %mul3A_144 : i32
        %get3A_146 = arith.index_cast %add3A_145 : i32 to index
        %get3A_147 = tpu.vector_load %arg28[%get3A_146] {strides = array<i32>} : memref<32768xf32, #tpu.memory_space<vmem>>, vector<16xf32>,
        %le3A = vector.broadcast %scan3A : f32 to vector<16xf32>
        %le3A_148 = arith.cmpf ole, %get3A_147, %le3A : vector<16xf32>
        %convert_element_type3A_149 = arith.extui %le3A_148 : vector<16xi1> to vector<16xi32>
        %reduce_sum3A = arith.constant true
        %reduce_sum3A_150 = vector.broadcast %reduce_sum3A : i1 to vector<16xi1>
        %reduce_sum3A_151 = tpu.scan <sum>, %convert_element_type3A_149 masked %reduce_sum3A_150 : vector<16xi32>, vector<16xi1> -> vector<16xi32>
        %reduce_sum3A_152 = vector.extract %reduce_sum3A_151[15] : i32 from vector<16xi32>
        %gt3A = arith.constant 0 : i32
        %gt3A_153 = arith.cmpi sgt, %reduce_sum3A_152, %gt3A : i32
        %lt3A_154 = arith.constant 128 : i32
        %lt3A_155 = arith.cmpi slt, %scan3A_140, %lt3A_154 : i32
        %and3A_156 = arith.andi %gt3A_153, %lt3A_155 : i1
        %convert_element_type3A_157 = arith.extui %and3A_156 : i1 to i32
        %cond3A_158 = arith.constant 0 : i32
        %cond3A_159 = arith.cmpi ne, %convert_element_type3A_157, %cond3A_158 : i32
        scf.if %cond3A_159 {
          %mul3A_161 = arith.constant 16 : i32
          %mul3A_162 = arith.muli %scan3A_139, %mul3A_161 : i32
          %add3A_163 = vector.broadcast %mul3A_162 : i32 to vector<16xi32>
          %add3A_164 = arith.addi %add3A_163, %iota3A : vector<16xi32>
          %swap3A = arith.index_cast %scan3A_140 : i32 to index
          %swap3A_165 = tpu.vector_load %arg29[%swap3A] masked %le3A_148 {strides = array<i32>} : memref<144xi32, #tpu.memory_space<vmem>>, vector<16xi32>, vector<16xi1>
          tpu.vector_store %arg29[%swap3A], %add3A_164 masked %le3A_148 {strides = array<i32>} : memref<144xi32, #tpu.memory_space<vmem>>, vector<16xi32>, vector<16xi1>
        } else {
        }
        %add3A_160 = arith.addi %scan3A_140, %reduce_sum3A_152 : i32
        scf.yield %add3A_160 : i32
      }
      %scan3A_69 = arith.constant 32 : i32
      %min3A = arith.constant 128 : i32
      %min3A_70 = arith.minsi %scan3A_68, %min3A : i32
      %add3A_71 = arith.constant 15 : i32
      %add3A_72 = arith.addi %min3A_70, %add3A_71 : i32
      %jit3A = arith.constant 16 : i32
      %div3A = arith.divsi %add3A_72, %jit3A : i32
      %sign3A = arith.constant 0 : i32
      %sign3A_73 = arith.cmpi sgt, %add3A_72, %sign3A : i32
      %sign3A_74 = arith.extui %sign3A_73 : i1 to i32
      %sign3A_75 = arith.constant 0 : i32
      %sign3A_76 = arith.cmpi slt, %add3A_72, %sign3A_75 : i32
      %sign3A_77 = arith.extui %sign3A_76 : i1 to i32
      %sign3A_78 = arith.subi %sign3A_74, %sign3A_77 : i32
      %sign3A_79 = arith.constant 0 : i32
      %sign3A_80 = arith.cmpi sgt, %jit3A, %sign3A_79 : i32
      %sign3A_81 = arith.extui %sign3A_80 : i1 to i32
      %sign3A_82 = arith.constant 0 : i32
      %sign3A_83 = arith.cmpi slt, %jit3A, %sign3A_82 : i32
      %sign3A_84 = arith.extui %sign3A_83 : i1 to i32
      %sign3A_85 = arith.subi %sign3A_81, %sign3A_84 : i32
      %ne3A = arith.cmpi ne, %sign3A_78, %sign3A_85 : i32
      %rem3A = arith.remsi %add3A_72, %jit3A : i32
      %ne3A_86 = arith.constant 0 : i32
      %ne3A_87 = arith.cmpi ne, %rem3A, %ne3A_86 : i32
      %and3A = arith.andi %ne3A, %ne3A_87 : i1
      %sub3A = arith.constant 1 : i32
      %sub3A_88 = arith.subi %div3A, %sub3A : i32
      %select_n3A = arith.select %and3A, %sub3A_88, %div3A : i32
      %while3A = arith.constant 0 : i32
      %while3A_89 = arith.constant 0 : i32
      %while3A_90 = arith.subi %select_n3A, %while3A : i32
      %while3A_91 = arith.addi %while3A, %while3A_90 : i32
      %while3A_92 = arith.constant 1 : i32
      %while3A_93 = arith.divsi %while3A_90, %while3A_92 : i32
      %while3A_94 = arith.muli %while3A_93, %while3A_92 : i32
      %while3A_95 = arith.addi %while3A, %while3A_94 : i32
      %while3A_96 = arith.constant 1 : i32
      %while3A_97 = scf.for %while3A_139 = %while3A to %while3A_95 step %while3A_96 iter_args(%while3A_140 = %while3A_89) -> (i32)  : i32 {
        %mul3A_141 = arith.constant 16 : i32
        %mul3A_142 = arith.muli %while3A_139, %mul3A_141 : i32
        %get3A_143 = arith.index_cast %mul3A_142 : i32 to index
        %get3A_144 = tpu.vector_load %arg29[%get3A_143] {strides = array<i32>} : memref<144xi32, #tpu.memory_space<vmem>>, vector<16xi32>,
        %mul3A_145 = arith.constant 16 : i32
        %mul3A_146 = arith.muli %while3A_139, %mul3A_145 : i32
        %add3A_147 = vector.broadcast %mul3A_146 : i32 to vector<16xi32>
        %add3A_148 = arith.addi %add3A_147, %iota3A : vector<16xi32>
        %lt3A_149 = vector.broadcast %min3A_70 : i32 to vector<16xi32>
        %lt3A_150 = arith.cmpi slt, %add3A_148, %lt3A_149 : vector<16xi32>
        %jit3A_151 = arith.constant 0 : i32
        %broadcast_in_dim3A_152 = vector.broadcast %jit3A_151 : i32 to vector<16xi32>
        %select_n3A_153 = arith.select %lt3A_150, %get3A_144, %broadcast_in_dim3A_152 : vector<16xi1>, vector<16xi32>
        %add3A_154 = arith.constant 0 : i32
        %add3A_155 = vector.broadcast %add3A_154 : i32 to vector<16xi32>
        %add3A_156 = arith.addi %select_n3A_153, %add3A_155 : vector<16xi32>
        %gather3A = tpu.vector_load_idx %arg19[%add3A_156] : memref<8192xf32, #tpu.memory_space<vmem>>[vector<16xi32>], vector<16xf32>,
        %gather3A_157 = tpu.vector_load_idx %arg20[%add3A_156] : memref<8192xf32, #tpu.memory_space<vmem>>[vector<16xi32>], vector<16xf32>,
        %gather3A_158 = tpu.vector_load_idx %arg21[%add3A_156] : memref<8192xf32, #tpu.memory_space<vmem>>[vector<16xi32>], vector<16xf32>,
        %sub3A_159 = arith.subf %gather3A, %get3A_54 : vector<16xf32>
        %sub3A_160 = arith.subf %gather3A_157, %get3A_58 : vector<16xf32>
        %sub3A_161 = arith.subf %gather3A_158, %get3A_62 : vector<16xf32>
        %mul3A_162 = arith.mulf %sub3A_159, %sub3A_159 : vector<16xf32>
        %mul3A_163 = arith.mulf %sub3A_160, %sub3A_160 : vector<16xf32>
        %add3A_164 = arith.addf %mul3A_162, %mul3A_163 : vector<16xf32>
        %mul3A_165 = arith.mulf %sub3A_161, %sub3A_161 : vector<16xf32>
        %add3A_166 = arith.addf %add3A_164, %mul3A_165 : vector<16xf32>
        %le3A = arith.constant 0.00999999977 : f32
        %le3A_167 = vector.broadcast %le3A : f32 to vector<16xf32>
        %le3A_168 = arith.cmpf ole, %add3A_166, %le3A_167 : vector<16xf32>
        %and3A_169 = arith.andi %le3A_168, %lt3A_150 : vector<16xi1>
        %convert_element_type3A_170 = arith.extui %and3A_169 : vector<16xi1> to vector<16xi32>
        %reduce_sum3A = arith.constant true
        %reduce_sum3A_171 = vector.broadcast %reduce_sum3A : i1 to vector<16xi1>
        %reduce_sum3A_172 = tpu.scan <sum>, %convert_element_type3A_170 masked %reduce_sum3A_171 : vector<16xi32>, vector<16xi1> -> vector<16xi32>
        %reduce_sum3A_173 = vector.extract %reduce_sum3A_172[15] : i32 from vector<16xi32>
        %gt3A = arith.constant 0 : i32
        %gt3A_174 = arith.cmpi sgt, %reduce_sum3A_173, %gt3A : i32
        %lt3A_175 = arith.constant 64 : i32
        %lt3A_176 = arith.cmpi slt, %while3A_140, %lt3A_175 : i32
        %and3A_177 = arith.andi %gt3A_174, %lt3A_176 : i1
        %convert_element_type3A_178 = arith.extui %and3A_177 : i1 to i32
        %cond3A_179 = arith.constant 0 : i32
        %cond3A_180 = arith.cmpi ne, %convert_element_type3A_178, %cond3A_179 : i32
        scf.if %cond3A_180 {
          %mul3A_662 = arith.constant 80 : i32
          %mul3A_663 = arith.muli %scan3A_50, %mul3A_662 : i32
          %add3A_664 = arith.addi %mul3A_663, %while3A_140 : i32
          %gather3A_665 = tpu.vector_load_idx %arg22[%add3A_156] : memref<8192xf32, #tpu.memory_space<vmem>>[vector<16xi32>], vector<16xf32>,
          %swap3A = arith.index_cast %add3A_664 : i32 to index
          %swap3A_666 = tpu.vector_load %arg30[%swap3A] masked %and3A_169 {strides = array<i32>} : memref<5120xf32, #tpu.memory_space<vmem>>, vector<16xf32>, vector<16xi1>
          tpu.vector_store %arg30[%swap3A], %gather3A_665 masked %and3A_169 {strides = array<i32>} : memref<5120xf32, #tpu.memory_space<vmem>>, vector<16xf32>, vector<16xi1>
          %gather3A_667 = tpu.vector_load_idx %arg23[%add3A_156] : memref<8192xf32, #tpu.memory_space<vmem>>[vector<16xi32>], vector<16xf32>,
          %swap3A_668 = arith.index_cast %add3A_664 : i32 to index
          %swap3A_669 = tpu.vector_load %arg31[%swap3A_668] masked %and3A_169 {strides = array<i32>} : memref<5120xf32, #tpu.memory_space<vmem>>, vector<16xf32>, vector<16xi1>
          tpu.vector_store %arg31[%swap3A_668], %gather3A_667 masked %and3A_169 {strides = array<i32>} : memref<5120xf32, #tpu.memory_space<vmem>>, vector<16xf32>, vector<16xi1>
          %gather3A_670 = tpu.vector_load_idx %arg24[%add3A_156] : memref<8192xf32, #tpu.memory_space<vmem>>[vector<16xi32>], vector<16xf32>,
          %swap3A_671 = arith.index_cast %add3A_664 : i32 to index
          %swap3A_672 = tpu.vector_load %arg32[%swap3A_671] masked %and3A_169 {strides = array<i32>} : memref<5120xf32, #tpu.memory_space<vmem>>, vector<16xf32>, vector<16xi1>
          tpu.vector_store %arg32[%swap3A_671], %gather3A_670 masked %and3A_169 {strides = array<i32>} : memref<5120xf32, #tpu.memory_space<vmem>>, vector<16xf32>, vector<16xi1>
          %swap3A_673 = arith.index_cast %add3A_664 : i32 to index
          %swap3A_674 = tpu.vector_load %arg33[%swap3A_673] masked %and3A_169 {strides = array<i32>} : memref<5120xf32, #tpu.memory_space<vmem>>, vector<16xf32>, vector<16xi1>
          tpu.vector_store %arg33[%swap3A_673], %sub3A_159 masked %and3A_169 {strides = array<i32>} : memref<5120xf32, #tpu.memory_space<vmem>>, vector<16xf32>, vector<16xi1>
          %swap3A_675 = arith.index_cast %add3A_664 : i32 to index
          %swap3A_676 = tpu.vector_load %arg34[%swap3A_675] masked %and3A_169 {strides = array<i32>} : memref<5120xf32, #tpu.memory_space<vmem>>, vector<16xf32>, vector<16xi1>
          tpu.vector_store %arg34[%swap3A_675], %sub3A_160 masked %and3A_169 {strides = array<i32>} : memref<5120xf32, #tpu.memory_space<vmem>>, vector<16xf32>, vector<16xi1>
          %swap3A_677 = arith.index_cast %add3A_664 : i32 to index
          %swap3A_678 = tpu.vector_load %arg35[%swap3A_677] masked %and3A_169 {strides = array<i32>} : memref<5120xf32, #tpu.memory_space<vmem>>, vector<16xf32>, vector<16xi1>
          tpu.vector_store %arg35[%swap3A_677], %sub3A_161 masked %and3A_169 {strides = array<i32>} : memref<5120xf32, #tpu.memory_space<vmem>>, vector<16xf32>, vector<16xi1>
        } else {
        }
        %add3A_181 = arith.addi %while3A_140, %reduce_sum3A_173 : i32
        %add3A_182 = arith.constant 512 : i32
        %add3A_183 = vector.broadcast %add3A_182 : i32 to vector<16xi32>
        %add3A_184 = arith.addi %select_n3A_153, %add3A_183 : vector<16xi32>
        %gather3A_185 = tpu.vector_load_idx %arg19[%add3A_184] : memref<8192xf32, #tpu.memory_space<vmem>>[vector<16xi32>], vector<16xf32>,
        %gather3A_186 = tpu.vector_load_idx %arg20[%add3A_184] : memref<8192xf32, #tpu.memory_space<vmem>>[vector<16xi32>], vector<16xf32>,
        %gather3A_187 = tpu.vector_load_idx %arg21[%add3A_184] : memref<8192xf32, #tpu.memory_space<vmem>>[vector<16xi32>], vector<16xf32>,
        %sub3A_188 = arith.subf %gather3A_185, %get3A_54 : vector<16xf32>
        %sub3A_189 = arith.subf %gather3A_186, %get3A_58 : vector<16xf32>
        %sub3A_190 = arith.subf %gather3A_187, %get3A_62 : vector<16xf32>
        %mul3A_191 = arith.mulf %sub3A_188, %sub3A_188 : vector<16xf32>
        %mul3A_192 = arith.mulf %sub3A_189, %sub3A_189 : vector<16xf32>
        %add3A_193 = arith.addf %mul3A_191, %mul3A_192 : vector<16xf32>
        %mul3A_194 = arith.mulf %sub3A_190, %sub3A_190 : vector<16xf32>
        %add3A_195 = arith.addf %add3A_193, %mul3A_194 : vector<16xf32>
        %le3A_196 = arith.constant 0.00999999977 : f32
        %le3A_197 = vector.broadcast %le3A_196 : f32 to vector<16xf32>
        %le3A_198 = arith.cmpf ole, %add3A_195, %le3A_197 : vector<16xf32>
        %and3A_199 = arith.andi %le3A_198, %lt3A_150 : vector<16xi1>
        %convert_element_type3A_200 = arith.extui %and3A_199 : vector<16xi1> to vector<16xi32>
        %reduce_sum3A_201 = arith.constant true
        %reduce_sum3A_202 = vector.broadcast %reduce_sum3A_201 : i1 to vector<16xi1>
        %reduce_sum3A_203 = tpu.scan <sum>, %convert_element_type3A_200 masked %reduce_sum3A_202 : vector<16xi32>, vector<16xi1> -> vector<16xi32>
        %reduce_sum3A_204 = vector.extract %reduce_sum3A_203[15] : i32 from vector<16xi32>
        %gt3A_205 = arith.constant 0 : i32
        %gt3A_206 = arith.cmpi sgt, %reduce_sum3A_204, %gt3A_205 : i32
        %lt3A_207 = arith.constant 64 : i32
        %lt3A_208 = arith.cmpi slt, %add3A_181, %lt3A_207 : i32
        %and3A_209 = arith.andi %gt3A_206, %lt3A_208 : i1
        %convert_element_type3A_210 = arith.extui %and3A_209 : i1 to i32
        %cond3A_211 = arith.constant 0 : i32
        %cond3A_212 = arith.cmpi ne, %convert_element_type3A_210, %cond3A_211 : i32
        scf.if %cond3A_212 {
          %mul3A_662 = arith.constant 80 : i32
          %mul3A_663 = arith.muli %scan3A_50, %mul3A_662 : i32
          %add3A_664 = arith.addi %mul3A_663, %add3A_181 : i32
          %gather3A_665 = tpu.vector_load_idx %arg22[%add3A_184] : memref<8192xf32, #tpu.memory_space<vmem>>[vector<16xi32>], vector<16xf32>,
          %swap3A = arith.index_cast %add3A_664 : i32 to index
          %swap3A_666 = tpu.vector_load %arg30[%swap3A] masked %and3A_199 {strides = array<i32>} : memref<5120xf32, #tpu.memory_space<vmem>>, vector<16xf32>, vector<16xi1>
          tpu.vector_store %arg30[%swap3A], %gather3A_665 masked %and3A_199 {strides = array<i32>} : memref<5120xf32, #tpu.memory_space<vmem>>, vector<16xf32>, vector<16xi1>
          %gather3A_667 = tpu.vector_load_idx %arg23[%add3A_184] : memref<8192xf32, #tpu.memory_space<vmem>>[vector<16xi32>], vector<16xf32>,
          %swap3A_668 = arith.index_cast %add3A_664 : i32 to index
          %swap3A_669 = tpu.vector_load %arg31[%swap3A_668] masked %and3A_199 {strides = array<i32>} : memref<5120xf32, #tpu.memory_space<vmem>>, vector<16xf32>, vector<16xi1>
          tpu.vector_store %arg31[%swap3A_668], %gather3A_667 masked %and3A_199 {strides = array<i32>} : memref<5120xf32, #tpu.memory_space<vmem>>, vector<16xf32>, vector<16xi1>
          %gather3A_670 = tpu.vector_load_idx %arg24[%add3A_184] : memref<8192xf32, #tpu.memory_space<vmem>>[vector<16xi32>], vector<16xf32>,
          %swap3A_671 = arith.index_cast %add3A_664 : i32 to index
          %swap3A_672 = tpu.vector_load %arg32[%swap3A_671] masked %and3A_199 {strides = array<i32>} : memref<5120xf32, #tpu.memory_space<vmem>>, vector<16xf32>, vector<16xi1>
          tpu.vector_store %arg32[%swap3A_671], %gather3A_670 masked %and3A_199 {strides = array<i32>} : memref<5120xf32, #tpu.memory_space<vmem>>, vector<16xf32>, vector<16xi1>
          %swap3A_673 = arith.index_cast %add3A_664 : i32 to index
          %swap3A_674 = tpu.vector_load %arg33[%swap3A_673] masked %and3A_199 {strides = array<i32>} : memref<5120xf32, #tpu.memory_space<vmem>>, vector<16xf32>, vector<16xi1>
          tpu.vector_store %arg33[%swap3A_673], %sub3A_188 masked %and3A_199 {strides = array<i32>} : memref<5120xf32, #tpu.memory_space<vmem>>, vector<16xf32>, vector<16xi1>
          %swap3A_675 = arith.index_cast %add3A_664 : i32 to index
          %swap3A_676 = tpu.vector_load %arg34[%swap3A_675] masked %and3A_199 {strides = array<i32>} : memref<5120xf32, #tpu.memory_space<vmem>>, vector<16xf32>, vector<16xi1>
          tpu.vector_store %arg34[%swap3A_675], %sub3A_189 masked %and3A_199 {strides = array<i32>} : memref<5120xf32, #tpu.memory_space<vmem>>, vector<16xf32>, vector<16xi1>
          %swap3A_677 = arith.index_cast %add3A_664 : i32 to index
          %swap3A_678 = tpu.vector_load %arg35[%swap3A_677] masked %and3A_199 {strides = array<i32>} : memref<5120xf32, #tpu.memory_space<vmem>>, vector<16xf32>, vector<16xi1>
          tpu.vector_store %arg35[%swap3A_677], %sub3A_190 masked %and3A_199 {strides = array<i32>} : memref<5120xf32, #tpu.memory_space<vmem>>, vector<16xf32>, vector<16xi1>
        } else {
        }
        %add3A_213 = arith.addi %add3A_181, %reduce_sum3A_204 : i32
        %add3A_214 = arith.constant 1024 : i32
        %add3A_215 = vector.broadcast %add3A_214 : i32 to vector<16xi32>
        %add3A_216 = arith.addi %select_n3A_153, %add3A_215 : vector<16xi32>
        %gather3A_217 = tpu.vector_load_idx %arg19[%add3A_216] : memref<8192xf32, #tpu.memory_space<vmem>>[vector<16xi32>], vector<16xf32>,
        %gather3A_218 = tpu.vector_load_idx %arg20[%add3A_216] : memref<8192xf32, #tpu.memory_space<vmem>>[vector<16xi32>], vector<16xf32>,
        %gather3A_219 = tpu.vector_load_idx %arg21[%add3A_216] : memref<8192xf32, #tpu.memory_space<vmem>>[vector<16xi32>], vector<16xf32>,
        %sub3A_220 = arith.subf %gather3A_217, %get3A_54 : vector<16xf32>
        %sub3A_221 = arith.subf %gather3A_218, %get3A_58 : vector<16xf32>
        %sub3A_222 = arith.subf %gather3A_219, %get3A_62 : vector<16xf32>
        %mul3A_223 = arith.mulf %sub3A_220, %sub3A_220 : vector<16xf32>
        %mul3A_224 = arith.mulf %sub3A_221, %sub3A_221 : vector<16xf32>
        %add3A_225 = arith.addf %mul3A_223, %mul3A_224 : vector<16xf32>
        %mul3A_226 = arith.mulf %sub3A_222, %sub3A_222 : vector<16xf32>
        %add3A_227 = arith.addf %add3A_225, %mul3A_226 : vector<16xf32>
        %le3A_228 = arith.constant 0.00999999977 : f32
        %le3A_229 = vector.broadcast %le3A_228 : f32 to vector<16xf32>
        %le3A_230 = arith.cmpf ole, %add3A_227, %le3A_229 : vector<16xf32>
        %and3A_231 = arith.andi %le3A_230, %lt3A_150 : vector<16xi1>
        %convert_element_type3A_232 = arith.extui %and3A_231 : vector<16xi1> to vector<16xi32>
        %reduce_sum3A_233 = arith.constant true
        %reduce_sum3A_234 = vector.broadcast %reduce_sum3A_233 : i1 to vector<16xi1>
        %reduce_sum3A_235 = tpu.scan <sum>, %convert_element_type3A_232 masked %reduce_sum3A_234 : vector<16xi32>, vector<16xi1> -> vector<16xi32>
        %reduce_sum3A_236 = vector.extract %reduce_sum3A_235[15] : i32 from vector<16xi32>
        %gt3A_237 = arith.constant 0 : i32
        %gt3A_238 = arith.cmpi sgt, %reduce_sum3A_236, %gt3A_237 : i32
        %lt3A_239 = arith.constant 64 : i32
        %lt3A_240 = arith.cmpi slt, %add3A_213, %lt3A_239 : i32
        %and3A_241 = arith.andi %gt3A_238, %lt3A_240 : i1
        %convert_element_type3A_242 = arith.extui %and3A_241 : i1 to i32
        %cond3A_243 = arith.constant 0 : i32
        %cond3A_244 = arith.cmpi ne, %convert_element_type3A_242, %cond3A_243 : i32
        scf.if %cond3A_244 {
          %mul3A_662 = arith.constant 80 : i32
          %mul3A_663 = arith.muli %scan3A_50, %mul3A_662 : i32
          %add3A_664 = arith.addi %mul3A_663, %add3A_213 : i32
          %gather3A_665 = tpu.vector_load_idx %arg22[%add3A_216] : memref<8192xf32, #tpu.memory_space<vmem>>[vector<16xi32>], vector<16xf32>,
          %swap3A = arith.index_cast %add3A_664 : i32 to index
          %swap3A_666 = tpu.vector_load %arg30[%swap3A] masked %and3A_231 {strides = array<i32>} : memref<5120xf32, #tpu.memory_space<vmem>>, vector<16xf32>, vector<16xi1>
          tpu.vector_store %arg30[%swap3A], %gather3A_665 masked %and3A_231 {strides = array<i32>} : memref<5120xf32, #tpu.memory_space<vmem>>, vector<16xf32>, vector<16xi1>
          %gather3A_667 = tpu.vector_load_idx %arg23[%add3A_216] : memref<8192xf32, #tpu.memory_space<vmem>>[vector<16xi32>], vector<16xf32>,
          %swap3A_668 = arith.index_cast %add3A_664 : i32 to index
          %swap3A_669 = tpu.vector_load %arg31[%swap3A_668] masked %and3A_231 {strides = array<i32>} : memref<5120xf32, #tpu.memory_space<vmem>>, vector<16xf32>, vector<16xi1>
          tpu.vector_store %arg31[%swap3A_668], %gather3A_667 masked %and3A_231 {strides = array<i32>} : memref<5120xf32, #tpu.memory_space<vmem>>, vector<16xf32>, vector<16xi1>
          %gather3A_670 = tpu.vector_load_idx %arg24[%add3A_216] : memref<8192xf32, #tpu.memory_space<vmem>>[vector<16xi32>], vector<16xf32>,
          %swap3A_671 = arith.index_cast %add3A_664 : i32 to index
          %swap3A_672 = tpu.vector_load %arg32[%swap3A_671] masked %and3A_231 {strides = array<i32>} : memref<5120xf32, #tpu.memory_space<vmem>>, vector<16xf32>, vector<16xi1>
          tpu.vector_store %arg32[%swap3A_671], %gather3A_670 masked %and3A_231 {strides = array<i32>} : memref<5120xf32, #tpu.memory_space<vmem>>, vector<16xf32>, vector<16xi1>
          %swap3A_673 = arith.index_cast %add3A_664 : i32 to index
          %swap3A_674 = tpu.vector_load %arg33[%swap3A_673] masked %and3A_231 {strides = array<i32>} : memref<5120xf32, #tpu.memory_space<vmem>>, vector<16xf32>, vector<16xi1>
          tpu.vector_store %arg33[%swap3A_673], %sub3A_220 masked %and3A_231 {strides = array<i32>} : memref<5120xf32, #tpu.memory_space<vmem>>, vector<16xf32>, vector<16xi1>
          %swap3A_675 = arith.index_cast %add3A_664 : i32 to index
          %swap3A_676 = tpu.vector_load %arg34[%swap3A_675] masked %and3A_231 {strides = array<i32>} : memref<5120xf32, #tpu.memory_space<vmem>>, vector<16xf32>, vector<16xi1>
          tpu.vector_store %arg34[%swap3A_675], %sub3A_221 masked %and3A_231 {strides = array<i32>} : memref<5120xf32, #tpu.memory_space<vmem>>, vector<16xf32>, vector<16xi1>
          %swap3A_677 = arith.index_cast %add3A_664 : i32 to index
          %swap3A_678 = tpu.vector_load %arg35[%swap3A_677] masked %and3A_231 {strides = array<i32>} : memref<5120xf32, #tpu.memory_space<vmem>>, vector<16xf32>, vector<16xi1>
          tpu.vector_store %arg35[%swap3A_677], %sub3A_222 masked %and3A_231 {strides = array<i32>} : memref<5120xf32, #tpu.memory_space<vmem>>, vector<16xf32>, vector<16xi1>
        } else {
        }
        %add3A_245 = arith.addi %add3A_213, %reduce_sum3A_236 : i32
        %add3A_246 = arith.constant 1536 : i32
        %add3A_247 = vector.broadcast %add3A_246 : i32 to vector<16xi32>
        %add3A_248 = arith.addi %select_n3A_153, %add3A_247 : vector<16xi32>
        %gather3A_249 = tpu.vector_load_idx %arg19[%add3A_248] : memref<8192xf32, #tpu.memory_space<vmem>>[vector<16xi32>], vector<16xf32>,
        %gather3A_250 = tpu.vector_load_idx %arg20[%add3A_248] : memref<8192xf32, #tpu.memory_space<vmem>>[vector<16xi32>], vector<16xf32>,
        %gather3A_251 = tpu.vector_load_idx %arg21[%add3A_248] : memref<8192xf32, #tpu.memory_space<vmem>>[vector<16xi32>], vector<16xf32>,
        %sub3A_252 = arith.subf %gather3A_249, %get3A_54 : vector<16xf32>
        %sub3A_253 = arith.subf %gather3A_250, %get3A_58 : vector<16xf32>
        %sub3A_254 = arith.subf %gather3A_251, %get3A_62 : vector<16xf32>
        %mul3A_255 = arith.mulf %sub3A_252, %sub3A_252 : vector<16xf32>
        %mul3A_256 = arith.mulf %sub3A_253, %sub3A_253 : vector<16xf32>
        %add3A_257 = arith.addf %mul3A_255, %mul3A_256 : vector<16xf32>
        %mul3A_258 = arith.mulf %sub3A_254, %sub3A_254 : vector<16xf32>
        %add3A_259 = arith.addf %add3A_257, %mul3A_258 : vector<16xf32>
        %le3A_260 = arith.constant 0.00999999977 : f32
        %le3A_261 = vector.broadcast %le3A_260 : f32 to vector<16xf32>
        %le3A_262 = arith.cmpf ole, %add3A_259, %le3A_261 : vector<16xf32>
        %and3A_263 = arith.andi %le3A_262, %lt3A_150 : vector<16xi1>
        %convert_element_type3A_264 = arith.extui %and3A_263 : vector<16xi1> to vector<16xi32>
        %reduce_sum3A_265 = arith.constant true
        %reduce_sum3A_266 = vector.broadcast %reduce_sum3A_265 : i1 to vector<16xi1>
        %reduce_sum3A_267 = tpu.scan <sum>, %convert_element_type3A_264 masked %reduce_sum3A_266 : vector<16xi32>, vector<16xi1> -> vector<16xi32>
        %reduce_sum3A_268 = vector.extract %reduce_sum3A_267[15] : i32 from vector<16xi32>
        %gt3A_269 = arith.constant 0 : i32
        %gt3A_270 = arith.cmpi sgt, %reduce_sum3A_268, %gt3A_269 : i32
        %lt3A_271 = arith.constant 64 : i32
        %lt3A_272 = arith.cmpi slt, %add3A_245, %lt3A_271 : i32
        %and3A_273 = arith.andi %gt3A_270, %lt3A_272 : i1
        %convert_element_type3A_274 = arith.extui %and3A_273 : i1 to i32
        %cond3A_275 = arith.constant 0 : i32
        %cond3A_276 = arith.cmpi ne, %convert_element_type3A_274, %cond3A_275 : i32
        scf.if %cond3A_276 {
          %mul3A_662 = arith.constant 80 : i32
          %mul3A_663 = arith.muli %scan3A_50, %mul3A_662 : i32
          %add3A_664 = arith.addi %mul3A_663, %add3A_245 : i32
          %gather3A_665 = tpu.vector_load_idx %arg22[%add3A_248] : memref<8192xf32, #tpu.memory_space<vmem>>[vector<16xi32>], vector<16xf32>,
          %swap3A = arith.index_cast %add3A_664 : i32 to index
          %swap3A_666 = tpu.vector_load %arg30[%swap3A] masked %and3A_263 {strides = array<i32>} : memref<5120xf32, #tpu.memory_space<vmem>>, vector<16xf32>, vector<16xi1>
          tpu.vector_store %arg30[%swap3A], %gather3A_665 masked %and3A_263 {strides = array<i32>} : memref<5120xf32, #tpu.memory_space<vmem>>, vector<16xf32>, vector<16xi1>
          %gather3A_667 = tpu.vector_load_idx %arg23[%add3A_248] : memref<8192xf32, #tpu.memory_space<vmem>>[vector<16xi32>], vector<16xf32>,
          %swap3A_668 = arith.index_cast %add3A_664 : i32 to index
          %swap3A_669 = tpu.vector_load %arg31[%swap3A_668] masked %and3A_263 {strides = array<i32>} : memref<5120xf32, #tpu.memory_space<vmem>>, vector<16xf32>, vector<16xi1>
          tpu.vector_store %arg31[%swap3A_668], %gather3A_667 masked %and3A_263 {strides = array<i32>} : memref<5120xf32, #tpu.memory_space<vmem>>, vector<16xf32>, vector<16xi1>
          %gather3A_670 = tpu.vector_load_idx %arg24[%add3A_248] : memref<8192xf32, #tpu.memory_space<vmem>>[vector<16xi32>], vector<16xf32>,
          %swap3A_671 = arith.index_cast %add3A_664 : i32 to index
          %swap3A_672 = tpu.vector_load %arg32[%swap3A_671] masked %and3A_263 {strides = array<i32>} : memref<5120xf32, #tpu.memory_space<vmem>>, vector<16xf32>, vector<16xi1>
          tpu.vector_store %arg32[%swap3A_671], %gather3A_670 masked %and3A_263 {strides = array<i32>} : memref<5120xf32, #tpu.memory_space<vmem>>, vector<16xf32>, vector<16xi1>
          %swap3A_673 = arith.index_cast %add3A_664 : i32 to index
          %swap3A_674 = tpu.vector_load %arg33[%swap3A_673] masked %and3A_263 {strides = array<i32>} : memref<5120xf32, #tpu.memory_space<vmem>>, vector<16xf32>, vector<16xi1>
          tpu.vector_store %arg33[%swap3A_673], %sub3A_252 masked %and3A_263 {strides = array<i32>} : memref<5120xf32, #tpu.memory_space<vmem>>, vector<16xf32>, vector<16xi1>
          %swap3A_675 = arith.index_cast %add3A_664 : i32 to index
          %swap3A_676 = tpu.vector_load %arg34[%swap3A_675] masked %and3A_263 {strides = array<i32>} : memref<5120xf32, #tpu.memory_space<vmem>>, vector<16xf32>, vector<16xi1>
          tpu.vector_store %arg34[%swap3A_675], %sub3A_253 masked %and3A_263 {strides = array<i32>} : memref<5120xf32, #tpu.memory_space<vmem>>, vector<16xf32>, vector<16xi1>
          %swap3A_677 = arith.index_cast %add3A_664 : i32 to index
          %swap3A_678 = tpu.vector_load %arg35[%swap3A_677] masked %and3A_263 {strides = array<i32>} : memref<5120xf32, #tpu.memory_space<vmem>>, vector<16xf32>, vector<16xi1>
          tpu.vector_store %arg35[%swap3A_677], %sub3A_254 masked %and3A_263 {strides = array<i32>} : memref<5120xf32, #tpu.memory_space<vmem>>, vector<16xf32>, vector<16xi1>
        } else {
        }
        %add3A_277 = arith.addi %add3A_245, %reduce_sum3A_268 : i32
        %add3A_278 = arith.constant 2048 : i32
        %add3A_279 = vector.broadcast %add3A_278 : i32 to vector<16xi32>
        %add3A_280 = arith.addi %select_n3A_153, %add3A_279 : vector<16xi32>
        %gather3A_281 = tpu.vector_load_idx %arg19[%add3A_280] : memref<8192xf32, #tpu.memory_space<vmem>>[vector<16xi32>], vector<16xf32>,
        %gather3A_282 = tpu.vector_load_idx %arg20[%add3A_280] : memref<8192xf32, #tpu.memory_space<vmem>>[vector<16xi32>], vector<16xf32>,
        %gather3A_283 = tpu.vector_load_idx %arg21[%add3A_280] : memref<8192xf32, #tpu.memory_space<vmem>>[vector<16xi32>], vector<16xf32>,
        %sub3A_284 = arith.subf %gather3A_281, %get3A_54 : vector<16xf32>
        %sub3A_285 = arith.subf %gather3A_282, %get3A_58 : vector<16xf32>
        %sub3A_286 = arith.subf %gather3A_283, %get3A_62 : vector<16xf32>
        %mul3A_287 = arith.mulf %sub3A_284, %sub3A_284 : vector<16xf32>
        %mul3A_288 = arith.mulf %sub3A_285, %sub3A_285 : vector<16xf32>
        %add3A_289 = arith.addf %mul3A_287, %mul3A_288 : vector<16xf32>
        %mul3A_290 = arith.mulf %sub3A_286, %sub3A_286 : vector<16xf32>
        %add3A_291 = arith.addf %add3A_289, %mul3A_290 : vector<16xf32>
        %le3A_292 = arith.constant 0.00999999977 : f32
        %le3A_293 = vector.broadcast %le3A_292 : f32 to vector<16xf32>
        %le3A_294 = arith.cmpf ole, %add3A_291, %le3A_293 : vector<16xf32>
        %and3A_295 = arith.andi %le3A_294, %lt3A_150 : vector<16xi1>
        %convert_element_type3A_296 = arith.extui %and3A_295 : vector<16xi1> to vector<16xi32>
        %reduce_sum3A_297 = arith.constant true
        %reduce_sum3A_298 = vector.broadcast %reduce_sum3A_297 : i1 to vector<16xi1>
        %reduce_sum3A_299 = tpu.scan <sum>, %convert_element_type3A_296 masked %reduce_sum3A_298 : vector<16xi32>, vector<16xi1> -> vector<16xi32>
        %reduce_sum3A_300 = vector.extract %reduce_sum3A_299[15] : i32 from vector<16xi32>
        %gt3A_301 = arith.constant 0 : i32
        %gt3A_302 = arith.cmpi sgt, %reduce_sum3A_300, %gt3A_301 : i32
        %lt3A_303 = arith.constant 64 : i32
        %lt3A_304 = arith.cmpi slt, %add3A_277, %lt3A_303 : i32
        %and3A_305 = arith.andi %gt3A_302, %lt3A_304 : i1
        %convert_element_type3A_306 = arith.extui %and3A_305 : i1 to i32
        %cond3A_307 = arith.constant 0 : i32
        %cond3A_308 = arith.cmpi ne, %convert_element_type3A_306, %cond3A_307 : i32
        scf.if %cond3A_308 {
          %mul3A_662 = arith.constant 80 : i32
          %mul3A_663 = arith.muli %scan3A_50, %mul3A_662 : i32
          %add3A_664 = arith.addi %mul3A_663, %add3A_277 : i32
          %gather3A_665 = tpu.vector_load_idx %arg22[%add3A_280] : memref<8192xf32, #tpu.memory_space<vmem>>[vector<16xi32>], vector<16xf32>,
          %swap3A = arith.index_cast %add3A_664 : i32 to index
          %swap3A_666 = tpu.vector_load %arg30[%swap3A] masked %and3A_295 {strides = array<i32>} : memref<5120xf32, #tpu.memory_space<vmem>>, vector<16xf32>, vector<16xi1>
          tpu.vector_store %arg30[%swap3A], %gather3A_665 masked %and3A_295 {strides = array<i32>} : memref<5120xf32, #tpu.memory_space<vmem>>, vector<16xf32>, vector<16xi1>
          %gather3A_667 = tpu.vector_load_idx %arg23[%add3A_280] : memref<8192xf32, #tpu.memory_space<vmem>>[vector<16xi32>], vector<16xf32>,
          %swap3A_668 = arith.index_cast %add3A_664 : i32 to index
          %swap3A_669 = tpu.vector_load %arg31[%swap3A_668] masked %and3A_295 {strides = array<i32>} : memref<5120xf32, #tpu.memory_space<vmem>>, vector<16xf32>, vector<16xi1>
          tpu.vector_store %arg31[%swap3A_668], %gather3A_667 masked %and3A_295 {strides = array<i32>} : memref<5120xf32, #tpu.memory_space<vmem>>, vector<16xf32>, vector<16xi1>
          %gather3A_670 = tpu.vector_load_idx %arg24[%add3A_280] : memref<8192xf32, #tpu.memory_space<vmem>>[vector<16xi32>], vector<16xf32>,
          %swap3A_671 = arith.index_cast %add3A_664 : i32 to index
          %swap3A_672 = tpu.vector_load %arg32[%swap3A_671] masked %and3A_295 {strides = array<i32>} : memref<5120xf32, #tpu.memory_space<vmem>>, vector<16xf32>, vector<16xi1>
          tpu.vector_store %arg32[%swap3A_671], %gather3A_670 masked %and3A_295 {strides = array<i32>} : memref<5120xf32, #tpu.memory_space<vmem>>, vector<16xf32>, vector<16xi1>
          %swap3A_673 = arith.index_cast %add3A_664 : i32 to index
          %swap3A_674 = tpu.vector_load %arg33[%swap3A_673] masked %and3A_295 {strides = array<i32>} : memref<5120xf32, #tpu.memory_space<vmem>>, vector<16xf32>, vector<16xi1>
          tpu.vector_store %arg33[%swap3A_673], %sub3A_284 masked %and3A_295 {strides = array<i32>} : memref<5120xf32, #tpu.memory_space<vmem>>, vector<16xf32>, vector<16xi1>
          %swap3A_675 = arith.index_cast %add3A_664 : i32 to index
          %swap3A_676 = tpu.vector_load %arg34[%swap3A_675] masked %and3A_295 {strides = array<i32>} : memref<5120xf32, #tpu.memory_space<vmem>>, vector<16xf32>, vector<16xi1>
          tpu.vector_store %arg34[%swap3A_675], %sub3A_285 masked %and3A_295 {strides = array<i32>} : memref<5120xf32, #tpu.memory_space<vmem>>, vector<16xf32>, vector<16xi1>
          %swap3A_677 = arith.index_cast %add3A_664 : i32 to index
          %swap3A_678 = tpu.vector_load %arg35[%swap3A_677] masked %and3A_295 {strides = array<i32>} : memref<5120xf32, #tpu.memory_space<vmem>>, vector<16xf32>, vector<16xi1>
          tpu.vector_store %arg35[%swap3A_677], %sub3A_286 masked %and3A_295 {strides = array<i32>} : memref<5120xf32, #tpu.memory_space<vmem>>, vector<16xf32>, vector<16xi1>
        } else {
        }
        %add3A_309 = arith.addi %add3A_277, %reduce_sum3A_300 : i32
        %add3A_310 = arith.constant 2560 : i32
        %add3A_311 = vector.broadcast %add3A_310 : i32 to vector<16xi32>
        %add3A_312 = arith.addi %select_n3A_153, %add3A_311 : vector<16xi32>
        %gather3A_313 = tpu.vector_load_idx %arg19[%add3A_312] : memref<8192xf32, #tpu.memory_space<vmem>>[vector<16xi32>], vector<16xf32>,
        %gather3A_314 = tpu.vector_load_idx %arg20[%add3A_312] : memref<8192xf32, #tpu.memory_space<vmem>>[vector<16xi32>], vector<16xf32>,
        %gather3A_315 = tpu.vector_load_idx %arg21[%add3A_312] : memref<8192xf32, #tpu.memory_space<vmem>>[vector<16xi32>], vector<16xf32>,
        %sub3A_316 = arith.subf %gather3A_313, %get3A_54 : vector<16xf32>
        %sub3A_317 = arith.subf %gather3A_314, %get3A_58 : vector<16xf32>
        %sub3A_318 = arith.subf %gather3A_315, %get3A_62 : vector<16xf32>
        %mul3A_319 = arith.mulf %sub3A_316, %sub3A_316 : vector<16xf32>
        %mul3A_320 = arith.mulf %sub3A_317, %sub3A_317 : vector<16xf32>
        %add3A_321 = arith.addf %mul3A_319, %mul3A_320 : vector<16xf32>
        %mul3A_322 = arith.mulf %sub3A_318, %sub3A_318 : vector<16xf32>
        %add3A_323 = arith.addf %add3A_321, %mul3A_322 : vector<16xf32>
        %le3A_324 = arith.constant 0.00999999977 : f32
        %le3A_325 = vector.broadcast %le3A_324 : f32 to vector<16xf32>
        %le3A_326 = arith.cmpf ole, %add3A_323, %le3A_325 : vector<16xf32>
        %and3A_327 = arith.andi %le3A_326, %lt3A_150 : vector<16xi1>
        %convert_element_type3A_328 = arith.extui %and3A_327 : vector<16xi1> to vector<16xi32>
        %reduce_sum3A_329 = arith.constant true
        %reduce_sum3A_330 = vector.broadcast %reduce_sum3A_329 : i1 to vector<16xi1>
        %reduce_sum3A_331 = tpu.scan <sum>, %convert_element_type3A_328 masked %reduce_sum3A_330 : vector<16xi32>, vector<16xi1> -> vector<16xi32>
        %reduce_sum3A_332 = vector.extract %reduce_sum3A_331[15] : i32 from vector<16xi32>
        %gt3A_333 = arith.constant 0 : i32
        %gt3A_334 = arith.cmpi sgt, %reduce_sum3A_332, %gt3A_333 : i32
        %lt3A_335 = arith.constant 64 : i32
        %lt3A_336 = arith.cmpi slt, %add3A_309, %lt3A_335 : i32
        %and3A_337 = arith.andi %gt3A_334, %lt3A_336 : i1
        %convert_element_type3A_338 = arith.extui %and3A_337 : i1 to i32
        %cond3A_339 = arith.constant 0 : i32
        %cond3A_340 = arith.cmpi ne, %convert_element_type3A_338, %cond3A_339 : i32
        scf.if %cond3A_340 {
          %mul3A_662 = arith.constant 80 : i32
          %mul3A_663 = arith.muli %scan3A_50, %mul3A_662 : i32
          %add3A_664 = arith.addi %mul3A_663, %add3A_309 : i32
          %gather3A_665 = tpu.vector_load_idx %arg22[%add3A_312] : memref<8192xf32, #tpu.memory_space<vmem>>[vector<16xi32>], vector<16xf32>,
          %swap3A = arith.index_cast %add3A_664 : i32 to index
          %swap3A_666 = tpu.vector_load %arg30[%swap3A] masked %and3A_327 {strides = array<i32>} : memref<5120xf32, #tpu.memory_space<vmem>>, vector<16xf32>, vector<16xi1>
          tpu.vector_store %arg30[%swap3A], %gather3A_665 masked %and3A_327 {strides = array<i32>} : memref<5120xf32, #tpu.memory_space<vmem>>, vector<16xf32>, vector<16xi1>
          %gather3A_667 = tpu.vector_load_idx %arg23[%add3A_312] : memref<8192xf32, #tpu.memory_space<vmem>>[vector<16xi32>], vector<16xf32>,
          %swap3A_668 = arith.index_cast %add3A_664 : i32 to index
          %swap3A_669 = tpu.vector_load %arg31[%swap3A_668] masked %and3A_327 {strides = array<i32>} : memref<5120xf32, #tpu.memory_space<vmem>>, vector<16xf32>, vector<16xi1>
          tpu.vector_store %arg31[%swap3A_668], %gather3A_667 masked %and3A_327 {strides = array<i32>} : memref<5120xf32, #tpu.memory_space<vmem>>, vector<16xf32>, vector<16xi1>
          %gather3A_670 = tpu.vector_load_idx %arg24[%add3A_312] : memref<8192xf32, #tpu.memory_space<vmem>>[vector<16xi32>], vector<16xf32>,
          %swap3A_671 = arith.index_cast %add3A_664 : i32 to index
          %swap3A_672 = tpu.vector_load %arg32[%swap3A_671] masked %and3A_327 {strides = array<i32>} : memref<5120xf32, #tpu.memory_space<vmem>>, vector<16xf32>, vector<16xi1>
          tpu.vector_store %arg32[%swap3A_671], %gather3A_670 masked %and3A_327 {strides = array<i32>} : memref<5120xf32, #tpu.memory_space<vmem>>, vector<16xf32>, vector<16xi1>
          %swap3A_673 = arith.index_cast %add3A_664 : i32 to index
          %swap3A_674 = tpu.vector_load %arg33[%swap3A_673] masked %and3A_327 {strides = array<i32>} : memref<5120xf32, #tpu.memory_space<vmem>>, vector<16xf32>, vector<16xi1>
          tpu.vector_store %arg33[%swap3A_673], %sub3A_316 masked %and3A_327 {strides = array<i32>} : memref<5120xf32, #tpu.memory_space<vmem>>, vector<16xf32>, vector<16xi1>
          %swap3A_675 = arith.index_cast %add3A_664 : i32 to index
          %swap3A_676 = tpu.vector_load %arg34[%swap3A_675] masked %and3A_327 {strides = array<i32>} : memref<5120xf32, #tpu.memory_space<vmem>>, vector<16xf32>, vector<16xi1>
          tpu.vector_store %arg34[%swap3A_675], %sub3A_317 masked %and3A_327 {strides = array<i32>} : memref<5120xf32, #tpu.memory_space<vmem>>, vector<16xf32>, vector<16xi1>
          %swap3A_677 = arith.index_cast %add3A_664 : i32 to index
          %swap3A_678 = tpu.vector_load %arg35[%swap3A_677] masked %and3A_327 {strides = array<i32>} : memref<5120xf32, #tpu.memory_space<vmem>>, vector<16xf32>, vector<16xi1>
          tpu.vector_store %arg35[%swap3A_677], %sub3A_318 masked %and3A_327 {strides = array<i32>} : memref<5120xf32, #tpu.memory_space<vmem>>, vector<16xf32>, vector<16xi1>
        } else {
        }
        %add3A_341 = arith.addi %add3A_309, %reduce_sum3A_332 : i32
        %add3A_342 = arith.constant 3072 : i32
        %add3A_343 = vector.broadcast %add3A_342 : i32 to vector<16xi32>
        %add3A_344 = arith.addi %select_n3A_153, %add3A_343 : vector<16xi32>
        %gather3A_345 = tpu.vector_load_idx %arg19[%add3A_344] : memref<8192xf32, #tpu.memory_space<vmem>>[vector<16xi32>], vector<16xf32>,
        %gather3A_346 = tpu.vector_load_idx %arg20[%add3A_344] : memref<8192xf32, #tpu.memory_space<vmem>>[vector<16xi32>], vector<16xf32>,
        %gather3A_347 = tpu.vector_load_idx %arg21[%add3A_344] : memref<8192xf32, #tpu.memory_space<vmem>>[vector<16xi32>], vector<16xf32>,
        %sub3A_348 = arith.subf %gather3A_345, %get3A_54 : vector<16xf32>
        %sub3A_349 = arith.subf %gather3A_346, %get3A_58 : vector<16xf32>
        %sub3A_350 = arith.subf %gather3A_347, %get3A_62 : vector<16xf32>
        %mul3A_351 = arith.mulf %sub3A_348, %sub3A_348 : vector<16xf32>
        %mul3A_352 = arith.mulf %sub3A_349, %sub3A_349 : vector<16xf32>
        %add3A_353 = arith.addf %mul3A_351, %mul3A_352 : vector<16xf32>
        %mul3A_354 = arith.mulf %sub3A_350, %sub3A_350 : vector<16xf32>
        %add3A_355 = arith.addf %add3A_353, %mul3A_354 : vector<16xf32>
        %le3A_356 = arith.constant 0.00999999977 : f32
        %le3A_357 = vector.broadcast %le3A_356 : f32 to vector<16xf32>
        %le3A_358 = arith.cmpf ole, %add3A_355, %le3A_357 : vector<16xf32>
        %and3A_359 = arith.andi %le3A_358, %lt3A_150 : vector<16xi1>
        %convert_element_type3A_360 = arith.extui %and3A_359 : vector<16xi1> to vector<16xi32>
        %reduce_sum3A_361 = arith.constant true
        %reduce_sum3A_362 = vector.broadcast %reduce_sum3A_361 : i1 to vector<16xi1>
        %reduce_sum3A_363 = tpu.scan <sum>, %convert_element_type3A_360 masked %reduce_sum3A_362 : vector<16xi32>, vector<16xi1> -> vector<16xi32>
        %reduce_sum3A_364 = vector.extract %reduce_sum3A_363[15] : i32 from vector<16xi32>
        %gt3A_365 = arith.constant 0 : i32
        %gt3A_366 = arith.cmpi sgt, %reduce_sum3A_364, %gt3A_365 : i32
        %lt3A_367 = arith.constant 64 : i32
        %lt3A_368 = arith.cmpi slt, %add3A_341, %lt3A_367 : i32
        %and3A_369 = arith.andi %gt3A_366, %lt3A_368 : i1
        %convert_element_type3A_370 = arith.extui %and3A_369 : i1 to i32
        %cond3A_371 = arith.constant 0 : i32
        %cond3A_372 = arith.cmpi ne, %convert_element_type3A_370, %cond3A_371 : i32
        scf.if %cond3A_372 {
          %mul3A_662 = arith.constant 80 : i32
          %mul3A_663 = arith.muli %scan3A_50, %mul3A_662 : i32
          %add3A_664 = arith.addi %mul3A_663, %add3A_341 : i32
          %gather3A_665 = tpu.vector_load_idx %arg22[%add3A_344] : memref<8192xf32, #tpu.memory_space<vmem>>[vector<16xi32>], vector<16xf32>,
          %swap3A = arith.index_cast %add3A_664 : i32 to index
          %swap3A_666 = tpu.vector_load %arg30[%swap3A] masked %and3A_359 {strides = array<i32>} : memref<5120xf32, #tpu.memory_space<vmem>>, vector<16xf32>, vector<16xi1>
          tpu.vector_store %arg30[%swap3A], %gather3A_665 masked %and3A_359 {strides = array<i32>} : memref<5120xf32, #tpu.memory_space<vmem>>, vector<16xf32>, vector<16xi1>
          %gather3A_667 = tpu.vector_load_idx %arg23[%add3A_344] : memref<8192xf32, #tpu.memory_space<vmem>>[vector<16xi32>], vector<16xf32>,
          %swap3A_668 = arith.index_cast %add3A_664 : i32 to index
          %swap3A_669 = tpu.vector_load %arg31[%swap3A_668] masked %and3A_359 {strides = array<i32>} : memref<5120xf32, #tpu.memory_space<vmem>>, vector<16xf32>, vector<16xi1>
          tpu.vector_store %arg31[%swap3A_668], %gather3A_667 masked %and3A_359 {strides = array<i32>} : memref<5120xf32, #tpu.memory_space<vmem>>, vector<16xf32>, vector<16xi1>
          %gather3A_670 = tpu.vector_load_idx %arg24[%add3A_344] : memref<8192xf32, #tpu.memory_space<vmem>>[vector<16xi32>], vector<16xf32>,
          %swap3A_671 = arith.index_cast %add3A_664 : i32 to index
          %swap3A_672 = tpu.vector_load %arg32[%swap3A_671] masked %and3A_359 {strides = array<i32>} : memref<5120xf32, #tpu.memory_space<vmem>>, vector<16xf32>, vector<16xi1>
          tpu.vector_store %arg32[%swap3A_671], %gather3A_670 masked %and3A_359 {strides = array<i32>} : memref<5120xf32, #tpu.memory_space<vmem>>, vector<16xf32>, vector<16xi1>
          %swap3A_673 = arith.index_cast %add3A_664 : i32 to index
          %swap3A_674 = tpu.vector_load %arg33[%swap3A_673] masked %and3A_359 {strides = array<i32>} : memref<5120xf32, #tpu.memory_space<vmem>>, vector<16xf32>, vector<16xi1>
          tpu.vector_store %arg33[%swap3A_673], %sub3A_348 masked %and3A_359 {strides = array<i32>} : memref<5120xf32, #tpu.memory_space<vmem>>, vector<16xf32>, vector<16xi1>
          %swap3A_675 = arith.index_cast %add3A_664 : i32 to index
          %swap3A_676 = tpu.vector_load %arg34[%swap3A_675] masked %and3A_359 {strides = array<i32>} : memref<5120xf32, #tpu.memory_space<vmem>>, vector<16xf32>, vector<16xi1>
          tpu.vector_store %arg34[%swap3A_675], %sub3A_349 masked %and3A_359 {strides = array<i32>} : memref<5120xf32, #tpu.memory_space<vmem>>, vector<16xf32>, vector<16xi1>
          %swap3A_677 = arith.index_cast %add3A_664 : i32 to index
          %swap3A_678 = tpu.vector_load %arg35[%swap3A_677] masked %and3A_359 {strides = array<i32>} : memref<5120xf32, #tpu.memory_space<vmem>>, vector<16xf32>, vector<16xi1>
          tpu.vector_store %arg35[%swap3A_677], %sub3A_350 masked %and3A_359 {strides = array<i32>} : memref<5120xf32, #tpu.memory_space<vmem>>, vector<16xf32>, vector<16xi1>
        } else {
        }
        %add3A_373 = arith.addi %add3A_341, %reduce_sum3A_364 : i32
        %add3A_374 = arith.constant 3584 : i32
        %add3A_375 = vector.broadcast %add3A_374 : i32 to vector<16xi32>
        %add3A_376 = arith.addi %select_n3A_153, %add3A_375 : vector<16xi32>
        %gather3A_377 = tpu.vector_load_idx %arg19[%add3A_376] : memref<8192xf32, #tpu.memory_space<vmem>>[vector<16xi32>], vector<16xf32>,
        %gather3A_378 = tpu.vector_load_idx %arg20[%add3A_376] : memref<8192xf32, #tpu.memory_space<vmem>>[vector<16xi32>], vector<16xf32>,
        %gather3A_379 = tpu.vector_load_idx %arg21[%add3A_376] : memref<8192xf32, #tpu.memory_space<vmem>>[vector<16xi32>], vector<16xf32>,
        %sub3A_380 = arith.subf %gather3A_377, %get3A_54 : vector<16xf32>
        %sub3A_381 = arith.subf %gather3A_378, %get3A_58 : vector<16xf32>
        %sub3A_382 = arith.subf %gather3A_379, %get3A_62 : vector<16xf32>
        %mul3A_383 = arith.mulf %sub3A_380, %sub3A_380 : vector<16xf32>
        %mul3A_384 = arith.mulf %sub3A_381, %sub3A_381 : vector<16xf32>
        %add3A_385 = arith.addf %mul3A_383, %mul3A_384 : vector<16xf32>
        %mul3A_386 = arith.mulf %sub3A_382, %sub3A_382 : vector<16xf32>
        %add3A_387 = arith.addf %add3A_385, %mul3A_386 : vector<16xf32>
        %le3A_388 = arith.constant 0.00999999977 : f32
        %le3A_389 = vector.broadcast %le3A_388 : f32 to vector<16xf32>
        %le3A_390 = arith.cmpf ole, %add3A_387, %le3A_389 : vector<16xf32>
        %and3A_391 = arith.andi %le3A_390, %lt3A_150 : vector<16xi1>
        %convert_element_type3A_392 = arith.extui %and3A_391 : vector<16xi1> to vector<16xi32>
        %reduce_sum3A_393 = arith.constant true
        %reduce_sum3A_394 = vector.broadcast %reduce_sum3A_393 : i1 to vector<16xi1>
        %reduce_sum3A_395 = tpu.scan <sum>, %convert_element_type3A_392 masked %reduce_sum3A_394 : vector<16xi32>, vector<16xi1> -> vector<16xi32>
        %reduce_sum3A_396 = vector.extract %reduce_sum3A_395[15] : i32 from vector<16xi32>
        %gt3A_397 = arith.constant 0 : i32
        %gt3A_398 = arith.cmpi sgt, %reduce_sum3A_396, %gt3A_397 : i32
        %lt3A_399 = arith.constant 64 : i32
        %lt3A_400 = arith.cmpi slt, %add3A_373, %lt3A_399 : i32
        %and3A_401 = arith.andi %gt3A_398, %lt3A_400 : i1
        %convert_element_type3A_402 = arith.extui %and3A_401 : i1 to i32
        %cond3A_403 = arith.constant 0 : i32
        %cond3A_404 = arith.cmpi ne, %convert_element_type3A_402, %cond3A_403 : i32
        scf.if %cond3A_404 {
          %mul3A_662 = arith.constant 80 : i32
          %mul3A_663 = arith.muli %scan3A_50, %mul3A_662 : i32
          %add3A_664 = arith.addi %mul3A_663, %add3A_373 : i32
          %gather3A_665 = tpu.vector_load_idx %arg22[%add3A_376] : memref<8192xf32, #tpu.memory_space<vmem>>[vector<16xi32>], vector<16xf32>,
          %swap3A = arith.index_cast %add3A_664 : i32 to index
          %swap3A_666 = tpu.vector_load %arg30[%swap3A] masked %and3A_391 {strides = array<i32>} : memref<5120xf32, #tpu.memory_space<vmem>>, vector<16xf32>, vector<16xi1>
          tpu.vector_store %arg30[%swap3A], %gather3A_665 masked %and3A_391 {strides = array<i32>} : memref<5120xf32, #tpu.memory_space<vmem>>, vector<16xf32>, vector<16xi1>
          %gather3A_667 = tpu.vector_load_idx %arg23[%add3A_376] : memref<8192xf32, #tpu.memory_space<vmem>>[vector<16xi32>], vector<16xf32>,
          %swap3A_668 = arith.index_cast %add3A_664 : i32 to index
          %swap3A_669 = tpu.vector_load %arg31[%swap3A_668] masked %and3A_391 {strides = array<i32>} : memref<5120xf32, #tpu.memory_space<vmem>>, vector<16xf32>, vector<16xi1>
          tpu.vector_store %arg31[%swap3A_668], %gather3A_667 masked %and3A_391 {strides = array<i32>} : memref<5120xf32, #tpu.memory_space<vmem>>, vector<16xf32>, vector<16xi1>
          %gather3A_670 = tpu.vector_load_idx %arg24[%add3A_376] : memref<8192xf32, #tpu.memory_space<vmem>>[vector<16xi32>], vector<16xf32>,
          %swap3A_671 = arith.index_cast %add3A_664 : i32 to index
          %swap3A_672 = tpu.vector_load %arg32[%swap3A_671] masked %and3A_391 {strides = array<i32>} : memref<5120xf32, #tpu.memory_space<vmem>>, vector<16xf32>, vector<16xi1>
          tpu.vector_store %arg32[%swap3A_671], %gather3A_670 masked %and3A_391 {strides = array<i32>} : memref<5120xf32, #tpu.memory_space<vmem>>, vector<16xf32>, vector<16xi1>
          %swap3A_673 = arith.index_cast %add3A_664 : i32 to index
          %swap3A_674 = tpu.vector_load %arg33[%swap3A_673] masked %and3A_391 {strides = array<i32>} : memref<5120xf32, #tpu.memory_space<vmem>>, vector<16xf32>, vector<16xi1>
          tpu.vector_store %arg33[%swap3A_673], %sub3A_380 masked %and3A_391 {strides = array<i32>} : memref<5120xf32, #tpu.memory_space<vmem>>, vector<16xf32>, vector<16xi1>
          %swap3A_675 = arith.index_cast %add3A_664 : i32 to index
          %swap3A_676 = tpu.vector_load %arg34[%swap3A_675] masked %and3A_391 {strides = array<i32>} : memref<5120xf32, #tpu.memory_space<vmem>>, vector<16xf32>, vector<16xi1>
          tpu.vector_store %arg34[%swap3A_675], %sub3A_381 masked %and3A_391 {strides = array<i32>} : memref<5120xf32, #tpu.memory_space<vmem>>, vector<16xf32>, vector<16xi1>
          %swap3A_677 = arith.index_cast %add3A_664 : i32 to index
          %swap3A_678 = tpu.vector_load %arg35[%swap3A_677] masked %and3A_391 {strides = array<i32>} : memref<5120xf32, #tpu.memory_space<vmem>>, vector<16xf32>, vector<16xi1>
          tpu.vector_store %arg35[%swap3A_677], %sub3A_382 masked %and3A_391 {strides = array<i32>} : memref<5120xf32, #tpu.memory_space<vmem>>, vector<16xf32>, vector<16xi1>
        } else {
        }
        %add3A_405 = arith.addi %add3A_373, %reduce_sum3A_396 : i32
        %add3A_406 = arith.constant 4096 : i32
        %add3A_407 = vector.broadcast %add3A_406 : i32 to vector<16xi32>
        %add3A_408 = arith.addi %select_n3A_153, %add3A_407 : vector<16xi32>
        %gather3A_409 = tpu.vector_load_idx %arg19[%add3A_408] : memref<8192xf32, #tpu.memory_space<vmem>>[vector<16xi32>], vector<16xf32>,
        %gather3A_410 = tpu.vector_load_idx %arg20[%add3A_408] : memref<8192xf32, #tpu.memory_space<vmem>>[vector<16xi32>], vector<16xf32>,
        %gather3A_411 = tpu.vector_load_idx %arg21[%add3A_408] : memref<8192xf32, #tpu.memory_space<vmem>>[vector<16xi32>], vector<16xf32>,
        %sub3A_412 = arith.subf %gather3A_409, %get3A_54 : vector<16xf32>
        %sub3A_413 = arith.subf %gather3A_410, %get3A_58 : vector<16xf32>
        %sub3A_414 = arith.subf %gather3A_411, %get3A_62 : vector<16xf32>
        %mul3A_415 = arith.mulf %sub3A_412, %sub3A_412 : vector<16xf32>
        %mul3A_416 = arith.mulf %sub3A_413, %sub3A_413 : vector<16xf32>
        %add3A_417 = arith.addf %mul3A_415, %mul3A_416 : vector<16xf32>
        %mul3A_418 = arith.mulf %sub3A_414, %sub3A_414 : vector<16xf32>
        %add3A_419 = arith.addf %add3A_417, %mul3A_418 : vector<16xf32>
        %le3A_420 = arith.constant 0.00999999977 : f32
        %le3A_421 = vector.broadcast %le3A_420 : f32 to vector<16xf32>
        %le3A_422 = arith.cmpf ole, %add3A_419, %le3A_421 : vector<16xf32>
        %and3A_423 = arith.andi %le3A_422, %lt3A_150 : vector<16xi1>
        %convert_element_type3A_424 = arith.extui %and3A_423 : vector<16xi1> to vector<16xi32>
        %reduce_sum3A_425 = arith.constant true
        %reduce_sum3A_426 = vector.broadcast %reduce_sum3A_425 : i1 to vector<16xi1>
        %reduce_sum3A_427 = tpu.scan <sum>, %convert_element_type3A_424 masked %reduce_sum3A_426 : vector<16xi32>, vector<16xi1> -> vector<16xi32>
        %reduce_sum3A_428 = vector.extract %reduce_sum3A_427[15] : i32 from vector<16xi32>
        %gt3A_429 = arith.constant 0 : i32
        %gt3A_430 = arith.cmpi sgt, %reduce_sum3A_428, %gt3A_429 : i32
        %lt3A_431 = arith.constant 64 : i32
        %lt3A_432 = arith.cmpi slt, %add3A_405, %lt3A_431 : i32
        %and3A_433 = arith.andi %gt3A_430, %lt3A_432 : i1
        %convert_element_type3A_434 = arith.extui %and3A_433 : i1 to i32
        %cond3A_435 = arith.constant 0 : i32
        %cond3A_436 = arith.cmpi ne, %convert_element_type3A_434, %cond3A_435 : i32
        scf.if %cond3A_436 {
          %mul3A_662 = arith.constant 80 : i32
          %mul3A_663 = arith.muli %scan3A_50, %mul3A_662 : i32
          %add3A_664 = arith.addi %mul3A_663, %add3A_405 : i32
          %gather3A_665 = tpu.vector_load_idx %arg22[%add3A_408] : memref<8192xf32, #tpu.memory_space<vmem>>[vector<16xi32>], vector<16xf32>,
          %swap3A = arith.index_cast %add3A_664 : i32 to index
          %swap3A_666 = tpu.vector_load %arg30[%swap3A] masked %and3A_423 {strides = array<i32>} : memref<5120xf32, #tpu.memory_space<vmem>>, vector<16xf32>, vector<16xi1>
          tpu.vector_store %arg30[%swap3A], %gather3A_665 masked %and3A_423 {strides = array<i32>} : memref<5120xf32, #tpu.memory_space<vmem>>, vector<16xf32>, vector<16xi1>
          %gather3A_667 = tpu.vector_load_idx %arg23[%add3A_408] : memref<8192xf32, #tpu.memory_space<vmem>>[vector<16xi32>], vector<16xf32>,
          %swap3A_668 = arith.index_cast %add3A_664 : i32 to index
          %swap3A_669 = tpu.vector_load %arg31[%swap3A_668] masked %and3A_423 {strides = array<i32>} : memref<5120xf32, #tpu.memory_space<vmem>>, vector<16xf32>, vector<16xi1>
          tpu.vector_store %arg31[%swap3A_668], %gather3A_667 masked %and3A_423 {strides = array<i32>} : memref<5120xf32, #tpu.memory_space<vmem>>, vector<16xf32>, vector<16xi1>
          %gather3A_670 = tpu.vector_load_idx %arg24[%add3A_408] : memref<8192xf32, #tpu.memory_space<vmem>>[vector<16xi32>], vector<16xf32>,
          %swap3A_671 = arith.index_cast %add3A_664 : i32 to index
          %swap3A_672 = tpu.vector_load %arg32[%swap3A_671] masked %and3A_423 {strides = array<i32>} : memref<5120xf32, #tpu.memory_space<vmem>>, vector<16xf32>, vector<16xi1>
          tpu.vector_store %arg32[%swap3A_671], %gather3A_670 masked %and3A_423 {strides = array<i32>} : memref<5120xf32, #tpu.memory_space<vmem>>, vector<16xf32>, vector<16xi1>
          %swap3A_673 = arith.index_cast %add3A_664 : i32 to index
          %swap3A_674 = tpu.vector_load %arg33[%swap3A_673] masked %and3A_423 {strides = array<i32>} : memref<5120xf32, #tpu.memory_space<vmem>>, vector<16xf32>, vector<16xi1>
          tpu.vector_store %arg33[%swap3A_673], %sub3A_412 masked %and3A_423 {strides = array<i32>} : memref<5120xf32, #tpu.memory_space<vmem>>, vector<16xf32>, vector<16xi1>
          %swap3A_675 = arith.index_cast %add3A_664 : i32 to index
          %swap3A_676 = tpu.vector_load %arg34[%swap3A_675] masked %and3A_423 {strides = array<i32>} : memref<5120xf32, #tpu.memory_space<vmem>>, vector<16xf32>, vector<16xi1>
          tpu.vector_store %arg34[%swap3A_675], %sub3A_413 masked %and3A_423 {strides = array<i32>} : memref<5120xf32, #tpu.memory_space<vmem>>, vector<16xf32>, vector<16xi1>
          %swap3A_677 = arith.index_cast %add3A_664 : i32 to index
          %swap3A_678 = tpu.vector_load %arg35[%swap3A_677] masked %and3A_423 {strides = array<i32>} : memref<5120xf32, #tpu.memory_space<vmem>>, vector<16xf32>, vector<16xi1>
          tpu.vector_store %arg35[%swap3A_677], %sub3A_414 masked %and3A_423 {strides = array<i32>} : memref<5120xf32, #tpu.memory_space<vmem>>, vector<16xf32>, vector<16xi1>
        } else {
        }
        %add3A_437 = arith.addi %add3A_405, %reduce_sum3A_428 : i32
        %add3A_438 = arith.constant 4608 : i32
        %add3A_439 = vector.broadcast %add3A_438 : i32 to vector<16xi32>
        %add3A_440 = arith.addi %select_n3A_153, %add3A_439 : vector<16xi32>
        %gather3A_441 = tpu.vector_load_idx %arg19[%add3A_440] : memref<8192xf32, #tpu.memory_space<vmem>>[vector<16xi32>], vector<16xf32>,
        %gather3A_442 = tpu.vector_load_idx %arg20[%add3A_440] : memref<8192xf32, #tpu.memory_space<vmem>>[vector<16xi32>], vector<16xf32>,
        %gather3A_443 = tpu.vector_load_idx %arg21[%add3A_440] : memref<8192xf32, #tpu.memory_space<vmem>>[vector<16xi32>], vector<16xf32>,
        %sub3A_444 = arith.subf %gather3A_441, %get3A_54 : vector<16xf32>
        %sub3A_445 = arith.subf %gather3A_442, %get3A_58 : vector<16xf32>
        %sub3A_446 = arith.subf %gather3A_443, %get3A_62 : vector<16xf32>
        %mul3A_447 = arith.mulf %sub3A_444, %sub3A_444 : vector<16xf32>
        %mul3A_448 = arith.mulf %sub3A_445, %sub3A_445 : vector<16xf32>
        %add3A_449 = arith.addf %mul3A_447, %mul3A_448 : vector<16xf32>
        %mul3A_450 = arith.mulf %sub3A_446, %sub3A_446 : vector<16xf32>
        %add3A_451 = arith.addf %add3A_449, %mul3A_450 : vector<16xf32>
        %le3A_452 = arith.constant 0.00999999977 : f32
        %le3A_453 = vector.broadcast %le3A_452 : f32 to vector<16xf32>
        %le3A_454 = arith.cmpf ole, %add3A_451, %le3A_453 : vector<16xf32>
        %and3A_455 = arith.andi %le3A_454, %lt3A_150 : vector<16xi1>
        %convert_element_type3A_456 = arith.extui %and3A_455 : vector<16xi1> to vector<16xi32>
        %reduce_sum3A_457 = arith.constant true
        %reduce_sum3A_458 = vector.broadcast %reduce_sum3A_457 : i1 to vector<16xi1>
        %reduce_sum3A_459 = tpu.scan <sum>, %convert_element_type3A_456 masked %reduce_sum3A_458 : vector<16xi32>, vector<16xi1> -> vector<16xi32>
        %reduce_sum3A_460 = vector.extract %reduce_sum3A_459[15] : i32 from vector<16xi32>
        %gt3A_461 = arith.constant 0 : i32
        %gt3A_462 = arith.cmpi sgt, %reduce_sum3A_460, %gt3A_461 : i32
        %lt3A_463 = arith.constant 64 : i32
        %lt3A_464 = arith.cmpi slt, %add3A_437, %lt3A_463 : i32
        %and3A_465 = arith.andi %gt3A_462, %lt3A_464 : i1
        %convert_element_type3A_466 = arith.extui %and3A_465 : i1 to i32
        %cond3A_467 = arith.constant 0 : i32
        %cond3A_468 = arith.cmpi ne, %convert_element_type3A_466, %cond3A_467 : i32
        scf.if %cond3A_468 {
          %mul3A_662 = arith.constant 80 : i32
          %mul3A_663 = arith.muli %scan3A_50, %mul3A_662 : i32
          %add3A_664 = arith.addi %mul3A_663, %add3A_437 : i32
          %gather3A_665 = tpu.vector_load_idx %arg22[%add3A_440] : memref<8192xf32, #tpu.memory_space<vmem>>[vector<16xi32>], vector<16xf32>,
          %swap3A = arith.index_cast %add3A_664 : i32 to index
          %swap3A_666 = tpu.vector_load %arg30[%swap3A] masked %and3A_455 {strides = array<i32>} : memref<5120xf32, #tpu.memory_space<vmem>>, vector<16xf32>, vector<16xi1>
          tpu.vector_store %arg30[%swap3A], %gather3A_665 masked %and3A_455 {strides = array<i32>} : memref<5120xf32, #tpu.memory_space<vmem>>, vector<16xf32>, vector<16xi1>
          %gather3A_667 = tpu.vector_load_idx %arg23[%add3A_440] : memref<8192xf32, #tpu.memory_space<vmem>>[vector<16xi32>], vector<16xf32>,
          %swap3A_668 = arith.index_cast %add3A_664 : i32 to index
          %swap3A_669 = tpu.vector_load %arg31[%swap3A_668] masked %and3A_455 {strides = array<i32>} : memref<5120xf32, #tpu.memory_space<vmem>>, vector<16xf32>, vector<16xi1>
          tpu.vector_store %arg31[%swap3A_668], %gather3A_667 masked %and3A_455 {strides = array<i32>} : memref<5120xf32, #tpu.memory_space<vmem>>, vector<16xf32>, vector<16xi1>
          %gather3A_670 = tpu.vector_load_idx %arg24[%add3A_440] : memref<8192xf32, #tpu.memory_space<vmem>>[vector<16xi32>], vector<16xf32>,
          %swap3A_671 = arith.index_cast %add3A_664 : i32 to index
          %swap3A_672 = tpu.vector_load %arg32[%swap3A_671] masked %and3A_455 {strides = array<i32>} : memref<5120xf32, #tpu.memory_space<vmem>>, vector<16xf32>, vector<16xi1>
          tpu.vector_store %arg32[%swap3A_671], %gather3A_670 masked %and3A_455 {strides = array<i32>} : memref<5120xf32, #tpu.memory_space<vmem>>, vector<16xf32>, vector<16xi1>
          %swap3A_673 = arith.index_cast %add3A_664 : i32 to index
          %swap3A_674 = tpu.vector_load %arg33[%swap3A_673] masked %and3A_455 {strides = array<i32>} : memref<5120xf32, #tpu.memory_space<vmem>>, vector<16xf32>, vector<16xi1>
          tpu.vector_store %arg33[%swap3A_673], %sub3A_444 masked %and3A_455 {strides = array<i32>} : memref<5120xf32, #tpu.memory_space<vmem>>, vector<16xf32>, vector<16xi1>
          %swap3A_675 = arith.index_cast %add3A_664 : i32 to index
          %swap3A_676 = tpu.vector_load %arg34[%swap3A_675] masked %and3A_455 {strides = array<i32>} : memref<5120xf32, #tpu.memory_space<vmem>>, vector<16xf32>, vector<16xi1>
          tpu.vector_store %arg34[%swap3A_675], %sub3A_445 masked %and3A_455 {strides = array<i32>} : memref<5120xf32, #tpu.memory_space<vmem>>, vector<16xf32>, vector<16xi1>
          %swap3A_677 = arith.index_cast %add3A_664 : i32 to index
          %swap3A_678 = tpu.vector_load %arg35[%swap3A_677] masked %and3A_455 {strides = array<i32>} : memref<5120xf32, #tpu.memory_space<vmem>>, vector<16xf32>, vector<16xi1>
          tpu.vector_store %arg35[%swap3A_677], %sub3A_446 masked %and3A_455 {strides = array<i32>} : memref<5120xf32, #tpu.memory_space<vmem>>, vector<16xf32>, vector<16xi1>
        } else {
        }
        %add3A_469 = arith.addi %add3A_437, %reduce_sum3A_460 : i32
        %add3A_470 = arith.constant 5120 : i32
        %add3A_471 = vector.broadcast %add3A_470 : i32 to vector<16xi32>
        %add3A_472 = arith.addi %select_n3A_153, %add3A_471 : vector<16xi32>
        %gather3A_473 = tpu.vector_load_idx %arg19[%add3A_472] : memref<8192xf32, #tpu.memory_space<vmem>>[vector<16xi32>], vector<16xf32>,
        %gather3A_474 = tpu.vector_load_idx %arg20[%add3A_472] : memref<8192xf32, #tpu.memory_space<vmem>>[vector<16xi32>], vector<16xf32>,
        %gather3A_475 = tpu.vector_load_idx %arg21[%add3A_472] : memref<8192xf32, #tpu.memory_space<vmem>>[vector<16xi32>], vector<16xf32>,
        %sub3A_476 = arith.subf %gather3A_473, %get3A_54 : vector<16xf32>
        %sub3A_477 = arith.subf %gather3A_474, %get3A_58 : vector<16xf32>
        %sub3A_478 = arith.subf %gather3A_475, %get3A_62 : vector<16xf32>
        %mul3A_479 = arith.mulf %sub3A_476, %sub3A_476 : vector<16xf32>
        %mul3A_480 = arith.mulf %sub3A_477, %sub3A_477 : vector<16xf32>
        %add3A_481 = arith.addf %mul3A_479, %mul3A_480 : vector<16xf32>
        %mul3A_482 = arith.mulf %sub3A_478, %sub3A_478 : vector<16xf32>
        %add3A_483 = arith.addf %add3A_481, %mul3A_482 : vector<16xf32>
        %le3A_484 = arith.constant 0.00999999977 : f32
        %le3A_485 = vector.broadcast %le3A_484 : f32 to vector<16xf32>
        %le3A_486 = arith.cmpf ole, %add3A_483, %le3A_485 : vector<16xf32>
        %and3A_487 = arith.andi %le3A_486, %lt3A_150 : vector<16xi1>
        %convert_element_type3A_488 = arith.extui %and3A_487 : vector<16xi1> to vector<16xi32>
        %reduce_sum3A_489 = arith.constant true
        %reduce_sum3A_490 = vector.broadcast %reduce_sum3A_489 : i1 to vector<16xi1>
        %reduce_sum3A_491 = tpu.scan <sum>, %convert_element_type3A_488 masked %reduce_sum3A_490 : vector<16xi32>, vector<16xi1> -> vector<16xi32>
        %reduce_sum3A_492 = vector.extract %reduce_sum3A_491[15] : i32 from vector<16xi32>
        %gt3A_493 = arith.constant 0 : i32
        %gt3A_494 = arith.cmpi sgt, %reduce_sum3A_492, %gt3A_493 : i32
        %lt3A_495 = arith.constant 64 : i32
        %lt3A_496 = arith.cmpi slt, %add3A_469, %lt3A_495 : i32
        %and3A_497 = arith.andi %gt3A_494, %lt3A_496 : i1
        %convert_element_type3A_498 = arith.extui %and3A_497 : i1 to i32
        %cond3A_499 = arith.constant 0 : i32
        %cond3A_500 = arith.cmpi ne, %convert_element_type3A_498, %cond3A_499 : i32
        scf.if %cond3A_500 {
          %mul3A_662 = arith.constant 80 : i32
          %mul3A_663 = arith.muli %scan3A_50, %mul3A_662 : i32
          %add3A_664 = arith.addi %mul3A_663, %add3A_469 : i32
          %gather3A_665 = tpu.vector_load_idx %arg22[%add3A_472] : memref<8192xf32, #tpu.memory_space<vmem>>[vector<16xi32>], vector<16xf32>,
          %swap3A = arith.index_cast %add3A_664 : i32 to index
          %swap3A_666 = tpu.vector_load %arg30[%swap3A] masked %and3A_487 {strides = array<i32>} : memref<5120xf32, #tpu.memory_space<vmem>>, vector<16xf32>, vector<16xi1>
          tpu.vector_store %arg30[%swap3A], %gather3A_665 masked %and3A_487 {strides = array<i32>} : memref<5120xf32, #tpu.memory_space<vmem>>, vector<16xf32>, vector<16xi1>
          %gather3A_667 = tpu.vector_load_idx %arg23[%add3A_472] : memref<8192xf32, #tpu.memory_space<vmem>>[vector<16xi32>], vector<16xf32>,
          %swap3A_668 = arith.index_cast %add3A_664 : i32 to index
          %swap3A_669 = tpu.vector_load %arg31[%swap3A_668] masked %and3A_487 {strides = array<i32>} : memref<5120xf32, #tpu.memory_space<vmem>>, vector<16xf32>, vector<16xi1>
          tpu.vector_store %arg31[%swap3A_668], %gather3A_667 masked %and3A_487 {strides = array<i32>} : memref<5120xf32, #tpu.memory_space<vmem>>, vector<16xf32>, vector<16xi1>
          %gather3A_670 = tpu.vector_load_idx %arg24[%add3A_472] : memref<8192xf32, #tpu.memory_space<vmem>>[vector<16xi32>], vector<16xf32>,
          %swap3A_671 = arith.index_cast %add3A_664 : i32 to index
          %swap3A_672 = tpu.vector_load %arg32[%swap3A_671] masked %and3A_487 {strides = array<i32>} : memref<5120xf32, #tpu.memory_space<vmem>>, vector<16xf32>, vector<16xi1>
          tpu.vector_store %arg32[%swap3A_671], %gather3A_670 masked %and3A_487 {strides = array<i32>} : memref<5120xf32, #tpu.memory_space<vmem>>, vector<16xf32>, vector<16xi1>
          %swap3A_673 = arith.index_cast %add3A_664 : i32 to index
          %swap3A_674 = tpu.vector_load %arg33[%swap3A_673] masked %and3A_487 {strides = array<i32>} : memref<5120xf32, #tpu.memory_space<vmem>>, vector<16xf32>, vector<16xi1>
          tpu.vector_store %arg33[%swap3A_673], %sub3A_476 masked %and3A_487 {strides = array<i32>} : memref<5120xf32, #tpu.memory_space<vmem>>, vector<16xf32>, vector<16xi1>
          %swap3A_675 = arith.index_cast %add3A_664 : i32 to index
          %swap3A_676 = tpu.vector_load %arg34[%swap3A_675] masked %and3A_487 {strides = array<i32>} : memref<5120xf32, #tpu.memory_space<vmem>>, vector<16xf32>, vector<16xi1>
          tpu.vector_store %arg34[%swap3A_675], %sub3A_477 masked %and3A_487 {strides = array<i32>} : memref<5120xf32, #tpu.memory_space<vmem>>, vector<16xf32>, vector<16xi1>
          %swap3A_677 = arith.index_cast %add3A_664 : i32 to index
          %swap3A_678 = tpu.vector_load %arg35[%swap3A_677] masked %and3A_487 {strides = array<i32>} : memref<5120xf32, #tpu.memory_space<vmem>>, vector<16xf32>, vector<16xi1>
          tpu.vector_store %arg35[%swap3A_677], %sub3A_478 masked %and3A_487 {strides = array<i32>} : memref<5120xf32, #tpu.memory_space<vmem>>, vector<16xf32>, vector<16xi1>
        } else {
        }
        %add3A_501 = arith.addi %add3A_469, %reduce_sum3A_492 : i32
        %add3A_502 = arith.constant 5632 : i32
        %add3A_503 = vector.broadcast %add3A_502 : i32 to vector<16xi32>
        %add3A_504 = arith.addi %select_n3A_153, %add3A_503 : vector<16xi32>
        %gather3A_505 = tpu.vector_load_idx %arg19[%add3A_504] : memref<8192xf32, #tpu.memory_space<vmem>>[vector<16xi32>], vector<16xf32>,
        %gather3A_506 = tpu.vector_load_idx %arg20[%add3A_504] : memref<8192xf32, #tpu.memory_space<vmem>>[vector<16xi32>], vector<16xf32>,
        %gather3A_507 = tpu.vector_load_idx %arg21[%add3A_504] : memref<8192xf32, #tpu.memory_space<vmem>>[vector<16xi32>], vector<16xf32>,
        %sub3A_508 = arith.subf %gather3A_505, %get3A_54 : vector<16xf32>
        %sub3A_509 = arith.subf %gather3A_506, %get3A_58 : vector<16xf32>
        %sub3A_510 = arith.subf %gather3A_507, %get3A_62 : vector<16xf32>
        %mul3A_511 = arith.mulf %sub3A_508, %sub3A_508 : vector<16xf32>
        %mul3A_512 = arith.mulf %sub3A_509, %sub3A_509 : vector<16xf32>
        %add3A_513 = arith.addf %mul3A_511, %mul3A_512 : vector<16xf32>
        %mul3A_514 = arith.mulf %sub3A_510, %sub3A_510 : vector<16xf32>
        %add3A_515 = arith.addf %add3A_513, %mul3A_514 : vector<16xf32>
        %le3A_516 = arith.constant 0.00999999977 : f32
        %le3A_517 = vector.broadcast %le3A_516 : f32 to vector<16xf32>
        %le3A_518 = arith.cmpf ole, %add3A_515, %le3A_517 : vector<16xf32>
        %and3A_519 = arith.andi %le3A_518, %lt3A_150 : vector<16xi1>
        %convert_element_type3A_520 = arith.extui %and3A_519 : vector<16xi1> to vector<16xi32>
        %reduce_sum3A_521 = arith.constant true
        %reduce_sum3A_522 = vector.broadcast %reduce_sum3A_521 : i1 to vector<16xi1>
        %reduce_sum3A_523 = tpu.scan <sum>, %convert_element_type3A_520 masked %reduce_sum3A_522 : vector<16xi32>, vector<16xi1> -> vector<16xi32>
        %reduce_sum3A_524 = vector.extract %reduce_sum3A_523[15] : i32 from vector<16xi32>
        %gt3A_525 = arith.constant 0 : i32
        %gt3A_526 = arith.cmpi sgt, %reduce_sum3A_524, %gt3A_525 : i32
        %lt3A_527 = arith.constant 64 : i32
        %lt3A_528 = arith.cmpi slt, %add3A_501, %lt3A_527 : i32
        %and3A_529 = arith.andi %gt3A_526, %lt3A_528 : i1
        %convert_element_type3A_530 = arith.extui %and3A_529 : i1 to i32
        %cond3A_531 = arith.constant 0 : i32
        %cond3A_532 = arith.cmpi ne, %convert_element_type3A_530, %cond3A_531 : i32
        scf.if %cond3A_532 {
          %mul3A_662 = arith.constant 80 : i32
          %mul3A_663 = arith.muli %scan3A_50, %mul3A_662 : i32
          %add3A_664 = arith.addi %mul3A_663, %add3A_501 : i32
          %gather3A_665 = tpu.vector_load_idx %arg22[%add3A_504] : memref<8192xf32, #tpu.memory_space<vmem>>[vector<16xi32>], vector<16xf32>,
          %swap3A = arith.index_cast %add3A_664 : i32 to index
          %swap3A_666 = tpu.vector_load %arg30[%swap3A] masked %and3A_519 {strides = array<i32>} : memref<5120xf32, #tpu.memory_space<vmem>>, vector<16xf32>, vector<16xi1>
          tpu.vector_store %arg30[%swap3A], %gather3A_665 masked %and3A_519 {strides = array<i32>} : memref<5120xf32, #tpu.memory_space<vmem>>, vector<16xf32>, vector<16xi1>
          %gather3A_667 = tpu.vector_load_idx %arg23[%add3A_504] : memref<8192xf32, #tpu.memory_space<vmem>>[vector<16xi32>], vector<16xf32>,
          %swap3A_668 = arith.index_cast %add3A_664 : i32 to index
          %swap3A_669 = tpu.vector_load %arg31[%swap3A_668] masked %and3A_519 {strides = array<i32>} : memref<5120xf32, #tpu.memory_space<vmem>>, vector<16xf32>, vector<16xi1>
          tpu.vector_store %arg31[%swap3A_668], %gather3A_667 masked %and3A_519 {strides = array<i32>} : memref<5120xf32, #tpu.memory_space<vmem>>, vector<16xf32>, vector<16xi1>
          %gather3A_670 = tpu.vector_load_idx %arg24[%add3A_504] : memref<8192xf32, #tpu.memory_space<vmem>>[vector<16xi32>], vector<16xf32>,
          %swap3A_671 = arith.index_cast %add3A_664 : i32 to index
          %swap3A_672 = tpu.vector_load %arg32[%swap3A_671] masked %and3A_519 {strides = array<i32>} : memref<5120xf32, #tpu.memory_space<vmem>>, vector<16xf32>, vector<16xi1>
          tpu.vector_store %arg32[%swap3A_671], %gather3A_670 masked %and3A_519 {strides = array<i32>} : memref<5120xf32, #tpu.memory_space<vmem>>, vector<16xf32>, vector<16xi1>
          %swap3A_673 = arith.index_cast %add3A_664 : i32 to index
          %swap3A_674 = tpu.vector_load %arg33[%swap3A_673] masked %and3A_519 {strides = array<i32>} : memref<5120xf32, #tpu.memory_space<vmem>>, vector<16xf32>, vector<16xi1>
          tpu.vector_store %arg33[%swap3A_673], %sub3A_508 masked %and3A_519 {strides = array<i32>} : memref<5120xf32, #tpu.memory_space<vmem>>, vector<16xf32>, vector<16xi1>
          %swap3A_675 = arith.index_cast %add3A_664 : i32 to index
          %swap3A_676 = tpu.vector_load %arg34[%swap3A_675] masked %and3A_519 {strides = array<i32>} : memref<5120xf32, #tpu.memory_space<vmem>>, vector<16xf32>, vector<16xi1>
          tpu.vector_store %arg34[%swap3A_675], %sub3A_509 masked %and3A_519 {strides = array<i32>} : memref<5120xf32, #tpu.memory_space<vmem>>, vector<16xf32>, vector<16xi1>
          %swap3A_677 = arith.index_cast %add3A_664 : i32 to index
          %swap3A_678 = tpu.vector_load %arg35[%swap3A_677] masked %and3A_519 {strides = array<i32>} : memref<5120xf32, #tpu.memory_space<vmem>>, vector<16xf32>, vector<16xi1>
          tpu.vector_store %arg35[%swap3A_677], %sub3A_510 masked %and3A_519 {strides = array<i32>} : memref<5120xf32, #tpu.memory_space<vmem>>, vector<16xf32>, vector<16xi1>
        } else {
        }
        %add3A_533 = arith.addi %add3A_501, %reduce_sum3A_524 : i32
        %add3A_534 = arith.constant 6144 : i32
        %add3A_535 = vector.broadcast %add3A_534 : i32 to vector<16xi32>
        %add3A_536 = arith.addi %select_n3A_153, %add3A_535 : vector<16xi32>
        %gather3A_537 = tpu.vector_load_idx %arg19[%add3A_536] : memref<8192xf32, #tpu.memory_space<vmem>>[vector<16xi32>], vector<16xf32>,
        %gather3A_538 = tpu.vector_load_idx %arg20[%add3A_536] : memref<8192xf32, #tpu.memory_space<vmem>>[vector<16xi32>], vector<16xf32>,
        %gather3A_539 = tpu.vector_load_idx %arg21[%add3A_536] : memref<8192xf32, #tpu.memory_space<vmem>>[vector<16xi32>], vector<16xf32>,
        %sub3A_540 = arith.subf %gather3A_537, %get3A_54 : vector<16xf32>
        %sub3A_541 = arith.subf %gather3A_538, %get3A_58 : vector<16xf32>
        %sub3A_542 = arith.subf %gather3A_539, %get3A_62 : vector<16xf32>
        %mul3A_543 = arith.mulf %sub3A_540, %sub3A_540 : vector<16xf32>
        %mul3A_544 = arith.mulf %sub3A_541, %sub3A_541 : vector<16xf32>
        %add3A_545 = arith.addf %mul3A_543, %mul3A_544 : vector<16xf32>
        %mul3A_546 = arith.mulf %sub3A_542, %sub3A_542 : vector<16xf32>
        %add3A_547 = arith.addf %add3A_545, %mul3A_546 : vector<16xf32>
        %le3A_548 = arith.constant 0.00999999977 : f32
        %le3A_549 = vector.broadcast %le3A_548 : f32 to vector<16xf32>
        %le3A_550 = arith.cmpf ole, %add3A_547, %le3A_549 : vector<16xf32>
        %and3A_551 = arith.andi %le3A_550, %lt3A_150 : vector<16xi1>
        %convert_element_type3A_552 = arith.extui %and3A_551 : vector<16xi1> to vector<16xi32>
        %reduce_sum3A_553 = arith.constant true
        %reduce_sum3A_554 = vector.broadcast %reduce_sum3A_553 : i1 to vector<16xi1>
        %reduce_sum3A_555 = tpu.scan <sum>, %convert_element_type3A_552 masked %reduce_sum3A_554 : vector<16xi32>, vector<16xi1> -> vector<16xi32>
        %reduce_sum3A_556 = vector.extract %reduce_sum3A_555[15] : i32 from vector<16xi32>
        %gt3A_557 = arith.constant 0 : i32
        %gt3A_558 = arith.cmpi sgt, %reduce_sum3A_556, %gt3A_557 : i32
        %lt3A_559 = arith.constant 64 : i32
        %lt3A_560 = arith.cmpi slt, %add3A_533, %lt3A_559 : i32
        %and3A_561 = arith.andi %gt3A_558, %lt3A_560 : i1
        %convert_element_type3A_562 = arith.extui %and3A_561 : i1 to i32
        %cond3A_563 = arith.constant 0 : i32
        %cond3A_564 = arith.cmpi ne, %convert_element_type3A_562, %cond3A_563 : i32
        scf.if %cond3A_564 {
          %mul3A_662 = arith.constant 80 : i32
          %mul3A_663 = arith.muli %scan3A_50, %mul3A_662 : i32
          %add3A_664 = arith.addi %mul3A_663, %add3A_533 : i32
          %gather3A_665 = tpu.vector_load_idx %arg22[%add3A_536] : memref<8192xf32, #tpu.memory_space<vmem>>[vector<16xi32>], vector<16xf32>,
          %swap3A = arith.index_cast %add3A_664 : i32 to index
          %swap3A_666 = tpu.vector_load %arg30[%swap3A] masked %and3A_551 {strides = array<i32>} : memref<5120xf32, #tpu.memory_space<vmem>>, vector<16xf32>, vector<16xi1>
          tpu.vector_store %arg30[%swap3A], %gather3A_665 masked %and3A_551 {strides = array<i32>} : memref<5120xf32, #tpu.memory_space<vmem>>, vector<16xf32>, vector<16xi1>
          %gather3A_667 = tpu.vector_load_idx %arg23[%add3A_536] : memref<8192xf32, #tpu.memory_space<vmem>>[vector<16xi32>], vector<16xf32>,
          %swap3A_668 = arith.index_cast %add3A_664 : i32 to index
          %swap3A_669 = tpu.vector_load %arg31[%swap3A_668] masked %and3A_551 {strides = array<i32>} : memref<5120xf32, #tpu.memory_space<vmem>>, vector<16xf32>, vector<16xi1>
          tpu.vector_store %arg31[%swap3A_668], %gather3A_667 masked %and3A_551 {strides = array<i32>} : memref<5120xf32, #tpu.memory_space<vmem>>, vector<16xf32>, vector<16xi1>
          %gather3A_670 = tpu.vector_load_idx %arg24[%add3A_536] : memref<8192xf32, #tpu.memory_space<vmem>>[vector<16xi32>], vector<16xf32>,
          %swap3A_671 = arith.index_cast %add3A_664 : i32 to index
          %swap3A_672 = tpu.vector_load %arg32[%swap3A_671] masked %and3A_551 {strides = array<i32>} : memref<5120xf32, #tpu.memory_space<vmem>>, vector<16xf32>, vector<16xi1>
          tpu.vector_store %arg32[%swap3A_671], %gather3A_670 masked %and3A_551 {strides = array<i32>} : memref<5120xf32, #tpu.memory_space<vmem>>, vector<16xf32>, vector<16xi1>
          %swap3A_673 = arith.index_cast %add3A_664 : i32 to index
          %swap3A_674 = tpu.vector_load %arg33[%swap3A_673] masked %and3A_551 {strides = array<i32>} : memref<5120xf32, #tpu.memory_space<vmem>>, vector<16xf32>, vector<16xi1>
          tpu.vector_store %arg33[%swap3A_673], %sub3A_540 masked %and3A_551 {strides = array<i32>} : memref<5120xf32, #tpu.memory_space<vmem>>, vector<16xf32>, vector<16xi1>
          %swap3A_675 = arith.index_cast %add3A_664 : i32 to index
          %swap3A_676 = tpu.vector_load %arg34[%swap3A_675] masked %and3A_551 {strides = array<i32>} : memref<5120xf32, #tpu.memory_space<vmem>>, vector<16xf32>, vector<16xi1>
          tpu.vector_store %arg34[%swap3A_675], %sub3A_541 masked %and3A_551 {strides = array<i32>} : memref<5120xf32, #tpu.memory_space<vmem>>, vector<16xf32>, vector<16xi1>
          %swap3A_677 = arith.index_cast %add3A_664 : i32 to index
          %swap3A_678 = tpu.vector_load %arg35[%swap3A_677] masked %and3A_551 {strides = array<i32>} : memref<5120xf32, #tpu.memory_space<vmem>>, vector<16xf32>, vector<16xi1>
          tpu.vector_store %arg35[%swap3A_677], %sub3A_542 masked %and3A_551 {strides = array<i32>} : memref<5120xf32, #tpu.memory_space<vmem>>, vector<16xf32>, vector<16xi1>
        } else {
        }
        %add3A_565 = arith.addi %add3A_533, %reduce_sum3A_556 : i32
        %add3A_566 = arith.constant 6656 : i32
        %add3A_567 = vector.broadcast %add3A_566 : i32 to vector<16xi32>
        %add3A_568 = arith.addi %select_n3A_153, %add3A_567 : vector<16xi32>
        %gather3A_569 = tpu.vector_load_idx %arg19[%add3A_568] : memref<8192xf32, #tpu.memory_space<vmem>>[vector<16xi32>], vector<16xf32>,
        %gather3A_570 = tpu.vector_load_idx %arg20[%add3A_568] : memref<8192xf32, #tpu.memory_space<vmem>>[vector<16xi32>], vector<16xf32>,
        %gather3A_571 = tpu.vector_load_idx %arg21[%add3A_568] : memref<8192xf32, #tpu.memory_space<vmem>>[vector<16xi32>], vector<16xf32>,
        %sub3A_572 = arith.subf %gather3A_569, %get3A_54 : vector<16xf32>
        %sub3A_573 = arith.subf %gather3A_570, %get3A_58 : vector<16xf32>
        %sub3A_574 = arith.subf %gather3A_571, %get3A_62 : vector<16xf32>
        %mul3A_575 = arith.mulf %sub3A_572, %sub3A_572 : vector<16xf32>
        %mul3A_576 = arith.mulf %sub3A_573, %sub3A_573 : vector<16xf32>
        %add3A_577 = arith.addf %mul3A_575, %mul3A_576 : vector<16xf32>
        %mul3A_578 = arith.mulf %sub3A_574, %sub3A_574 : vector<16xf32>
        %add3A_579 = arith.addf %add3A_577, %mul3A_578 : vector<16xf32>
        %le3A_580 = arith.constant 0.00999999977 : f32
        %le3A_581 = vector.broadcast %le3A_580 : f32 to vector<16xf32>
        %le3A_582 = arith.cmpf ole, %add3A_579, %le3A_581 : vector<16xf32>
        %and3A_583 = arith.andi %le3A_582, %lt3A_150 : vector<16xi1>
        %convert_element_type3A_584 = arith.extui %and3A_583 : vector<16xi1> to vector<16xi32>
        %reduce_sum3A_585 = arith.constant true
        %reduce_sum3A_586 = vector.broadcast %reduce_sum3A_585 : i1 to vector<16xi1>
        %reduce_sum3A_587 = tpu.scan <sum>, %convert_element_type3A_584 masked %reduce_sum3A_586 : vector<16xi32>, vector<16xi1> -> vector<16xi32>
        %reduce_sum3A_588 = vector.extract %reduce_sum3A_587[15] : i32 from vector<16xi32>
        %gt3A_589 = arith.constant 0 : i32
        %gt3A_590 = arith.cmpi sgt, %reduce_sum3A_588, %gt3A_589 : i32
        %lt3A_591 = arith.constant 64 : i32
        %lt3A_592 = arith.cmpi slt, %add3A_565, %lt3A_591 : i32
        %and3A_593 = arith.andi %gt3A_590, %lt3A_592 : i1
        %convert_element_type3A_594 = arith.extui %and3A_593 : i1 to i32
        %cond3A_595 = arith.constant 0 : i32
        %cond3A_596 = arith.cmpi ne, %convert_element_type3A_594, %cond3A_595 : i32
        scf.if %cond3A_596 {
          %mul3A_662 = arith.constant 80 : i32
          %mul3A_663 = arith.muli %scan3A_50, %mul3A_662 : i32
          %add3A_664 = arith.addi %mul3A_663, %add3A_565 : i32
          %gather3A_665 = tpu.vector_load_idx %arg22[%add3A_568] : memref<8192xf32, #tpu.memory_space<vmem>>[vector<16xi32>], vector<16xf32>,
          %swap3A = arith.index_cast %add3A_664 : i32 to index
          %swap3A_666 = tpu.vector_load %arg30[%swap3A] masked %and3A_583 {strides = array<i32>} : memref<5120xf32, #tpu.memory_space<vmem>>, vector<16xf32>, vector<16xi1>
          tpu.vector_store %arg30[%swap3A], %gather3A_665 masked %and3A_583 {strides = array<i32>} : memref<5120xf32, #tpu.memory_space<vmem>>, vector<16xf32>, vector<16xi1>
          %gather3A_667 = tpu.vector_load_idx %arg23[%add3A_568] : memref<8192xf32, #tpu.memory_space<vmem>>[vector<16xi32>], vector<16xf32>,
          %swap3A_668 = arith.index_cast %add3A_664 : i32 to index
          %swap3A_669 = tpu.vector_load %arg31[%swap3A_668] masked %and3A_583 {strides = array<i32>} : memref<5120xf32, #tpu.memory_space<vmem>>, vector<16xf32>, vector<16xi1>
          tpu.vector_store %arg31[%swap3A_668], %gather3A_667 masked %and3A_583 {strides = array<i32>} : memref<5120xf32, #tpu.memory_space<vmem>>, vector<16xf32>, vector<16xi1>
          %gather3A_670 = tpu.vector_load_idx %arg24[%add3A_568] : memref<8192xf32, #tpu.memory_space<vmem>>[vector<16xi32>], vector<16xf32>,
          %swap3A_671 = arith.index_cast %add3A_664 : i32 to index
          %swap3A_672 = tpu.vector_load %arg32[%swap3A_671] masked %and3A_583 {strides = array<i32>} : memref<5120xf32, #tpu.memory_space<vmem>>, vector<16xf32>, vector<16xi1>
          tpu.vector_store %arg32[%swap3A_671], %gather3A_670 masked %and3A_583 {strides = array<i32>} : memref<5120xf32, #tpu.memory_space<vmem>>, vector<16xf32>, vector<16xi1>
          %swap3A_673 = arith.index_cast %add3A_664 : i32 to index
          %swap3A_674 = tpu.vector_load %arg33[%swap3A_673] masked %and3A_583 {strides = array<i32>} : memref<5120xf32, #tpu.memory_space<vmem>>, vector<16xf32>, vector<16xi1>
          tpu.vector_store %arg33[%swap3A_673], %sub3A_572 masked %and3A_583 {strides = array<i32>} : memref<5120xf32, #tpu.memory_space<vmem>>, vector<16xf32>, vector<16xi1>
          %swap3A_675 = arith.index_cast %add3A_664 : i32 to index
          %swap3A_676 = tpu.vector_load %arg34[%swap3A_675] masked %and3A_583 {strides = array<i32>} : memref<5120xf32, #tpu.memory_space<vmem>>, vector<16xf32>, vector<16xi1>
          tpu.vector_store %arg34[%swap3A_675], %sub3A_573 masked %and3A_583 {strides = array<i32>} : memref<5120xf32, #tpu.memory_space<vmem>>, vector<16xf32>, vector<16xi1>
          %swap3A_677 = arith.index_cast %add3A_664 : i32 to index
          %swap3A_678 = tpu.vector_load %arg35[%swap3A_677] masked %and3A_583 {strides = array<i32>} : memref<5120xf32, #tpu.memory_space<vmem>>, vector<16xf32>, vector<16xi1>
          tpu.vector_store %arg35[%swap3A_677], %sub3A_574 masked %and3A_583 {strides = array<i32>} : memref<5120xf32, #tpu.memory_space<vmem>>, vector<16xf32>, vector<16xi1>
        } else {
        }
        %add3A_597 = arith.addi %add3A_565, %reduce_sum3A_588 : i32
        %add3A_598 = arith.constant 7168 : i32
        %add3A_599 = vector.broadcast %add3A_598 : i32 to vector<16xi32>
        %add3A_600 = arith.addi %select_n3A_153, %add3A_599 : vector<16xi32>
        %gather3A_601 = tpu.vector_load_idx %arg19[%add3A_600] : memref<8192xf32, #tpu.memory_space<vmem>>[vector<16xi32>], vector<16xf32>,
        %gather3A_602 = tpu.vector_load_idx %arg20[%add3A_600] : memref<8192xf32, #tpu.memory_space<vmem>>[vector<16xi32>], vector<16xf32>,
        %gather3A_603 = tpu.vector_load_idx %arg21[%add3A_600] : memref<8192xf32, #tpu.memory_space<vmem>>[vector<16xi32>], vector<16xf32>,
        %sub3A_604 = arith.subf %gather3A_601, %get3A_54 : vector<16xf32>
        %sub3A_605 = arith.subf %gather3A_602, %get3A_58 : vector<16xf32>
        %sub3A_606 = arith.subf %gather3A_603, %get3A_62 : vector<16xf32>
        %mul3A_607 = arith.mulf %sub3A_604, %sub3A_604 : vector<16xf32>
        %mul3A_608 = arith.mulf %sub3A_605, %sub3A_605 : vector<16xf32>
        %add3A_609 = arith.addf %mul3A_607, %mul3A_608 : vector<16xf32>
        %mul3A_610 = arith.mulf %sub3A_606, %sub3A_606 : vector<16xf32>
        %add3A_611 = arith.addf %add3A_609, %mul3A_610 : vector<16xf32>
        %le3A_612 = arith.constant 0.00999999977 : f32
        %le3A_613 = vector.broadcast %le3A_612 : f32 to vector<16xf32>
        %le3A_614 = arith.cmpf ole, %add3A_611, %le3A_613 : vector<16xf32>
        %and3A_615 = arith.andi %le3A_614, %lt3A_150 : vector<16xi1>
        %convert_element_type3A_616 = arith.extui %and3A_615 : vector<16xi1> to vector<16xi32>
        %reduce_sum3A_617 = arith.constant true
        %reduce_sum3A_618 = vector.broadcast %reduce_sum3A_617 : i1 to vector<16xi1>
        %reduce_sum3A_619 = tpu.scan <sum>, %convert_element_type3A_616 masked %reduce_sum3A_618 : vector<16xi32>, vector<16xi1> -> vector<16xi32>
        %reduce_sum3A_620 = vector.extract %reduce_sum3A_619[15] : i32 from vector<16xi32>
        %gt3A_621 = arith.constant 0 : i32
        %gt3A_622 = arith.cmpi sgt, %reduce_sum3A_620, %gt3A_621 : i32
        %lt3A_623 = arith.constant 64 : i32
        %lt3A_624 = arith.cmpi slt, %add3A_597, %lt3A_623 : i32
        %and3A_625 = arith.andi %gt3A_622, %lt3A_624 : i1
        %convert_element_type3A_626 = arith.extui %and3A_625 : i1 to i32
        %cond3A_627 = arith.constant 0 : i32
        %cond3A_628 = arith.cmpi ne, %convert_element_type3A_626, %cond3A_627 : i32
        scf.if %cond3A_628 {
          %mul3A_662 = arith.constant 80 : i32
          %mul3A_663 = arith.muli %scan3A_50, %mul3A_662 : i32
          %add3A_664 = arith.addi %mul3A_663, %add3A_597 : i32
          %gather3A_665 = tpu.vector_load_idx %arg22[%add3A_600] : memref<8192xf32, #tpu.memory_space<vmem>>[vector<16xi32>], vector<16xf32>,
          %swap3A = arith.index_cast %add3A_664 : i32 to index
          %swap3A_666 = tpu.vector_load %arg30[%swap3A] masked %and3A_615 {strides = array<i32>} : memref<5120xf32, #tpu.memory_space<vmem>>, vector<16xf32>, vector<16xi1>
          tpu.vector_store %arg30[%swap3A], %gather3A_665 masked %and3A_615 {strides = array<i32>} : memref<5120xf32, #tpu.memory_space<vmem>>, vector<16xf32>, vector<16xi1>
          %gather3A_667 = tpu.vector_load_idx %arg23[%add3A_600] : memref<8192xf32, #tpu.memory_space<vmem>>[vector<16xi32>], vector<16xf32>,
          %swap3A_668 = arith.index_cast %add3A_664 : i32 to index
          %swap3A_669 = tpu.vector_load %arg31[%swap3A_668] masked %and3A_615 {strides = array<i32>} : memref<5120xf32, #tpu.memory_space<vmem>>, vector<16xf32>, vector<16xi1>
          tpu.vector_store %arg31[%swap3A_668], %gather3A_667 masked %and3A_615 {strides = array<i32>} : memref<5120xf32, #tpu.memory_space<vmem>>, vector<16xf32>, vector<16xi1>
          %gather3A_670 = tpu.vector_load_idx %arg24[%add3A_600] : memref<8192xf32, #tpu.memory_space<vmem>>[vector<16xi32>], vector<16xf32>,
          %swap3A_671 = arith.index_cast %add3A_664 : i32 to index
          %swap3A_672 = tpu.vector_load %arg32[%swap3A_671] masked %and3A_615 {strides = array<i32>} : memref<5120xf32, #tpu.memory_space<vmem>>, vector<16xf32>, vector<16xi1>
          tpu.vector_store %arg32[%swap3A_671], %gather3A_670 masked %and3A_615 {strides = array<i32>} : memref<5120xf32, #tpu.memory_space<vmem>>, vector<16xf32>, vector<16xi1>
          %swap3A_673 = arith.index_cast %add3A_664 : i32 to index
          %swap3A_674 = tpu.vector_load %arg33[%swap3A_673] masked %and3A_615 {strides = array<i32>} : memref<5120xf32, #tpu.memory_space<vmem>>, vector<16xf32>, vector<16xi1>
          tpu.vector_store %arg33[%swap3A_673], %sub3A_604 masked %and3A_615 {strides = array<i32>} : memref<5120xf32, #tpu.memory_space<vmem>>, vector<16xf32>, vector<16xi1>
          %swap3A_675 = arith.index_cast %add3A_664 : i32 to index
          %swap3A_676 = tpu.vector_load %arg34[%swap3A_675] masked %and3A_615 {strides = array<i32>} : memref<5120xf32, #tpu.memory_space<vmem>>, vector<16xf32>, vector<16xi1>
          tpu.vector_store %arg34[%swap3A_675], %sub3A_605 masked %and3A_615 {strides = array<i32>} : memref<5120xf32, #tpu.memory_space<vmem>>, vector<16xf32>, vector<16xi1>
          %swap3A_677 = arith.index_cast %add3A_664 : i32 to index
          %swap3A_678 = tpu.vector_load %arg35[%swap3A_677] masked %and3A_615 {strides = array<i32>} : memref<5120xf32, #tpu.memory_space<vmem>>, vector<16xf32>, vector<16xi1>
          tpu.vector_store %arg35[%swap3A_677], %sub3A_606 masked %and3A_615 {strides = array<i32>} : memref<5120xf32, #tpu.memory_space<vmem>>, vector<16xf32>, vector<16xi1>
        } else {
        }
        %add3A_629 = arith.addi %add3A_597, %reduce_sum3A_620 : i32
        %add3A_630 = arith.constant 7680 : i32
        %add3A_631 = vector.broadcast %add3A_630 : i32 to vector<16xi32>
        %add3A_632 = arith.addi %select_n3A_153, %add3A_631 : vector<16xi32>
        %gather3A_633 = tpu.vector_load_idx %arg19[%add3A_632] : memref<8192xf32, #tpu.memory_space<vmem>>[vector<16xi32>], vector<16xf32>,
        %gather3A_634 = tpu.vector_load_idx %arg20[%add3A_632] : memref<8192xf32, #tpu.memory_space<vmem>>[vector<16xi32>], vector<16xf32>,
        %gather3A_635 = tpu.vector_load_idx %arg21[%add3A_632] : memref<8192xf32, #tpu.memory_space<vmem>>[vector<16xi32>], vector<16xf32>,
        %sub3A_636 = arith.subf %gather3A_633, %get3A_54 : vector<16xf32>
        %sub3A_637 = arith.subf %gather3A_634, %get3A_58 : vector<16xf32>
        %sub3A_638 = arith.subf %gather3A_635, %get3A_62 : vector<16xf32>
        %mul3A_639 = arith.mulf %sub3A_636, %sub3A_636 : vector<16xf32>
        %mul3A_640 = arith.mulf %sub3A_637, %sub3A_637 : vector<16xf32>
        %add3A_641 = arith.addf %mul3A_639, %mul3A_640 : vector<16xf32>
        %mul3A_642 = arith.mulf %sub3A_638, %sub3A_638 : vector<16xf32>
        %add3A_643 = arith.addf %add3A_641, %mul3A_642 : vector<16xf32>
        %le3A_644 = arith.constant 0.00999999977 : f32
        %le3A_645 = vector.broadcast %le3A_644 : f32 to vector<16xf32>
        %le3A_646 = arith.cmpf ole, %add3A_643, %le3A_645 : vector<16xf32>
        %and3A_647 = arith.andi %le3A_646, %lt3A_150 : vector<16xi1>
        %convert_element_type3A_648 = arith.extui %and3A_647 : vector<16xi1> to vector<16xi32>
        %reduce_sum3A_649 = arith.constant true
        %reduce_sum3A_650 = vector.broadcast %reduce_sum3A_649 : i1 to vector<16xi1>
        %reduce_sum3A_651 = tpu.scan <sum>, %convert_element_type3A_648 masked %reduce_sum3A_650 : vector<16xi32>, vector<16xi1> -> vector<16xi32>
        %reduce_sum3A_652 = vector.extract %reduce_sum3A_651[15] : i32 from vector<16xi32>
        %gt3A_653 = arith.constant 0 : i32
        %gt3A_654 = arith.cmpi sgt, %reduce_sum3A_652, %gt3A_653 : i32
        %lt3A_655 = arith.constant 64 : i32
        %lt3A_656 = arith.cmpi slt, %add3A_629, %lt3A_655 : i32
        %and3A_657 = arith.andi %gt3A_654, %lt3A_656 : i1
        %convert_element_type3A_658 = arith.extui %and3A_657 : i1 to i32
        %cond3A_659 = arith.constant 0 : i32
        %cond3A_660 = arith.cmpi ne, %convert_element_type3A_658, %cond3A_659 : i32
        scf.if %cond3A_660 {
          %mul3A_662 = arith.constant 80 : i32
          %mul3A_663 = arith.muli %scan3A_50, %mul3A_662 : i32
          %add3A_664 = arith.addi %mul3A_663, %add3A_629 : i32
          %gather3A_665 = tpu.vector_load_idx %arg22[%add3A_632] : memref<8192xf32, #tpu.memory_space<vmem>>[vector<16xi32>], vector<16xf32>,
          %swap3A = arith.index_cast %add3A_664 : i32 to index
          %swap3A_666 = tpu.vector_load %arg30[%swap3A] masked %and3A_647 {strides = array<i32>} : memref<5120xf32, #tpu.memory_space<vmem>>, vector<16xf32>, vector<16xi1>
          tpu.vector_store %arg30[%swap3A], %gather3A_665 masked %and3A_647 {strides = array<i32>} : memref<5120xf32, #tpu.memory_space<vmem>>, vector<16xf32>, vector<16xi1>
          %gather3A_667 = tpu.vector_load_idx %arg23[%add3A_632] : memref<8192xf32, #tpu.memory_space<vmem>>[vector<16xi32>], vector<16xf32>,
          %swap3A_668 = arith.index_cast %add3A_664 : i32 to index
          %swap3A_669 = tpu.vector_load %arg31[%swap3A_668] masked %and3A_647 {strides = array<i32>} : memref<5120xf32, #tpu.memory_space<vmem>>, vector<16xf32>, vector<16xi1>
          tpu.vector_store %arg31[%swap3A_668], %gather3A_667 masked %and3A_647 {strides = array<i32>} : memref<5120xf32, #tpu.memory_space<vmem>>, vector<16xf32>, vector<16xi1>
          %gather3A_670 = tpu.vector_load_idx %arg24[%add3A_632] : memref<8192xf32, #tpu.memory_space<vmem>>[vector<16xi32>], vector<16xf32>,
          %swap3A_671 = arith.index_cast %add3A_664 : i32 to index
          %swap3A_672 = tpu.vector_load %arg32[%swap3A_671] masked %and3A_647 {strides = array<i32>} : memref<5120xf32, #tpu.memory_space<vmem>>, vector<16xf32>, vector<16xi1>
          tpu.vector_store %arg32[%swap3A_671], %gather3A_670 masked %and3A_647 {strides = array<i32>} : memref<5120xf32, #tpu.memory_space<vmem>>, vector<16xf32>, vector<16xi1>
          %swap3A_673 = arith.index_cast %add3A_664 : i32 to index
          %swap3A_674 = tpu.vector_load %arg33[%swap3A_673] masked %and3A_647 {strides = array<i32>} : memref<5120xf32, #tpu.memory_space<vmem>>, vector<16xf32>, vector<16xi1>
          tpu.vector_store %arg33[%swap3A_673], %sub3A_636 masked %and3A_647 {strides = array<i32>} : memref<5120xf32, #tpu.memory_space<vmem>>, vector<16xf32>, vector<16xi1>
          %swap3A_675 = arith.index_cast %add3A_664 : i32 to index
          %swap3A_676 = tpu.vector_load %arg34[%swap3A_675] masked %and3A_647 {strides = array<i32>} : memref<5120xf32, #tpu.memory_space<vmem>>, vector<16xf32>, vector<16xi1>
          tpu.vector_store %arg34[%swap3A_675], %sub3A_637 masked %and3A_647 {strides = array<i32>} : memref<5120xf32, #tpu.memory_space<vmem>>, vector<16xf32>, vector<16xi1>
          %swap3A_677 = arith.index_cast %add3A_664 : i32 to index
          %swap3A_678 = tpu.vector_load %arg35[%swap3A_677] masked %and3A_647 {strides = array<i32>} : memref<5120xf32, #tpu.memory_space<vmem>>, vector<16xf32>, vector<16xi1>
          tpu.vector_store %arg35[%swap3A_677], %sub3A_638 masked %and3A_647 {strides = array<i32>} : memref<5120xf32, #tpu.memory_space<vmem>>, vector<16xf32>, vector<16xi1>
        } else {
        }
        %add3A_661 = arith.addi %add3A_629, %reduce_sum3A_652 : i32
        scf.yield %add3A_661 : i32
      }
      %while3A_98 = arith.constant 1 : i32
      %while3A_99 = scf.for %while3A_139 = %while3A_95 to %while3A_91 step %while3A_98 iter_args(%while3A_140 = %while3A_97) -> (i32)  : i32 {
        %mul3A_141 = arith.constant 16 : i32
        %mul3A_142 = arith.muli %while3A_139, %mul3A_141 : i32
        %get3A_143 = arith.index_cast %mul3A_142 : i32 to index
        %get3A_144 = tpu.vector_load %arg29[%get3A_143] {strides = array<i32>} : memref<144xi32, #tpu.memory_space<vmem>>, vector<16xi32>,
        %mul3A_145 = arith.constant 16 : i32
        %mul3A_146 = arith.muli %while3A_139, %mul3A_145 : i32
        %add3A_147 = vector.broadcast %mul3A_146 : i32 to vector<16xi32>
        %add3A_148 = arith.addi %add3A_147, %iota3A : vector<16xi32>
        %lt3A_149 = vector.broadcast %min3A_70 : i32 to vector<16xi32>
        %lt3A_150 = arith.cmpi slt, %add3A_148, %lt3A_149 : vector<16xi32>
        %jit3A_151 = arith.constant 0 : i32
        %broadcast_in_dim3A_152 = vector.broadcast %jit3A_151 : i32 to vector<16xi32>
        %select_n3A_153 = arith.select %lt3A_150, %get3A_144, %broadcast_in_dim3A_152 : vector<16xi1>, vector<16xi32>
        %add3A_154 = arith.constant 0 : i32
        %add3A_155 = vector.broadcast %add3A_154 : i32 to vector<16xi32>
        %add3A_156 = arith.addi %select_n3A_153, %add3A_155 : vector<16xi32>
        %gather3A = tpu.vector_load_idx %arg19[%add3A_156] : memref<8192xf32, #tpu.memory_space<vmem>>[vector<16xi32>], vector<16xf32>,
        %gather3A_157 = tpu.vector_load_idx %arg20[%add3A_156] : memref<8192xf32, #tpu.memory_space<vmem>>[vector<16xi32>], vector<16xf32>,
        %gather3A_158 = tpu.vector_load_idx %arg21[%add3A_156] : memref<8192xf32, #tpu.memory_space<vmem>>[vector<16xi32>], vector<16xf32>,
        %sub3A_159 = arith.subf %gather3A, %get3A_54 : vector<16xf32>
        %sub3A_160 = arith.subf %gather3A_157, %get3A_58 : vector<16xf32>
        %sub3A_161 = arith.subf %gather3A_158, %get3A_62 : vector<16xf32>
        %mul3A_162 = arith.mulf %sub3A_159, %sub3A_159 : vector<16xf32>
        %mul3A_163 = arith.mulf %sub3A_160, %sub3A_160 : vector<16xf32>
        %add3A_164 = arith.addf %mul3A_162, %mul3A_163 : vector<16xf32>
        %mul3A_165 = arith.mulf %sub3A_161, %sub3A_161 : vector<16xf32>
        %add3A_166 = arith.addf %add3A_164, %mul3A_165 : vector<16xf32>
        %le3A = arith.constant 0.00999999977 : f32
        %le3A_167 = vector.broadcast %le3A : f32 to vector<16xf32>
        %le3A_168 = arith.cmpf ole, %add3A_166, %le3A_167 : vector<16xf32>
        %and3A_169 = arith.andi %le3A_168, %lt3A_150 : vector<16xi1>
        %convert_element_type3A_170 = arith.extui %and3A_169 : vector<16xi1> to vector<16xi32>
        %reduce_sum3A = arith.constant true
        %reduce_sum3A_171 = vector.broadcast %reduce_sum3A : i1 to vector<16xi1>
        %reduce_sum3A_172 = tpu.scan <sum>, %convert_element_type3A_170 masked %reduce_sum3A_171 : vector<16xi32>, vector<16xi1> -> vector<16xi32>
        %reduce_sum3A_173 = vector.extract %reduce_sum3A_172[15] : i32 from vector<16xi32>
        %gt3A = arith.constant 0 : i32
        %gt3A_174 = arith.cmpi sgt, %reduce_sum3A_173, %gt3A : i32
        %lt3A_175 = arith.constant 64 : i32
        %lt3A_176 = arith.cmpi slt, %while3A_140, %lt3A_175 : i32
        %and3A_177 = arith.andi %gt3A_174, %lt3A_176 : i1
        %convert_element_type3A_178 = arith.extui %and3A_177 : i1 to i32
        %cond3A_179 = arith.constant 0 : i32
        %cond3A_180 = arith.cmpi ne, %convert_element_type3A_178, %cond3A_179 : i32
        scf.if %cond3A_180 {
          %mul3A_662 = arith.constant 80 : i32
          %mul3A_663 = arith.muli %scan3A_50, %mul3A_662 : i32
          %add3A_664 = arith.addi %mul3A_663, %while3A_140 : i32
          %gather3A_665 = tpu.vector_load_idx %arg22[%add3A_156] : memref<8192xf32, #tpu.memory_space<vmem>>[vector<16xi32>], vector<16xf32>,
          %swap3A = arith.index_cast %add3A_664 : i32 to index
          %swap3A_666 = tpu.vector_load %arg30[%swap3A] masked %and3A_169 {strides = array<i32>} : memref<5120xf32, #tpu.memory_space<vmem>>, vector<16xf32>, vector<16xi1>
          tpu.vector_store %arg30[%swap3A], %gather3A_665 masked %and3A_169 {strides = array<i32>} : memref<5120xf32, #tpu.memory_space<vmem>>, vector<16xf32>, vector<16xi1>
          %gather3A_667 = tpu.vector_load_idx %arg23[%add3A_156] : memref<8192xf32, #tpu.memory_space<vmem>>[vector<16xi32>], vector<16xf32>,
          %swap3A_668 = arith.index_cast %add3A_664 : i32 to index
          %swap3A_669 = tpu.vector_load %arg31[%swap3A_668] masked %and3A_169 {strides = array<i32>} : memref<5120xf32, #tpu.memory_space<vmem>>, vector<16xf32>, vector<16xi1>
          tpu.vector_store %arg31[%swap3A_668], %gather3A_667 masked %and3A_169 {strides = array<i32>} : memref<5120xf32, #tpu.memory_space<vmem>>, vector<16xf32>, vector<16xi1>
          %gather3A_670 = tpu.vector_load_idx %arg24[%add3A_156] : memref<8192xf32, #tpu.memory_space<vmem>>[vector<16xi32>], vector<16xf32>,
          %swap3A_671 = arith.index_cast %add3A_664 : i32 to index
          %swap3A_672 = tpu.vector_load %arg32[%swap3A_671] masked %and3A_169 {strides = array<i32>} : memref<5120xf32, #tpu.memory_space<vmem>>, vector<16xf32>, vector<16xi1>
          tpu.vector_store %arg32[%swap3A_671], %gather3A_670 masked %and3A_169 {strides = array<i32>} : memref<5120xf32, #tpu.memory_space<vmem>>, vector<16xf32>, vector<16xi1>
          %swap3A_673 = arith.index_cast %add3A_664 : i32 to index
          %swap3A_674 = tpu.vector_load %arg33[%swap3A_673] masked %and3A_169 {strides = array<i32>} : memref<5120xf32, #tpu.memory_space<vmem>>, vector<16xf32>, vector<16xi1>
          tpu.vector_store %arg33[%swap3A_673], %sub3A_159 masked %and3A_169 {strides = array<i32>} : memref<5120xf32, #tpu.memory_space<vmem>>, vector<16xf32>, vector<16xi1>
          %swap3A_675 = arith.index_cast %add3A_664 : i32 to index
          %swap3A_676 = tpu.vector_load %arg34[%swap3A_675] masked %and3A_169 {strides = array<i32>} : memref<5120xf32, #tpu.memory_space<vmem>>, vector<16xf32>, vector<16xi1>
          tpu.vector_store %arg34[%swap3A_675], %sub3A_160 masked %and3A_169 {strides = array<i32>} : memref<5120xf32, #tpu.memory_space<vmem>>, vector<16xf32>, vector<16xi1>
          %swap3A_677 = arith.index_cast %add3A_664 : i32 to index
          %swap3A_678 = tpu.vector_load %arg35[%swap3A_677] masked %and3A_169 {strides = array<i32>} : memref<5120xf32, #tpu.memory_space<vmem>>, vector<16xf32>, vector<16xi1>
          tpu.vector_store %arg35[%swap3A_677], %sub3A_161 masked %and3A_169 {strides = array<i32>} : memref<5120xf32, #tpu.memory_space<vmem>>, vector<16xf32>, vector<16xi1>
        } else {
        }
        %add3A_181 = arith.addi %while3A_140, %reduce_sum3A_173 : i32
        %add3A_182 = arith.constant 512 : i32
        %add3A_183 = vector.broadcast %add3A_182 : i32 to vector<16xi32>
        %add3A_184 = arith.addi %select_n3A_153, %add3A_183 : vector<16xi32>
        %gather3A_185 = tpu.vector_load_idx %arg19[%add3A_184] : memref<8192xf32, #tpu.memory_space<vmem>>[vector<16xi32>], vector<16xf32>,
        %gather3A_186 = tpu.vector_load_idx %arg20[%add3A_184] : memref<8192xf32, #tpu.memory_space<vmem>>[vector<16xi32>], vector<16xf32>,
        %gather3A_187 = tpu.vector_load_idx %arg21[%add3A_184] : memref<8192xf32, #tpu.memory_space<vmem>>[vector<16xi32>], vector<16xf32>,
        %sub3A_188 = arith.subf %gather3A_185, %get3A_54 : vector<16xf32>
        %sub3A_189 = arith.subf %gather3A_186, %get3A_58 : vector<16xf32>
        %sub3A_190 = arith.subf %gather3A_187, %get3A_62 : vector<16xf32>
        %mul3A_191 = arith.mulf %sub3A_188, %sub3A_188 : vector<16xf32>
        %mul3A_192 = arith.mulf %sub3A_189, %sub3A_189 : vector<16xf32>
        %add3A_193 = arith.addf %mul3A_191, %mul3A_192 : vector<16xf32>
        %mul3A_194 = arith.mulf %sub3A_190, %sub3A_190 : vector<16xf32>
        %add3A_195 = arith.addf %add3A_193, %mul3A_194 : vector<16xf32>
        %le3A_196 = arith.constant 0.00999999977 : f32
        %le3A_197 = vector.broadcast %le3A_196 : f32 to vector<16xf32>
        %le3A_198 = arith.cmpf ole, %add3A_195, %le3A_197 : vector<16xf32>
        %and3A_199 = arith.andi %le3A_198, %lt3A_150 : vector<16xi1>
        %convert_element_type3A_200 = arith.extui %and3A_199 : vector<16xi1> to vector<16xi32>
        %reduce_sum3A_201 = arith.constant true
        %reduce_sum3A_202 = vector.broadcast %reduce_sum3A_201 : i1 to vector<16xi1>
        %reduce_sum3A_203 = tpu.scan <sum>, %convert_element_type3A_200 masked %reduce_sum3A_202 : vector<16xi32>, vector<16xi1> -> vector<16xi32>
        %reduce_sum3A_204 = vector.extract %reduce_sum3A_203[15] : i32 from vector<16xi32>
        %gt3A_205 = arith.constant 0 : i32
        %gt3A_206 = arith.cmpi sgt, %reduce_sum3A_204, %gt3A_205 : i32
        %lt3A_207 = arith.constant 64 : i32
        %lt3A_208 = arith.cmpi slt, %add3A_181, %lt3A_207 : i32
        %and3A_209 = arith.andi %gt3A_206, %lt3A_208 : i1
        %convert_element_type3A_210 = arith.extui %and3A_209 : i1 to i32
        %cond3A_211 = arith.constant 0 : i32
        %cond3A_212 = arith.cmpi ne, %convert_element_type3A_210, %cond3A_211 : i32
        scf.if %cond3A_212 {
          %mul3A_662 = arith.constant 80 : i32
          %mul3A_663 = arith.muli %scan3A_50, %mul3A_662 : i32
          %add3A_664 = arith.addi %mul3A_663, %add3A_181 : i32
          %gather3A_665 = tpu.vector_load_idx %arg22[%add3A_184] : memref<8192xf32, #tpu.memory_space<vmem>>[vector<16xi32>], vector<16xf32>,
          %swap3A = arith.index_cast %add3A_664 : i32 to index
          %swap3A_666 = tpu.vector_load %arg30[%swap3A] masked %and3A_199 {strides = array<i32>} : memref<5120xf32, #tpu.memory_space<vmem>>, vector<16xf32>, vector<16xi1>
          tpu.vector_store %arg30[%swap3A], %gather3A_665 masked %and3A_199 {strides = array<i32>} : memref<5120xf32, #tpu.memory_space<vmem>>, vector<16xf32>, vector<16xi1>
          %gather3A_667 = tpu.vector_load_idx %arg23[%add3A_184] : memref<8192xf32, #tpu.memory_space<vmem>>[vector<16xi32>], vector<16xf32>,
          %swap3A_668 = arith.index_cast %add3A_664 : i32 to index
          %swap3A_669 = tpu.vector_load %arg31[%swap3A_668] masked %and3A_199 {strides = array<i32>} : memref<5120xf32, #tpu.memory_space<vmem>>, vector<16xf32>, vector<16xi1>
          tpu.vector_store %arg31[%swap3A_668], %gather3A_667 masked %and3A_199 {strides = array<i32>} : memref<5120xf32, #tpu.memory_space<vmem>>, vector<16xf32>, vector<16xi1>
          %gather3A_670 = tpu.vector_load_idx %arg24[%add3A_184] : memref<8192xf32, #tpu.memory_space<vmem>>[vector<16xi32>], vector<16xf32>,
          %swap3A_671 = arith.index_cast %add3A_664 : i32 to index
          %swap3A_672 = tpu.vector_load %arg32[%swap3A_671] masked %and3A_199 {strides = array<i32>} : memref<5120xf32, #tpu.memory_space<vmem>>, vector<16xf32>, vector<16xi1>
          tpu.vector_store %arg32[%swap3A_671], %gather3A_670 masked %and3A_199 {strides = array<i32>} : memref<5120xf32, #tpu.memory_space<vmem>>, vector<16xf32>, vector<16xi1>
          %swap3A_673 = arith.index_cast %add3A_664 : i32 to index
          %swap3A_674 = tpu.vector_load %arg33[%swap3A_673] masked %and3A_199 {strides = array<i32>} : memref<5120xf32, #tpu.memory_space<vmem>>, vector<16xf32>, vector<16xi1>
          tpu.vector_store %arg33[%swap3A_673], %sub3A_188 masked %and3A_199 {strides = array<i32>} : memref<5120xf32, #tpu.memory_space<vmem>>, vector<16xf32>, vector<16xi1>
          %swap3A_675 = arith.index_cast %add3A_664 : i32 to index
          %swap3A_676 = tpu.vector_load %arg34[%swap3A_675] masked %and3A_199 {strides = array<i32>} : memref<5120xf32, #tpu.memory_space<vmem>>, vector<16xf32>, vector<16xi1>
          tpu.vector_store %arg34[%swap3A_675], %sub3A_189 masked %and3A_199 {strides = array<i32>} : memref<5120xf32, #tpu.memory_space<vmem>>, vector<16xf32>, vector<16xi1>
          %swap3A_677 = arith.index_cast %add3A_664 : i32 to index
          %swap3A_678 = tpu.vector_load %arg35[%swap3A_677] masked %and3A_199 {strides = array<i32>} : memref<5120xf32, #tpu.memory_space<vmem>>, vector<16xf32>, vector<16xi1>
          tpu.vector_store %arg35[%swap3A_677], %sub3A_190 masked %and3A_199 {strides = array<i32>} : memref<5120xf32, #tpu.memory_space<vmem>>, vector<16xf32>, vector<16xi1>
        } else {
        }
        %add3A_213 = arith.addi %add3A_181, %reduce_sum3A_204 : i32
        %add3A_214 = arith.constant 1024 : i32
        %add3A_215 = vector.broadcast %add3A_214 : i32 to vector<16xi32>
        %add3A_216 = arith.addi %select_n3A_153, %add3A_215 : vector<16xi32>
        %gather3A_217 = tpu.vector_load_idx %arg19[%add3A_216] : memref<8192xf32, #tpu.memory_space<vmem>>[vector<16xi32>], vector<16xf32>,
        %gather3A_218 = tpu.vector_load_idx %arg20[%add3A_216] : memref<8192xf32, #tpu.memory_space<vmem>>[vector<16xi32>], vector<16xf32>,
        %gather3A_219 = tpu.vector_load_idx %arg21[%add3A_216] : memref<8192xf32, #tpu.memory_space<vmem>>[vector<16xi32>], vector<16xf32>,
        %sub3A_220 = arith.subf %gather3A_217, %get3A_54 : vector<16xf32>
        %sub3A_221 = arith.subf %gather3A_218, %get3A_58 : vector<16xf32>
        %sub3A_222 = arith.subf %gather3A_219, %get3A_62 : vector<16xf32>
        %mul3A_223 = arith.mulf %sub3A_220, %sub3A_220 : vector<16xf32>
        %mul3A_224 = arith.mulf %sub3A_221, %sub3A_221 : vector<16xf32>
        %add3A_225 = arith.addf %mul3A_223, %mul3A_224 : vector<16xf32>
        %mul3A_226 = arith.mulf %sub3A_222, %sub3A_222 : vector<16xf32>
        %add3A_227 = arith.addf %add3A_225, %mul3A_226 : vector<16xf32>
        %le3A_228 = arith.constant 0.00999999977 : f32
        %le3A_229 = vector.broadcast %le3A_228 : f32 to vector<16xf32>
        %le3A_230 = arith.cmpf ole, %add3A_227, %le3A_229 : vector<16xf32>
        %and3A_231 = arith.andi %le3A_230, %lt3A_150 : vector<16xi1>
        %convert_element_type3A_232 = arith.extui %and3A_231 : vector<16xi1> to vector<16xi32>
        %reduce_sum3A_233 = arith.constant true
        %reduce_sum3A_234 = vector.broadcast %reduce_sum3A_233 : i1 to vector<16xi1>
        %reduce_sum3A_235 = tpu.scan <sum>, %convert_element_type3A_232 masked %reduce_sum3A_234 : vector<16xi32>, vector<16xi1> -> vector<16xi32>
        %reduce_sum3A_236 = vector.extract %reduce_sum3A_235[15] : i32 from vector<16xi32>
        %gt3A_237 = arith.constant 0 : i32
        %gt3A_238 = arith.cmpi sgt, %reduce_sum3A_236, %gt3A_237 : i32
        %lt3A_239 = arith.constant 64 : i32
        %lt3A_240 = arith.cmpi slt, %add3A_213, %lt3A_239 : i32
        %and3A_241 = arith.andi %gt3A_238, %lt3A_240 : i1
        %convert_element_type3A_242 = arith.extui %and3A_241 : i1 to i32
        %cond3A_243 = arith.constant 0 : i32
        %cond3A_244 = arith.cmpi ne, %convert_element_type3A_242, %cond3A_243 : i32
        scf.if %cond3A_244 {
          %mul3A_662 = arith.constant 80 : i32
          %mul3A_663 = arith.muli %scan3A_50, %mul3A_662 : i32
          %add3A_664 = arith.addi %mul3A_663, %add3A_213 : i32
          %gather3A_665 = tpu.vector_load_idx %arg22[%add3A_216] : memref<8192xf32, #tpu.memory_space<vmem>>[vector<16xi32>], vector<16xf32>,
          %swap3A = arith.index_cast %add3A_664 : i32 to index
          %swap3A_666 = tpu.vector_load %arg30[%swap3A] masked %and3A_231 {strides = array<i32>} : memref<5120xf32, #tpu.memory_space<vmem>>, vector<16xf32>, vector<16xi1>
          tpu.vector_store %arg30[%swap3A], %gather3A_665 masked %and3A_231 {strides = array<i32>} : memref<5120xf32, #tpu.memory_space<vmem>>, vector<16xf32>, vector<16xi1>
          %gather3A_667 = tpu.vector_load_idx %arg23[%add3A_216] : memref<8192xf32, #tpu.memory_space<vmem>>[vector<16xi32>], vector<16xf32>,
          %swap3A_668 = arith.index_cast %add3A_664 : i32 to index
          %swap3A_669 = tpu.vector_load %arg31[%swap3A_668] masked %and3A_231 {strides = array<i32>} : memref<5120xf32, #tpu.memory_space<vmem>>, vector<16xf32>, vector<16xi1>
          tpu.vector_store %arg31[%swap3A_668], %gather3A_667 masked %and3A_231 {strides = array<i32>} : memref<5120xf32, #tpu.memory_space<vmem>>, vector<16xf32>, vector<16xi1>
          %gather3A_670 = tpu.vector_load_idx %arg24[%add3A_216] : memref<8192xf32, #tpu.memory_space<vmem>>[vector<16xi32>], vector<16xf32>,
          %swap3A_671 = arith.index_cast %add3A_664 : i32 to index
          %swap3A_672 = tpu.vector_load %arg32[%swap3A_671] masked %and3A_231 {strides = array<i32>} : memref<5120xf32, #tpu.memory_space<vmem>>, vector<16xf32>, vector<16xi1>
          tpu.vector_store %arg32[%swap3A_671], %gather3A_670 masked %and3A_231 {strides = array<i32>} : memref<5120xf32, #tpu.memory_space<vmem>>, vector<16xf32>, vector<16xi1>
          %swap3A_673 = arith.index_cast %add3A_664 : i32 to index
          %swap3A_674 = tpu.vector_load %arg33[%swap3A_673] masked %and3A_231 {strides = array<i32>} : memref<5120xf32, #tpu.memory_space<vmem>>, vector<16xf32>, vector<16xi1>
          tpu.vector_store %arg33[%swap3A_673], %sub3A_220 masked %and3A_231 {strides = array<i32>} : memref<5120xf32, #tpu.memory_space<vmem>>, vector<16xf32>, vector<16xi1>
          %swap3A_675 = arith.index_cast %add3A_664 : i32 to index
          %swap3A_676 = tpu.vector_load %arg34[%swap3A_675] masked %and3A_231 {strides = array<i32>} : memref<5120xf32, #tpu.memory_space<vmem>>, vector<16xf32>, vector<16xi1>
          tpu.vector_store %arg34[%swap3A_675], %sub3A_221 masked %and3A_231 {strides = array<i32>} : memref<5120xf32, #tpu.memory_space<vmem>>, vector<16xf32>, vector<16xi1>
          %swap3A_677 = arith.index_cast %add3A_664 : i32 to index
          %swap3A_678 = tpu.vector_load %arg35[%swap3A_677] masked %and3A_231 {strides = array<i32>} : memref<5120xf32, #tpu.memory_space<vmem>>, vector<16xf32>, vector<16xi1>
          tpu.vector_store %arg35[%swap3A_677], %sub3A_222 masked %and3A_231 {strides = array<i32>} : memref<5120xf32, #tpu.memory_space<vmem>>, vector<16xf32>, vector<16xi1>
        } else {
        }
        %add3A_245 = arith.addi %add3A_213, %reduce_sum3A_236 : i32
        %add3A_246 = arith.constant 1536 : i32
        %add3A_247 = vector.broadcast %add3A_246 : i32 to vector<16xi32>
        %add3A_248 = arith.addi %select_n3A_153, %add3A_247 : vector<16xi32>
        %gather3A_249 = tpu.vector_load_idx %arg19[%add3A_248] : memref<8192xf32, #tpu.memory_space<vmem>>[vector<16xi32>], vector<16xf32>,
        %gather3A_250 = tpu.vector_load_idx %arg20[%add3A_248] : memref<8192xf32, #tpu.memory_space<vmem>>[vector<16xi32>], vector<16xf32>,
        %gather3A_251 = tpu.vector_load_idx %arg21[%add3A_248] : memref<8192xf32, #tpu.memory_space<vmem>>[vector<16xi32>], vector<16xf32>,
        %sub3A_252 = arith.subf %gather3A_249, %get3A_54 : vector<16xf32>
        %sub3A_253 = arith.subf %gather3A_250, %get3A_58 : vector<16xf32>
        %sub3A_254 = arith.subf %gather3A_251, %get3A_62 : vector<16xf32>
        %mul3A_255 = arith.mulf %sub3A_252, %sub3A_252 : vector<16xf32>
        %mul3A_256 = arith.mulf %sub3A_253, %sub3A_253 : vector<16xf32>
        %add3A_257 = arith.addf %mul3A_255, %mul3A_256 : vector<16xf32>
        %mul3A_258 = arith.mulf %sub3A_254, %sub3A_254 : vector<16xf32>
        %add3A_259 = arith.addf %add3A_257, %mul3A_258 : vector<16xf32>
        %le3A_260 = arith.constant 0.00999999977 : f32
        %le3A_261 = vector.broadcast %le3A_260 : f32 to vector<16xf32>
        %le3A_262 = arith.cmpf ole, %add3A_259, %le3A_261 : vector<16xf32>
        %and3A_263 = arith.andi %le3A_262, %lt3A_150 : vector<16xi1>
        %convert_element_type3A_264 = arith.extui %and3A_263 : vector<16xi1> to vector<16xi32>
        %reduce_sum3A_265 = arith.constant true
        %reduce_sum3A_266 = vector.broadcast %reduce_sum3A_265 : i1 to vector<16xi1>
        %reduce_sum3A_267 = tpu.scan <sum>, %convert_element_type3A_264 masked %reduce_sum3A_266 : vector<16xi32>, vector<16xi1> -> vector<16xi32>
        %reduce_sum3A_268 = vector.extract %reduce_sum3A_267[15] : i32 from vector<16xi32>
        %gt3A_269 = arith.constant 0 : i32
        %gt3A_270 = arith.cmpi sgt, %reduce_sum3A_268, %gt3A_269 : i32
        %lt3A_271 = arith.constant 64 : i32
        %lt3A_272 = arith.cmpi slt, %add3A_245, %lt3A_271 : i32
        %and3A_273 = arith.andi %gt3A_270, %lt3A_272 : i1
        %convert_element_type3A_274 = arith.extui %and3A_273 : i1 to i32
        %cond3A_275 = arith.constant 0 : i32
        %cond3A_276 = arith.cmpi ne, %convert_element_type3A_274, %cond3A_275 : i32
        scf.if %cond3A_276 {
          %mul3A_662 = arith.constant 80 : i32
          %mul3A_663 = arith.muli %scan3A_50, %mul3A_662 : i32
          %add3A_664 = arith.addi %mul3A_663, %add3A_245 : i32
          %gather3A_665 = tpu.vector_load_idx %arg22[%add3A_248] : memref<8192xf32, #tpu.memory_space<vmem>>[vector<16xi32>], vector<16xf32>,
          %swap3A = arith.index_cast %add3A_664 : i32 to index
          %swap3A_666 = tpu.vector_load %arg30[%swap3A] masked %and3A_263 {strides = array<i32>} : memref<5120xf32, #tpu.memory_space<vmem>>, vector<16xf32>, vector<16xi1>
          tpu.vector_store %arg30[%swap3A], %gather3A_665 masked %and3A_263 {strides = array<i32>} : memref<5120xf32, #tpu.memory_space<vmem>>, vector<16xf32>, vector<16xi1>
          %gather3A_667 = tpu.vector_load_idx %arg23[%add3A_248] : memref<8192xf32, #tpu.memory_space<vmem>>[vector<16xi32>], vector<16xf32>,
          %swap3A_668 = arith.index_cast %add3A_664 : i32 to index
          %swap3A_669 = tpu.vector_load %arg31[%swap3A_668] masked %and3A_263 {strides = array<i32>} : memref<5120xf32, #tpu.memory_space<vmem>>, vector<16xf32>, vector<16xi1>
          tpu.vector_store %arg31[%swap3A_668], %gather3A_667 masked %and3A_263 {strides = array<i32>} : memref<5120xf32, #tpu.memory_space<vmem>>, vector<16xf32>, vector<16xi1>
          %gather3A_670 = tpu.vector_load_idx %arg24[%add3A_248] : memref<8192xf32, #tpu.memory_space<vmem>>[vector<16xi32>], vector<16xf32>,
          %swap3A_671 = arith.index_cast %add3A_664 : i32 to index
          %swap3A_672 = tpu.vector_load %arg32[%swap3A_671] masked %and3A_263 {strides = array<i32>} : memref<5120xf32, #tpu.memory_space<vmem>>, vector<16xf32>, vector<16xi1>
          tpu.vector_store %arg32[%swap3A_671], %gather3A_670 masked %and3A_263 {strides = array<i32>} : memref<5120xf32, #tpu.memory_space<vmem>>, vector<16xf32>, vector<16xi1>
          %swap3A_673 = arith.index_cast %add3A_664 : i32 to index
          %swap3A_674 = tpu.vector_load %arg33[%swap3A_673] masked %and3A_263 {strides = array<i32>} : memref<5120xf32, #tpu.memory_space<vmem>>, vector<16xf32>, vector<16xi1>
          tpu.vector_store %arg33[%swap3A_673], %sub3A_252 masked %and3A_263 {strides = array<i32>} : memref<5120xf32, #tpu.memory_space<vmem>>, vector<16xf32>, vector<16xi1>
          %swap3A_675 = arith.index_cast %add3A_664 : i32 to index
          %swap3A_676 = tpu.vector_load %arg34[%swap3A_675] masked %and3A_263 {strides = array<i32>} : memref<5120xf32, #tpu.memory_space<vmem>>, vector<16xf32>, vector<16xi1>
          tpu.vector_store %arg34[%swap3A_675], %sub3A_253 masked %and3A_263 {strides = array<i32>} : memref<5120xf32, #tpu.memory_space<vmem>>, vector<16xf32>, vector<16xi1>
          %swap3A_677 = arith.index_cast %add3A_664 : i32 to index
          %swap3A_678 = tpu.vector_load %arg35[%swap3A_677] masked %and3A_263 {strides = array<i32>} : memref<5120xf32, #tpu.memory_space<vmem>>, vector<16xf32>, vector<16xi1>
          tpu.vector_store %arg35[%swap3A_677], %sub3A_254 masked %and3A_263 {strides = array<i32>} : memref<5120xf32, #tpu.memory_space<vmem>>, vector<16xf32>, vector<16xi1>
        } else {
        }
        %add3A_277 = arith.addi %add3A_245, %reduce_sum3A_268 : i32
        %add3A_278 = arith.constant 2048 : i32
        %add3A_279 = vector.broadcast %add3A_278 : i32 to vector<16xi32>
        %add3A_280 = arith.addi %select_n3A_153, %add3A_279 : vector<16xi32>
        %gather3A_281 = tpu.vector_load_idx %arg19[%add3A_280] : memref<8192xf32, #tpu.memory_space<vmem>>[vector<16xi32>], vector<16xf32>,
        %gather3A_282 = tpu.vector_load_idx %arg20[%add3A_280] : memref<8192xf32, #tpu.memory_space<vmem>>[vector<16xi32>], vector<16xf32>,
        %gather3A_283 = tpu.vector_load_idx %arg21[%add3A_280] : memref<8192xf32, #tpu.memory_space<vmem>>[vector<16xi32>], vector<16xf32>,
        %sub3A_284 = arith.subf %gather3A_281, %get3A_54 : vector<16xf32>
        %sub3A_285 = arith.subf %gather3A_282, %get3A_58 : vector<16xf32>
        %sub3A_286 = arith.subf %gather3A_283, %get3A_62 : vector<16xf32>
        %mul3A_287 = arith.mulf %sub3A_284, %sub3A_284 : vector<16xf32>
        %mul3A_288 = arith.mulf %sub3A_285, %sub3A_285 : vector<16xf32>
        %add3A_289 = arith.addf %mul3A_287, %mul3A_288 : vector<16xf32>
        %mul3A_290 = arith.mulf %sub3A_286, %sub3A_286 : vector<16xf32>
        %add3A_291 = arith.addf %add3A_289, %mul3A_290 : vector<16xf32>
        %le3A_292 = arith.constant 0.00999999977 : f32
        %le3A_293 = vector.broadcast %le3A_292 : f32 to vector<16xf32>
        %le3A_294 = arith.cmpf ole, %add3A_291, %le3A_293 : vector<16xf32>
        %and3A_295 = arith.andi %le3A_294, %lt3A_150 : vector<16xi1>
        %convert_element_type3A_296 = arith.extui %and3A_295 : vector<16xi1> to vector<16xi32>
        %reduce_sum3A_297 = arith.constant true
        %reduce_sum3A_298 = vector.broadcast %reduce_sum3A_297 : i1 to vector<16xi1>
        %reduce_sum3A_299 = tpu.scan <sum>, %convert_element_type3A_296 masked %reduce_sum3A_298 : vector<16xi32>, vector<16xi1> -> vector<16xi32>
        %reduce_sum3A_300 = vector.extract %reduce_sum3A_299[15] : i32 from vector<16xi32>
        %gt3A_301 = arith.constant 0 : i32
        %gt3A_302 = arith.cmpi sgt, %reduce_sum3A_300, %gt3A_301 : i32
        %lt3A_303 = arith.constant 64 : i32
        %lt3A_304 = arith.cmpi slt, %add3A_277, %lt3A_303 : i32
        %and3A_305 = arith.andi %gt3A_302, %lt3A_304 : i1
        %convert_element_type3A_306 = arith.extui %and3A_305 : i1 to i32
        %cond3A_307 = arith.constant 0 : i32
        %cond3A_308 = arith.cmpi ne, %convert_element_type3A_306, %cond3A_307 : i32
        scf.if %cond3A_308 {
          %mul3A_662 = arith.constant 80 : i32
          %mul3A_663 = arith.muli %scan3A_50, %mul3A_662 : i32
          %add3A_664 = arith.addi %mul3A_663, %add3A_277 : i32
          %gather3A_665 = tpu.vector_load_idx %arg22[%add3A_280] : memref<8192xf32, #tpu.memory_space<vmem>>[vector<16xi32>], vector<16xf32>,
          %swap3A = arith.index_cast %add3A_664 : i32 to index
          %swap3A_666 = tpu.vector_load %arg30[%swap3A] masked %and3A_295 {strides = array<i32>} : memref<5120xf32, #tpu.memory_space<vmem>>, vector<16xf32>, vector<16xi1>
          tpu.vector_store %arg30[%swap3A], %gather3A_665 masked %and3A_295 {strides = array<i32>} : memref<5120xf32, #tpu.memory_space<vmem>>, vector<16xf32>, vector<16xi1>
          %gather3A_667 = tpu.vector_load_idx %arg23[%add3A_280] : memref<8192xf32, #tpu.memory_space<vmem>>[vector<16xi32>], vector<16xf32>,
          %swap3A_668 = arith.index_cast %add3A_664 : i32 to index
          %swap3A_669 = tpu.vector_load %arg31[%swap3A_668] masked %and3A_295 {strides = array<i32>} : memref<5120xf32, #tpu.memory_space<vmem>>, vector<16xf32>, vector<16xi1>
          tpu.vector_store %arg31[%swap3A_668], %gather3A_667 masked %and3A_295 {strides = array<i32>} : memref<5120xf32, #tpu.memory_space<vmem>>, vector<16xf32>, vector<16xi1>
          %gather3A_670 = tpu.vector_load_idx %arg24[%add3A_280] : memref<8192xf32, #tpu.memory_space<vmem>>[vector<16xi32>], vector<16xf32>,
          %swap3A_671 = arith.index_cast %add3A_664 : i32 to index
          %swap3A_672 = tpu.vector_load %arg32[%swap3A_671] masked %and3A_295 {strides = array<i32>} : memref<5120xf32, #tpu.memory_space<vmem>>, vector<16xf32>, vector<16xi1>
          tpu.vector_store %arg32[%swap3A_671], %gather3A_670 masked %and3A_295 {strides = array<i32>} : memref<5120xf32, #tpu.memory_space<vmem>>, vector<16xf32>, vector<16xi1>
          %swap3A_673 = arith.index_cast %add3A_664 : i32 to index
          %swap3A_674 = tpu.vector_load %arg33[%swap3A_673] masked %and3A_295 {strides = array<i32>} : memref<5120xf32, #tpu.memory_space<vmem>>, vector<16xf32>, vector<16xi1>
          tpu.vector_store %arg33[%swap3A_673], %sub3A_284 masked %and3A_295 {strides = array<i32>} : memref<5120xf32, #tpu.memory_space<vmem>>, vector<16xf32>, vector<16xi1>
          %swap3A_675 = arith.index_cast %add3A_664 : i32 to index
          %swap3A_676 = tpu.vector_load %arg34[%swap3A_675] masked %and3A_295 {strides = array<i32>} : memref<5120xf32, #tpu.memory_space<vmem>>, vector<16xf32>, vector<16xi1>
          tpu.vector_store %arg34[%swap3A_675], %sub3A_285 masked %and3A_295 {strides = array<i32>} : memref<5120xf32, #tpu.memory_space<vmem>>, vector<16xf32>, vector<16xi1>
          %swap3A_677 = arith.index_cast %add3A_664 : i32 to index
          %swap3A_678 = tpu.vector_load %arg35[%swap3A_677] masked %and3A_295 {strides = array<i32>} : memref<5120xf32, #tpu.memory_space<vmem>>, vector<16xf32>, vector<16xi1>
          tpu.vector_store %arg35[%swap3A_677], %sub3A_286 masked %and3A_295 {strides = array<i32>} : memref<5120xf32, #tpu.memory_space<vmem>>, vector<16xf32>, vector<16xi1>
        } else {
        }
        %add3A_309 = arith.addi %add3A_277, %reduce_sum3A_300 : i32
        %add3A_310 = arith.constant 2560 : i32
        %add3A_311 = vector.broadcast %add3A_310 : i32 to vector<16xi32>
        %add3A_312 = arith.addi %select_n3A_153, %add3A_311 : vector<16xi32>
        %gather3A_313 = tpu.vector_load_idx %arg19[%add3A_312] : memref<8192xf32, #tpu.memory_space<vmem>>[vector<16xi32>], vector<16xf32>,
        %gather3A_314 = tpu.vector_load_idx %arg20[%add3A_312] : memref<8192xf32, #tpu.memory_space<vmem>>[vector<16xi32>], vector<16xf32>,
        %gather3A_315 = tpu.vector_load_idx %arg21[%add3A_312] : memref<8192xf32, #tpu.memory_space<vmem>>[vector<16xi32>], vector<16xf32>,
        %sub3A_316 = arith.subf %gather3A_313, %get3A_54 : vector<16xf32>
        %sub3A_317 = arith.subf %gather3A_314, %get3A_58 : vector<16xf32>
        %sub3A_318 = arith.subf %gather3A_315, %get3A_62 : vector<16xf32>
        %mul3A_319 = arith.mulf %sub3A_316, %sub3A_316 : vector<16xf32>
        %mul3A_320 = arith.mulf %sub3A_317, %sub3A_317 : vector<16xf32>
        %add3A_321 = arith.addf %mul3A_319, %mul3A_320 : vector<16xf32>
        %mul3A_322 = arith.mulf %sub3A_318, %sub3A_318 : vector<16xf32>
        %add3A_323 = arith.addf %add3A_321, %mul3A_322 : vector<16xf32>
        %le3A_324 = arith.constant 0.00999999977 : f32
        %le3A_325 = vector.broadcast %le3A_324 : f32 to vector<16xf32>
        %le3A_326 = arith.cmpf ole, %add3A_323, %le3A_325 : vector<16xf32>
        %and3A_327 = arith.andi %le3A_326, %lt3A_150 : vector<16xi1>
        %convert_element_type3A_328 = arith.extui %and3A_327 : vector<16xi1> to vector<16xi32>
        %reduce_sum3A_329 = arith.constant true
        %reduce_sum3A_330 = vector.broadcast %reduce_sum3A_329 : i1 to vector<16xi1>
        %reduce_sum3A_331 = tpu.scan <sum>, %convert_element_type3A_328 masked %reduce_sum3A_330 : vector<16xi32>, vector<16xi1> -> vector<16xi32>
        %reduce_sum3A_332 = vector.extract %reduce_sum3A_331[15] : i32 from vector<16xi32>
        %gt3A_333 = arith.constant 0 : i32
        %gt3A_334 = arith.cmpi sgt, %reduce_sum3A_332, %gt3A_333 : i32
        %lt3A_335 = arith.constant 64 : i32
        %lt3A_336 = arith.cmpi slt, %add3A_309, %lt3A_335 : i32
        %and3A_337 = arith.andi %gt3A_334, %lt3A_336 : i1
        %convert_element_type3A_338 = arith.extui %and3A_337 : i1 to i32
        %cond3A_339 = arith.constant 0 : i32
        %cond3A_340 = arith.cmpi ne, %convert_element_type3A_338, %cond3A_339 : i32
        scf.if %cond3A_340 {
          %mul3A_662 = arith.constant 80 : i32
          %mul3A_663 = arith.muli %scan3A_50, %mul3A_662 : i32
          %add3A_664 = arith.addi %mul3A_663, %add3A_309 : i32
          %gather3A_665 = tpu.vector_load_idx %arg22[%add3A_312] : memref<8192xf32, #tpu.memory_space<vmem>>[vector<16xi32>], vector<16xf32>,
          %swap3A = arith.index_cast %add3A_664 : i32 to index
          %swap3A_666 = tpu.vector_load %arg30[%swap3A] masked %and3A_327 {strides = array<i32>} : memref<5120xf32, #tpu.memory_space<vmem>>, vector<16xf32>, vector<16xi1>
          tpu.vector_store %arg30[%swap3A], %gather3A_665 masked %and3A_327 {strides = array<i32>} : memref<5120xf32, #tpu.memory_space<vmem>>, vector<16xf32>, vector<16xi1>
          %gather3A_667 = tpu.vector_load_idx %arg23[%add3A_312] : memref<8192xf32, #tpu.memory_space<vmem>>[vector<16xi32>], vector<16xf32>,
          %swap3A_668 = arith.index_cast %add3A_664 : i32 to index
          %swap3A_669 = tpu.vector_load %arg31[%swap3A_668] masked %and3A_327 {strides = array<i32>} : memref<5120xf32, #tpu.memory_space<vmem>>, vector<16xf32>, vector<16xi1>
          tpu.vector_store %arg31[%swap3A_668], %gather3A_667 masked %and3A_327 {strides = array<i32>} : memref<5120xf32, #tpu.memory_space<vmem>>, vector<16xf32>, vector<16xi1>
          %gather3A_670 = tpu.vector_load_idx %arg24[%add3A_312] : memref<8192xf32, #tpu.memory_space<vmem>>[vector<16xi32>], vector<16xf32>,
          %swap3A_671 = arith.index_cast %add3A_664 : i32 to index
          %swap3A_672 = tpu.vector_load %arg32[%swap3A_671] masked %and3A_327 {strides = array<i32>} : memref<5120xf32, #tpu.memory_space<vmem>>, vector<16xf32>, vector<16xi1>
          tpu.vector_store %arg32[%swap3A_671], %gather3A_670 masked %and3A_327 {strides = array<i32>} : memref<5120xf32, #tpu.memory_space<vmem>>, vector<16xf32>, vector<16xi1>
          %swap3A_673 = arith.index_cast %add3A_664 : i32 to index
          %swap3A_674 = tpu.vector_load %arg33[%swap3A_673] masked %and3A_327 {strides = array<i32>} : memref<5120xf32, #tpu.memory_space<vmem>>, vector<16xf32>, vector<16xi1>
          tpu.vector_store %arg33[%swap3A_673], %sub3A_316 masked %and3A_327 {strides = array<i32>} : memref<5120xf32, #tpu.memory_space<vmem>>, vector<16xf32>, vector<16xi1>
          %swap3A_675 = arith.index_cast %add3A_664 : i32 to index
          %swap3A_676 = tpu.vector_load %arg34[%swap3A_675] masked %and3A_327 {strides = array<i32>} : memref<5120xf32, #tpu.memory_space<vmem>>, vector<16xf32>, vector<16xi1>
          tpu.vector_store %arg34[%swap3A_675], %sub3A_317 masked %and3A_327 {strides = array<i32>} : memref<5120xf32, #tpu.memory_space<vmem>>, vector<16xf32>, vector<16xi1>
          %swap3A_677 = arith.index_cast %add3A_664 : i32 to index
          %swap3A_678 = tpu.vector_load %arg35[%swap3A_677] masked %and3A_327 {strides = array<i32>} : memref<5120xf32, #tpu.memory_space<vmem>>, vector<16xf32>, vector<16xi1>
          tpu.vector_store %arg35[%swap3A_677], %sub3A_318 masked %and3A_327 {strides = array<i32>} : memref<5120xf32, #tpu.memory_space<vmem>>, vector<16xf32>, vector<16xi1>
        } else {
        }
        %add3A_341 = arith.addi %add3A_309, %reduce_sum3A_332 : i32
        %add3A_342 = arith.constant 3072 : i32
        %add3A_343 = vector.broadcast %add3A_342 : i32 to vector<16xi32>
        %add3A_344 = arith.addi %select_n3A_153, %add3A_343 : vector<16xi32>
        %gather3A_345 = tpu.vector_load_idx %arg19[%add3A_344] : memref<8192xf32, #tpu.memory_space<vmem>>[vector<16xi32>], vector<16xf32>,
        %gather3A_346 = tpu.vector_load_idx %arg20[%add3A_344] : memref<8192xf32, #tpu.memory_space<vmem>>[vector<16xi32>], vector<16xf32>,
        %gather3A_347 = tpu.vector_load_idx %arg21[%add3A_344] : memref<8192xf32, #tpu.memory_space<vmem>>[vector<16xi32>], vector<16xf32>,
        %sub3A_348 = arith.subf %gather3A_345, %get3A_54 : vector<16xf32>
        %sub3A_349 = arith.subf %gather3A_346, %get3A_58 : vector<16xf32>
        %sub3A_350 = arith.subf %gather3A_347, %get3A_62 : vector<16xf32>
        %mul3A_351 = arith.mulf %sub3A_348, %sub3A_348 : vector<16xf32>
        %mul3A_352 = arith.mulf %sub3A_349, %sub3A_349 : vector<16xf32>
        %add3A_353 = arith.addf %mul3A_351, %mul3A_352 : vector<16xf32>
        %mul3A_354 = arith.mulf %sub3A_350, %sub3A_350 : vector<16xf32>
        %add3A_355 = arith.addf %add3A_353, %mul3A_354 : vector<16xf32>
        %le3A_356 = arith.constant 0.00999999977 : f32
        %le3A_357 = vector.broadcast %le3A_356 : f32 to vector<16xf32>
        %le3A_358 = arith.cmpf ole, %add3A_355, %le3A_357 : vector<16xf32>
        %and3A_359 = arith.andi %le3A_358, %lt3A_150 : vector<16xi1>
        %convert_element_type3A_360 = arith.extui %and3A_359 : vector<16xi1> to vector<16xi32>
        %reduce_sum3A_361 = arith.constant true
        %reduce_sum3A_362 = vector.broadcast %reduce_sum3A_361 : i1 to vector<16xi1>
        %reduce_sum3A_363 = tpu.scan <sum>, %convert_element_type3A_360 masked %reduce_sum3A_362 : vector<16xi32>, vector<16xi1> -> vector<16xi32>
        %reduce_sum3A_364 = vector.extract %reduce_sum3A_363[15] : i32 from vector<16xi32>
        %gt3A_365 = arith.constant 0 : i32
        %gt3A_366 = arith.cmpi sgt, %reduce_sum3A_364, %gt3A_365 : i32
        %lt3A_367 = arith.constant 64 : i32
        %lt3A_368 = arith.cmpi slt, %add3A_341, %lt3A_367 : i32
        %and3A_369 = arith.andi %gt3A_366, %lt3A_368 : i1
        %convert_element_type3A_370 = arith.extui %and3A_369 : i1 to i32
        %cond3A_371 = arith.constant 0 : i32
        %cond3A_372 = arith.cmpi ne, %convert_element_type3A_370, %cond3A_371 : i32
        scf.if %cond3A_372 {
          %mul3A_662 = arith.constant 80 : i32
          %mul3A_663 = arith.muli %scan3A_50, %mul3A_662 : i32
          %add3A_664 = arith.addi %mul3A_663, %add3A_341 : i32
          %gather3A_665 = tpu.vector_load_idx %arg22[%add3A_344] : memref<8192xf32, #tpu.memory_space<vmem>>[vector<16xi32>], vector<16xf32>,
          %swap3A = arith.index_cast %add3A_664 : i32 to index
          %swap3A_666 = tpu.vector_load %arg30[%swap3A] masked %and3A_359 {strides = array<i32>} : memref<5120xf32, #tpu.memory_space<vmem>>, vector<16xf32>, vector<16xi1>
          tpu.vector_store %arg30[%swap3A], %gather3A_665 masked %and3A_359 {strides = array<i32>} : memref<5120xf32, #tpu.memory_space<vmem>>, vector<16xf32>, vector<16xi1>
          %gather3A_667 = tpu.vector_load_idx %arg23[%add3A_344] : memref<8192xf32, #tpu.memory_space<vmem>>[vector<16xi32>], vector<16xf32>,
          %swap3A_668 = arith.index_cast %add3A_664 : i32 to index
          %swap3A_669 = tpu.vector_load %arg31[%swap3A_668] masked %and3A_359 {strides = array<i32>} : memref<5120xf32, #tpu.memory_space<vmem>>, vector<16xf32>, vector<16xi1>
          tpu.vector_store %arg31[%swap3A_668], %gather3A_667 masked %and3A_359 {strides = array<i32>} : memref<5120xf32, #tpu.memory_space<vmem>>, vector<16xf32>, vector<16xi1>
          %gather3A_670 = tpu.vector_load_idx %arg24[%add3A_344] : memref<8192xf32, #tpu.memory_space<vmem>>[vector<16xi32>], vector<16xf32>,
          %swap3A_671 = arith.index_cast %add3A_664 : i32 to index
          %swap3A_672 = tpu.vector_load %arg32[%swap3A_671] masked %and3A_359 {strides = array<i32>} : memref<5120xf32, #tpu.memory_space<vmem>>, vector<16xf32>, vector<16xi1>
          tpu.vector_store %arg32[%swap3A_671], %gather3A_670 masked %and3A_359 {strides = array<i32>} : memref<5120xf32, #tpu.memory_space<vmem>>, vector<16xf32>, vector<16xi1>
          %swap3A_673 = arith.index_cast %add3A_664 : i32 to index
          %swap3A_674 = tpu.vector_load %arg33[%swap3A_673] masked %and3A_359 {strides = array<i32>} : memref<5120xf32, #tpu.memory_space<vmem>>, vector<16xf32>, vector<16xi1>
          tpu.vector_store %arg33[%swap3A_673], %sub3A_348 masked %and3A_359 {strides = array<i32>} : memref<5120xf32, #tpu.memory_space<vmem>>, vector<16xf32>, vector<16xi1>
          %swap3A_675 = arith.index_cast %add3A_664 : i32 to index
          %swap3A_676 = tpu.vector_load %arg34[%swap3A_675] masked %and3A_359 {strides = array<i32>} : memref<5120xf32, #tpu.memory_space<vmem>>, vector<16xf32>, vector<16xi1>
          tpu.vector_store %arg34[%swap3A_675], %sub3A_349 masked %and3A_359 {strides = array<i32>} : memref<5120xf32, #tpu.memory_space<vmem>>, vector<16xf32>, vector<16xi1>
          %swap3A_677 = arith.index_cast %add3A_664 : i32 to index
          %swap3A_678 = tpu.vector_load %arg35[%swap3A_677] masked %and3A_359 {strides = array<i32>} : memref<5120xf32, #tpu.memory_space<vmem>>, vector<16xf32>, vector<16xi1>
          tpu.vector_store %arg35[%swap3A_677], %sub3A_350 masked %and3A_359 {strides = array<i32>} : memref<5120xf32, #tpu.memory_space<vmem>>, vector<16xf32>, vector<16xi1>
        } else {
        }
        %add3A_373 = arith.addi %add3A_341, %reduce_sum3A_364 : i32
        %add3A_374 = arith.constant 3584 : i32
        %add3A_375 = vector.broadcast %add3A_374 : i32 to vector<16xi32>
        %add3A_376 = arith.addi %select_n3A_153, %add3A_375 : vector<16xi32>
        %gather3A_377 = tpu.vector_load_idx %arg19[%add3A_376] : memref<8192xf32, #tpu.memory_space<vmem>>[vector<16xi32>], vector<16xf32>,
        %gather3A_378 = tpu.vector_load_idx %arg20[%add3A_376] : memref<8192xf32, #tpu.memory_space<vmem>>[vector<16xi32>], vector<16xf32>,
        %gather3A_379 = tpu.vector_load_idx %arg21[%add3A_376] : memref<8192xf32, #tpu.memory_space<vmem>>[vector<16xi32>], vector<16xf32>,
        %sub3A_380 = arith.subf %gather3A_377, %get3A_54 : vector<16xf32>
        %sub3A_381 = arith.subf %gather3A_378, %get3A_58 : vector<16xf32>
        %sub3A_382 = arith.subf %gather3A_379, %get3A_62 : vector<16xf32>
        %mul3A_383 = arith.mulf %sub3A_380, %sub3A_380 : vector<16xf32>
        %mul3A_384 = arith.mulf %sub3A_381, %sub3A_381 : vector<16xf32>
        %add3A_385 = arith.addf %mul3A_383, %mul3A_384 : vector<16xf32>
        %mul3A_386 = arith.mulf %sub3A_382, %sub3A_382 : vector<16xf32>
        %add3A_387 = arith.addf %add3A_385, %mul3A_386 : vector<16xf32>
        %le3A_388 = arith.constant 0.00999999977 : f32
        %le3A_389 = vector.broadcast %le3A_388 : f32 to vector<16xf32>
        %le3A_390 = arith.cmpf ole, %add3A_387, %le3A_389 : vector<16xf32>
        %and3A_391 = arith.andi %le3A_390, %lt3A_150 : vector<16xi1>
        %convert_element_type3A_392 = arith.extui %and3A_391 : vector<16xi1> to vector<16xi32>
        %reduce_sum3A_393 = arith.constant true
        %reduce_sum3A_394 = vector.broadcast %reduce_sum3A_393 : i1 to vector<16xi1>
        %reduce_sum3A_395 = tpu.scan <sum>, %convert_element_type3A_392 masked %reduce_sum3A_394 : vector<16xi32>, vector<16xi1> -> vector<16xi32>
        %reduce_sum3A_396 = vector.extract %reduce_sum3A_395[15] : i32 from vector<16xi32>
        %gt3A_397 = arith.constant 0 : i32
        %gt3A_398 = arith.cmpi sgt, %reduce_sum3A_396, %gt3A_397 : i32
        %lt3A_399 = arith.constant 64 : i32
        %lt3A_400 = arith.cmpi slt, %add3A_373, %lt3A_399 : i32
        %and3A_401 = arith.andi %gt3A_398, %lt3A_400 : i1
        %convert_element_type3A_402 = arith.extui %and3A_401 : i1 to i32
        %cond3A_403 = arith.constant 0 : i32
        %cond3A_404 = arith.cmpi ne, %convert_element_type3A_402, %cond3A_403 : i32
        scf.if %cond3A_404 {
          %mul3A_662 = arith.constant 80 : i32
          %mul3A_663 = arith.muli %scan3A_50, %mul3A_662 : i32
          %add3A_664 = arith.addi %mul3A_663, %add3A_373 : i32
          %gather3A_665 = tpu.vector_load_idx %arg22[%add3A_376] : memref<8192xf32, #tpu.memory_space<vmem>>[vector<16xi32>], vector<16xf32>,
          %swap3A = arith.index_cast %add3A_664 : i32 to index
          %swap3A_666 = tpu.vector_load %arg30[%swap3A] masked %and3A_391 {strides = array<i32>} : memref<5120xf32, #tpu.memory_space<vmem>>, vector<16xf32>, vector<16xi1>
          tpu.vector_store %arg30[%swap3A], %gather3A_665 masked %and3A_391 {strides = array<i32>} : memref<5120xf32, #tpu.memory_space<vmem>>, vector<16xf32>, vector<16xi1>
          %gather3A_667 = tpu.vector_load_idx %arg23[%add3A_376] : memref<8192xf32, #tpu.memory_space<vmem>>[vector<16xi32>], vector<16xf32>,
          %swap3A_668 = arith.index_cast %add3A_664 : i32 to index
          %swap3A_669 = tpu.vector_load %arg31[%swap3A_668] masked %and3A_391 {strides = array<i32>} : memref<5120xf32, #tpu.memory_space<vmem>>, vector<16xf32>, vector<16xi1>
          tpu.vector_store %arg31[%swap3A_668], %gather3A_667 masked %and3A_391 {strides = array<i32>} : memref<5120xf32, #tpu.memory_space<vmem>>, vector<16xf32>, vector<16xi1>
          %gather3A_670 = tpu.vector_load_idx %arg24[%add3A_376] : memref<8192xf32, #tpu.memory_space<vmem>>[vector<16xi32>], vector<16xf32>,
          %swap3A_671 = arith.index_cast %add3A_664 : i32 to index
          %swap3A_672 = tpu.vector_load %arg32[%swap3A_671] masked %and3A_391 {strides = array<i32>} : memref<5120xf32, #tpu.memory_space<vmem>>, vector<16xf32>, vector<16xi1>
          tpu.vector_store %arg32[%swap3A_671], %gather3A_670 masked %and3A_391 {strides = array<i32>} : memref<5120xf32, #tpu.memory_space<vmem>>, vector<16xf32>, vector<16xi1>
          %swap3A_673 = arith.index_cast %add3A_664 : i32 to index
          %swap3A_674 = tpu.vector_load %arg33[%swap3A_673] masked %and3A_391 {strides = array<i32>} : memref<5120xf32, #tpu.memory_space<vmem>>, vector<16xf32>, vector<16xi1>
          tpu.vector_store %arg33[%swap3A_673], %sub3A_380 masked %and3A_391 {strides = array<i32>} : memref<5120xf32, #tpu.memory_space<vmem>>, vector<16xf32>, vector<16xi1>
          %swap3A_675 = arith.index_cast %add3A_664 : i32 to index
          %swap3A_676 = tpu.vector_load %arg34[%swap3A_675] masked %and3A_391 {strides = array<i32>} : memref<5120xf32, #tpu.memory_space<vmem>>, vector<16xf32>, vector<16xi1>
          tpu.vector_store %arg34[%swap3A_675], %sub3A_381 masked %and3A_391 {strides = array<i32>} : memref<5120xf32, #tpu.memory_space<vmem>>, vector<16xf32>, vector<16xi1>
          %swap3A_677 = arith.index_cast %add3A_664 : i32 to index
          %swap3A_678 = tpu.vector_load %arg35[%swap3A_677] masked %and3A_391 {strides = array<i32>} : memref<5120xf32, #tpu.memory_space<vmem>>, vector<16xf32>, vector<16xi1>
          tpu.vector_store %arg35[%swap3A_677], %sub3A_382 masked %and3A_391 {strides = array<i32>} : memref<5120xf32, #tpu.memory_space<vmem>>, vector<16xf32>, vector<16xi1>
        } else {
        }
        %add3A_405 = arith.addi %add3A_373, %reduce_sum3A_396 : i32
        %add3A_406 = arith.constant 4096 : i32
        %add3A_407 = vector.broadcast %add3A_406 : i32 to vector<16xi32>
        %add3A_408 = arith.addi %select_n3A_153, %add3A_407 : vector<16xi32>
        %gather3A_409 = tpu.vector_load_idx %arg19[%add3A_408] : memref<8192xf32, #tpu.memory_space<vmem>>[vector<16xi32>], vector<16xf32>,
        %gather3A_410 = tpu.vector_load_idx %arg20[%add3A_408] : memref<8192xf32, #tpu.memory_space<vmem>>[vector<16xi32>], vector<16xf32>,
        %gather3A_411 = tpu.vector_load_idx %arg21[%add3A_408] : memref<8192xf32, #tpu.memory_space<vmem>>[vector<16xi32>], vector<16xf32>,
        %sub3A_412 = arith.subf %gather3A_409, %get3A_54 : vector<16xf32>
        %sub3A_413 = arith.subf %gather3A_410, %get3A_58 : vector<16xf32>
        %sub3A_414 = arith.subf %gather3A_411, %get3A_62 : vector<16xf32>
        %mul3A_415 = arith.mulf %sub3A_412, %sub3A_412 : vector<16xf32>
        %mul3A_416 = arith.mulf %sub3A_413, %sub3A_413 : vector<16xf32>
        %add3A_417 = arith.addf %mul3A_415, %mul3A_416 : vector<16xf32>
        %mul3A_418 = arith.mulf %sub3A_414, %sub3A_414 : vector<16xf32>
        %add3A_419 = arith.addf %add3A_417, %mul3A_418 : vector<16xf32>
        %le3A_420 = arith.constant 0.00999999977 : f32
        %le3A_421 = vector.broadcast %le3A_420 : f32 to vector<16xf32>
        %le3A_422 = arith.cmpf ole, %add3A_419, %le3A_421 : vector<16xf32>
        %and3A_423 = arith.andi %le3A_422, %lt3A_150 : vector<16xi1>
        %convert_element_type3A_424 = arith.extui %and3A_423 : vector<16xi1> to vector<16xi32>
        %reduce_sum3A_425 = arith.constant true
        %reduce_sum3A_426 = vector.broadcast %reduce_sum3A_425 : i1 to vector<16xi1>
        %reduce_sum3A_427 = tpu.scan <sum>, %convert_element_type3A_424 masked %reduce_sum3A_426 : vector<16xi32>, vector<16xi1> -> vector<16xi32>
        %reduce_sum3A_428 = vector.extract %reduce_sum3A_427[15] : i32 from vector<16xi32>
        %gt3A_429 = arith.constant 0 : i32
        %gt3A_430 = arith.cmpi sgt, %reduce_sum3A_428, %gt3A_429 : i32
        %lt3A_431 = arith.constant 64 : i32
        %lt3A_432 = arith.cmpi slt, %add3A_405, %lt3A_431 : i32
        %and3A_433 = arith.andi %gt3A_430, %lt3A_432 : i1
        %convert_element_type3A_434 = arith.extui %and3A_433 : i1 to i32
        %cond3A_435 = arith.constant 0 : i32
        %cond3A_436 = arith.cmpi ne, %convert_element_type3A_434, %cond3A_435 : i32
        scf.if %cond3A_436 {
          %mul3A_662 = arith.constant 80 : i32
          %mul3A_663 = arith.muli %scan3A_50, %mul3A_662 : i32
          %add3A_664 = arith.addi %mul3A_663, %add3A_405 : i32
          %gather3A_665 = tpu.vector_load_idx %arg22[%add3A_408] : memref<8192xf32, #tpu.memory_space<vmem>>[vector<16xi32>], vector<16xf32>,
          %swap3A = arith.index_cast %add3A_664 : i32 to index
          %swap3A_666 = tpu.vector_load %arg30[%swap3A] masked %and3A_423 {strides = array<i32>} : memref<5120xf32, #tpu.memory_space<vmem>>, vector<16xf32>, vector<16xi1>
          tpu.vector_store %arg30[%swap3A], %gather3A_665 masked %and3A_423 {strides = array<i32>} : memref<5120xf32, #tpu.memory_space<vmem>>, vector<16xf32>, vector<16xi1>
          %gather3A_667 = tpu.vector_load_idx %arg23[%add3A_408] : memref<8192xf32, #tpu.memory_space<vmem>>[vector<16xi32>], vector<16xf32>,
          %swap3A_668 = arith.index_cast %add3A_664 : i32 to index
          %swap3A_669 = tpu.vector_load %arg31[%swap3A_668] masked %and3A_423 {strides = array<i32>} : memref<5120xf32, #tpu.memory_space<vmem>>, vector<16xf32>, vector<16xi1>
          tpu.vector_store %arg31[%swap3A_668], %gather3A_667 masked %and3A_423 {strides = array<i32>} : memref<5120xf32, #tpu.memory_space<vmem>>, vector<16xf32>, vector<16xi1>
          %gather3A_670 = tpu.vector_load_idx %arg24[%add3A_408] : memref<8192xf32, #tpu.memory_space<vmem>>[vector<16xi32>], vector<16xf32>,
          %swap3A_671 = arith.index_cast %add3A_664 : i32 to index
          %swap3A_672 = tpu.vector_load %arg32[%swap3A_671] masked %and3A_423 {strides = array<i32>} : memref<5120xf32, #tpu.memory_space<vmem>>, vector<16xf32>, vector<16xi1>
          tpu.vector_store %arg32[%swap3A_671], %gather3A_670 masked %and3A_423 {strides = array<i32>} : memref<5120xf32, #tpu.memory_space<vmem>>, vector<16xf32>, vector<16xi1>
          %swap3A_673 = arith.index_cast %add3A_664 : i32 to index
          %swap3A_674 = tpu.vector_load %arg33[%swap3A_673] masked %and3A_423 {strides = array<i32>} : memref<5120xf32, #tpu.memory_space<vmem>>, vector<16xf32>, vector<16xi1>
          tpu.vector_store %arg33[%swap3A_673], %sub3A_412 masked %and3A_423 {strides = array<i32>} : memref<5120xf32, #tpu.memory_space<vmem>>, vector<16xf32>, vector<16xi1>
          %swap3A_675 = arith.index_cast %add3A_664 : i32 to index
          %swap3A_676 = tpu.vector_load %arg34[%swap3A_675] masked %and3A_423 {strides = array<i32>} : memref<5120xf32, #tpu.memory_space<vmem>>, vector<16xf32>, vector<16xi1>
          tpu.vector_store %arg34[%swap3A_675], %sub3A_413 masked %and3A_423 {strides = array<i32>} : memref<5120xf32, #tpu.memory_space<vmem>>, vector<16xf32>, vector<16xi1>
          %swap3A_677 = arith.index_cast %add3A_664 : i32 to index
          %swap3A_678 = tpu.vector_load %arg35[%swap3A_677] masked %and3A_423 {strides = array<i32>} : memref<5120xf32, #tpu.memory_space<vmem>>, vector<16xf32>, vector<16xi1>
          tpu.vector_store %arg35[%swap3A_677], %sub3A_414 masked %and3A_423 {strides = array<i32>} : memref<5120xf32, #tpu.memory_space<vmem>>, vector<16xf32>, vector<16xi1>
        } else {
        }
        %add3A_437 = arith.addi %add3A_405, %reduce_sum3A_428 : i32
        %add3A_438 = arith.constant 4608 : i32
        %add3A_439 = vector.broadcast %add3A_438 : i32 to vector<16xi32>
        %add3A_440 = arith.addi %select_n3A_153, %add3A_439 : vector<16xi32>
        %gather3A_441 = tpu.vector_load_idx %arg19[%add3A_440] : memref<8192xf32, #tpu.memory_space<vmem>>[vector<16xi32>], vector<16xf32>,
        %gather3A_442 = tpu.vector_load_idx %arg20[%add3A_440] : memref<8192xf32, #tpu.memory_space<vmem>>[vector<16xi32>], vector<16xf32>,
        %gather3A_443 = tpu.vector_load_idx %arg21[%add3A_440] : memref<8192xf32, #tpu.memory_space<vmem>>[vector<16xi32>], vector<16xf32>,
        %sub3A_444 = arith.subf %gather3A_441, %get3A_54 : vector<16xf32>
        %sub3A_445 = arith.subf %gather3A_442, %get3A_58 : vector<16xf32>
        %sub3A_446 = arith.subf %gather3A_443, %get3A_62 : vector<16xf32>
        %mul3A_447 = arith.mulf %sub3A_444, %sub3A_444 : vector<16xf32>
        %mul3A_448 = arith.mulf %sub3A_445, %sub3A_445 : vector<16xf32>
        %add3A_449 = arith.addf %mul3A_447, %mul3A_448 : vector<16xf32>
        %mul3A_450 = arith.mulf %sub3A_446, %sub3A_446 : vector<16xf32>
        %add3A_451 = arith.addf %add3A_449, %mul3A_450 : vector<16xf32>
        %le3A_452 = arith.constant 0.00999999977 : f32
        %le3A_453 = vector.broadcast %le3A_452 : f32 to vector<16xf32>
        %le3A_454 = arith.cmpf ole, %add3A_451, %le3A_453 : vector<16xf32>
        %and3A_455 = arith.andi %le3A_454, %lt3A_150 : vector<16xi1>
        %convert_element_type3A_456 = arith.extui %and3A_455 : vector<16xi1> to vector<16xi32>
        %reduce_sum3A_457 = arith.constant true
        %reduce_sum3A_458 = vector.broadcast %reduce_sum3A_457 : i1 to vector<16xi1>
        %reduce_sum3A_459 = tpu.scan <sum>, %convert_element_type3A_456 masked %reduce_sum3A_458 : vector<16xi32>, vector<16xi1> -> vector<16xi32>
        %reduce_sum3A_460 = vector.extract %reduce_sum3A_459[15] : i32 from vector<16xi32>
        %gt3A_461 = arith.constant 0 : i32
        %gt3A_462 = arith.cmpi sgt, %reduce_sum3A_460, %gt3A_461 : i32
        %lt3A_463 = arith.constant 64 : i32
        %lt3A_464 = arith.cmpi slt, %add3A_437, %lt3A_463 : i32
        %and3A_465 = arith.andi %gt3A_462, %lt3A_464 : i1
        %convert_element_type3A_466 = arith.extui %and3A_465 : i1 to i32
        %cond3A_467 = arith.constant 0 : i32
        %cond3A_468 = arith.cmpi ne, %convert_element_type3A_466, %cond3A_467 : i32
        scf.if %cond3A_468 {
          %mul3A_662 = arith.constant 80 : i32
          %mul3A_663 = arith.muli %scan3A_50, %mul3A_662 : i32
          %add3A_664 = arith.addi %mul3A_663, %add3A_437 : i32
          %gather3A_665 = tpu.vector_load_idx %arg22[%add3A_440] : memref<8192xf32, #tpu.memory_space<vmem>>[vector<16xi32>], vector<16xf32>,
          %swap3A = arith.index_cast %add3A_664 : i32 to index
          %swap3A_666 = tpu.vector_load %arg30[%swap3A] masked %and3A_455 {strides = array<i32>} : memref<5120xf32, #tpu.memory_space<vmem>>, vector<16xf32>, vector<16xi1>
          tpu.vector_store %arg30[%swap3A], %gather3A_665 masked %and3A_455 {strides = array<i32>} : memref<5120xf32, #tpu.memory_space<vmem>>, vector<16xf32>, vector<16xi1>
          %gather3A_667 = tpu.vector_load_idx %arg23[%add3A_440] : memref<8192xf32, #tpu.memory_space<vmem>>[vector<16xi32>], vector<16xf32>,
          %swap3A_668 = arith.index_cast %add3A_664 : i32 to index
          %swap3A_669 = tpu.vector_load %arg31[%swap3A_668] masked %and3A_455 {strides = array<i32>} : memref<5120xf32, #tpu.memory_space<vmem>>, vector<16xf32>, vector<16xi1>
          tpu.vector_store %arg31[%swap3A_668], %gather3A_667 masked %and3A_455 {strides = array<i32>} : memref<5120xf32, #tpu.memory_space<vmem>>, vector<16xf32>, vector<16xi1>
          %gather3A_670 = tpu.vector_load_idx %arg24[%add3A_440] : memref<8192xf32, #tpu.memory_space<vmem>>[vector<16xi32>], vector<16xf32>,
          %swap3A_671 = arith.index_cast %add3A_664 : i32 to index
          %swap3A_672 = tpu.vector_load %arg32[%swap3A_671] masked %and3A_455 {strides = array<i32>} : memref<5120xf32, #tpu.memory_space<vmem>>, vector<16xf32>, vector<16xi1>
          tpu.vector_store %arg32[%swap3A_671], %gather3A_670 masked %and3A_455 {strides = array<i32>} : memref<5120xf32, #tpu.memory_space<vmem>>, vector<16xf32>, vector<16xi1>
          %swap3A_673 = arith.index_cast %add3A_664 : i32 to index
          %swap3A_674 = tpu.vector_load %arg33[%swap3A_673] masked %and3A_455 {strides = array<i32>} : memref<5120xf32, #tpu.memory_space<vmem>>, vector<16xf32>, vector<16xi1>
          tpu.vector_store %arg33[%swap3A_673], %sub3A_444 masked %and3A_455 {strides = array<i32>} : memref<5120xf32, #tpu.memory_space<vmem>>, vector<16xf32>, vector<16xi1>
          %swap3A_675 = arith.index_cast %add3A_664 : i32 to index
          %swap3A_676 = tpu.vector_load %arg34[%swap3A_675] masked %and3A_455 {strides = array<i32>} : memref<5120xf32, #tpu.memory_space<vmem>>, vector<16xf32>, vector<16xi1>
          tpu.vector_store %arg34[%swap3A_675], %sub3A_445 masked %and3A_455 {strides = array<i32>} : memref<5120xf32, #tpu.memory_space<vmem>>, vector<16xf32>, vector<16xi1>
          %swap3A_677 = arith.index_cast %add3A_664 : i32 to index
          %swap3A_678 = tpu.vector_load %arg35[%swap3A_677] masked %and3A_455 {strides = array<i32>} : memref<5120xf32, #tpu.memory_space<vmem>>, vector<16xf32>, vector<16xi1>
          tpu.vector_store %arg35[%swap3A_677], %sub3A_446 masked %and3A_455 {strides = array<i32>} : memref<5120xf32, #tpu.memory_space<vmem>>, vector<16xf32>, vector<16xi1>
        } else {
        }
        %add3A_469 = arith.addi %add3A_437, %reduce_sum3A_460 : i32
        %add3A_470 = arith.constant 5120 : i32
        %add3A_471 = vector.broadcast %add3A_470 : i32 to vector<16xi32>
        %add3A_472 = arith.addi %select_n3A_153, %add3A_471 : vector<16xi32>
        %gather3A_473 = tpu.vector_load_idx %arg19[%add3A_472] : memref<8192xf32, #tpu.memory_space<vmem>>[vector<16xi32>], vector<16xf32>,
        %gather3A_474 = tpu.vector_load_idx %arg20[%add3A_472] : memref<8192xf32, #tpu.memory_space<vmem>>[vector<16xi32>], vector<16xf32>,
        %gather3A_475 = tpu.vector_load_idx %arg21[%add3A_472] : memref<8192xf32, #tpu.memory_space<vmem>>[vector<16xi32>], vector<16xf32>,
        %sub3A_476 = arith.subf %gather3A_473, %get3A_54 : vector<16xf32>
        %sub3A_477 = arith.subf %gather3A_474, %get3A_58 : vector<16xf32>
        %sub3A_478 = arith.subf %gather3A_475, %get3A_62 : vector<16xf32>
        %mul3A_479 = arith.mulf %sub3A_476, %sub3A_476 : vector<16xf32>
        %mul3A_480 = arith.mulf %sub3A_477, %sub3A_477 : vector<16xf32>
        %add3A_481 = arith.addf %mul3A_479, %mul3A_480 : vector<16xf32>
        %mul3A_482 = arith.mulf %sub3A_478, %sub3A_478 : vector<16xf32>
        %add3A_483 = arith.addf %add3A_481, %mul3A_482 : vector<16xf32>
        %le3A_484 = arith.constant 0.00999999977 : f32
        %le3A_485 = vector.broadcast %le3A_484 : f32 to vector<16xf32>
        %le3A_486 = arith.cmpf ole, %add3A_483, %le3A_485 : vector<16xf32>
        %and3A_487 = arith.andi %le3A_486, %lt3A_150 : vector<16xi1>
        %convert_element_type3A_488 = arith.extui %and3A_487 : vector<16xi1> to vector<16xi32>
        %reduce_sum3A_489 = arith.constant true
        %reduce_sum3A_490 = vector.broadcast %reduce_sum3A_489 : i1 to vector<16xi1>
        %reduce_sum3A_491 = tpu.scan <sum>, %convert_element_type3A_488 masked %reduce_sum3A_490 : vector<16xi32>, vector<16xi1> -> vector<16xi32>
        %reduce_sum3A_492 = vector.extract %reduce_sum3A_491[15] : i32 from vector<16xi32>
        %gt3A_493 = arith.constant 0 : i32
        %gt3A_494 = arith.cmpi sgt, %reduce_sum3A_492, %gt3A_493 : i32
        %lt3A_495 = arith.constant 64 : i32
        %lt3A_496 = arith.cmpi slt, %add3A_469, %lt3A_495 : i32
        %and3A_497 = arith.andi %gt3A_494, %lt3A_496 : i1
        %convert_element_type3A_498 = arith.extui %and3A_497 : i1 to i32
        %cond3A_499 = arith.constant 0 : i32
        %cond3A_500 = arith.cmpi ne, %convert_element_type3A_498, %cond3A_499 : i32
        scf.if %cond3A_500 {
          %mul3A_662 = arith.constant 80 : i32
          %mul3A_663 = arith.muli %scan3A_50, %mul3A_662 : i32
          %add3A_664 = arith.addi %mul3A_663, %add3A_469 : i32
          %gather3A_665 = tpu.vector_load_idx %arg22[%add3A_472] : memref<8192xf32, #tpu.memory_space<vmem>>[vector<16xi32>], vector<16xf32>,
          %swap3A = arith.index_cast %add3A_664 : i32 to index
          %swap3A_666 = tpu.vector_load %arg30[%swap3A] masked %and3A_487 {strides = array<i32>} : memref<5120xf32, #tpu.memory_space<vmem>>, vector<16xf32>, vector<16xi1>
          tpu.vector_store %arg30[%swap3A], %gather3A_665 masked %and3A_487 {strides = array<i32>} : memref<5120xf32, #tpu.memory_space<vmem>>, vector<16xf32>, vector<16xi1>
          %gather3A_667 = tpu.vector_load_idx %arg23[%add3A_472] : memref<8192xf32, #tpu.memory_space<vmem>>[vector<16xi32>], vector<16xf32>,
          %swap3A_668 = arith.index_cast %add3A_664 : i32 to index
          %swap3A_669 = tpu.vector_load %arg31[%swap3A_668] masked %and3A_487 {strides = array<i32>} : memref<5120xf32, #tpu.memory_space<vmem>>, vector<16xf32>, vector<16xi1>
          tpu.vector_store %arg31[%swap3A_668], %gather3A_667 masked %and3A_487 {strides = array<i32>} : memref<5120xf32, #tpu.memory_space<vmem>>, vector<16xf32>, vector<16xi1>
          %gather3A_670 = tpu.vector_load_idx %arg24[%add3A_472] : memref<8192xf32, #tpu.memory_space<vmem>>[vector<16xi32>], vector<16xf32>,
          %swap3A_671 = arith.index_cast %add3A_664 : i32 to index
          %swap3A_672 = tpu.vector_load %arg32[%swap3A_671] masked %and3A_487 {strides = array<i32>} : memref<5120xf32, #tpu.memory_space<vmem>>, vector<16xf32>, vector<16xi1>
          tpu.vector_store %arg32[%swap3A_671], %gather3A_670 masked %and3A_487 {strides = array<i32>} : memref<5120xf32, #tpu.memory_space<vmem>>, vector<16xf32>, vector<16xi1>
          %swap3A_673 = arith.index_cast %add3A_664 : i32 to index
          %swap3A_674 = tpu.vector_load %arg33[%swap3A_673] masked %and3A_487 {strides = array<i32>} : memref<5120xf32, #tpu.memory_space<vmem>>, vector<16xf32>, vector<16xi1>
          tpu.vector_store %arg33[%swap3A_673], %sub3A_476 masked %and3A_487 {strides = array<i32>} : memref<5120xf32, #tpu.memory_space<vmem>>, vector<16xf32>, vector<16xi1>
          %swap3A_675 = arith.index_cast %add3A_664 : i32 to index
          %swap3A_676 = tpu.vector_load %arg34[%swap3A_675] masked %and3A_487 {strides = array<i32>} : memref<5120xf32, #tpu.memory_space<vmem>>, vector<16xf32>, vector<16xi1>
          tpu.vector_store %arg34[%swap3A_675], %sub3A_477 masked %and3A_487 {strides = array<i32>} : memref<5120xf32, #tpu.memory_space<vmem>>, vector<16xf32>, vector<16xi1>
          %swap3A_677 = arith.index_cast %add3A_664 : i32 to index
          %swap3A_678 = tpu.vector_load %arg35[%swap3A_677] masked %and3A_487 {strides = array<i32>} : memref<5120xf32, #tpu.memory_space<vmem>>, vector<16xf32>, vector<16xi1>
          tpu.vector_store %arg35[%swap3A_677], %sub3A_478 masked %and3A_487 {strides = array<i32>} : memref<5120xf32, #tpu.memory_space<vmem>>, vector<16xf32>, vector<16xi1>
        } else {
        }
        %add3A_501 = arith.addi %add3A_469, %reduce_sum3A_492 : i32
        %add3A_502 = arith.constant 5632 : i32
        %add3A_503 = vector.broadcast %add3A_502 : i32 to vector<16xi32>
        %add3A_504 = arith.addi %select_n3A_153, %add3A_503 : vector<16xi32>
        %gather3A_505 = tpu.vector_load_idx %arg19[%add3A_504] : memref<8192xf32, #tpu.memory_space<vmem>>[vector<16xi32>], vector<16xf32>,
        %gather3A_506 = tpu.vector_load_idx %arg20[%add3A_504] : memref<8192xf32, #tpu.memory_space<vmem>>[vector<16xi32>], vector<16xf32>,
        %gather3A_507 = tpu.vector_load_idx %arg21[%add3A_504] : memref<8192xf32, #tpu.memory_space<vmem>>[vector<16xi32>], vector<16xf32>,
        %sub3A_508 = arith.subf %gather3A_505, %get3A_54 : vector<16xf32>
        %sub3A_509 = arith.subf %gather3A_506, %get3A_58 : vector<16xf32>
        %sub3A_510 = arith.subf %gather3A_507, %get3A_62 : vector<16xf32>
        %mul3A_511 = arith.mulf %sub3A_508, %sub3A_508 : vector<16xf32>
        %mul3A_512 = arith.mulf %sub3A_509, %sub3A_509 : vector<16xf32>
        %add3A_513 = arith.addf %mul3A_511, %mul3A_512 : vector<16xf32>
        %mul3A_514 = arith.mulf %sub3A_510, %sub3A_510 : vector<16xf32>
        %add3A_515 = arith.addf %add3A_513, %mul3A_514 : vector<16xf32>
        %le3A_516 = arith.constant 0.00999999977 : f32
        %le3A_517 = vector.broadcast %le3A_516 : f32 to vector<16xf32>
        %le3A_518 = arith.cmpf ole, %add3A_515, %le3A_517 : vector<16xf32>
        %and3A_519 = arith.andi %le3A_518, %lt3A_150 : vector<16xi1>
        %convert_element_type3A_520 = arith.extui %and3A_519 : vector<16xi1> to vector<16xi32>
        %reduce_sum3A_521 = arith.constant true
        %reduce_sum3A_522 = vector.broadcast %reduce_sum3A_521 : i1 to vector<16xi1>
        %reduce_sum3A_523 = tpu.scan <sum>, %convert_element_type3A_520 masked %reduce_sum3A_522 : vector<16xi32>, vector<16xi1> -> vector<16xi32>
        %reduce_sum3A_524 = vector.extract %reduce_sum3A_523[15] : i32 from vector<16xi32>
        %gt3A_525 = arith.constant 0 : i32
        %gt3A_526 = arith.cmpi sgt, %reduce_sum3A_524, %gt3A_525 : i32
        %lt3A_527 = arith.constant 64 : i32
        %lt3A_528 = arith.cmpi slt, %add3A_501, %lt3A_527 : i32
        %and3A_529 = arith.andi %gt3A_526, %lt3A_528 : i1
        %convert_element_type3A_530 = arith.extui %and3A_529 : i1 to i32
        %cond3A_531 = arith.constant 0 : i32
        %cond3A_532 = arith.cmpi ne, %convert_element_type3A_530, %cond3A_531 : i32
        scf.if %cond3A_532 {
          %mul3A_662 = arith.constant 80 : i32
          %mul3A_663 = arith.muli %scan3A_50, %mul3A_662 : i32
          %add3A_664 = arith.addi %mul3A_663, %add3A_501 : i32
          %gather3A_665 = tpu.vector_load_idx %arg22[%add3A_504] : memref<8192xf32, #tpu.memory_space<vmem>>[vector<16xi32>], vector<16xf32>,
          %swap3A = arith.index_cast %add3A_664 : i32 to index
          %swap3A_666 = tpu.vector_load %arg30[%swap3A] masked %and3A_519 {strides = array<i32>} : memref<5120xf32, #tpu.memory_space<vmem>>, vector<16xf32>, vector<16xi1>
          tpu.vector_store %arg30[%swap3A], %gather3A_665 masked %and3A_519 {strides = array<i32>} : memref<5120xf32, #tpu.memory_space<vmem>>, vector<16xf32>, vector<16xi1>
          %gather3A_667 = tpu.vector_load_idx %arg23[%add3A_504] : memref<8192xf32, #tpu.memory_space<vmem>>[vector<16xi32>], vector<16xf32>,
          %swap3A_668 = arith.index_cast %add3A_664 : i32 to index
          %swap3A_669 = tpu.vector_load %arg31[%swap3A_668] masked %and3A_519 {strides = array<i32>} : memref<5120xf32, #tpu.memory_space<vmem>>, vector<16xf32>, vector<16xi1>
          tpu.vector_store %arg31[%swap3A_668], %gather3A_667 masked %and3A_519 {strides = array<i32>} : memref<5120xf32, #tpu.memory_space<vmem>>, vector<16xf32>, vector<16xi1>
          %gather3A_670 = tpu.vector_load_idx %arg24[%add3A_504] : memref<8192xf32, #tpu.memory_space<vmem>>[vector<16xi32>], vector<16xf32>,
          %swap3A_671 = arith.index_cast %add3A_664 : i32 to index
          %swap3A_672 = tpu.vector_load %arg32[%swap3A_671] masked %and3A_519 {strides = array<i32>} : memref<5120xf32, #tpu.memory_space<vmem>>, vector<16xf32>, vector<16xi1>
          tpu.vector_store %arg32[%swap3A_671], %gather3A_670 masked %and3A_519 {strides = array<i32>} : memref<5120xf32, #tpu.memory_space<vmem>>, vector<16xf32>, vector<16xi1>
          %swap3A_673 = arith.index_cast %add3A_664 : i32 to index
          %swap3A_674 = tpu.vector_load %arg33[%swap3A_673] masked %and3A_519 {strides = array<i32>} : memref<5120xf32, #tpu.memory_space<vmem>>, vector<16xf32>, vector<16xi1>
          tpu.vector_store %arg33[%swap3A_673], %sub3A_508 masked %and3A_519 {strides = array<i32>} : memref<5120xf32, #tpu.memory_space<vmem>>, vector<16xf32>, vector<16xi1>
          %swap3A_675 = arith.index_cast %add3A_664 : i32 to index
          %swap3A_676 = tpu.vector_load %arg34[%swap3A_675] masked %and3A_519 {strides = array<i32>} : memref<5120xf32, #tpu.memory_space<vmem>>, vector<16xf32>, vector<16xi1>
          tpu.vector_store %arg34[%swap3A_675], %sub3A_509 masked %and3A_519 {strides = array<i32>} : memref<5120xf32, #tpu.memory_space<vmem>>, vector<16xf32>, vector<16xi1>
          %swap3A_677 = arith.index_cast %add3A_664 : i32 to index
          %swap3A_678 = tpu.vector_load %arg35[%swap3A_677] masked %and3A_519 {strides = array<i32>} : memref<5120xf32, #tpu.memory_space<vmem>>, vector<16xf32>, vector<16xi1>
          tpu.vector_store %arg35[%swap3A_677], %sub3A_510 masked %and3A_519 {strides = array<i32>} : memref<5120xf32, #tpu.memory_space<vmem>>, vector<16xf32>, vector<16xi1>
        } else {
        }
        %add3A_533 = arith.addi %add3A_501, %reduce_sum3A_524 : i32
        %add3A_534 = arith.constant 6144 : i32
        %add3A_535 = vector.broadcast %add3A_534 : i32 to vector<16xi32>
        %add3A_536 = arith.addi %select_n3A_153, %add3A_535 : vector<16xi32>
        %gather3A_537 = tpu.vector_load_idx %arg19[%add3A_536] : memref<8192xf32, #tpu.memory_space<vmem>>[vector<16xi32>], vector<16xf32>,
        %gather3A_538 = tpu.vector_load_idx %arg20[%add3A_536] : memref<8192xf32, #tpu.memory_space<vmem>>[vector<16xi32>], vector<16xf32>,
        %gather3A_539 = tpu.vector_load_idx %arg21[%add3A_536] : memref<8192xf32, #tpu.memory_space<vmem>>[vector<16xi32>], vector<16xf32>,
        %sub3A_540 = arith.subf %gather3A_537, %get3A_54 : vector<16xf32>
        %sub3A_541 = arith.subf %gather3A_538, %get3A_58 : vector<16xf32>
        %sub3A_542 = arith.subf %gather3A_539, %get3A_62 : vector<16xf32>
        %mul3A_543 = arith.mulf %sub3A_540, %sub3A_540 : vector<16xf32>
        %mul3A_544 = arith.mulf %sub3A_541, %sub3A_541 : vector<16xf32>
        %add3A_545 = arith.addf %mul3A_543, %mul3A_544 : vector<16xf32>
        %mul3A_546 = arith.mulf %sub3A_542, %sub3A_542 : vector<16xf32>
        %add3A_547 = arith.addf %add3A_545, %mul3A_546 : vector<16xf32>
        %le3A_548 = arith.constant 0.00999999977 : f32
        %le3A_549 = vector.broadcast %le3A_548 : f32 to vector<16xf32>
        %le3A_550 = arith.cmpf ole, %add3A_547, %le3A_549 : vector<16xf32>
        %and3A_551 = arith.andi %le3A_550, %lt3A_150 : vector<16xi1>
        %convert_element_type3A_552 = arith.extui %and3A_551 : vector<16xi1> to vector<16xi32>
        %reduce_sum3A_553 = arith.constant true
        %reduce_sum3A_554 = vector.broadcast %reduce_sum3A_553 : i1 to vector<16xi1>
        %reduce_sum3A_555 = tpu.scan <sum>, %convert_element_type3A_552 masked %reduce_sum3A_554 : vector<16xi32>, vector<16xi1> -> vector<16xi32>
        %reduce_sum3A_556 = vector.extract %reduce_sum3A_555[15] : i32 from vector<16xi32>
        %gt3A_557 = arith.constant 0 : i32
        %gt3A_558 = arith.cmpi sgt, %reduce_sum3A_556, %gt3A_557 : i32
        %lt3A_559 = arith.constant 64 : i32
        %lt3A_560 = arith.cmpi slt, %add3A_533, %lt3A_559 : i32
        %and3A_561 = arith.andi %gt3A_558, %lt3A_560 : i1
        %convert_element_type3A_562 = arith.extui %and3A_561 : i1 to i32
        %cond3A_563 = arith.constant 0 : i32
        %cond3A_564 = arith.cmpi ne, %convert_element_type3A_562, %cond3A_563 : i32
        scf.if %cond3A_564 {
          %mul3A_662 = arith.constant 80 : i32
          %mul3A_663 = arith.muli %scan3A_50, %mul3A_662 : i32
          %add3A_664 = arith.addi %mul3A_663, %add3A_533 : i32
          %gather3A_665 = tpu.vector_load_idx %arg22[%add3A_536] : memref<8192xf32, #tpu.memory_space<vmem>>[vector<16xi32>], vector<16xf32>,
          %swap3A = arith.index_cast %add3A_664 : i32 to index
          %swap3A_666 = tpu.vector_load %arg30[%swap3A] masked %and3A_551 {strides = array<i32>} : memref<5120xf32, #tpu.memory_space<vmem>>, vector<16xf32>, vector<16xi1>
          tpu.vector_store %arg30[%swap3A], %gather3A_665 masked %and3A_551 {strides = array<i32>} : memref<5120xf32, #tpu.memory_space<vmem>>, vector<16xf32>, vector<16xi1>
          %gather3A_667 = tpu.vector_load_idx %arg23[%add3A_536] : memref<8192xf32, #tpu.memory_space<vmem>>[vector<16xi32>], vector<16xf32>,
          %swap3A_668 = arith.index_cast %add3A_664 : i32 to index
          %swap3A_669 = tpu.vector_load %arg31[%swap3A_668] masked %and3A_551 {strides = array<i32>} : memref<5120xf32, #tpu.memory_space<vmem>>, vector<16xf32>, vector<16xi1>
          tpu.vector_store %arg31[%swap3A_668], %gather3A_667 masked %and3A_551 {strides = array<i32>} : memref<5120xf32, #tpu.memory_space<vmem>>, vector<16xf32>, vector<16xi1>
          %gather3A_670 = tpu.vector_load_idx %arg24[%add3A_536] : memref<8192xf32, #tpu.memory_space<vmem>>[vector<16xi32>], vector<16xf32>,
          %swap3A_671 = arith.index_cast %add3A_664 : i32 to index
          %swap3A_672 = tpu.vector_load %arg32[%swap3A_671] masked %and3A_551 {strides = array<i32>} : memref<5120xf32, #tpu.memory_space<vmem>>, vector<16xf32>, vector<16xi1>
          tpu.vector_store %arg32[%swap3A_671], %gather3A_670 masked %and3A_551 {strides = array<i32>} : memref<5120xf32, #tpu.memory_space<vmem>>, vector<16xf32>, vector<16xi1>
          %swap3A_673 = arith.index_cast %add3A_664 : i32 to index
          %swap3A_674 = tpu.vector_load %arg33[%swap3A_673] masked %and3A_551 {strides = array<i32>} : memref<5120xf32, #tpu.memory_space<vmem>>, vector<16xf32>, vector<16xi1>
          tpu.vector_store %arg33[%swap3A_673], %sub3A_540 masked %and3A_551 {strides = array<i32>} : memref<5120xf32, #tpu.memory_space<vmem>>, vector<16xf32>, vector<16xi1>
          %swap3A_675 = arith.index_cast %add3A_664 : i32 to index
          %swap3A_676 = tpu.vector_load %arg34[%swap3A_675] masked %and3A_551 {strides = array<i32>} : memref<5120xf32, #tpu.memory_space<vmem>>, vector<16xf32>, vector<16xi1>
          tpu.vector_store %arg34[%swap3A_675], %sub3A_541 masked %and3A_551 {strides = array<i32>} : memref<5120xf32, #tpu.memory_space<vmem>>, vector<16xf32>, vector<16xi1>
          %swap3A_677 = arith.index_cast %add3A_664 : i32 to index
          %swap3A_678 = tpu.vector_load %arg35[%swap3A_677] masked %and3A_551 {strides = array<i32>} : memref<5120xf32, #tpu.memory_space<vmem>>, vector<16xf32>, vector<16xi1>
          tpu.vector_store %arg35[%swap3A_677], %sub3A_542 masked %and3A_551 {strides = array<i32>} : memref<5120xf32, #tpu.memory_space<vmem>>, vector<16xf32>, vector<16xi1>
        } else {
        }
        %add3A_565 = arith.addi %add3A_533, %reduce_sum3A_556 : i32
        %add3A_566 = arith.constant 6656 : i32
        %add3A_567 = vector.broadcast %add3A_566 : i32 to vector<16xi32>
        %add3A_568 = arith.addi %select_n3A_153, %add3A_567 : vector<16xi32>
        %gather3A_569 = tpu.vector_load_idx %arg19[%add3A_568] : memref<8192xf32, #tpu.memory_space<vmem>>[vector<16xi32>], vector<16xf32>,
        %gather3A_570 = tpu.vector_load_idx %arg20[%add3A_568] : memref<8192xf32, #tpu.memory_space<vmem>>[vector<16xi32>], vector<16xf32>,
        %gather3A_571 = tpu.vector_load_idx %arg21[%add3A_568] : memref<8192xf32, #tpu.memory_space<vmem>>[vector<16xi32>], vector<16xf32>,
        %sub3A_572 = arith.subf %gather3A_569, %get3A_54 : vector<16xf32>
        %sub3A_573 = arith.subf %gather3A_570, %get3A_58 : vector<16xf32>
        %sub3A_574 = arith.subf %gather3A_571, %get3A_62 : vector<16xf32>
        %mul3A_575 = arith.mulf %sub3A_572, %sub3A_572 : vector<16xf32>
        %mul3A_576 = arith.mulf %sub3A_573, %sub3A_573 : vector<16xf32>
        %add3A_577 = arith.addf %mul3A_575, %mul3A_576 : vector<16xf32>
        %mul3A_578 = arith.mulf %sub3A_574, %sub3A_574 : vector<16xf32>
        %add3A_579 = arith.addf %add3A_577, %mul3A_578 : vector<16xf32>
        %le3A_580 = arith.constant 0.00999999977 : f32
        %le3A_581 = vector.broadcast %le3A_580 : f32 to vector<16xf32>
        %le3A_582 = arith.cmpf ole, %add3A_579, %le3A_581 : vector<16xf32>
        %and3A_583 = arith.andi %le3A_582, %lt3A_150 : vector<16xi1>
        %convert_element_type3A_584 = arith.extui %and3A_583 : vector<16xi1> to vector<16xi32>
        %reduce_sum3A_585 = arith.constant true
        %reduce_sum3A_586 = vector.broadcast %reduce_sum3A_585 : i1 to vector<16xi1>
        %reduce_sum3A_587 = tpu.scan <sum>, %convert_element_type3A_584 masked %reduce_sum3A_586 : vector<16xi32>, vector<16xi1> -> vector<16xi32>
        %reduce_sum3A_588 = vector.extract %reduce_sum3A_587[15] : i32 from vector<16xi32>
        %gt3A_589 = arith.constant 0 : i32
        %gt3A_590 = arith.cmpi sgt, %reduce_sum3A_588, %gt3A_589 : i32
        %lt3A_591 = arith.constant 64 : i32
        %lt3A_592 = arith.cmpi slt, %add3A_565, %lt3A_591 : i32
        %and3A_593 = arith.andi %gt3A_590, %lt3A_592 : i1
        %convert_element_type3A_594 = arith.extui %and3A_593 : i1 to i32
        %cond3A_595 = arith.constant 0 : i32
        %cond3A_596 = arith.cmpi ne, %convert_element_type3A_594, %cond3A_595 : i32
        scf.if %cond3A_596 {
          %mul3A_662 = arith.constant 80 : i32
          %mul3A_663 = arith.muli %scan3A_50, %mul3A_662 : i32
          %add3A_664 = arith.addi %mul3A_663, %add3A_565 : i32
          %gather3A_665 = tpu.vector_load_idx %arg22[%add3A_568] : memref<8192xf32, #tpu.memory_space<vmem>>[vector<16xi32>], vector<16xf32>,
          %swap3A = arith.index_cast %add3A_664 : i32 to index
          %swap3A_666 = tpu.vector_load %arg30[%swap3A] masked %and3A_583 {strides = array<i32>} : memref<5120xf32, #tpu.memory_space<vmem>>, vector<16xf32>, vector<16xi1>
          tpu.vector_store %arg30[%swap3A], %gather3A_665 masked %and3A_583 {strides = array<i32>} : memref<5120xf32, #tpu.memory_space<vmem>>, vector<16xf32>, vector<16xi1>
          %gather3A_667 = tpu.vector_load_idx %arg23[%add3A_568] : memref<8192xf32, #tpu.memory_space<vmem>>[vector<16xi32>], vector<16xf32>,
          %swap3A_668 = arith.index_cast %add3A_664 : i32 to index
          %swap3A_669 = tpu.vector_load %arg31[%swap3A_668] masked %and3A_583 {strides = array<i32>} : memref<5120xf32, #tpu.memory_space<vmem>>, vector<16xf32>, vector<16xi1>
          tpu.vector_store %arg31[%swap3A_668], %gather3A_667 masked %and3A_583 {strides = array<i32>} : memref<5120xf32, #tpu.memory_space<vmem>>, vector<16xf32>, vector<16xi1>
          %gather3A_670 = tpu.vector_load_idx %arg24[%add3A_568] : memref<8192xf32, #tpu.memory_space<vmem>>[vector<16xi32>], vector<16xf32>,
          %swap3A_671 = arith.index_cast %add3A_664 : i32 to index
          %swap3A_672 = tpu.vector_load %arg32[%swap3A_671] masked %and3A_583 {strides = array<i32>} : memref<5120xf32, #tpu.memory_space<vmem>>, vector<16xf32>, vector<16xi1>
          tpu.vector_store %arg32[%swap3A_671], %gather3A_670 masked %and3A_583 {strides = array<i32>} : memref<5120xf32, #tpu.memory_space<vmem>>, vector<16xf32>, vector<16xi1>
          %swap3A_673 = arith.index_cast %add3A_664 : i32 to index
          %swap3A_674 = tpu.vector_load %arg33[%swap3A_673] masked %and3A_583 {strides = array<i32>} : memref<5120xf32, #tpu.memory_space<vmem>>, vector<16xf32>, vector<16xi1>
          tpu.vector_store %arg33[%swap3A_673], %sub3A_572 masked %and3A_583 {strides = array<i32>} : memref<5120xf32, #tpu.memory_space<vmem>>, vector<16xf32>, vector<16xi1>
          %swap3A_675 = arith.index_cast %add3A_664 : i32 to index
          %swap3A_676 = tpu.vector_load %arg34[%swap3A_675] masked %and3A_583 {strides = array<i32>} : memref<5120xf32, #tpu.memory_space<vmem>>, vector<16xf32>, vector<16xi1>
          tpu.vector_store %arg34[%swap3A_675], %sub3A_573 masked %and3A_583 {strides = array<i32>} : memref<5120xf32, #tpu.memory_space<vmem>>, vector<16xf32>, vector<16xi1>
          %swap3A_677 = arith.index_cast %add3A_664 : i32 to index
          %swap3A_678 = tpu.vector_load %arg35[%swap3A_677] masked %and3A_583 {strides = array<i32>} : memref<5120xf32, #tpu.memory_space<vmem>>, vector<16xf32>, vector<16xi1>
          tpu.vector_store %arg35[%swap3A_677], %sub3A_574 masked %and3A_583 {strides = array<i32>} : memref<5120xf32, #tpu.memory_space<vmem>>, vector<16xf32>, vector<16xi1>
        } else {
        }
        %add3A_597 = arith.addi %add3A_565, %reduce_sum3A_588 : i32
        %add3A_598 = arith.constant 7168 : i32
        %add3A_599 = vector.broadcast %add3A_598 : i32 to vector<16xi32>
        %add3A_600 = arith.addi %select_n3A_153, %add3A_599 : vector<16xi32>
        %gather3A_601 = tpu.vector_load_idx %arg19[%add3A_600] : memref<8192xf32, #tpu.memory_space<vmem>>[vector<16xi32>], vector<16xf32>,
        %gather3A_602 = tpu.vector_load_idx %arg20[%add3A_600] : memref<8192xf32, #tpu.memory_space<vmem>>[vector<16xi32>], vector<16xf32>,
        %gather3A_603 = tpu.vector_load_idx %arg21[%add3A_600] : memref<8192xf32, #tpu.memory_space<vmem>>[vector<16xi32>], vector<16xf32>,
        %sub3A_604 = arith.subf %gather3A_601, %get3A_54 : vector<16xf32>
        %sub3A_605 = arith.subf %gather3A_602, %get3A_58 : vector<16xf32>
        %sub3A_606 = arith.subf %gather3A_603, %get3A_62 : vector<16xf32>
        %mul3A_607 = arith.mulf %sub3A_604, %sub3A_604 : vector<16xf32>
        %mul3A_608 = arith.mulf %sub3A_605, %sub3A_605 : vector<16xf32>
        %add3A_609 = arith.addf %mul3A_607, %mul3A_608 : vector<16xf32>
        %mul3A_610 = arith.mulf %sub3A_606, %sub3A_606 : vector<16xf32>
        %add3A_611 = arith.addf %add3A_609, %mul3A_610 : vector<16xf32>
        %le3A_612 = arith.constant 0.00999999977 : f32
        %le3A_613 = vector.broadcast %le3A_612 : f32 to vector<16xf32>
        %le3A_614 = arith.cmpf ole, %add3A_611, %le3A_613 : vector<16xf32>
        %and3A_615 = arith.andi %le3A_614, %lt3A_150 : vector<16xi1>
        %convert_element_type3A_616 = arith.extui %and3A_615 : vector<16xi1> to vector<16xi32>
        %reduce_sum3A_617 = arith.constant true
        %reduce_sum3A_618 = vector.broadcast %reduce_sum3A_617 : i1 to vector<16xi1>
        %reduce_sum3A_619 = tpu.scan <sum>, %convert_element_type3A_616 masked %reduce_sum3A_618 : vector<16xi32>, vector<16xi1> -> vector<16xi32>
        %reduce_sum3A_620 = vector.extract %reduce_sum3A_619[15] : i32 from vector<16xi32>
        %gt3A_621 = arith.constant 0 : i32
        %gt3A_622 = arith.cmpi sgt, %reduce_sum3A_620, %gt3A_621 : i32
        %lt3A_623 = arith.constant 64 : i32
        %lt3A_624 = arith.cmpi slt, %add3A_597, %lt3A_623 : i32
        %and3A_625 = arith.andi %gt3A_622, %lt3A_624 : i1
        %convert_element_type3A_626 = arith.extui %and3A_625 : i1 to i32
        %cond3A_627 = arith.constant 0 : i32
        %cond3A_628 = arith.cmpi ne, %convert_element_type3A_626, %cond3A_627 : i32
        scf.if %cond3A_628 {
          %mul3A_662 = arith.constant 80 : i32
          %mul3A_663 = arith.muli %scan3A_50, %mul3A_662 : i32
          %add3A_664 = arith.addi %mul3A_663, %add3A_597 : i32
          %gather3A_665 = tpu.vector_load_idx %arg22[%add3A_600] : memref<8192xf32, #tpu.memory_space<vmem>>[vector<16xi32>], vector<16xf32>,
          %swap3A = arith.index_cast %add3A_664 : i32 to index
          %swap3A_666 = tpu.vector_load %arg30[%swap3A] masked %and3A_615 {strides = array<i32>} : memref<5120xf32, #tpu.memory_space<vmem>>, vector<16xf32>, vector<16xi1>
          tpu.vector_store %arg30[%swap3A], %gather3A_665 masked %and3A_615 {strides = array<i32>} : memref<5120xf32, #tpu.memory_space<vmem>>, vector<16xf32>, vector<16xi1>
          %gather3A_667 = tpu.vector_load_idx %arg23[%add3A_600] : memref<8192xf32, #tpu.memory_space<vmem>>[vector<16xi32>], vector<16xf32>,
          %swap3A_668 = arith.index_cast %add3A_664 : i32 to index
          %swap3A_669 = tpu.vector_load %arg31[%swap3A_668] masked %and3A_615 {strides = array<i32>} : memref<5120xf32, #tpu.memory_space<vmem>>, vector<16xf32>, vector<16xi1>
          tpu.vector_store %arg31[%swap3A_668], %gather3A_667 masked %and3A_615 {strides = array<i32>} : memref<5120xf32, #tpu.memory_space<vmem>>, vector<16xf32>, vector<16xi1>
          %gather3A_670 = tpu.vector_load_idx %arg24[%add3A_600] : memref<8192xf32, #tpu.memory_space<vmem>>[vector<16xi32>], vector<16xf32>,
          %swap3A_671 = arith.index_cast %add3A_664 : i32 to index
          %swap3A_672 = tpu.vector_load %arg32[%swap3A_671] masked %and3A_615 {strides = array<i32>} : memref<5120xf32, #tpu.memory_space<vmem>>, vector<16xf32>, vector<16xi1>
          tpu.vector_store %arg32[%swap3A_671], %gather3A_670 masked %and3A_615 {strides = array<i32>} : memref<5120xf32, #tpu.memory_space<vmem>>, vector<16xf32>, vector<16xi1>
          %swap3A_673 = arith.index_cast %add3A_664 : i32 to index
          %swap3A_674 = tpu.vector_load %arg33[%swap3A_673] masked %and3A_615 {strides = array<i32>} : memref<5120xf32, #tpu.memory_space<vmem>>, vector<16xf32>, vector<16xi1>
          tpu.vector_store %arg33[%swap3A_673], %sub3A_604 masked %and3A_615 {strides = array<i32>} : memref<5120xf32, #tpu.memory_space<vmem>>, vector<16xf32>, vector<16xi1>
          %swap3A_675 = arith.index_cast %add3A_664 : i32 to index
          %swap3A_676 = tpu.vector_load %arg34[%swap3A_675] masked %and3A_615 {strides = array<i32>} : memref<5120xf32, #tpu.memory_space<vmem>>, vector<16xf32>, vector<16xi1>
          tpu.vector_store %arg34[%swap3A_675], %sub3A_605 masked %and3A_615 {strides = array<i32>} : memref<5120xf32, #tpu.memory_space<vmem>>, vector<16xf32>, vector<16xi1>
          %swap3A_677 = arith.index_cast %add3A_664 : i32 to index
          %swap3A_678 = tpu.vector_load %arg35[%swap3A_677] masked %and3A_615 {strides = array<i32>} : memref<5120xf32, #tpu.memory_space<vmem>>, vector<16xf32>, vector<16xi1>
          tpu.vector_store %arg35[%swap3A_677], %sub3A_606 masked %and3A_615 {strides = array<i32>} : memref<5120xf32, #tpu.memory_space<vmem>>, vector<16xf32>, vector<16xi1>
        } else {
        }
        %add3A_629 = arith.addi %add3A_597, %reduce_sum3A_620 : i32
        %add3A_630 = arith.constant 7680 : i32
        %add3A_631 = vector.broadcast %add3A_630 : i32 to vector<16xi32>
        %add3A_632 = arith.addi %select_n3A_153, %add3A_631 : vector<16xi32>
        %gather3A_633 = tpu.vector_load_idx %arg19[%add3A_632] : memref<8192xf32, #tpu.memory_space<vmem>>[vector<16xi32>], vector<16xf32>,
        %gather3A_634 = tpu.vector_load_idx %arg20[%add3A_632] : memref<8192xf32, #tpu.memory_space<vmem>>[vector<16xi32>], vector<16xf32>,
        %gather3A_635 = tpu.vector_load_idx %arg21[%add3A_632] : memref<8192xf32, #tpu.memory_space<vmem>>[vector<16xi32>], vector<16xf32>,
        %sub3A_636 = arith.subf %gather3A_633, %get3A_54 : vector<16xf32>
        %sub3A_637 = arith.subf %gather3A_634, %get3A_58 : vector<16xf32>
        %sub3A_638 = arith.subf %gather3A_635, %get3A_62 : vector<16xf32>
        %mul3A_639 = arith.mulf %sub3A_636, %sub3A_636 : vector<16xf32>
        %mul3A_640 = arith.mulf %sub3A_637, %sub3A_637 : vector<16xf32>
        %add3A_641 = arith.addf %mul3A_639, %mul3A_640 : vector<16xf32>
        %mul3A_642 = arith.mulf %sub3A_638, %sub3A_638 : vector<16xf32>
        %add3A_643 = arith.addf %add3A_641, %mul3A_642 : vector<16xf32>
        %le3A_644 = arith.constant 0.00999999977 : f32
        %le3A_645 = vector.broadcast %le3A_644 : f32 to vector<16xf32>
        %le3A_646 = arith.cmpf ole, %add3A_643, %le3A_645 : vector<16xf32>
        %and3A_647 = arith.andi %le3A_646, %lt3A_150 : vector<16xi1>
        %convert_element_type3A_648 = arith.extui %and3A_647 : vector<16xi1> to vector<16xi32>
        %reduce_sum3A_649 = arith.constant true
        %reduce_sum3A_650 = vector.broadcast %reduce_sum3A_649 : i1 to vector<16xi1>
        %reduce_sum3A_651 = tpu.scan <sum>, %convert_element_type3A_648 masked %reduce_sum3A_650 : vector<16xi32>, vector<16xi1> -> vector<16xi32>
        %reduce_sum3A_652 = vector.extract %reduce_sum3A_651[15] : i32 from vector<16xi32>
        %gt3A_653 = arith.constant 0 : i32
        %gt3A_654 = arith.cmpi sgt, %reduce_sum3A_652, %gt3A_653 : i32
        %lt3A_655 = arith.constant 64 : i32
        %lt3A_656 = arith.cmpi slt, %add3A_629, %lt3A_655 : i32
        %and3A_657 = arith.andi %gt3A_654, %lt3A_656 : i1
        %convert_element_type3A_658 = arith.extui %and3A_657 : i1 to i32
        %cond3A_659 = arith.constant 0 : i32
        %cond3A_660 = arith.cmpi ne, %convert_element_type3A_658, %cond3A_659 : i32
        scf.if %cond3A_660 {
          %mul3A_662 = arith.constant 80 : i32
          %mul3A_663 = arith.muli %scan3A_50, %mul3A_662 : i32
          %add3A_664 = arith.addi %mul3A_663, %add3A_629 : i32
          %gather3A_665 = tpu.vector_load_idx %arg22[%add3A_632] : memref<8192xf32, #tpu.memory_space<vmem>>[vector<16xi32>], vector<16xf32>,
          %swap3A = arith.index_cast %add3A_664 : i32 to index
          %swap3A_666 = tpu.vector_load %arg30[%swap3A] masked %and3A_647 {strides = array<i32>} : memref<5120xf32, #tpu.memory_space<vmem>>, vector<16xf32>, vector<16xi1>
          tpu.vector_store %arg30[%swap3A], %gather3A_665 masked %and3A_647 {strides = array<i32>} : memref<5120xf32, #tpu.memory_space<vmem>>, vector<16xf32>, vector<16xi1>
          %gather3A_667 = tpu.vector_load_idx %arg23[%add3A_632] : memref<8192xf32, #tpu.memory_space<vmem>>[vector<16xi32>], vector<16xf32>,
          %swap3A_668 = arith.index_cast %add3A_664 : i32 to index
          %swap3A_669 = tpu.vector_load %arg31[%swap3A_668] masked %and3A_647 {strides = array<i32>} : memref<5120xf32, #tpu.memory_space<vmem>>, vector<16xf32>, vector<16xi1>
          tpu.vector_store %arg31[%swap3A_668], %gather3A_667 masked %and3A_647 {strides = array<i32>} : memref<5120xf32, #tpu.memory_space<vmem>>, vector<16xf32>, vector<16xi1>
          %gather3A_670 = tpu.vector_load_idx %arg24[%add3A_632] : memref<8192xf32, #tpu.memory_space<vmem>>[vector<16xi32>], vector<16xf32>,
          %swap3A_671 = arith.index_cast %add3A_664 : i32 to index
          %swap3A_672 = tpu.vector_load %arg32[%swap3A_671] masked %and3A_647 {strides = array<i32>} : memref<5120xf32, #tpu.memory_space<vmem>>, vector<16xf32>, vector<16xi1>
          tpu.vector_store %arg32[%swap3A_671], %gather3A_670 masked %and3A_647 {strides = array<i32>} : memref<5120xf32, #tpu.memory_space<vmem>>, vector<16xf32>, vector<16xi1>
          %swap3A_673 = arith.index_cast %add3A_664 : i32 to index
          %swap3A_674 = tpu.vector_load %arg33[%swap3A_673] masked %and3A_647 {strides = array<i32>} : memref<5120xf32, #tpu.memory_space<vmem>>, vector<16xf32>, vector<16xi1>
          tpu.vector_store %arg33[%swap3A_673], %sub3A_636 masked %and3A_647 {strides = array<i32>} : memref<5120xf32, #tpu.memory_space<vmem>>, vector<16xf32>, vector<16xi1>
          %swap3A_675 = arith.index_cast %add3A_664 : i32 to index
          %swap3A_676 = tpu.vector_load %arg34[%swap3A_675] masked %and3A_647 {strides = array<i32>} : memref<5120xf32, #tpu.memory_space<vmem>>, vector<16xf32>, vector<16xi1>
          tpu.vector_store %arg34[%swap3A_675], %sub3A_637 masked %and3A_647 {strides = array<i32>} : memref<5120xf32, #tpu.memory_space<vmem>>, vector<16xf32>, vector<16xi1>
          %swap3A_677 = arith.index_cast %add3A_664 : i32 to index
          %swap3A_678 = tpu.vector_load %arg35[%swap3A_677] masked %and3A_647 {strides = array<i32>} : memref<5120xf32, #tpu.memory_space<vmem>>, vector<16xf32>, vector<16xi1>
          tpu.vector_store %arg35[%swap3A_677], %sub3A_638 masked %and3A_647 {strides = array<i32>} : memref<5120xf32, #tpu.memory_space<vmem>>, vector<16xf32>, vector<16xi1>
        } else {
        }
        %add3A_661 = arith.addi %add3A_629, %reduce_sum3A_652 : i32
        scf.yield %add3A_661 : i32
      }
      %jit3A_100 = arith.constant 16 : i32
      %eq3A = arith.constant 0 : i32
      %eq3A_101 = arith.cmpi eq, %jit3A_100, %eq3A : i32
      %jit3A_102 = arith.constant 1 : i32
      %select_n3A_103 = arith.select %eq3A_101, %jit3A_102, %jit3A_100 : i32
      %rem3A_104 = arith.remsi %scan3A_50, %select_n3A_103 : i32
      %ne3A_105 = arith.constant 0 : i32
      %ne3A_106 = arith.cmpi ne, %rem3A_104, %ne3A_105 : i32
      %lt3A = arith.constant 0 : i32
      %lt3A_107 = arith.cmpi slt, %rem3A_104, %lt3A : i32
      %lt3A_108 = arith.constant 0 : i32
      %lt3A_109 = arith.cmpi slt, %select_n3A_103, %lt3A_108 : i32
      %ne3A_110 = arith.xori %lt3A_107, %lt3A_109 : i1
      %and3A_111 = arith.andi %ne3A_110, %ne3A_106 : i1
      %add3A_112 = arith.addi %rem3A_104, %select_n3A_103 : i32
      %select_n3A_113 = arith.select %and3A_111, %add3A_112, %rem3A_104 : i32
      %eq3A_114 = vector.broadcast %select_n3A_113 : i32 to vector<16xi32>
      %eq3A_115 = arith.cmpi eq, %iota3A, %eq3A_114 : vector<16xi32>
      %min3A_116 = arith.constant 64 : i32
      %min3A_117 = arith.minsi %while3A_99, %min3A_116 : i32
      %broadcast_in_dim3A_118 = vector.broadcast %min3A_117 : i32 to vector<16xi32>
      %select_n3A_119 = arith.select %eq3A_115, %broadcast_in_dim3A_118, %scan3A_51 : vector<16xi1>, vector<16xi32>
      %jit3A_120 = arith.constant 16 : i32
      %eq3A_121 = arith.constant 0 : i32
      %eq3A_122 = arith.cmpi eq, %jit3A_120, %eq3A_121 : i32
      %jit3A_123 = arith.constant 1 : i32
      %select_n3A_124 = arith.select %eq3A_122, %jit3A_123, %jit3A_120 : i32
      %rem3A_125 = arith.remsi %scan3A_50, %select_n3A_124 : i32
      %ne3A_126 = arith.constant 0 : i32
      %ne3A_127 = arith.cmpi ne, %rem3A_125, %ne3A_126 : i32
      %lt3A_128 = arith.constant 0 : i32
      %lt3A_129 = arith.cmpi slt, %rem3A_125, %lt3A_128 : i32
      %lt3A_130 = arith.constant 0 : i32
      %lt3A_131 = arith.cmpi slt, %select_n3A_124, %lt3A_130 : i32
      %ne3A_132 = arith.xori %lt3A_129, %lt3A_131 : i1
      %and3A_133 = arith.andi %ne3A_132, %ne3A_127 : i1
      %add3A_134 = arith.addi %rem3A_125, %select_n3A_124 : i32
      %select_n3A_135 = arith.select %and3A_133, %add3A_134, %rem3A_125 : i32
      %eq3A_136 = arith.constant 15 : i32
      %eq3A_137 = arith.cmpi eq, %select_n3A_135, %eq3A_136 : i32
      %convert_element_type3A = arith.extui %eq3A_137 : i1 to i32
      %cond3A = arith.constant 0 : i32
      %cond3A_138 = arith.cmpi ne, %convert_element_type3A, %cond3A : i32
      scf.if %cond3A_138 {
        %sub3A_139 = arith.constant 15 : i32
        %sub3A_140 = arith.subi %scan3A_50, %sub3A_139 : i32
        %swap3A = arith.index_cast %sub3A_140 : i32 to index
        %swap3A_141 = tpu.vector_load %arg36[%swap3A] {strides = array<i32>} : memref<64xi32, #tpu.memory_space<vmem>>, vector<16xi32>,
        tpu.vector_store %arg36[%swap3A], %select_n3A_119 {strides = array<i32>} : memref<64xi32, #tpu.memory_space<vmem>>, vector<16xi32>,
      } else {
      }
      scf.yield %select_n3A_119 : vector<16xi32>
    }
    %scan3A_23 = arith.constant 64 : i32
    %mul3A_24 = arith.constant 64 : i32
    %mul3A_25 = arith.muli %add3A, %mul3A_24 : i32
    %mul3A_26 = arith.constant 80 : i32
    %mul3A_27 = arith.muli %mul3A_25, %mul3A_26 : i32
    "tpu.region"() ({
      %run_scoped3A = tpu.sem_alloc : memref<!tpu.dma_semaphore, #tpu.memory_space<semaphore_mem>>
      %dma_start3A = tpu.memref_slice %arg12[%mul3A_27] : memref<163840xf32, #tpu.memory_space<hbm>> -> memref<5120xf32, #tpu.memory_space<hbm>>
      %dma_start3A_50 = tpu.memref_slice %arg12[%mul3A_27] : memref<163840xf32, #tpu.memory_space<hbm>> -> memref<5120xf32, #tpu.memory_space<hbm>>
      tpu.enqueue_dma source(%arg30 : memref<5120xf32, #tpu.memory_space<vmem>>) target(%dma_start3A_50 : memref<5120xf32, #tpu.memory_space<hbm>>) target_semaphore(%run_scoped3A : memref<!tpu.dma_semaphore, #tpu.memory_space<semaphore_mem>>)
      %dma_wait3A = tpu.memref_slice %arg12[%mul3A_27] : memref<163840xf32, #tpu.memory_space<hbm>> -> memref<5120xf32, #tpu.memory_space<hbm>>
      %dma_wait3A_51 = tpu.memref_slice %arg12[%mul3A_27] : memref<163840xf32, #tpu.memory_space<hbm>> -> memref<5120xf32, #tpu.memory_space<hbm>>
      tpu.wait_dma2 semaphore(%run_scoped3A : memref<!tpu.dma_semaphore, #tpu.memory_space<semaphore_mem>>) src(%arg30 : memref<5120xf32, #tpu.memory_space<vmem>>) dst(%dma_wait3A_51 : memref<5120xf32, #tpu.memory_space<hbm>>)
      tpu.yield
    }) : () -> ()
    %mul3A_28 = arith.constant 64 : i32
    %mul3A_29 = arith.muli %add3A, %mul3A_28 : i32
    %mul3A_30 = arith.constant 80 : i32
    %mul3A_31 = arith.muli %mul3A_29, %mul3A_30 : i32
    "tpu.region"() ({
      %run_scoped3A = tpu.sem_alloc : memref<!tpu.dma_semaphore, #tpu.memory_space<semaphore_mem>>
      %dma_start3A = tpu.memref_slice %arg13[%mul3A_31] : memref<163840xf32, #tpu.memory_space<hbm>> -> memref<5120xf32, #tpu.memory_space<hbm>>
      %dma_start3A_50 = tpu.memref_slice %arg13[%mul3A_31] : memref<163840xf32, #tpu.memory_space<hbm>> -> memref<5120xf32, #tpu.memory_space<hbm>>
      tpu.enqueue_dma source(%arg31 : memref<5120xf32, #tpu.memory_space<vmem>>) target(%dma_start3A_50 : memref<5120xf32, #tpu.memory_space<hbm>>) target_semaphore(%run_scoped3A : memref<!tpu.dma_semaphore, #tpu.memory_space<semaphore_mem>>)
      %dma_wait3A = tpu.memref_slice %arg13[%mul3A_31] : memref<163840xf32, #tpu.memory_space<hbm>> -> memref<5120xf32, #tpu.memory_space<hbm>>
      %dma_wait3A_51 = tpu.memref_slice %arg13[%mul3A_31] : memref<163840xf32, #tpu.memory_space<hbm>> -> memref<5120xf32, #tpu.memory_space<hbm>>
      tpu.wait_dma2 semaphore(%run_scoped3A : memref<!tpu.dma_semaphore, #tpu.memory_space<semaphore_mem>>) src(%arg31 : memref<5120xf32, #tpu.memory_space<vmem>>) dst(%dma_wait3A_51 : memref<5120xf32, #tpu.memory_space<hbm>>)
      tpu.yield
    }) : () -> ()
    %mul3A_32 = arith.constant 64 : i32
    %mul3A_33 = arith.muli %add3A, %mul3A_32 : i32
    %mul3A_34 = arith.constant 80 : i32
    %mul3A_35 = arith.muli %mul3A_33, %mul3A_34 : i32
    "tpu.region"() ({
      %run_scoped3A = tpu.sem_alloc : memref<!tpu.dma_semaphore, #tpu.memory_space<semaphore_mem>>
      %dma_start3A = tpu.memref_slice %arg14[%mul3A_35] : memref<163840xf32, #tpu.memory_space<hbm>> -> memref<5120xf32, #tpu.memory_space<hbm>>
      %dma_start3A_50 = tpu.memref_slice %arg14[%mul3A_35] : memref<163840xf32, #tpu.memory_space<hbm>> -> memref<5120xf32, #tpu.memory_space<hbm>>
      tpu.enqueue_dma source(%arg32 : memref<5120xf32, #tpu.memory_space<vmem>>) target(%dma_start3A_50 : memref<5120xf32, #tpu.memory_space<hbm>>) target_semaphore(%run_scoped3A : memref<!tpu.dma_semaphore, #tpu.memory_space<semaphore_mem>>)
      %dma_wait3A = tpu.memref_slice %arg14[%mul3A_35] : memref<163840xf32, #tpu.memory_space<hbm>> -> memref<5120xf32, #tpu.memory_space<hbm>>
      %dma_wait3A_51 = tpu.memref_slice %arg14[%mul3A_35] : memref<163840xf32, #tpu.memory_space<hbm>> -> memref<5120xf32, #tpu.memory_space<hbm>>
      tpu.wait_dma2 semaphore(%run_scoped3A : memref<!tpu.dma_semaphore, #tpu.memory_space<semaphore_mem>>) src(%arg32 : memref<5120xf32, #tpu.memory_space<vmem>>) dst(%dma_wait3A_51 : memref<5120xf32, #tpu.memory_space<hbm>>)
      tpu.yield
    }) : () -> ()
    %mul3A_36 = arith.constant 64 : i32
    %mul3A_37 = arith.muli %add3A, %mul3A_36 : i32
    %mul3A_38 = arith.constant 80 : i32
    %mul3A_39 = arith.muli %mul3A_37, %mul3A_38 : i32
    "tpu.region"() ({
      %run_scoped3A = tpu.sem_alloc : memref<!tpu.dma_semaphore, #tpu.memory_space<semaphore_mem>>
      %dma_start3A = tpu.memref_slice %arg15[%mul3A_39] : memref<163840xf32, #tpu.memory_space<hbm>> -> memref<5120xf32, #tpu.memory_space<hbm>>
      %dma_start3A_50 = tpu.memref_slice %arg15[%mul3A_39] : memref<163840xf32, #tpu.memory_space<hbm>> -> memref<5120xf32, #tpu.memory_space<hbm>>
      tpu.enqueue_dma source(%arg33 : memref<5120xf32, #tpu.memory_space<vmem>>) target(%dma_start3A_50 : memref<5120xf32, #tpu.memory_space<hbm>>) target_semaphore(%run_scoped3A : memref<!tpu.dma_semaphore, #tpu.memory_space<semaphore_mem>>)
      %dma_wait3A = tpu.memref_slice %arg15[%mul3A_39] : memref<163840xf32, #tpu.memory_space<hbm>> -> memref<5120xf32, #tpu.memory_space<hbm>>
      %dma_wait3A_51 = tpu.memref_slice %arg15[%mul3A_39] : memref<163840xf32, #tpu.memory_space<hbm>> -> memref<5120xf32, #tpu.memory_space<hbm>>
      tpu.wait_dma2 semaphore(%run_scoped3A : memref<!tpu.dma_semaphore, #tpu.memory_space<semaphore_mem>>) src(%arg33 : memref<5120xf32, #tpu.memory_space<vmem>>) dst(%dma_wait3A_51 : memref<5120xf32, #tpu.memory_space<hbm>>)
      tpu.yield
    }) : () -> ()
    %mul3A_40 = arith.constant 64 : i32
    %mul3A_41 = arith.muli %add3A, %mul3A_40 : i32
    %mul3A_42 = arith.constant 80 : i32
    %mul3A_43 = arith.muli %mul3A_41, %mul3A_42 : i32
    "tpu.region"() ({
      %run_scoped3A = tpu.sem_alloc : memref<!tpu.dma_semaphore, #tpu.memory_space<semaphore_mem>>
      %dma_start3A = tpu.memref_slice %arg16[%mul3A_43] : memref<163840xf32, #tpu.memory_space<hbm>> -> memref<5120xf32, #tpu.memory_space<hbm>>
      %dma_start3A_50 = tpu.memref_slice %arg16[%mul3A_43] : memref<163840xf32, #tpu.memory_space<hbm>> -> memref<5120xf32, #tpu.memory_space<hbm>>
      tpu.enqueue_dma source(%arg34 : memref<5120xf32, #tpu.memory_space<vmem>>) target(%dma_start3A_50 : memref<5120xf32, #tpu.memory_space<hbm>>) target_semaphore(%run_scoped3A : memref<!tpu.dma_semaphore, #tpu.memory_space<semaphore_mem>>)
      %dma_wait3A = tpu.memref_slice %arg16[%mul3A_43] : memref<163840xf32, #tpu.memory_space<hbm>> -> memref<5120xf32, #tpu.memory_space<hbm>>
      %dma_wait3A_51 = tpu.memref_slice %arg16[%mul3A_43] : memref<163840xf32, #tpu.memory_space<hbm>> -> memref<5120xf32, #tpu.memory_space<hbm>>
      tpu.wait_dma2 semaphore(%run_scoped3A : memref<!tpu.dma_semaphore, #tpu.memory_space<semaphore_mem>>) src(%arg34 : memref<5120xf32, #tpu.memory_space<vmem>>) dst(%dma_wait3A_51 : memref<5120xf32, #tpu.memory_space<hbm>>)
      tpu.yield
    }) : () -> ()
    %mul3A_44 = arith.constant 64 : i32
    %mul3A_45 = arith.muli %add3A, %mul3A_44 : i32
    %mul3A_46 = arith.constant 80 : i32
    %mul3A_47 = arith.muli %mul3A_45, %mul3A_46 : i32
    "tpu.region"() ({
      %run_scoped3A = tpu.sem_alloc : memref<!tpu.dma_semaphore, #tpu.memory_space<semaphore_mem>>
      %dma_start3A = tpu.memref_slice %arg17[%mul3A_47] : memref<163840xf32, #tpu.memory_space<hbm>> -> memref<5120xf32, #tpu.memory_space<hbm>>
      %dma_start3A_50 = tpu.memref_slice %arg17[%mul3A_47] : memref<163840xf32, #tpu.memory_space<hbm>> -> memref<5120xf32, #tpu.memory_space<hbm>>
      tpu.enqueue_dma source(%arg35 : memref<5120xf32, #tpu.memory_space<vmem>>) target(%dma_start3A_50 : memref<5120xf32, #tpu.memory_space<hbm>>) target_semaphore(%run_scoped3A : memref<!tpu.dma_semaphore, #tpu.memory_space<semaphore_mem>>)
      %dma_wait3A = tpu.memref_slice %arg17[%mul3A_47] : memref<163840xf32, #tpu.memory_space<hbm>> -> memref<5120xf32, #tpu.memory_space<hbm>>
      %dma_wait3A_51 = tpu.memref_slice %arg17[%mul3A_47] : memref<163840xf32, #tpu.memory_space<hbm>> -> memref<5120xf32, #tpu.memory_space<hbm>>
      tpu.wait_dma2 semaphore(%run_scoped3A : memref<!tpu.dma_semaphore, #tpu.memory_space<semaphore_mem>>) src(%arg35 : memref<5120xf32, #tpu.memory_space<vmem>>) dst(%dma_wait3A_51 : memref<5120xf32, #tpu.memory_space<hbm>>)
      tpu.yield
    }) : () -> ()
    %mul3A_48 = arith.constant 64 : i32
    %mul3A_49 = arith.muli %add3A, %mul3A_48 : i32
    "tpu.region"() ({
      %run_scoped3A = tpu.sem_alloc : memref<!tpu.dma_semaphore, #tpu.memory_space<semaphore_mem>>
      %dma_start3A = tpu.memref_slice %arg18[%mul3A_49] : memref<2048xi32, #tpu.memory_space<hbm>> -> memref<64xi32, #tpu.memory_space<hbm>>
      %dma_start3A_50 = tpu.memref_slice %arg18[%mul3A_49] : memref<2048xi32, #tpu.memory_space<hbm>> -> memref<64xi32, #tpu.memory_space<hbm>>
      tpu.enqueue_dma source(%arg36 : memref<64xi32, #tpu.memory_space<vmem>>) target(%dma_start3A_50 : memref<64xi32, #tpu.memory_space<hbm>>) target_semaphore(%run_scoped3A : memref<!tpu.dma_semaphore, #tpu.memory_space<semaphore_mem>>)
      %dma_wait3A = tpu.memref_slice %arg18[%mul3A_49] : memref<2048xi32, #tpu.memory_space<hbm>> -> memref<64xi32, #tpu.memory_space<hbm>>
      %dma_wait3A_51 = tpu.memref_slice %arg18[%mul3A_49] : memref<2048xi32, #tpu.memory_space<hbm>> -> memref<64xi32, #tpu.memory_space<hbm>>
      tpu.wait_dma2 semaphore(%run_scoped3A : memref<!tpu.dma_semaphore, #tpu.memory_space<semaphore_mem>>) src(%arg36 : memref<64xi32, #tpu.memory_space<vmem>>) dst(%dma_wait3A_51 : memref<64xi32, #tpu.memory_space<hbm>>)
      tpu.yield
    }) : () -> ()
    return
  }
}

module attributes {stable_mosaic.version = 14 : i64} {
  func.func @_fps_body(%arg0: memref<64x128xf32, #tpu.memory_space<vmem>>, %arg1: memref<64x128xf32, #tpu.memory_space<vmem>>, %arg2: memref<64x128xf32, #tpu.memory_space<vmem>>, %arg3: memref<8192x128xf32, #tpu.memory_space<vmem>>, %arg4: memref<8192x128xf32, #tpu.memory_space<vmem>>, %arg5: memref<8192x128xf32, #tpu.memory_space<vmem>>, %arg6: memref<16x128xi32, #tpu.memory_space<vmem>>, %arg7: memref<16x128xf32, #tpu.memory_space<vmem>>, %arg8: memref<16x128xf32, #tpu.memory_space<vmem>>, %arg9: memref<16x128xf32, #tpu.memory_space<vmem>>) attributes {dimension_semantics = [], scalar_prefetch = 0 : i64, scratch_operands = 0 : i64, tpu.core_type = #tpu.core_type<tc>} {
    %get3A = arith.constant 0 : index
    %get3A_0 = arith.constant 0 : index
    %get3A_1 = vector.load %arg0[%get3A, %get3A_0] : memref<64x128xf32, #tpu.memory_space<vmem>>, vector<64x128xf32>
    %get3A_2 = arith.constant 0 : index
    %get3A_3 = arith.constant 0 : index
    %get3A_4 = vector.load %arg1[%get3A_2, %get3A_3] : memref<64x128xf32, #tpu.memory_space<vmem>>, vector<64x128xf32>
    %get3A_5 = arith.constant 0 : index
    %get3A_6 = arith.constant 0 : index
    %get3A_7 = vector.load %arg2[%get3A_5, %get3A_6] : memref<64x128xf32, #tpu.memory_space<vmem>>, vector<64x128xf32>
    %iota3A = tpu.iota {dimensions = array<i32: 0>} : vector<64x128xi32>
    %mul3A = arith.constant 128 : i32
    %mul3A_8 = vector.broadcast %mul3A : i32 to vector<64x128xi32>
    %mul3A_9 = arith.muli %iota3A, %mul3A_8 : vector<64x128xi32>
    %iota3A_10 = tpu.iota {dimensions = array<i32: 1>} : vector<64x128xi32>
    %add3A = arith.addi %mul3A_9, %iota3A_10 : vector<64x128xi32>
    %iota3A_11 = tpu.iota {dimensions = array<i32: 0>} : vector<16x128xi32>
    %iota3A_12 = tpu.iota {dimensions = array<i32: 1>} : vector<16x128xi32>
    %iota3A_13 = tpu.iota {dimensions = array<i32: 0>} : vector<8x128xi32>
    %eq3A = arith.constant 0 : i32
    %eq3A_14 = vector.broadcast %eq3A : i32 to vector<16x128xi32>
    %eq3A_15 = arith.cmpi eq, %iota3A_11, %eq3A_14 : vector<16x128xi32>
    %eq3A_16 = arith.constant 0 : i32
    %eq3A_17 = vector.broadcast %eq3A_16 : i32 to vector<16x128xi32>
    %eq3A_18 = arith.cmpi eq, %iota3A_12, %eq3A_17 : vector<16x128xi32>
    %and3A = arith.andi %eq3A_15, %eq3A_18 : vector<16x128xi1>
    %broadcast_in_dim3A = arith.constant 0 : i32
    %broadcast_in_dim3A_19 = vector.broadcast %broadcast_in_dim3A : i32 to vector<16x128xi32>
    %slice3A = vector.extract_strided_slice %get3A_1 {offsets = [0, 0], sizes = [1, 1], strides = [1, 1]} : vector<64x128xf32> to vector<1x1xf32>
    %squeeze3A = vector.extract %slice3A[0, 0] : f32 from vector<1x1xf32>
    %jit3A = arith.constant 0.000000e+00 : f32
    %broadcast_in_dim3A_20 = vector.broadcast %squeeze3A : f32 to vector<16x128xf32>
    %broadcast_in_dim3A_21 = vector.broadcast %jit3A : f32 to vector<16x128xf32>
    %select_n3A = arith.select %and3A, %broadcast_in_dim3A_20, %broadcast_in_dim3A_21 : vector<16x128xi1>, vector<16x128xf32>
    %slice3A_22 = vector.extract_strided_slice %get3A_4 {offsets = [0, 0], sizes = [1, 1], strides = [1, 1]} : vector<64x128xf32> to vector<1x1xf32>
    %squeeze3A_23 = vector.extract %slice3A_22[0, 0] : f32 from vector<1x1xf32>
    %jit3A_24 = arith.constant 0.000000e+00 : f32
    %broadcast_in_dim3A_25 = vector.broadcast %squeeze3A_23 : f32 to vector<16x128xf32>
    %broadcast_in_dim3A_26 = vector.broadcast %jit3A_24 : f32 to vector<16x128xf32>
    %select_n3A_27 = arith.select %and3A, %broadcast_in_dim3A_25, %broadcast_in_dim3A_26 : vector<16x128xi1>, vector<16x128xf32>
    %slice3A_28 = vector.extract_strided_slice %get3A_7 {offsets = [0, 0], sizes = [1, 1], strides = [1, 1]} : vector<64x128xf32> to vector<1x1xf32>
    %squeeze3A_29 = vector.extract %slice3A_28[0, 0] : f32 from vector<1x1xf32>
    %jit3A_30 = arith.constant 0.000000e+00 : f32
    %broadcast_in_dim3A_31 = vector.broadcast %squeeze3A_29 : f32 to vector<16x128xf32>
    %broadcast_in_dim3A_32 = vector.broadcast %jit3A_30 : f32 to vector<16x128xf32>
    %select_n3A_33 = arith.select %and3A, %broadcast_in_dim3A_31, %broadcast_in_dim3A_32 : vector<16x128xi1>, vector<16x128xf32>
    %slice3A_34 = vector.extract_strided_slice %get3A_1 {offsets = [0, 0], sizes = [1, 1], strides = [1, 1]} : vector<64x128xf32> to vector<1x1xf32>
    %squeeze3A_35 = vector.extract %slice3A_34[0, 0] : f32 from vector<1x1xf32>
    %broadcast_in_dim3A_36 = vector.broadcast %squeeze3A_35 : f32 to vector<1x128xf32>
    %slice3A_37 = vector.extract_strided_slice %get3A_4 {offsets = [0, 0], sizes = [1, 1], strides = [1, 1]} : vector<64x128xf32> to vector<1x1xf32>
    %squeeze3A_38 = vector.extract %slice3A_37[0, 0] : f32 from vector<1x1xf32>
    %broadcast_in_dim3A_39 = vector.broadcast %squeeze3A_38 : f32 to vector<1x128xf32>
    %slice3A_40 = vector.extract_strided_slice %get3A_7 {offsets = [0, 0], sizes = [1, 1], strides = [1, 1]} : vector<64x128xf32> to vector<1x1xf32>
    %squeeze3A_41 = vector.extract %slice3A_40[0, 0] : f32 from vector<1x1xf32>
    %broadcast_in_dim3A_42 = vector.broadcast %squeeze3A_41 : f32 to vector<1x128xf32>
    %broadcast_in_dim3A_43 = arith.constant 0x7F800000 : f32
    %broadcast_in_dim3A_44 = vector.broadcast %broadcast_in_dim3A_43 : f32 to vector<64x128xf32>
    %scan3A = arith.constant 0 : i32
    %scan3A_45 = arith.constant 511 : i32
    %scan3A_46 = arith.addi %scan3A, %scan3A_45 : i32
    %scan3A_47 = arith.constant 1 : i32
    %scan3A_48:8 = scf.for %scan3A_401 = %scan3A to %scan3A_46 step %scan3A_47 iter_args(%scan3A_402 = %broadcast_in_dim3A_44, %scan3A_403 = %broadcast_in_dim3A_19, %scan3A_404 = %select_n3A, %scan3A_405 = %select_n3A_27, %scan3A_406 = %select_n3A_33, %scan3A_407 = %broadcast_in_dim3A_36, %scan3A_408 = %broadcast_in_dim3A_39, %scan3A_409 = %broadcast_in_dim3A_42) -> (vector<64x128xf32>, vector<16x128xi32>, vector<16x128xf32>, vector<16x128xf32>, vector<16x128xf32>, vector<1x128xf32>, vector<1x128xf32>, vector<1x128xf32>)  : i32 {
      %mul3A_410 = arith.constant 4 : i32
      %mul3A_411 = arith.muli %mul3A_410, %scan3A_401 : i32
      %add3A_412 = arith.constant 1 : i32
      %add3A_413 = arith.addi %mul3A_411, %add3A_412 : i32
      %sub3A_414 = vector.broadcast %scan3A_407 : vector<1x128xf32> to vector<64x128xf32>
      %sub3A_415 = arith.subf %get3A_1, %sub3A_414 : vector<64x128xf32>
      %sub3A_416 = vector.broadcast %scan3A_408 : vector<1x128xf32> to vector<64x128xf32>
      %sub3A_417 = arith.subf %get3A_4, %sub3A_416 : vector<64x128xf32>
      %sub3A_418 = vector.broadcast %scan3A_409 : vector<1x128xf32> to vector<64x128xf32>
      %sub3A_419 = arith.subf %get3A_7, %sub3A_418 : vector<64x128xf32>
      %mul3A_420 = arith.mulf %sub3A_415, %sub3A_415 : vector<64x128xf32>
      %mul3A_421 = arith.mulf %sub3A_417, %sub3A_417 : vector<64x128xf32>
      %add3A_422 = arith.addf %mul3A_420, %mul3A_421 : vector<64x128xf32>
      %mul3A_423 = arith.mulf %sub3A_419, %sub3A_419 : vector<64x128xf32>
      %add3A_424 = arith.addf %add3A_422, %mul3A_423 : vector<64x128xf32>
      %min3A_425 = arith.minimumf %scan3A_402, %add3A_424 : vector<64x128xf32>
      %reduce_max3A_426 = vector.shape_cast %min3A_425 : vector<64x128xf32> to vector<1x64x128xf32>
      %reduce_max3A_427 = arith.constant dense<0xFF800000> : vector<1xf32>
      %reduce_max3A_428 = vector.multi_reduction <maximumf>, %reduce_max3A_426, %reduce_max3A_427 [1, 2] : vector<1x64x128xf32> to vector<1xf32>
      %reduce_max3A_429 = vector.shape_cast %reduce_max3A_428 : vector<1xf32> to vector<1x1x1xf32>
      %reduce_max3A_430 = vector.extract %reduce_max3A_429[0, 0, 0] : f32 from vector<1x1x1xf32>
      %eq3A_431 = vector.broadcast %reduce_max3A_430 : f32 to vector<64x128xf32>
      %eq3A_432 = arith.cmpf oeq, %min3A_425, %eq3A_431 : vector<64x128xf32>
      %jit3A_433 = arith.constant 8192 : i32
      %broadcast_in_dim3A_434 = vector.broadcast %jit3A_433 : i32 to vector<64x128xi32>
      %select_n3A_435 = arith.select %eq3A_432, %add3A, %broadcast_in_dim3A_434 : vector<64x128xi1>, vector<64x128xi32>
      %reduce_min3A_436 = vector.shape_cast %select_n3A_435 : vector<64x128xi32> to vector<1x64x128xi32>
      %reduce_min3A_437 = arith.constant dense<2147483647> : vector<1xi32>
      %reduce_min3A_438 = vector.multi_reduction <minsi>, %reduce_min3A_436, %reduce_min3A_437 [1, 2] : vector<1x64x128xi32> to vector<1xi32>
      %reduce_min3A_439 = vector.shape_cast %reduce_min3A_438 : vector<1xi32> to vector<1x1x1xi32>
      %reduce_min3A_440 = vector.extract %reduce_min3A_439[0, 0, 0] : i32 from vector<1x1x1xi32>
      %jit3A_441 = arith.constant 8 : i32
      %div3A_442 = arith.divsi %reduce_min3A_440, %jit3A_441 : i32
      %sign3A_443 = arith.constant 0 : i32
      %sign3A_444 = arith.cmpi sgt, %reduce_min3A_440, %sign3A_443 : i32
      %sign3A_445 = arith.extui %sign3A_444 : i1 to i32
      %sign3A_446 = arith.constant 0 : i32
      %sign3A_447 = arith.cmpi slt, %reduce_min3A_440, %sign3A_446 : i32
      %sign3A_448 = arith.extui %sign3A_447 : i1 to i32
      %sign3A_449 = arith.subi %sign3A_445, %sign3A_448 : i32
      %sign3A_450 = arith.constant 0 : i32
      %sign3A_451 = arith.cmpi sgt, %jit3A_441, %sign3A_450 : i32
      %sign3A_452 = arith.extui %sign3A_451 : i1 to i32
      %sign3A_453 = arith.constant 0 : i32
      %sign3A_454 = arith.cmpi slt, %jit3A_441, %sign3A_453 : i32
      %sign3A_455 = arith.extui %sign3A_454 : i1 to i32
      %sign3A_456 = arith.subi %sign3A_452, %sign3A_455 : i32
      %ne3A_457 = arith.cmpi ne, %sign3A_449, %sign3A_456 : i32
      %rem3A_458 = arith.remsi %reduce_min3A_440, %jit3A_441 : i32
      %ne3A_459 = arith.constant 0 : i32
      %ne3A_460 = arith.cmpi ne, %rem3A_458, %ne3A_459 : i32
      %and3A_461 = arith.andi %ne3A_457, %ne3A_460 : i1
      %sub3A_462 = arith.constant 1 : i32
      %sub3A_463 = arith.subi %div3A_442, %sub3A_462 : i32
      %select_n3A_464 = arith.select %and3A_461, %sub3A_463, %div3A_442 : i32
      %mul3A_465 = arith.constant 8 : i32
      %mul3A_466 = arith.muli %select_n3A_464, %mul3A_465 : i32
      %multiple_of3A_467 = tpu.assume_multiple %mul3A_466, 8 : i32
      %jit3A_468 = arith.constant 8 : i32
      %eq3A_469 = arith.constant 0 : i32
      %eq3A_470 = arith.cmpi eq, %jit3A_468, %eq3A_469 : i32
      %jit3A_471 = arith.constant 1 : i32
      %select_n3A_472 = arith.select %eq3A_470, %jit3A_471, %jit3A_468 : i32
      %rem3A_473 = arith.remsi %reduce_min3A_440, %select_n3A_472 : i32
      %ne3A_474 = arith.constant 0 : i32
      %ne3A_475 = arith.cmpi ne, %rem3A_473, %ne3A_474 : i32
      %lt3A_476 = arith.constant 0 : i32
      %lt3A_477 = arith.cmpi slt, %rem3A_473, %lt3A_476 : i32
      %lt3A_478 = arith.constant 0 : i32
      %lt3A_479 = arith.cmpi slt, %select_n3A_472, %lt3A_478 : i32
      %ne3A_480 = arith.xori %lt3A_477, %lt3A_479 : i1
      %and3A_481 = arith.andi %ne3A_480, %ne3A_475 : i1
      %add3A_482 = arith.addi %rem3A_473, %select_n3A_472 : i32
      %select_n3A_483 = arith.select %and3A_481, %add3A_482, %rem3A_473 : i32
      %eq3A_484 = vector.broadcast %select_n3A_483 : i32 to vector<8x128xi32>
      %eq3A_485 = arith.cmpi eq, %iota3A_13, %eq3A_484 : vector<8x128xi32>
      %get3A_486 = arith.index_cast %multiple_of3A_467 : i32 to index
      %get3A_487 = arith.constant 0 : index
      %get3A_488 = vector.load %arg3[%get3A_486, %get3A_487] : memref<8192x128xf32, #tpu.memory_space<vmem>>, vector<8x128xf32>
      %jit3A_489 = arith.constant 0.000000e+00 : f32
      %broadcast_in_dim3A_490 = vector.broadcast %jit3A_489 : f32 to vector<8x128xf32>
      %select_n3A_491 = arith.select %eq3A_485, %get3A_488, %broadcast_in_dim3A_490 : vector<8x128xi1>, vector<8x128xf32>
      %reduce_sum3A_492 = arith.constant dense<0.000000e+00> : vector<128xf32>
      %reduce_sum3A_493 = vector.multi_reduction <add>, %select_n3A_491, %reduce_sum3A_492 [0] : vector<8x128xf32> to vector<128xf32>
      %broadcast_in_dim3A_494 = vector.shape_cast %reduce_sum3A_493 : vector<128xf32> to vector<1x128xf32>
      %get3A_495 = arith.index_cast %multiple_of3A_467 : i32 to index
      %get3A_496 = arith.constant 0 : index
      %get3A_497 = vector.load %arg4[%get3A_495, %get3A_496] : memref<8192x128xf32, #tpu.memory_space<vmem>>, vector<8x128xf32>
      %jit3A_498 = arith.constant 0.000000e+00 : f32
      %broadcast_in_dim3A_499 = vector.broadcast %jit3A_498 : f32 to vector<8x128xf32>
      %select_n3A_500 = arith.select %eq3A_485, %get3A_497, %broadcast_in_dim3A_499 : vector<8x128xi1>, vector<8x128xf32>
      %reduce_sum3A_501 = arith.constant dense<0.000000e+00> : vector<128xf32>
      %reduce_sum3A_502 = vector.multi_reduction <add>, %select_n3A_500, %reduce_sum3A_501 [0] : vector<8x128xf32> to vector<128xf32>
      %broadcast_in_dim3A_503 = vector.shape_cast %reduce_sum3A_502 : vector<128xf32> to vector<1x128xf32>
      %get3A_504 = arith.index_cast %multiple_of3A_467 : i32 to index
      %get3A_505 = arith.constant 0 : index
      %get3A_506 = vector.load %arg5[%get3A_504, %get3A_505] : memref<8192x128xf32, #tpu.memory_space<vmem>>, vector<8x128xf32>
      %jit3A_507 = arith.constant 0.000000e+00 : f32
      %broadcast_in_dim3A_508 = vector.broadcast %jit3A_507 : f32 to vector<8x128xf32>
      %select_n3A_509 = arith.select %eq3A_485, %get3A_506, %broadcast_in_dim3A_508 : vector<8x128xi1>, vector<8x128xf32>
      %reduce_sum3A_510 = arith.constant dense<0.000000e+00> : vector<128xf32>
      %reduce_sum3A_511 = vector.multi_reduction <add>, %select_n3A_509, %reduce_sum3A_510 [0] : vector<8x128xf32> to vector<128xf32>
      %broadcast_in_dim3A_512 = vector.shape_cast %reduce_sum3A_511 : vector<128xf32> to vector<1x128xf32>
      %jit3A_513 = arith.constant 128 : i32
      %div3A_514 = arith.divsi %add3A_413, %jit3A_513 : i32
      %sign3A_515 = arith.constant 0 : i32
      %sign3A_516 = arith.cmpi sgt, %add3A_413, %sign3A_515 : i32
      %sign3A_517 = arith.extui %sign3A_516 : i1 to i32
      %sign3A_518 = arith.constant 0 : i32
      %sign3A_519 = arith.cmpi slt, %add3A_413, %sign3A_518 : i32
      %sign3A_520 = arith.extui %sign3A_519 : i1 to i32
      %sign3A_521 = arith.subi %sign3A_517, %sign3A_520 : i32
      %sign3A_522 = arith.constant 0 : i32
      %sign3A_523 = arith.cmpi sgt, %jit3A_513, %sign3A_522 : i32
      %sign3A_524 = arith.extui %sign3A_523 : i1 to i32
      %sign3A_525 = arith.constant 0 : i32
      %sign3A_526 = arith.cmpi slt, %jit3A_513, %sign3A_525 : i32
      %sign3A_527 = arith.extui %sign3A_526 : i1 to i32
      %sign3A_528 = arith.subi %sign3A_524, %sign3A_527 : i32
      %ne3A_529 = arith.cmpi ne, %sign3A_521, %sign3A_528 : i32
      %rem3A_530 = arith.remsi %add3A_413, %jit3A_513 : i32
      %ne3A_531 = arith.constant 0 : i32
      %ne3A_532 = arith.cmpi ne, %rem3A_530, %ne3A_531 : i32
      %and3A_533 = arith.andi %ne3A_529, %ne3A_532 : i1
      %sub3A_534 = arith.constant 1 : i32
      %sub3A_535 = arith.subi %div3A_514, %sub3A_534 : i32
      %select_n3A_536 = arith.select %and3A_533, %sub3A_535, %div3A_514 : i32
      %eq3A_537 = vector.broadcast %select_n3A_536 : i32 to vector<16x128xi32>
      %eq3A_538 = arith.cmpi eq, %iota3A_11, %eq3A_537 : vector<16x128xi32>
      %jit3A_539 = arith.constant 128 : i32
      %eq3A_540 = arith.constant 0 : i32
      %eq3A_541 = arith.cmpi eq, %jit3A_539, %eq3A_540 : i32
      %jit3A_542 = arith.constant 1 : i32
      %select_n3A_543 = arith.select %eq3A_541, %jit3A_542, %jit3A_539 : i32
      %rem3A_544 = arith.remsi %add3A_413, %select_n3A_543 : i32
      %ne3A_545 = arith.constant 0 : i32
      %ne3A_546 = arith.cmpi ne, %rem3A_544, %ne3A_545 : i32
      %lt3A_547 = arith.constant 0 : i32
      %lt3A_548 = arith.cmpi slt, %rem3A_544, %lt3A_547 : i32
      %lt3A_549 = arith.constant 0 : i32
      %lt3A_550 = arith.cmpi slt, %select_n3A_543, %lt3A_549 : i32
      %ne3A_551 = arith.xori %lt3A_548, %lt3A_550 : i1
      %and3A_552 = arith.andi %ne3A_551, %ne3A_546 : i1
      %add3A_553 = arith.addi %rem3A_544, %select_n3A_543 : i32
      %select_n3A_554 = arith.select %and3A_552, %add3A_553, %rem3A_544 : i32
      %eq3A_555 = vector.broadcast %select_n3A_554 : i32 to vector<16x128xi32>
      %eq3A_556 = arith.cmpi eq, %iota3A_12, %eq3A_555 : vector<16x128xi32>
      %and3A_557 = arith.andi %eq3A_538, %eq3A_556 : vector<16x128xi1>
      %broadcast_in_dim3A_558 = vector.broadcast %reduce_min3A_440 : i32 to vector<16x128xi32>
      %select_n3A_559 = arith.select %and3A_557, %broadcast_in_dim3A_558, %scan3A_403 : vector<16x128xi1>, vector<16x128xi32>
      %broadcast_in_dim3A_560 = vector.shape_cast %broadcast_in_dim3A_494 : vector<1x128xf32> to vector<1x128xf32>
      %broadcast_in_dim3A_561 = vector.broadcast %broadcast_in_dim3A_560 : vector<1x128xf32> to vector<16x128xf32>
      %select_n3A_562 = arith.select %and3A_557, %broadcast_in_dim3A_561, %scan3A_404 : vector<16x128xi1>, vector<16x128xf32>
      %broadcast_in_dim3A_563 = vector.shape_cast %broadcast_in_dim3A_503 : vector<1x128xf32> to vector<1x128xf32>
      %broadcast_in_dim3A_564 = vector.broadcast %broadcast_in_dim3A_563 : vector<1x128xf32> to vector<16x128xf32>
      %select_n3A_565 = arith.select %and3A_557, %broadcast_in_dim3A_564, %scan3A_405 : vector<16x128xi1>, vector<16x128xf32>
      %broadcast_in_dim3A_566 = vector.shape_cast %broadcast_in_dim3A_512 : vector<1x128xf32> to vector<1x128xf32>
      %broadcast_in_dim3A_567 = vector.broadcast %broadcast_in_dim3A_566 : vector<1x128xf32> to vector<16x128xf32>
      %select_n3A_568 = arith.select %and3A_557, %broadcast_in_dim3A_567, %scan3A_406 : vector<16x128xi1>, vector<16x128xf32>
      %mul3A_569 = arith.constant 4 : i32
      %mul3A_570 = arith.muli %mul3A_569, %scan3A_401 : i32
      %add3A_571 = arith.constant 2 : i32
      %add3A_572 = arith.addi %mul3A_570, %add3A_571 : i32
      %sub3A_573 = vector.broadcast %broadcast_in_dim3A_494 : vector<1x128xf32> to vector<64x128xf32>
      %sub3A_574 = arith.subf %get3A_1, %sub3A_573 : vector<64x128xf32>
      %sub3A_575 = vector.broadcast %broadcast_in_dim3A_503 : vector<1x128xf32> to vector<64x128xf32>
      %sub3A_576 = arith.subf %get3A_4, %sub3A_575 : vector<64x128xf32>
      %sub3A_577 = vector.broadcast %broadcast_in_dim3A_512 : vector<1x128xf32> to vector<64x128xf32>
      %sub3A_578 = arith.subf %get3A_7, %sub3A_577 : vector<64x128xf32>
      %mul3A_579 = arith.mulf %sub3A_574, %sub3A_574 : vector<64x128xf32>
      %mul3A_580 = arith.mulf %sub3A_576, %sub3A_576 : vector<64x128xf32>
      %add3A_581 = arith.addf %mul3A_579, %mul3A_580 : vector<64x128xf32>
      %mul3A_582 = arith.mulf %sub3A_578, %sub3A_578 : vector<64x128xf32>
      %add3A_583 = arith.addf %add3A_581, %mul3A_582 : vector<64x128xf32>
      %min3A_584 = arith.minimumf %min3A_425, %add3A_583 : vector<64x128xf32>
      %reduce_max3A_585 = vector.shape_cast %min3A_584 : vector<64x128xf32> to vector<1x64x128xf32>
      %reduce_max3A_586 = arith.constant dense<0xFF800000> : vector<1xf32>
      %reduce_max3A_587 = vector.multi_reduction <maximumf>, %reduce_max3A_585, %reduce_max3A_586 [1, 2] : vector<1x64x128xf32> to vector<1xf32>
      %reduce_max3A_588 = vector.shape_cast %reduce_max3A_587 : vector<1xf32> to vector<1x1x1xf32>
      %reduce_max3A_589 = vector.extract %reduce_max3A_588[0, 0, 0] : f32 from vector<1x1x1xf32>
      %eq3A_590 = vector.broadcast %reduce_max3A_589 : f32 to vector<64x128xf32>
      %eq3A_591 = arith.cmpf oeq, %min3A_584, %eq3A_590 : vector<64x128xf32>
      %jit3A_592 = arith.constant 8192 : i32
      %broadcast_in_dim3A_593 = vector.broadcast %jit3A_592 : i32 to vector<64x128xi32>
      %select_n3A_594 = arith.select %eq3A_591, %add3A, %broadcast_in_dim3A_593 : vector<64x128xi1>, vector<64x128xi32>
      %reduce_min3A_595 = vector.shape_cast %select_n3A_594 : vector<64x128xi32> to vector<1x64x128xi32>
      %reduce_min3A_596 = arith.constant dense<2147483647> : vector<1xi32>
      %reduce_min3A_597 = vector.multi_reduction <minsi>, %reduce_min3A_595, %reduce_min3A_596 [1, 2] : vector<1x64x128xi32> to vector<1xi32>
      %reduce_min3A_598 = vector.shape_cast %reduce_min3A_597 : vector<1xi32> to vector<1x1x1xi32>
      %reduce_min3A_599 = vector.extract %reduce_min3A_598[0, 0, 0] : i32 from vector<1x1x1xi32>
      %jit3A_600 = arith.constant 8 : i32
      %div3A_601 = arith.divsi %reduce_min3A_599, %jit3A_600 : i32
      %sign3A_602 = arith.constant 0 : i32
      %sign3A_603 = arith.cmpi sgt, %reduce_min3A_599, %sign3A_602 : i32
      %sign3A_604 = arith.extui %sign3A_603 : i1 to i32
      %sign3A_605 = arith.constant 0 : i32
      %sign3A_606 = arith.cmpi slt, %reduce_min3A_599, %sign3A_605 : i32
      %sign3A_607 = arith.extui %sign3A_606 : i1 to i32
      %sign3A_608 = arith.subi %sign3A_604, %sign3A_607 : i32
      %sign3A_609 = arith.constant 0 : i32
      %sign3A_610 = arith.cmpi sgt, %jit3A_600, %sign3A_609 : i32
      %sign3A_611 = arith.extui %sign3A_610 : i1 to i32
      %sign3A_612 = arith.constant 0 : i32
      %sign3A_613 = arith.cmpi slt, %jit3A_600, %sign3A_612 : i32
      %sign3A_614 = arith.extui %sign3A_613 : i1 to i32
      %sign3A_615 = arith.subi %sign3A_611, %sign3A_614 : i32
      %ne3A_616 = arith.cmpi ne, %sign3A_608, %sign3A_615 : i32
      %rem3A_617 = arith.remsi %reduce_min3A_599, %jit3A_600 : i32
      %ne3A_618 = arith.constant 0 : i32
      %ne3A_619 = arith.cmpi ne, %rem3A_617, %ne3A_618 : i32
      %and3A_620 = arith.andi %ne3A_616, %ne3A_619 : i1
      %sub3A_621 = arith.constant 1 : i32
      %sub3A_622 = arith.subi %div3A_601, %sub3A_621 : i32
      %select_n3A_623 = arith.select %and3A_620, %sub3A_622, %div3A_601 : i32
      %mul3A_624 = arith.constant 8 : i32
      %mul3A_625 = arith.muli %select_n3A_623, %mul3A_624 : i32
      %multiple_of3A_626 = tpu.assume_multiple %mul3A_625, 8 : i32
      %jit3A_627 = arith.constant 8 : i32
      %eq3A_628 = arith.constant 0 : i32
      %eq3A_629 = arith.cmpi eq, %jit3A_627, %eq3A_628 : i32
      %jit3A_630 = arith.constant 1 : i32
      %select_n3A_631 = arith.select %eq3A_629, %jit3A_630, %jit3A_627 : i32
      %rem3A_632 = arith.remsi %reduce_min3A_599, %select_n3A_631 : i32
      %ne3A_633 = arith.constant 0 : i32
      %ne3A_634 = arith.cmpi ne, %rem3A_632, %ne3A_633 : i32
      %lt3A_635 = arith.constant 0 : i32
      %lt3A_636 = arith.cmpi slt, %rem3A_632, %lt3A_635 : i32
      %lt3A_637 = arith.constant 0 : i32
      %lt3A_638 = arith.cmpi slt, %select_n3A_631, %lt3A_637 : i32
      %ne3A_639 = arith.xori %lt3A_636, %lt3A_638 : i1
      %and3A_640 = arith.andi %ne3A_639, %ne3A_634 : i1
      %add3A_641 = arith.addi %rem3A_632, %select_n3A_631 : i32
      %select_n3A_642 = arith.select %and3A_640, %add3A_641, %rem3A_632 : i32
      %eq3A_643 = vector.broadcast %select_n3A_642 : i32 to vector<8x128xi32>
      %eq3A_644 = arith.cmpi eq, %iota3A_13, %eq3A_643 : vector<8x128xi32>
      %get3A_645 = arith.index_cast %multiple_of3A_626 : i32 to index
      %get3A_646 = arith.constant 0 : index
      %get3A_647 = vector.load %arg3[%get3A_645, %get3A_646] : memref<8192x128xf32, #tpu.memory_space<vmem>>, vector<8x128xf32>
      %jit3A_648 = arith.constant 0.000000e+00 : f32
      %broadcast_in_dim3A_649 = vector.broadcast %jit3A_648 : f32 to vector<8x128xf32>
      %select_n3A_650 = arith.select %eq3A_644, %get3A_647, %broadcast_in_dim3A_649 : vector<8x128xi1>, vector<8x128xf32>
      %reduce_sum3A_651 = arith.constant dense<0.000000e+00> : vector<128xf32>
      %reduce_sum3A_652 = vector.multi_reduction <add>, %select_n3A_650, %reduce_sum3A_651 [0] : vector<8x128xf32> to vector<128xf32>
      %broadcast_in_dim3A_653 = vector.shape_cast %reduce_sum3A_652 : vector<128xf32> to vector<1x128xf32>
      %get3A_654 = arith.index_cast %multiple_of3A_626 : i32 to index
      %get3A_655 = arith.constant 0 : index
      %get3A_656 = vector.load %arg4[%get3A_654, %get3A_655] : memref<8192x128xf32, #tpu.memory_space<vmem>>, vector<8x128xf32>
      %jit3A_657 = arith.constant 0.000000e+00 : f32
      %broadcast_in_dim3A_658 = vector.broadcast %jit3A_657 : f32 to vector<8x128xf32>
      %select_n3A_659 = arith.select %eq3A_644, %get3A_656, %broadcast_in_dim3A_658 : vector<8x128xi1>, vector<8x128xf32>
      %reduce_sum3A_660 = arith.constant dense<0.000000e+00> : vector<128xf32>
      %reduce_sum3A_661 = vector.multi_reduction <add>, %select_n3A_659, %reduce_sum3A_660 [0] : vector<8x128xf32> to vector<128xf32>
      %broadcast_in_dim3A_662 = vector.shape_cast %reduce_sum3A_661 : vector<128xf32> to vector<1x128xf32>
      %get3A_663 = arith.index_cast %multiple_of3A_626 : i32 to index
      %get3A_664 = arith.constant 0 : index
      %get3A_665 = vector.load %arg5[%get3A_663, %get3A_664] : memref<8192x128xf32, #tpu.memory_space<vmem>>, vector<8x128xf32>
      %jit3A_666 = arith.constant 0.000000e+00 : f32
      %broadcast_in_dim3A_667 = vector.broadcast %jit3A_666 : f32 to vector<8x128xf32>
      %select_n3A_668 = arith.select %eq3A_644, %get3A_665, %broadcast_in_dim3A_667 : vector<8x128xi1>, vector<8x128xf32>
      %reduce_sum3A_669 = arith.constant dense<0.000000e+00> : vector<128xf32>
      %reduce_sum3A_670 = vector.multi_reduction <add>, %select_n3A_668, %reduce_sum3A_669 [0] : vector<8x128xf32> to vector<128xf32>
      %broadcast_in_dim3A_671 = vector.shape_cast %reduce_sum3A_670 : vector<128xf32> to vector<1x128xf32>
      %jit3A_672 = arith.constant 128 : i32
      %div3A_673 = arith.divsi %add3A_572, %jit3A_672 : i32
      %sign3A_674 = arith.constant 0 : i32
      %sign3A_675 = arith.cmpi sgt, %add3A_572, %sign3A_674 : i32
      %sign3A_676 = arith.extui %sign3A_675 : i1 to i32
      %sign3A_677 = arith.constant 0 : i32
      %sign3A_678 = arith.cmpi slt, %add3A_572, %sign3A_677 : i32
      %sign3A_679 = arith.extui %sign3A_678 : i1 to i32
      %sign3A_680 = arith.subi %sign3A_676, %sign3A_679 : i32
      %sign3A_681 = arith.constant 0 : i32
      %sign3A_682 = arith.cmpi sgt, %jit3A_672, %sign3A_681 : i32
      %sign3A_683 = arith.extui %sign3A_682 : i1 to i32
      %sign3A_684 = arith.constant 0 : i32
      %sign3A_685 = arith.cmpi slt, %jit3A_672, %sign3A_684 : i32
      %sign3A_686 = arith.extui %sign3A_685 : i1 to i32
      %sign3A_687 = arith.subi %sign3A_683, %sign3A_686 : i32
      %ne3A_688 = arith.cmpi ne, %sign3A_680, %sign3A_687 : i32
      %rem3A_689 = arith.remsi %add3A_572, %jit3A_672 : i32
      %ne3A_690 = arith.constant 0 : i32
      %ne3A_691 = arith.cmpi ne, %rem3A_689, %ne3A_690 : i32
      %and3A_692 = arith.andi %ne3A_688, %ne3A_691 : i1
      %sub3A_693 = arith.constant 1 : i32
      %sub3A_694 = arith.subi %div3A_673, %sub3A_693 : i32
      %select_n3A_695 = arith.select %and3A_692, %sub3A_694, %div3A_673 : i32
      %eq3A_696 = vector.broadcast %select_n3A_695 : i32 to vector<16x128xi32>
      %eq3A_697 = arith.cmpi eq, %iota3A_11, %eq3A_696 : vector<16x128xi32>
      %jit3A_698 = arith.constant 128 : i32
      %eq3A_699 = arith.constant 0 : i32
      %eq3A_700 = arith.cmpi eq, %jit3A_698, %eq3A_699 : i32
      %jit3A_701 = arith.constant 1 : i32
      %select_n3A_702 = arith.select %eq3A_700, %jit3A_701, %jit3A_698 : i32
      %rem3A_703 = arith.remsi %add3A_572, %select_n3A_702 : i32
      %ne3A_704 = arith.constant 0 : i32
      %ne3A_705 = arith.cmpi ne, %rem3A_703, %ne3A_704 : i32
      %lt3A_706 = arith.constant 0 : i32
      %lt3A_707 = arith.cmpi slt, %rem3A_703, %lt3A_706 : i32
      %lt3A_708 = arith.constant 0 : i32
      %lt3A_709 = arith.cmpi slt, %select_n3A_702, %lt3A_708 : i32
      %ne3A_710 = arith.xori %lt3A_707, %lt3A_709 : i1
      %and3A_711 = arith.andi %ne3A_710, %ne3A_705 : i1
      %add3A_712 = arith.addi %rem3A_703, %select_n3A_702 : i32
      %select_n3A_713 = arith.select %and3A_711, %add3A_712, %rem3A_703 : i32
      %eq3A_714 = vector.broadcast %select_n3A_713 : i32 to vector<16x128xi32>
      %eq3A_715 = arith.cmpi eq, %iota3A_12, %eq3A_714 : vector<16x128xi32>
      %and3A_716 = arith.andi %eq3A_697, %eq3A_715 : vector<16x128xi1>
      %broadcast_in_dim3A_717 = vector.broadcast %reduce_min3A_599 : i32 to vector<16x128xi32>
      %select_n3A_718 = arith.select %and3A_716, %broadcast_in_dim3A_717, %select_n3A_559 : vector<16x128xi1>, vector<16x128xi32>
      %broadcast_in_dim3A_719 = vector.shape_cast %broadcast_in_dim3A_653 : vector<1x128xf32> to vector<1x128xf32>
      %broadcast_in_dim3A_720 = vector.broadcast %broadcast_in_dim3A_719 : vector<1x128xf32> to vector<16x128xf32>
      %select_n3A_721 = arith.select %and3A_716, %broadcast_in_dim3A_720, %select_n3A_562 : vector<16x128xi1>, vector<16x128xf32>
      %broadcast_in_dim3A_722 = vector.shape_cast %broadcast_in_dim3A_662 : vector<1x128xf32> to vector<1x128xf32>
      %broadcast_in_dim3A_723 = vector.broadcast %broadcast_in_dim3A_722 : vector<1x128xf32> to vector<16x128xf32>
      %select_n3A_724 = arith.select %and3A_716, %broadcast_in_dim3A_723, %select_n3A_565 : vector<16x128xi1>, vector<16x128xf32>
      %broadcast_in_dim3A_725 = vector.shape_cast %broadcast_in_dim3A_671 : vector<1x128xf32> to vector<1x128xf32>
      %broadcast_in_dim3A_726 = vector.broadcast %broadcast_in_dim3A_725 : vector<1x128xf32> to vector<16x128xf32>
      %select_n3A_727 = arith.select %and3A_716, %broadcast_in_dim3A_726, %select_n3A_568 : vector<16x128xi1>, vector<16x128xf32>
      %mul3A_728 = arith.constant 4 : i32
      %mul3A_729 = arith.muli %mul3A_728, %scan3A_401 : i32
      %add3A_730 = arith.constant 3 : i32
      %add3A_731 = arith.addi %mul3A_729, %add3A_730 : i32
      %sub3A_732 = vector.broadcast %broadcast_in_dim3A_653 : vector<1x128xf32> to vector<64x128xf32>
      %sub3A_733 = arith.subf %get3A_1, %sub3A_732 : vector<64x128xf32>
      %sub3A_734 = vector.broadcast %broadcast_in_dim3A_662 : vector<1x128xf32> to vector<64x128xf32>
      %sub3A_735 = arith.subf %get3A_4, %sub3A_734 : vector<64x128xf32>
      %sub3A_736 = vector.broadcast %broadcast_in_dim3A_671 : vector<1x128xf32> to vector<64x128xf32>
      %sub3A_737 = arith.subf %get3A_7, %sub3A_736 : vector<64x128xf32>
      %mul3A_738 = arith.mulf %sub3A_733, %sub3A_733 : vector<64x128xf32>
      %mul3A_739 = arith.mulf %sub3A_735, %sub3A_735 : vector<64x128xf32>
      %add3A_740 = arith.addf %mul3A_738, %mul3A_739 : vector<64x128xf32>
      %mul3A_741 = arith.mulf %sub3A_737, %sub3A_737 : vector<64x128xf32>
      %add3A_742 = arith.addf %add3A_740, %mul3A_741 : vector<64x128xf32>
      %min3A_743 = arith.minimumf %min3A_584, %add3A_742 : vector<64x128xf32>
      %reduce_max3A_744 = vector.shape_cast %min3A_743 : vector<64x128xf32> to vector<1x64x128xf32>
      %reduce_max3A_745 = arith.constant dense<0xFF800000> : vector<1xf32>
      %reduce_max3A_746 = vector.multi_reduction <maximumf>, %reduce_max3A_744, %reduce_max3A_745 [1, 2] : vector<1x64x128xf32> to vector<1xf32>
      %reduce_max3A_747 = vector.shape_cast %reduce_max3A_746 : vector<1xf32> to vector<1x1x1xf32>
      %reduce_max3A_748 = vector.extract %reduce_max3A_747[0, 0, 0] : f32 from vector<1x1x1xf32>
      %eq3A_749 = vector.broadcast %reduce_max3A_748 : f32 to vector<64x128xf32>
      %eq3A_750 = arith.cmpf oeq, %min3A_743, %eq3A_749 : vector<64x128xf32>
      %jit3A_751 = arith.constant 8192 : i32
      %broadcast_in_dim3A_752 = vector.broadcast %jit3A_751 : i32 to vector<64x128xi32>
      %select_n3A_753 = arith.select %eq3A_750, %add3A, %broadcast_in_dim3A_752 : vector<64x128xi1>, vector<64x128xi32>
      %reduce_min3A_754 = vector.shape_cast %select_n3A_753 : vector<64x128xi32> to vector<1x64x128xi32>
      %reduce_min3A_755 = arith.constant dense<2147483647> : vector<1xi32>
      %reduce_min3A_756 = vector.multi_reduction <minsi>, %reduce_min3A_754, %reduce_min3A_755 [1, 2] : vector<1x64x128xi32> to vector<1xi32>
      %reduce_min3A_757 = vector.shape_cast %reduce_min3A_756 : vector<1xi32> to vector<1x1x1xi32>
      %reduce_min3A_758 = vector.extract %reduce_min3A_757[0, 0, 0] : i32 from vector<1x1x1xi32>
      %jit3A_759 = arith.constant 8 : i32
      %div3A_760 = arith.divsi %reduce_min3A_758, %jit3A_759 : i32
      %sign3A_761 = arith.constant 0 : i32
      %sign3A_762 = arith.cmpi sgt, %reduce_min3A_758, %sign3A_761 : i32
      %sign3A_763 = arith.extui %sign3A_762 : i1 to i32
      %sign3A_764 = arith.constant 0 : i32
      %sign3A_765 = arith.cmpi slt, %reduce_min3A_758, %sign3A_764 : i32
      %sign3A_766 = arith.extui %sign3A_765 : i1 to i32
      %sign3A_767 = arith.subi %sign3A_763, %sign3A_766 : i32
      %sign3A_768 = arith.constant 0 : i32
      %sign3A_769 = arith.cmpi sgt, %jit3A_759, %sign3A_768 : i32
      %sign3A_770 = arith.extui %sign3A_769 : i1 to i32
      %sign3A_771 = arith.constant 0 : i32
      %sign3A_772 = arith.cmpi slt, %jit3A_759, %sign3A_771 : i32
      %sign3A_773 = arith.extui %sign3A_772 : i1 to i32
      %sign3A_774 = arith.subi %sign3A_770, %sign3A_773 : i32
      %ne3A_775 = arith.cmpi ne, %sign3A_767, %sign3A_774 : i32
      %rem3A_776 = arith.remsi %reduce_min3A_758, %jit3A_759 : i32
      %ne3A_777 = arith.constant 0 : i32
      %ne3A_778 = arith.cmpi ne, %rem3A_776, %ne3A_777 : i32
      %and3A_779 = arith.andi %ne3A_775, %ne3A_778 : i1
      %sub3A_780 = arith.constant 1 : i32
      %sub3A_781 = arith.subi %div3A_760, %sub3A_780 : i32
      %select_n3A_782 = arith.select %and3A_779, %sub3A_781, %div3A_760 : i32
      %mul3A_783 = arith.constant 8 : i32
      %mul3A_784 = arith.muli %select_n3A_782, %mul3A_783 : i32
      %multiple_of3A_785 = tpu.assume_multiple %mul3A_784, 8 : i32
      %jit3A_786 = arith.constant 8 : i32
      %eq3A_787 = arith.constant 0 : i32
      %eq3A_788 = arith.cmpi eq, %jit3A_786, %eq3A_787 : i32
      %jit3A_789 = arith.constant 1 : i32
      %select_n3A_790 = arith.select %eq3A_788, %jit3A_789, %jit3A_786 : i32
      %rem3A_791 = arith.remsi %reduce_min3A_758, %select_n3A_790 : i32
      %ne3A_792 = arith.constant 0 : i32
      %ne3A_793 = arith.cmpi ne, %rem3A_791, %ne3A_792 : i32
      %lt3A_794 = arith.constant 0 : i32
      %lt3A_795 = arith.cmpi slt, %rem3A_791, %lt3A_794 : i32
      %lt3A_796 = arith.constant 0 : i32
      %lt3A_797 = arith.cmpi slt, %select_n3A_790, %lt3A_796 : i32
      %ne3A_798 = arith.xori %lt3A_795, %lt3A_797 : i1
      %and3A_799 = arith.andi %ne3A_798, %ne3A_793 : i1
      %add3A_800 = arith.addi %rem3A_791, %select_n3A_790 : i32
      %select_n3A_801 = arith.select %and3A_799, %add3A_800, %rem3A_791 : i32
      %eq3A_802 = vector.broadcast %select_n3A_801 : i32 to vector<8x128xi32>
      %eq3A_803 = arith.cmpi eq, %iota3A_13, %eq3A_802 : vector<8x128xi32>
      %get3A_804 = arith.index_cast %multiple_of3A_785 : i32 to index
      %get3A_805 = arith.constant 0 : index
      %get3A_806 = vector.load %arg3[%get3A_804, %get3A_805] : memref<8192x128xf32, #tpu.memory_space<vmem>>, vector<8x128xf32>
      %jit3A_807 = arith.constant 0.000000e+00 : f32
      %broadcast_in_dim3A_808 = vector.broadcast %jit3A_807 : f32 to vector<8x128xf32>
      %select_n3A_809 = arith.select %eq3A_803, %get3A_806, %broadcast_in_dim3A_808 : vector<8x128xi1>, vector<8x128xf32>
      %reduce_sum3A_810 = arith.constant dense<0.000000e+00> : vector<128xf32>
      %reduce_sum3A_811 = vector.multi_reduction <add>, %select_n3A_809, %reduce_sum3A_810 [0] : vector<8x128xf32> to vector<128xf32>
      %broadcast_in_dim3A_812 = vector.shape_cast %reduce_sum3A_811 : vector<128xf32> to vector<1x128xf32>
      %get3A_813 = arith.index_cast %multiple_of3A_785 : i32 to index
      %get3A_814 = arith.constant 0 : index
      %get3A_815 = vector.load %arg4[%get3A_813, %get3A_814] : memref<8192x128xf32, #tpu.memory_space<vmem>>, vector<8x128xf32>
      %jit3A_816 = arith.constant 0.000000e+00 : f32
      %broadcast_in_dim3A_817 = vector.broadcast %jit3A_816 : f32 to vector<8x128xf32>
      %select_n3A_818 = arith.select %eq3A_803, %get3A_815, %broadcast_in_dim3A_817 : vector<8x128xi1>, vector<8x128xf32>
      %reduce_sum3A_819 = arith.constant dense<0.000000e+00> : vector<128xf32>
      %reduce_sum3A_820 = vector.multi_reduction <add>, %select_n3A_818, %reduce_sum3A_819 [0] : vector<8x128xf32> to vector<128xf32>
      %broadcast_in_dim3A_821 = vector.shape_cast %reduce_sum3A_820 : vector<128xf32> to vector<1x128xf32>
      %get3A_822 = arith.index_cast %multiple_of3A_785 : i32 to index
      %get3A_823 = arith.constant 0 : index
      %get3A_824 = vector.load %arg5[%get3A_822, %get3A_823] : memref<8192x128xf32, #tpu.memory_space<vmem>>, vector<8x128xf32>
      %jit3A_825 = arith.constant 0.000000e+00 : f32
      %broadcast_in_dim3A_826 = vector.broadcast %jit3A_825 : f32 to vector<8x128xf32>
      %select_n3A_827 = arith.select %eq3A_803, %get3A_824, %broadcast_in_dim3A_826 : vector<8x128xi1>, vector<8x128xf32>
      %reduce_sum3A_828 = arith.constant dense<0.000000e+00> : vector<128xf32>
      %reduce_sum3A_829 = vector.multi_reduction <add>, %select_n3A_827, %reduce_sum3A_828 [0] : vector<8x128xf32> to vector<128xf32>
      %broadcast_in_dim3A_830 = vector.shape_cast %reduce_sum3A_829 : vector<128xf32> to vector<1x128xf32>
      %jit3A_831 = arith.constant 128 : i32
      %div3A_832 = arith.divsi %add3A_731, %jit3A_831 : i32
      %sign3A_833 = arith.constant 0 : i32
      %sign3A_834 = arith.cmpi sgt, %add3A_731, %sign3A_833 : i32
      %sign3A_835 = arith.extui %sign3A_834 : i1 to i32
      %sign3A_836 = arith.constant 0 : i32
      %sign3A_837 = arith.cmpi slt, %add3A_731, %sign3A_836 : i32
      %sign3A_838 = arith.extui %sign3A_837 : i1 to i32
      %sign3A_839 = arith.subi %sign3A_835, %sign3A_838 : i32
      %sign3A_840 = arith.constant 0 : i32
      %sign3A_841 = arith.cmpi sgt, %jit3A_831, %sign3A_840 : i32
      %sign3A_842 = arith.extui %sign3A_841 : i1 to i32
      %sign3A_843 = arith.constant 0 : i32
      %sign3A_844 = arith.cmpi slt, %jit3A_831, %sign3A_843 : i32
      %sign3A_845 = arith.extui %sign3A_844 : i1 to i32
      %sign3A_846 = arith.subi %sign3A_842, %sign3A_845 : i32
      %ne3A_847 = arith.cmpi ne, %sign3A_839, %sign3A_846 : i32
      %rem3A_848 = arith.remsi %add3A_731, %jit3A_831 : i32
      %ne3A_849 = arith.constant 0 : i32
      %ne3A_850 = arith.cmpi ne, %rem3A_848, %ne3A_849 : i32
      %and3A_851 = arith.andi %ne3A_847, %ne3A_850 : i1
      %sub3A_852 = arith.constant 1 : i32
      %sub3A_853 = arith.subi %div3A_832, %sub3A_852 : i32
      %select_n3A_854 = arith.select %and3A_851, %sub3A_853, %div3A_832 : i32
      %eq3A_855 = vector.broadcast %select_n3A_854 : i32 to vector<16x128xi32>
      %eq3A_856 = arith.cmpi eq, %iota3A_11, %eq3A_855 : vector<16x128xi32>
      %jit3A_857 = arith.constant 128 : i32
      %eq3A_858 = arith.constant 0 : i32
      %eq3A_859 = arith.cmpi eq, %jit3A_857, %eq3A_858 : i32
      %jit3A_860 = arith.constant 1 : i32
      %select_n3A_861 = arith.select %eq3A_859, %jit3A_860, %jit3A_857 : i32
      %rem3A_862 = arith.remsi %add3A_731, %select_n3A_861 : i32
      %ne3A_863 = arith.constant 0 : i32
      %ne3A_864 = arith.cmpi ne, %rem3A_862, %ne3A_863 : i32
      %lt3A_865 = arith.constant 0 : i32
      %lt3A_866 = arith.cmpi slt, %rem3A_862, %lt3A_865 : i32
      %lt3A_867 = arith.constant 0 : i32
      %lt3A_868 = arith.cmpi slt, %select_n3A_861, %lt3A_867 : i32
      %ne3A_869 = arith.xori %lt3A_866, %lt3A_868 : i1
      %and3A_870 = arith.andi %ne3A_869, %ne3A_864 : i1
      %add3A_871 = arith.addi %rem3A_862, %select_n3A_861 : i32
      %select_n3A_872 = arith.select %and3A_870, %add3A_871, %rem3A_862 : i32
      %eq3A_873 = vector.broadcast %select_n3A_872 : i32 to vector<16x128xi32>
      %eq3A_874 = arith.cmpi eq, %iota3A_12, %eq3A_873 : vector<16x128xi32>
      %and3A_875 = arith.andi %eq3A_856, %eq3A_874 : vector<16x128xi1>
      %broadcast_in_dim3A_876 = vector.broadcast %reduce_min3A_758 : i32 to vector<16x128xi32>
      %select_n3A_877 = arith.select %and3A_875, %broadcast_in_dim3A_876, %select_n3A_718 : vector<16x128xi1>, vector<16x128xi32>
      %broadcast_in_dim3A_878 = vector.shape_cast %broadcast_in_dim3A_812 : vector<1x128xf32> to vector<1x128xf32>
      %broadcast_in_dim3A_879 = vector.broadcast %broadcast_in_dim3A_878 : vector<1x128xf32> to vector<16x128xf32>
      %select_n3A_880 = arith.select %and3A_875, %broadcast_in_dim3A_879, %select_n3A_721 : vector<16x128xi1>, vector<16x128xf32>
      %broadcast_in_dim3A_881 = vector.shape_cast %broadcast_in_dim3A_821 : vector<1x128xf32> to vector<1x128xf32>
      %broadcast_in_dim3A_882 = vector.broadcast %broadcast_in_dim3A_881 : vector<1x128xf32> to vector<16x128xf32>
      %select_n3A_883 = arith.select %and3A_875, %broadcast_in_dim3A_882, %select_n3A_724 : vector<16x128xi1>, vector<16x128xf32>
      %broadcast_in_dim3A_884 = vector.shape_cast %broadcast_in_dim3A_830 : vector<1x128xf32> to vector<1x128xf32>
      %broadcast_in_dim3A_885 = vector.broadcast %broadcast_in_dim3A_884 : vector<1x128xf32> to vector<16x128xf32>
      %select_n3A_886 = arith.select %and3A_875, %broadcast_in_dim3A_885, %select_n3A_727 : vector<16x128xi1>, vector<16x128xf32>
      %mul3A_887 = arith.constant 4 : i32
      %mul3A_888 = arith.muli %mul3A_887, %scan3A_401 : i32
      %add3A_889 = arith.constant 4 : i32
      %add3A_890 = arith.addi %mul3A_888, %add3A_889 : i32
      %sub3A_891 = vector.broadcast %broadcast_in_dim3A_812 : vector<1x128xf32> to vector<64x128xf32>
      %sub3A_892 = arith.subf %get3A_1, %sub3A_891 : vector<64x128xf32>
      %sub3A_893 = vector.broadcast %broadcast_in_dim3A_821 : vector<1x128xf32> to vector<64x128xf32>
      %sub3A_894 = arith.subf %get3A_4, %sub3A_893 : vector<64x128xf32>
      %sub3A_895 = vector.broadcast %broadcast_in_dim3A_830 : vector<1x128xf32> to vector<64x128xf32>
      %sub3A_896 = arith.subf %get3A_7, %sub3A_895 : vector<64x128xf32>
      %mul3A_897 = arith.mulf %sub3A_892, %sub3A_892 : vector<64x128xf32>
      %mul3A_898 = arith.mulf %sub3A_894, %sub3A_894 : vector<64x128xf32>
      %add3A_899 = arith.addf %mul3A_897, %mul3A_898 : vector<64x128xf32>
      %mul3A_900 = arith.mulf %sub3A_896, %sub3A_896 : vector<64x128xf32>
      %add3A_901 = arith.addf %add3A_899, %mul3A_900 : vector<64x128xf32>
      %min3A_902 = arith.minimumf %min3A_743, %add3A_901 : vector<64x128xf32>
      %reduce_max3A_903 = vector.shape_cast %min3A_902 : vector<64x128xf32> to vector<1x64x128xf32>
      %reduce_max3A_904 = arith.constant dense<0xFF800000> : vector<1xf32>
      %reduce_max3A_905 = vector.multi_reduction <maximumf>, %reduce_max3A_903, %reduce_max3A_904 [1, 2] : vector<1x64x128xf32> to vector<1xf32>
      %reduce_max3A_906 = vector.shape_cast %reduce_max3A_905 : vector<1xf32> to vector<1x1x1xf32>
      %reduce_max3A_907 = vector.extract %reduce_max3A_906[0, 0, 0] : f32 from vector<1x1x1xf32>
      %eq3A_908 = vector.broadcast %reduce_max3A_907 : f32 to vector<64x128xf32>
      %eq3A_909 = arith.cmpf oeq, %min3A_902, %eq3A_908 : vector<64x128xf32>
      %jit3A_910 = arith.constant 8192 : i32
      %broadcast_in_dim3A_911 = vector.broadcast %jit3A_910 : i32 to vector<64x128xi32>
      %select_n3A_912 = arith.select %eq3A_909, %add3A, %broadcast_in_dim3A_911 : vector<64x128xi1>, vector<64x128xi32>
      %reduce_min3A_913 = vector.shape_cast %select_n3A_912 : vector<64x128xi32> to vector<1x64x128xi32>
      %reduce_min3A_914 = arith.constant dense<2147483647> : vector<1xi32>
      %reduce_min3A_915 = vector.multi_reduction <minsi>, %reduce_min3A_913, %reduce_min3A_914 [1, 2] : vector<1x64x128xi32> to vector<1xi32>
      %reduce_min3A_916 = vector.shape_cast %reduce_min3A_915 : vector<1xi32> to vector<1x1x1xi32>
      %reduce_min3A_917 = vector.extract %reduce_min3A_916[0, 0, 0] : i32 from vector<1x1x1xi32>
      %jit3A_918 = arith.constant 8 : i32
      %div3A_919 = arith.divsi %reduce_min3A_917, %jit3A_918 : i32
      %sign3A_920 = arith.constant 0 : i32
      %sign3A_921 = arith.cmpi sgt, %reduce_min3A_917, %sign3A_920 : i32
      %sign3A_922 = arith.extui %sign3A_921 : i1 to i32
      %sign3A_923 = arith.constant 0 : i32
      %sign3A_924 = arith.cmpi slt, %reduce_min3A_917, %sign3A_923 : i32
      %sign3A_925 = arith.extui %sign3A_924 : i1 to i32
      %sign3A_926 = arith.subi %sign3A_922, %sign3A_925 : i32
      %sign3A_927 = arith.constant 0 : i32
      %sign3A_928 = arith.cmpi sgt, %jit3A_918, %sign3A_927 : i32
      %sign3A_929 = arith.extui %sign3A_928 : i1 to i32
      %sign3A_930 = arith.constant 0 : i32
      %sign3A_931 = arith.cmpi slt, %jit3A_918, %sign3A_930 : i32
      %sign3A_932 = arith.extui %sign3A_931 : i1 to i32
      %sign3A_933 = arith.subi %sign3A_929, %sign3A_932 : i32
      %ne3A_934 = arith.cmpi ne, %sign3A_926, %sign3A_933 : i32
      %rem3A_935 = arith.remsi %reduce_min3A_917, %jit3A_918 : i32
      %ne3A_936 = arith.constant 0 : i32
      %ne3A_937 = arith.cmpi ne, %rem3A_935, %ne3A_936 : i32
      %and3A_938 = arith.andi %ne3A_934, %ne3A_937 : i1
      %sub3A_939 = arith.constant 1 : i32
      %sub3A_940 = arith.subi %div3A_919, %sub3A_939 : i32
      %select_n3A_941 = arith.select %and3A_938, %sub3A_940, %div3A_919 : i32
      %mul3A_942 = arith.constant 8 : i32
      %mul3A_943 = arith.muli %select_n3A_941, %mul3A_942 : i32
      %multiple_of3A_944 = tpu.assume_multiple %mul3A_943, 8 : i32
      %jit3A_945 = arith.constant 8 : i32
      %eq3A_946 = arith.constant 0 : i32
      %eq3A_947 = arith.cmpi eq, %jit3A_945, %eq3A_946 : i32
      %jit3A_948 = arith.constant 1 : i32
      %select_n3A_949 = arith.select %eq3A_947, %jit3A_948, %jit3A_945 : i32
      %rem3A_950 = arith.remsi %reduce_min3A_917, %select_n3A_949 : i32
      %ne3A_951 = arith.constant 0 : i32
      %ne3A_952 = arith.cmpi ne, %rem3A_950, %ne3A_951 : i32
      %lt3A_953 = arith.constant 0 : i32
      %lt3A_954 = arith.cmpi slt, %rem3A_950, %lt3A_953 : i32
      %lt3A_955 = arith.constant 0 : i32
      %lt3A_956 = arith.cmpi slt, %select_n3A_949, %lt3A_955 : i32
      %ne3A_957 = arith.xori %lt3A_954, %lt3A_956 : i1
      %and3A_958 = arith.andi %ne3A_957, %ne3A_952 : i1
      %add3A_959 = arith.addi %rem3A_950, %select_n3A_949 : i32
      %select_n3A_960 = arith.select %and3A_958, %add3A_959, %rem3A_950 : i32
      %eq3A_961 = vector.broadcast %select_n3A_960 : i32 to vector<8x128xi32>
      %eq3A_962 = arith.cmpi eq, %iota3A_13, %eq3A_961 : vector<8x128xi32>
      %get3A_963 = arith.index_cast %multiple_of3A_944 : i32 to index
      %get3A_964 = arith.constant 0 : index
      %get3A_965 = vector.load %arg3[%get3A_963, %get3A_964] : memref<8192x128xf32, #tpu.memory_space<vmem>>, vector<8x128xf32>
      %jit3A_966 = arith.constant 0.000000e+00 : f32
      %broadcast_in_dim3A_967 = vector.broadcast %jit3A_966 : f32 to vector<8x128xf32>
      %select_n3A_968 = arith.select %eq3A_962, %get3A_965, %broadcast_in_dim3A_967 : vector<8x128xi1>, vector<8x128xf32>
      %reduce_sum3A_969 = arith.constant dense<0.000000e+00> : vector<128xf32>
      %reduce_sum3A_970 = vector.multi_reduction <add>, %select_n3A_968, %reduce_sum3A_969 [0] : vector<8x128xf32> to vector<128xf32>
      %broadcast_in_dim3A_971 = vector.shape_cast %reduce_sum3A_970 : vector<128xf32> to vector<1x128xf32>
      %get3A_972 = arith.index_cast %multiple_of3A_944 : i32 to index
      %get3A_973 = arith.constant 0 : index
      %get3A_974 = vector.load %arg4[%get3A_972, %get3A_973] : memref<8192x128xf32, #tpu.memory_space<vmem>>, vector<8x128xf32>
      %jit3A_975 = arith.constant 0.000000e+00 : f32
      %broadcast_in_dim3A_976 = vector.broadcast %jit3A_975 : f32 to vector<8x128xf32>
      %select_n3A_977 = arith.select %eq3A_962, %get3A_974, %broadcast_in_dim3A_976 : vector<8x128xi1>, vector<8x128xf32>
      %reduce_sum3A_978 = arith.constant dense<0.000000e+00> : vector<128xf32>
      %reduce_sum3A_979 = vector.multi_reduction <add>, %select_n3A_977, %reduce_sum3A_978 [0] : vector<8x128xf32> to vector<128xf32>
      %broadcast_in_dim3A_980 = vector.shape_cast %reduce_sum3A_979 : vector<128xf32> to vector<1x128xf32>
      %get3A_981 = arith.index_cast %multiple_of3A_944 : i32 to index
      %get3A_982 = arith.constant 0 : index
      %get3A_983 = vector.load %arg5[%get3A_981, %get3A_982] : memref<8192x128xf32, #tpu.memory_space<vmem>>, vector<8x128xf32>
      %jit3A_984 = arith.constant 0.000000e+00 : f32
      %broadcast_in_dim3A_985 = vector.broadcast %jit3A_984 : f32 to vector<8x128xf32>
      %select_n3A_986 = arith.select %eq3A_962, %get3A_983, %broadcast_in_dim3A_985 : vector<8x128xi1>, vector<8x128xf32>
      %reduce_sum3A_987 = arith.constant dense<0.000000e+00> : vector<128xf32>
      %reduce_sum3A_988 = vector.multi_reduction <add>, %select_n3A_986, %reduce_sum3A_987 [0] : vector<8x128xf32> to vector<128xf32>
      %broadcast_in_dim3A_989 = vector.shape_cast %reduce_sum3A_988 : vector<128xf32> to vector<1x128xf32>
      %jit3A_990 = arith.constant 128 : i32
      %div3A_991 = arith.divsi %add3A_890, %jit3A_990 : i32
      %sign3A_992 = arith.constant 0 : i32
      %sign3A_993 = arith.cmpi sgt, %add3A_890, %sign3A_992 : i32
      %sign3A_994 = arith.extui %sign3A_993 : i1 to i32
      %sign3A_995 = arith.constant 0 : i32
      %sign3A_996 = arith.cmpi slt, %add3A_890, %sign3A_995 : i32
      %sign3A_997 = arith.extui %sign3A_996 : i1 to i32
      %sign3A_998 = arith.subi %sign3A_994, %sign3A_997 : i32
      %sign3A_999 = arith.constant 0 : i32
      %sign3A_1000 = arith.cmpi sgt, %jit3A_990, %sign3A_999 : i32
      %sign3A_1001 = arith.extui %sign3A_1000 : i1 to i32
      %sign3A_1002 = arith.constant 0 : i32
      %sign3A_1003 = arith.cmpi slt, %jit3A_990, %sign3A_1002 : i32
      %sign3A_1004 = arith.extui %sign3A_1003 : i1 to i32
      %sign3A_1005 = arith.subi %sign3A_1001, %sign3A_1004 : i32
      %ne3A_1006 = arith.cmpi ne, %sign3A_998, %sign3A_1005 : i32
      %rem3A_1007 = arith.remsi %add3A_890, %jit3A_990 : i32
      %ne3A_1008 = arith.constant 0 : i32
      %ne3A_1009 = arith.cmpi ne, %rem3A_1007, %ne3A_1008 : i32
      %and3A_1010 = arith.andi %ne3A_1006, %ne3A_1009 : i1
      %sub3A_1011 = arith.constant 1 : i32
      %sub3A_1012 = arith.subi %div3A_991, %sub3A_1011 : i32
      %select_n3A_1013 = arith.select %and3A_1010, %sub3A_1012, %div3A_991 : i32
      %eq3A_1014 = vector.broadcast %select_n3A_1013 : i32 to vector<16x128xi32>
      %eq3A_1015 = arith.cmpi eq, %iota3A_11, %eq3A_1014 : vector<16x128xi32>
      %jit3A_1016 = arith.constant 128 : i32
      %eq3A_1017 = arith.constant 0 : i32
      %eq3A_1018 = arith.cmpi eq, %jit3A_1016, %eq3A_1017 : i32
      %jit3A_1019 = arith.constant 1 : i32
      %select_n3A_1020 = arith.select %eq3A_1018, %jit3A_1019, %jit3A_1016 : i32
      %rem3A_1021 = arith.remsi %add3A_890, %select_n3A_1020 : i32
      %ne3A_1022 = arith.constant 0 : i32
      %ne3A_1023 = arith.cmpi ne, %rem3A_1021, %ne3A_1022 : i32
      %lt3A_1024 = arith.constant 0 : i32
      %lt3A_1025 = arith.cmpi slt, %rem3A_1021, %lt3A_1024 : i32
      %lt3A_1026 = arith.constant 0 : i32
      %lt3A_1027 = arith.cmpi slt, %select_n3A_1020, %lt3A_1026 : i32
      %ne3A_1028 = arith.xori %lt3A_1025, %lt3A_1027 : i1
      %and3A_1029 = arith.andi %ne3A_1028, %ne3A_1023 : i1
      %add3A_1030 = arith.addi %rem3A_1021, %select_n3A_1020 : i32
      %select_n3A_1031 = arith.select %and3A_1029, %add3A_1030, %rem3A_1021 : i32
      %eq3A_1032 = vector.broadcast %select_n3A_1031 : i32 to vector<16x128xi32>
      %eq3A_1033 = arith.cmpi eq, %iota3A_12, %eq3A_1032 : vector<16x128xi32>
      %and3A_1034 = arith.andi %eq3A_1015, %eq3A_1033 : vector<16x128xi1>
      %broadcast_in_dim3A_1035 = vector.broadcast %reduce_min3A_917 : i32 to vector<16x128xi32>
      %select_n3A_1036 = arith.select %and3A_1034, %broadcast_in_dim3A_1035, %select_n3A_877 : vector<16x128xi1>, vector<16x128xi32>
      %broadcast_in_dim3A_1037 = vector.shape_cast %broadcast_in_dim3A_971 : vector<1x128xf32> to vector<1x128xf32>
      %broadcast_in_dim3A_1038 = vector.broadcast %broadcast_in_dim3A_1037 : vector<1x128xf32> to vector<16x128xf32>
      %select_n3A_1039 = arith.select %and3A_1034, %broadcast_in_dim3A_1038, %select_n3A_880 : vector<16x128xi1>, vector<16x128xf32>
      %broadcast_in_dim3A_1040 = vector.shape_cast %broadcast_in_dim3A_980 : vector<1x128xf32> to vector<1x128xf32>
      %broadcast_in_dim3A_1041 = vector.broadcast %broadcast_in_dim3A_1040 : vector<1x128xf32> to vector<16x128xf32>
      %select_n3A_1042 = arith.select %and3A_1034, %broadcast_in_dim3A_1041, %select_n3A_883 : vector<16x128xi1>, vector<16x128xf32>
      %broadcast_in_dim3A_1043 = vector.shape_cast %broadcast_in_dim3A_989 : vector<1x128xf32> to vector<1x128xf32>
      %broadcast_in_dim3A_1044 = vector.broadcast %broadcast_in_dim3A_1043 : vector<1x128xf32> to vector<16x128xf32>
      %select_n3A_1045 = arith.select %and3A_1034, %broadcast_in_dim3A_1044, %select_n3A_886 : vector<16x128xi1>, vector<16x128xf32>
      scf.yield %min3A_902, %select_n3A_1036, %select_n3A_1039, %select_n3A_1042, %select_n3A_1045, %broadcast_in_dim3A_971, %broadcast_in_dim3A_980, %broadcast_in_dim3A_989 : vector<64x128xf32>, vector<16x128xi32>, vector<16x128xf32>, vector<16x128xf32>, vector<16x128xf32>, vector<1x128xf32>, vector<1x128xf32>, vector<1x128xf32>
    }
    %scan3A_49 = arith.constant 511 : i32
    %sub3A = vector.broadcast %scan3A_48#5 : vector<1x128xf32> to vector<64x128xf32>
    %sub3A_50 = arith.subf %get3A_1, %sub3A : vector<64x128xf32>
    %sub3A_51 = vector.broadcast %scan3A_48#6 : vector<1x128xf32> to vector<64x128xf32>
    %sub3A_52 = arith.subf %get3A_4, %sub3A_51 : vector<64x128xf32>
    %sub3A_53 = vector.broadcast %scan3A_48#7 : vector<1x128xf32> to vector<64x128xf32>
    %sub3A_54 = arith.subf %get3A_7, %sub3A_53 : vector<64x128xf32>
    %mul3A_55 = arith.mulf %sub3A_50, %sub3A_50 : vector<64x128xf32>
    %mul3A_56 = arith.mulf %sub3A_52, %sub3A_52 : vector<64x128xf32>
    %add3A_57 = arith.addf %mul3A_55, %mul3A_56 : vector<64x128xf32>
    %mul3A_58 = arith.mulf %sub3A_54, %sub3A_54 : vector<64x128xf32>
    %add3A_59 = arith.addf %add3A_57, %mul3A_58 : vector<64x128xf32>
    %min3A = arith.minimumf %scan3A_48#0, %add3A_59 : vector<64x128xf32>
    %reduce_max3A = vector.shape_cast %min3A : vector<64x128xf32> to vector<1x64x128xf32>
    %reduce_max3A_60 = arith.constant dense<0xFF800000> : vector<1xf32>
    %reduce_max3A_61 = vector.multi_reduction <maximumf>, %reduce_max3A, %reduce_max3A_60 [1, 2] : vector<1x64x128xf32> to vector<1xf32>
    %reduce_max3A_62 = vector.shape_cast %reduce_max3A_61 : vector<1xf32> to vector<1x1x1xf32>
    %reduce_max3A_63 = vector.extract %reduce_max3A_62[0, 0, 0] : f32 from vector<1x1x1xf32>
    %eq3A_64 = vector.broadcast %reduce_max3A_63 : f32 to vector<64x128xf32>
    %eq3A_65 = arith.cmpf oeq, %min3A, %eq3A_64 : vector<64x128xf32>
    %jit3A_66 = arith.constant 8192 : i32
    %broadcast_in_dim3A_67 = vector.broadcast %jit3A_66 : i32 to vector<64x128xi32>
    %select_n3A_68 = arith.select %eq3A_65, %add3A, %broadcast_in_dim3A_67 : vector<64x128xi1>, vector<64x128xi32>
    %reduce_min3A = vector.shape_cast %select_n3A_68 : vector<64x128xi32> to vector<1x64x128xi32>
    %reduce_min3A_69 = arith.constant dense<2147483647> : vector<1xi32>
    %reduce_min3A_70 = vector.multi_reduction <minsi>, %reduce_min3A, %reduce_min3A_69 [1, 2] : vector<1x64x128xi32> to vector<1xi32>
    %reduce_min3A_71 = vector.shape_cast %reduce_min3A_70 : vector<1xi32> to vector<1x1x1xi32>
    %reduce_min3A_72 = vector.extract %reduce_min3A_71[0, 0, 0] : i32 from vector<1x1x1xi32>
    %jit3A_73 = arith.constant 8 : i32
    %div3A = arith.divsi %reduce_min3A_72, %jit3A_73 : i32
    %sign3A = arith.constant 0 : i32
    %sign3A_74 = arith.cmpi sgt, %reduce_min3A_72, %sign3A : i32
    %sign3A_75 = arith.extui %sign3A_74 : i1 to i32
    %sign3A_76 = arith.constant 0 : i32
    %sign3A_77 = arith.cmpi slt, %reduce_min3A_72, %sign3A_76 : i32
    %sign3A_78 = arith.extui %sign3A_77 : i1 to i32
    %sign3A_79 = arith.subi %sign3A_75, %sign3A_78 : i32
    %sign3A_80 = arith.constant 0 : i32
    %sign3A_81 = arith.cmpi sgt, %jit3A_73, %sign3A_80 : i32
    %sign3A_82 = arith.extui %sign3A_81 : i1 to i32
    %sign3A_83 = arith.constant 0 : i32
    %sign3A_84 = arith.cmpi slt, %jit3A_73, %sign3A_83 : i32
    %sign3A_85 = arith.extui %sign3A_84 : i1 to i32
    %sign3A_86 = arith.subi %sign3A_82, %sign3A_85 : i32
    %ne3A = arith.cmpi ne, %sign3A_79, %sign3A_86 : i32
    %rem3A = arith.remsi %reduce_min3A_72, %jit3A_73 : i32
    %ne3A_87 = arith.constant 0 : i32
    %ne3A_88 = arith.cmpi ne, %rem3A, %ne3A_87 : i32
    %and3A_89 = arith.andi %ne3A, %ne3A_88 : i1
    %sub3A_90 = arith.constant 1 : i32
    %sub3A_91 = arith.subi %div3A, %sub3A_90 : i32
    %select_n3A_92 = arith.select %and3A_89, %sub3A_91, %div3A : i32
    %mul3A_93 = arith.constant 8 : i32
    %mul3A_94 = arith.muli %select_n3A_92, %mul3A_93 : i32
    %multiple_of3A = tpu.assume_multiple %mul3A_94, 8 : i32
    %jit3A_95 = arith.constant 8 : i32
    %eq3A_96 = arith.constant 0 : i32
    %eq3A_97 = arith.cmpi eq, %jit3A_95, %eq3A_96 : i32
    %jit3A_98 = arith.constant 1 : i32
    %select_n3A_99 = arith.select %eq3A_97, %jit3A_98, %jit3A_95 : i32
    %rem3A_100 = arith.remsi %reduce_min3A_72, %select_n3A_99 : i32
    %ne3A_101 = arith.constant 0 : i32
    %ne3A_102 = arith.cmpi ne, %rem3A_100, %ne3A_101 : i32
    %lt3A = arith.constant 0 : i32
    %lt3A_103 = arith.cmpi slt, %rem3A_100, %lt3A : i32
    %lt3A_104 = arith.constant 0 : i32
    %lt3A_105 = arith.cmpi slt, %select_n3A_99, %lt3A_104 : i32
    %ne3A_106 = arith.xori %lt3A_103, %lt3A_105 : i1
    %and3A_107 = arith.andi %ne3A_106, %ne3A_102 : i1
    %add3A_108 = arith.addi %rem3A_100, %select_n3A_99 : i32
    %select_n3A_109 = arith.select %and3A_107, %add3A_108, %rem3A_100 : i32
    %eq3A_110 = vector.broadcast %select_n3A_109 : i32 to vector<8x128xi32>
    %eq3A_111 = arith.cmpi eq, %iota3A_13, %eq3A_110 : vector<8x128xi32>
    %get3A_112 = arith.index_cast %multiple_of3A : i32 to index
    %get3A_113 = arith.constant 0 : index
    %get3A_114 = vector.load %arg3[%get3A_112, %get3A_113] : memref<8192x128xf32, #tpu.memory_space<vmem>>, vector<8x128xf32>
    %jit3A_115 = arith.constant 0.000000e+00 : f32
    %broadcast_in_dim3A_116 = vector.broadcast %jit3A_115 : f32 to vector<8x128xf32>
    %select_n3A_117 = arith.select %eq3A_111, %get3A_114, %broadcast_in_dim3A_116 : vector<8x128xi1>, vector<8x128xf32>
    %reduce_sum3A = arith.constant dense<0.000000e+00> : vector<128xf32>
    %reduce_sum3A_118 = vector.multi_reduction <add>, %select_n3A_117, %reduce_sum3A [0] : vector<8x128xf32> to vector<128xf32>
    %broadcast_in_dim3A_119 = vector.shape_cast %reduce_sum3A_118 : vector<128xf32> to vector<1x128xf32>
    %get3A_120 = arith.index_cast %multiple_of3A : i32 to index
    %get3A_121 = arith.constant 0 : index
    %get3A_122 = vector.load %arg4[%get3A_120, %get3A_121] : memref<8192x128xf32, #tpu.memory_space<vmem>>, vector<8x128xf32>
    %jit3A_123 = arith.constant 0.000000e+00 : f32
    %broadcast_in_dim3A_124 = vector.broadcast %jit3A_123 : f32 to vector<8x128xf32>
    %select_n3A_125 = arith.select %eq3A_111, %get3A_122, %broadcast_in_dim3A_124 : vector<8x128xi1>, vector<8x128xf32>
    %reduce_sum3A_126 = arith.constant dense<0.000000e+00> : vector<128xf32>
    %reduce_sum3A_127 = vector.multi_reduction <add>, %select_n3A_125, %reduce_sum3A_126 [0] : vector<8x128xf32> to vector<128xf32>
    %broadcast_in_dim3A_128 = vector.shape_cast %reduce_sum3A_127 : vector<128xf32> to vector<1x128xf32>
    %get3A_129 = arith.index_cast %multiple_of3A : i32 to index
    %get3A_130 = arith.constant 0 : index
    %get3A_131 = vector.load %arg5[%get3A_129, %get3A_130] : memref<8192x128xf32, #tpu.memory_space<vmem>>, vector<8x128xf32>
    %jit3A_132 = arith.constant 0.000000e+00 : f32
    %broadcast_in_dim3A_133 = vector.broadcast %jit3A_132 : f32 to vector<8x128xf32>
    %select_n3A_134 = arith.select %eq3A_111, %get3A_131, %broadcast_in_dim3A_133 : vector<8x128xi1>, vector<8x128xf32>
    %reduce_sum3A_135 = arith.constant dense<0.000000e+00> : vector<128xf32>
    %reduce_sum3A_136 = vector.multi_reduction <add>, %select_n3A_134, %reduce_sum3A_135 [0] : vector<8x128xf32> to vector<128xf32>
    %broadcast_in_dim3A_137 = vector.shape_cast %reduce_sum3A_136 : vector<128xf32> to vector<1x128xf32>
    %eq3A_138 = arith.constant 15 : i32
    %eq3A_139 = vector.broadcast %eq3A_138 : i32 to vector<16x128xi32>
    %eq3A_140 = arith.cmpi eq, %iota3A_11, %eq3A_139 : vector<16x128xi32>
    %eq3A_141 = arith.constant 125 : i32
    %eq3A_142 = vector.broadcast %eq3A_141 : i32 to vector<16x128xi32>
    %eq3A_143 = arith.cmpi eq, %iota3A_12, %eq3A_142 : vector<16x128xi32>
    %and3A_144 = arith.andi %eq3A_140, %eq3A_143 : vector<16x128xi1>
    %broadcast_in_dim3A_145 = vector.broadcast %reduce_min3A_72 : i32 to vector<16x128xi32>
    %select_n3A_146 = arith.select %and3A_144, %broadcast_in_dim3A_145, %scan3A_48#1 : vector<16x128xi1>, vector<16x128xi32>
    %broadcast_in_dim3A_147 = vector.shape_cast %broadcast_in_dim3A_119 : vector<1x128xf32> to vector<1x128xf32>
    %broadcast_in_dim3A_148 = vector.broadcast %broadcast_in_dim3A_147 : vector<1x128xf32> to vector<16x128xf32>
    %select_n3A_149 = arith.select %and3A_144, %broadcast_in_dim3A_148, %scan3A_48#2 : vector<16x128xi1>, vector<16x128xf32>
    %broadcast_in_dim3A_150 = vector.shape_cast %broadcast_in_dim3A_128 : vector<1x128xf32> to vector<1x128xf32>
    %broadcast_in_dim3A_151 = vector.broadcast %broadcast_in_dim3A_150 : vector<1x128xf32> to vector<16x128xf32>
    %select_n3A_152 = arith.select %and3A_144, %broadcast_in_dim3A_151, %scan3A_48#3 : vector<16x128xi1>, vector<16x128xf32>
    %broadcast_in_dim3A_153 = vector.shape_cast %broadcast_in_dim3A_137 : vector<1x128xf32> to vector<1x128xf32>
    %broadcast_in_dim3A_154 = vector.broadcast %broadcast_in_dim3A_153 : vector<1x128xf32> to vector<16x128xf32>
    %select_n3A_155 = arith.select %and3A_144, %broadcast_in_dim3A_154, %scan3A_48#4 : vector<16x128xi1>, vector<16x128xf32>
    %sub3A_156 = vector.broadcast %broadcast_in_dim3A_119 : vector<1x128xf32> to vector<64x128xf32>
    %sub3A_157 = arith.subf %get3A_1, %sub3A_156 : vector<64x128xf32>
    %sub3A_158 = vector.broadcast %broadcast_in_dim3A_128 : vector<1x128xf32> to vector<64x128xf32>
    %sub3A_159 = arith.subf %get3A_4, %sub3A_158 : vector<64x128xf32>
    %sub3A_160 = vector.broadcast %broadcast_in_dim3A_137 : vector<1x128xf32> to vector<64x128xf32>
    %sub3A_161 = arith.subf %get3A_7, %sub3A_160 : vector<64x128xf32>
    %mul3A_162 = arith.mulf %sub3A_157, %sub3A_157 : vector<64x128xf32>
    %mul3A_163 = arith.mulf %sub3A_159, %sub3A_159 : vector<64x128xf32>
    %add3A_164 = arith.addf %mul3A_162, %mul3A_163 : vector<64x128xf32>
    %mul3A_165 = arith.mulf %sub3A_161, %sub3A_161 : vector<64x128xf32>
    %add3A_166 = arith.addf %add3A_164, %mul3A_165 : vector<64x128xf32>
    %min3A_167 = arith.minimumf %min3A, %add3A_166 : vector<64x128xf32>
    %reduce_max3A_168 = vector.shape_cast %min3A_167 : vector<64x128xf32> to vector<1x64x128xf32>
    %reduce_max3A_169 = arith.constant dense<0xFF800000> : vector<1xf32>
    %reduce_max3A_170 = vector.multi_reduction <maximumf>, %reduce_max3A_168, %reduce_max3A_169 [1, 2] : vector<1x64x128xf32> to vector<1xf32>
    %reduce_max3A_171 = vector.shape_cast %reduce_max3A_170 : vector<1xf32> to vector<1x1x1xf32>
    %reduce_max3A_172 = vector.extract %reduce_max3A_171[0, 0, 0] : f32 from vector<1x1x1xf32>
    %eq3A_173 = vector.broadcast %reduce_max3A_172 : f32 to vector<64x128xf32>
    %eq3A_174 = arith.cmpf oeq, %min3A_167, %eq3A_173 : vector<64x128xf32>
    %jit3A_175 = arith.constant 8192 : i32
    %broadcast_in_dim3A_176 = vector.broadcast %jit3A_175 : i32 to vector<64x128xi32>
    %select_n3A_177 = arith.select %eq3A_174, %add3A, %broadcast_in_dim3A_176 : vector<64x128xi1>, vector<64x128xi32>
    %reduce_min3A_178 = vector.shape_cast %select_n3A_177 : vector<64x128xi32> to vector<1x64x128xi32>
    %reduce_min3A_179 = arith.constant dense<2147483647> : vector<1xi32>
    %reduce_min3A_180 = vector.multi_reduction <minsi>, %reduce_min3A_178, %reduce_min3A_179 [1, 2] : vector<1x64x128xi32> to vector<1xi32>
    %reduce_min3A_181 = vector.shape_cast %reduce_min3A_180 : vector<1xi32> to vector<1x1x1xi32>
    %reduce_min3A_182 = vector.extract %reduce_min3A_181[0, 0, 0] : i32 from vector<1x1x1xi32>
    %jit3A_183 = arith.constant 8 : i32
    %div3A_184 = arith.divsi %reduce_min3A_182, %jit3A_183 : i32
    %sign3A_185 = arith.constant 0 : i32
    %sign3A_186 = arith.cmpi sgt, %reduce_min3A_182, %sign3A_185 : i32
    %sign3A_187 = arith.extui %sign3A_186 : i1 to i32
    %sign3A_188 = arith.constant 0 : i32
    %sign3A_189 = arith.cmpi slt, %reduce_min3A_182, %sign3A_188 : i32
    %sign3A_190 = arith.extui %sign3A_189 : i1 to i32
    %sign3A_191 = arith.subi %sign3A_187, %sign3A_190 : i32
    %sign3A_192 = arith.constant 0 : i32
    %sign3A_193 = arith.cmpi sgt, %jit3A_183, %sign3A_192 : i32
    %sign3A_194 = arith.extui %sign3A_193 : i1 to i32
    %sign3A_195 = arith.constant 0 : i32
    %sign3A_196 = arith.cmpi slt, %jit3A_183, %sign3A_195 : i32
    %sign3A_197 = arith.extui %sign3A_196 : i1 to i32
    %sign3A_198 = arith.subi %sign3A_194, %sign3A_197 : i32
    %ne3A_199 = arith.cmpi ne, %sign3A_191, %sign3A_198 : i32
    %rem3A_200 = arith.remsi %reduce_min3A_182, %jit3A_183 : i32
    %ne3A_201 = arith.constant 0 : i32
    %ne3A_202 = arith.cmpi ne, %rem3A_200, %ne3A_201 : i32
    %and3A_203 = arith.andi %ne3A_199, %ne3A_202 : i1
    %sub3A_204 = arith.constant 1 : i32
    %sub3A_205 = arith.subi %div3A_184, %sub3A_204 : i32
    %select_n3A_206 = arith.select %and3A_203, %sub3A_205, %div3A_184 : i32
    %mul3A_207 = arith.constant 8 : i32
    %mul3A_208 = arith.muli %select_n3A_206, %mul3A_207 : i32
    %multiple_of3A_209 = tpu.assume_multiple %mul3A_208, 8 : i32
    %jit3A_210 = arith.constant 8 : i32
    %eq3A_211 = arith.constant 0 : i32
    %eq3A_212 = arith.cmpi eq, %jit3A_210, %eq3A_211 : i32
    %jit3A_213 = arith.constant 1 : i32
    %select_n3A_214 = arith.select %eq3A_212, %jit3A_213, %jit3A_210 : i32
    %rem3A_215 = arith.remsi %reduce_min3A_182, %select_n3A_214 : i32
    %ne3A_216 = arith.constant 0 : i32
    %ne3A_217 = arith.cmpi ne, %rem3A_215, %ne3A_216 : i32
    %lt3A_218 = arith.constant 0 : i32
    %lt3A_219 = arith.cmpi slt, %rem3A_215, %lt3A_218 : i32
    %lt3A_220 = arith.constant 0 : i32
    %lt3A_221 = arith.cmpi slt, %select_n3A_214, %lt3A_220 : i32
    %ne3A_222 = arith.xori %lt3A_219, %lt3A_221 : i1
    %and3A_223 = arith.andi %ne3A_222, %ne3A_217 : i1
    %add3A_224 = arith.addi %rem3A_215, %select_n3A_214 : i32
    %select_n3A_225 = arith.select %and3A_223, %add3A_224, %rem3A_215 : i32
    %eq3A_226 = vector.broadcast %select_n3A_225 : i32 to vector<8x128xi32>
    %eq3A_227 = arith.cmpi eq, %iota3A_13, %eq3A_226 : vector<8x128xi32>
    %get3A_228 = arith.index_cast %multiple_of3A_209 : i32 to index
    %get3A_229 = arith.constant 0 : index
    %get3A_230 = vector.load %arg3[%get3A_228, %get3A_229] : memref<8192x128xf32, #tpu.memory_space<vmem>>, vector<8x128xf32>
    %jit3A_231 = arith.constant 0.000000e+00 : f32
    %broadcast_in_dim3A_232 = vector.broadcast %jit3A_231 : f32 to vector<8x128xf32>
    %select_n3A_233 = arith.select %eq3A_227, %get3A_230, %broadcast_in_dim3A_232 : vector<8x128xi1>, vector<8x128xf32>
    %reduce_sum3A_234 = arith.constant dense<0.000000e+00> : vector<128xf32>
    %reduce_sum3A_235 = vector.multi_reduction <add>, %select_n3A_233, %reduce_sum3A_234 [0] : vector<8x128xf32> to vector<128xf32>
    %broadcast_in_dim3A_236 = vector.shape_cast %reduce_sum3A_235 : vector<128xf32> to vector<1x128xf32>
    %get3A_237 = arith.index_cast %multiple_of3A_209 : i32 to index
    %get3A_238 = arith.constant 0 : index
    %get3A_239 = vector.load %arg4[%get3A_237, %get3A_238] : memref<8192x128xf32, #tpu.memory_space<vmem>>, vector<8x128xf32>
    %jit3A_240 = arith.constant 0.000000e+00 : f32
    %broadcast_in_dim3A_241 = vector.broadcast %jit3A_240 : f32 to vector<8x128xf32>
    %select_n3A_242 = arith.select %eq3A_227, %get3A_239, %broadcast_in_dim3A_241 : vector<8x128xi1>, vector<8x128xf32>
    %reduce_sum3A_243 = arith.constant dense<0.000000e+00> : vector<128xf32>
    %reduce_sum3A_244 = vector.multi_reduction <add>, %select_n3A_242, %reduce_sum3A_243 [0] : vector<8x128xf32> to vector<128xf32>
    %broadcast_in_dim3A_245 = vector.shape_cast %reduce_sum3A_244 : vector<128xf32> to vector<1x128xf32>
    %get3A_246 = arith.index_cast %multiple_of3A_209 : i32 to index
    %get3A_247 = arith.constant 0 : index
    %get3A_248 = vector.load %arg5[%get3A_246, %get3A_247] : memref<8192x128xf32, #tpu.memory_space<vmem>>, vector<8x128xf32>
    %jit3A_249 = arith.constant 0.000000e+00 : f32
    %broadcast_in_dim3A_250 = vector.broadcast %jit3A_249 : f32 to vector<8x128xf32>
    %select_n3A_251 = arith.select %eq3A_227, %get3A_248, %broadcast_in_dim3A_250 : vector<8x128xi1>, vector<8x128xf32>
    %reduce_sum3A_252 = arith.constant dense<0.000000e+00> : vector<128xf32>
    %reduce_sum3A_253 = vector.multi_reduction <add>, %select_n3A_251, %reduce_sum3A_252 [0] : vector<8x128xf32> to vector<128xf32>
    %broadcast_in_dim3A_254 = vector.shape_cast %reduce_sum3A_253 : vector<128xf32> to vector<1x128xf32>
    %eq3A_255 = arith.constant 15 : i32
    %eq3A_256 = vector.broadcast %eq3A_255 : i32 to vector<16x128xi32>
    %eq3A_257 = arith.cmpi eq, %iota3A_11, %eq3A_256 : vector<16x128xi32>
    %eq3A_258 = arith.constant 126 : i32
    %eq3A_259 = vector.broadcast %eq3A_258 : i32 to vector<16x128xi32>
    %eq3A_260 = arith.cmpi eq, %iota3A_12, %eq3A_259 : vector<16x128xi32>
    %and3A_261 = arith.andi %eq3A_257, %eq3A_260 : vector<16x128xi1>
    %broadcast_in_dim3A_262 = vector.broadcast %reduce_min3A_182 : i32 to vector<16x128xi32>
    %select_n3A_263 = arith.select %and3A_261, %broadcast_in_dim3A_262, %select_n3A_146 : vector<16x128xi1>, vector<16x128xi32>
    %broadcast_in_dim3A_264 = vector.shape_cast %broadcast_in_dim3A_236 : vector<1x128xf32> to vector<1x128xf32>
    %broadcast_in_dim3A_265 = vector.broadcast %broadcast_in_dim3A_264 : vector<1x128xf32> to vector<16x128xf32>
    %select_n3A_266 = arith.select %and3A_261, %broadcast_in_dim3A_265, %select_n3A_149 : vector<16x128xi1>, vector<16x128xf32>
    %broadcast_in_dim3A_267 = vector.shape_cast %broadcast_in_dim3A_245 : vector<1x128xf32> to vector<1x128xf32>
    %broadcast_in_dim3A_268 = vector.broadcast %broadcast_in_dim3A_267 : vector<1x128xf32> to vector<16x128xf32>
    %select_n3A_269 = arith.select %and3A_261, %broadcast_in_dim3A_268, %select_n3A_152 : vector<16x128xi1>, vector<16x128xf32>
    %broadcast_in_dim3A_270 = vector.shape_cast %broadcast_in_dim3A_254 : vector<1x128xf32> to vector<1x128xf32>
    %broadcast_in_dim3A_271 = vector.broadcast %broadcast_in_dim3A_270 : vector<1x128xf32> to vector<16x128xf32>
    %select_n3A_272 = arith.select %and3A_261, %broadcast_in_dim3A_271, %select_n3A_155 : vector<16x128xi1>, vector<16x128xf32>
    %sub3A_273 = vector.broadcast %broadcast_in_dim3A_236 : vector<1x128xf32> to vector<64x128xf32>
    %sub3A_274 = arith.subf %get3A_1, %sub3A_273 : vector<64x128xf32>
    %sub3A_275 = vector.broadcast %broadcast_in_dim3A_245 : vector<1x128xf32> to vector<64x128xf32>
    %sub3A_276 = arith.subf %get3A_4, %sub3A_275 : vector<64x128xf32>
    %sub3A_277 = vector.broadcast %broadcast_in_dim3A_254 : vector<1x128xf32> to vector<64x128xf32>
    %sub3A_278 = arith.subf %get3A_7, %sub3A_277 : vector<64x128xf32>
    %mul3A_279 = arith.mulf %sub3A_274, %sub3A_274 : vector<64x128xf32>
    %mul3A_280 = arith.mulf %sub3A_276, %sub3A_276 : vector<64x128xf32>
    %add3A_281 = arith.addf %mul3A_279, %mul3A_280 : vector<64x128xf32>
    %mul3A_282 = arith.mulf %sub3A_278, %sub3A_278 : vector<64x128xf32>
    %add3A_283 = arith.addf %add3A_281, %mul3A_282 : vector<64x128xf32>
    %min3A_284 = arith.minimumf %min3A_167, %add3A_283 : vector<64x128xf32>
    %reduce_max3A_285 = vector.shape_cast %min3A_284 : vector<64x128xf32> to vector<1x64x128xf32>
    %reduce_max3A_286 = arith.constant dense<0xFF800000> : vector<1xf32>
    %reduce_max3A_287 = vector.multi_reduction <maximumf>, %reduce_max3A_285, %reduce_max3A_286 [1, 2] : vector<1x64x128xf32> to vector<1xf32>
    %reduce_max3A_288 = vector.shape_cast %reduce_max3A_287 : vector<1xf32> to vector<1x1x1xf32>
    %reduce_max3A_289 = vector.extract %reduce_max3A_288[0, 0, 0] : f32 from vector<1x1x1xf32>
    %eq3A_290 = vector.broadcast %reduce_max3A_289 : f32 to vector<64x128xf32>
    %eq3A_291 = arith.cmpf oeq, %min3A_284, %eq3A_290 : vector<64x128xf32>
    %jit3A_292 = arith.constant 8192 : i32
    %broadcast_in_dim3A_293 = vector.broadcast %jit3A_292 : i32 to vector<64x128xi32>
    %select_n3A_294 = arith.select %eq3A_291, %add3A, %broadcast_in_dim3A_293 : vector<64x128xi1>, vector<64x128xi32>
    %reduce_min3A_295 = vector.shape_cast %select_n3A_294 : vector<64x128xi32> to vector<1x64x128xi32>
    %reduce_min3A_296 = arith.constant dense<2147483647> : vector<1xi32>
    %reduce_min3A_297 = vector.multi_reduction <minsi>, %reduce_min3A_295, %reduce_min3A_296 [1, 2] : vector<1x64x128xi32> to vector<1xi32>
    %reduce_min3A_298 = vector.shape_cast %reduce_min3A_297 : vector<1xi32> to vector<1x1x1xi32>
    %reduce_min3A_299 = vector.extract %reduce_min3A_298[0, 0, 0] : i32 from vector<1x1x1xi32>
    %jit3A_300 = arith.constant 8 : i32
    %div3A_301 = arith.divsi %reduce_min3A_299, %jit3A_300 : i32
    %sign3A_302 = arith.constant 0 : i32
    %sign3A_303 = arith.cmpi sgt, %reduce_min3A_299, %sign3A_302 : i32
    %sign3A_304 = arith.extui %sign3A_303 : i1 to i32
    %sign3A_305 = arith.constant 0 : i32
    %sign3A_306 = arith.cmpi slt, %reduce_min3A_299, %sign3A_305 : i32
    %sign3A_307 = arith.extui %sign3A_306 : i1 to i32
    %sign3A_308 = arith.subi %sign3A_304, %sign3A_307 : i32
    %sign3A_309 = arith.constant 0 : i32
    %sign3A_310 = arith.cmpi sgt, %jit3A_300, %sign3A_309 : i32
    %sign3A_311 = arith.extui %sign3A_310 : i1 to i32
    %sign3A_312 = arith.constant 0 : i32
    %sign3A_313 = arith.cmpi slt, %jit3A_300, %sign3A_312 : i32
    %sign3A_314 = arith.extui %sign3A_313 : i1 to i32
    %sign3A_315 = arith.subi %sign3A_311, %sign3A_314 : i32
    %ne3A_316 = arith.cmpi ne, %sign3A_308, %sign3A_315 : i32
    %rem3A_317 = arith.remsi %reduce_min3A_299, %jit3A_300 : i32
    %ne3A_318 = arith.constant 0 : i32
    %ne3A_319 = arith.cmpi ne, %rem3A_317, %ne3A_318 : i32
    %and3A_320 = arith.andi %ne3A_316, %ne3A_319 : i1
    %sub3A_321 = arith.constant 1 : i32
    %sub3A_322 = arith.subi %div3A_301, %sub3A_321 : i32
    %select_n3A_323 = arith.select %and3A_320, %sub3A_322, %div3A_301 : i32
    %mul3A_324 = arith.constant 8 : i32
    %mul3A_325 = arith.muli %select_n3A_323, %mul3A_324 : i32
    %multiple_of3A_326 = tpu.assume_multiple %mul3A_325, 8 : i32
    %jit3A_327 = arith.constant 8 : i32
    %eq3A_328 = arith.constant 0 : i32
    %eq3A_329 = arith.cmpi eq, %jit3A_327, %eq3A_328 : i32
    %jit3A_330 = arith.constant 1 : i32
    %select_n3A_331 = arith.select %eq3A_329, %jit3A_330, %jit3A_327 : i32
    %rem3A_332 = arith.remsi %reduce_min3A_299, %select_n3A_331 : i32
    %ne3A_333 = arith.constant 0 : i32
    %ne3A_334 = arith.cmpi ne, %rem3A_332, %ne3A_333 : i32
    %lt3A_335 = arith.constant 0 : i32
    %lt3A_336 = arith.cmpi slt, %rem3A_332, %lt3A_335 : i32
    %lt3A_337 = arith.constant 0 : i32
    %lt3A_338 = arith.cmpi slt, %select_n3A_331, %lt3A_337 : i32
    %ne3A_339 = arith.xori %lt3A_336, %lt3A_338 : i1
    %and3A_340 = arith.andi %ne3A_339, %ne3A_334 : i1
    %add3A_341 = arith.addi %rem3A_332, %select_n3A_331 : i32
    %select_n3A_342 = arith.select %and3A_340, %add3A_341, %rem3A_332 : i32
    %eq3A_343 = vector.broadcast %select_n3A_342 : i32 to vector<8x128xi32>
    %eq3A_344 = arith.cmpi eq, %iota3A_13, %eq3A_343 : vector<8x128xi32>
    %get3A_345 = arith.index_cast %multiple_of3A_326 : i32 to index
    %get3A_346 = arith.constant 0 : index
    %get3A_347 = vector.load %arg3[%get3A_345, %get3A_346] : memref<8192x128xf32, #tpu.memory_space<vmem>>, vector<8x128xf32>
    %jit3A_348 = arith.constant 0.000000e+00 : f32
    %broadcast_in_dim3A_349 = vector.broadcast %jit3A_348 : f32 to vector<8x128xf32>
    %select_n3A_350 = arith.select %eq3A_344, %get3A_347, %broadcast_in_dim3A_349 : vector<8x128xi1>, vector<8x128xf32>
    %reduce_sum3A_351 = arith.constant dense<0.000000e+00> : vector<128xf32>
    %reduce_sum3A_352 = vector.multi_reduction <add>, %select_n3A_350, %reduce_sum3A_351 [0] : vector<8x128xf32> to vector<128xf32>
    %broadcast_in_dim3A_353 = vector.shape_cast %reduce_sum3A_352 : vector<128xf32> to vector<1x128xf32>
    %get3A_354 = arith.index_cast %multiple_of3A_326 : i32 to index
    %get3A_355 = arith.constant 0 : index
    %get3A_356 = vector.load %arg4[%get3A_354, %get3A_355] : memref<8192x128xf32, #tpu.memory_space<vmem>>, vector<8x128xf32>
    %jit3A_357 = arith.constant 0.000000e+00 : f32
    %broadcast_in_dim3A_358 = vector.broadcast %jit3A_357 : f32 to vector<8x128xf32>
    %select_n3A_359 = arith.select %eq3A_344, %get3A_356, %broadcast_in_dim3A_358 : vector<8x128xi1>, vector<8x128xf32>
    %reduce_sum3A_360 = arith.constant dense<0.000000e+00> : vector<128xf32>
    %reduce_sum3A_361 = vector.multi_reduction <add>, %select_n3A_359, %reduce_sum3A_360 [0] : vector<8x128xf32> to vector<128xf32>
    %broadcast_in_dim3A_362 = vector.shape_cast %reduce_sum3A_361 : vector<128xf32> to vector<1x128xf32>
    %get3A_363 = arith.index_cast %multiple_of3A_326 : i32 to index
    %get3A_364 = arith.constant 0 : index
    %get3A_365 = vector.load %arg5[%get3A_363, %get3A_364] : memref<8192x128xf32, #tpu.memory_space<vmem>>, vector<8x128xf32>
    %jit3A_366 = arith.constant 0.000000e+00 : f32
    %broadcast_in_dim3A_367 = vector.broadcast %jit3A_366 : f32 to vector<8x128xf32>
    %select_n3A_368 = arith.select %eq3A_344, %get3A_365, %broadcast_in_dim3A_367 : vector<8x128xi1>, vector<8x128xf32>
    %reduce_sum3A_369 = arith.constant dense<0.000000e+00> : vector<128xf32>
    %reduce_sum3A_370 = vector.multi_reduction <add>, %select_n3A_368, %reduce_sum3A_369 [0] : vector<8x128xf32> to vector<128xf32>
    %broadcast_in_dim3A_371 = vector.shape_cast %reduce_sum3A_370 : vector<128xf32> to vector<1x128xf32>
    %eq3A_372 = arith.constant 15 : i32
    %eq3A_373 = vector.broadcast %eq3A_372 : i32 to vector<16x128xi32>
    %eq3A_374 = arith.cmpi eq, %iota3A_11, %eq3A_373 : vector<16x128xi32>
    %eq3A_375 = arith.constant 127 : i32
    %eq3A_376 = vector.broadcast %eq3A_375 : i32 to vector<16x128xi32>
    %eq3A_377 = arith.cmpi eq, %iota3A_12, %eq3A_376 : vector<16x128xi32>
    %and3A_378 = arith.andi %eq3A_374, %eq3A_377 : vector<16x128xi1>
    %broadcast_in_dim3A_379 = vector.broadcast %reduce_min3A_299 : i32 to vector<16x128xi32>
    %select_n3A_380 = arith.select %and3A_378, %broadcast_in_dim3A_379, %select_n3A_263 : vector<16x128xi1>, vector<16x128xi32>
    %broadcast_in_dim3A_381 = vector.shape_cast %broadcast_in_dim3A_353 : vector<1x128xf32> to vector<1x128xf32>
    %broadcast_in_dim3A_382 = vector.broadcast %broadcast_in_dim3A_381 : vector<1x128xf32> to vector<16x128xf32>
    %select_n3A_383 = arith.select %and3A_378, %broadcast_in_dim3A_382, %select_n3A_266 : vector<16x128xi1>, vector<16x128xf32>
    %broadcast_in_dim3A_384 = vector.shape_cast %broadcast_in_dim3A_362 : vector<1x128xf32> to vector<1x128xf32>
    %broadcast_in_dim3A_385 = vector.broadcast %broadcast_in_dim3A_384 : vector<1x128xf32> to vector<16x128xf32>
    %select_n3A_386 = arith.select %and3A_378, %broadcast_in_dim3A_385, %select_n3A_269 : vector<16x128xi1>, vector<16x128xf32>
    %broadcast_in_dim3A_387 = vector.shape_cast %broadcast_in_dim3A_371 : vector<1x128xf32> to vector<1x128xf32>
    %broadcast_in_dim3A_388 = vector.broadcast %broadcast_in_dim3A_387 : vector<1x128xf32> to vector<16x128xf32>
    %select_n3A_389 = arith.select %and3A_378, %broadcast_in_dim3A_388, %select_n3A_272 : vector<16x128xi1>, vector<16x128xf32>
    %swap3A = arith.constant 0 : index
    %swap3A_390 = arith.constant 0 : index
    %swap3A_391 = vector.load %arg6[%swap3A, %swap3A_390] : memref<16x128xi32, #tpu.memory_space<vmem>>, vector<16x128xi32>
    tpu.vector_store %arg6[%swap3A, %swap3A_390], %select_n3A_380 {strides = array<i32>} : memref<16x128xi32, #tpu.memory_space<vmem>>, vector<16x128xi32>,
    %swap3A_392 = arith.constant 0 : index
    %swap3A_393 = arith.constant 0 : index
    %swap3A_394 = vector.load %arg7[%swap3A_392, %swap3A_393] : memref<16x128xf32, #tpu.memory_space<vmem>>, vector<16x128xf32>
    tpu.vector_store %arg7[%swap3A_392, %swap3A_393], %select_n3A_383 {strides = array<i32>} : memref<16x128xf32, #tpu.memory_space<vmem>>, vector<16x128xf32>,
    %swap3A_395 = arith.constant 0 : index
    %swap3A_396 = arith.constant 0 : index
    %swap3A_397 = vector.load %arg8[%swap3A_395, %swap3A_396] : memref<16x128xf32, #tpu.memory_space<vmem>>, vector<16x128xf32>
    tpu.vector_store %arg8[%swap3A_395, %swap3A_396], %select_n3A_386 {strides = array<i32>} : memref<16x128xf32, #tpu.memory_space<vmem>>, vector<16x128xf32>,
    %swap3A_398 = arith.constant 0 : index
    %swap3A_399 = arith.constant 0 : index
    %swap3A_400 = vector.load %arg9[%swap3A_398, %swap3A_399] : memref<16x128xf32, #tpu.memory_space<vmem>>, vector<16x128xf32>
    tpu.vector_store %arg9[%swap3A_398, %swap3A_399], %select_n3A_389 {strides = array<i32>} : memref<16x128xf32, #tpu.memory_space<vmem>>, vector<16x128xf32>,
    return
  }
}

module attributes {stable_mosaic.version = 14 : i64} {
  func.func @_chunkmin_body(%arg0: i32, %arg1: memref<256x3xf32, #tpu.memory_space<vmem>>, %arg2: memref<3x8192xf32, #tpu.memory_space<vmem>>, %arg3: memref<256x512xf32, #tpu.memory_space<vmem>>) attributes {dimension_semantics = [#tpu.dimension_semantics<arbitrary>], iteration_bounds = array<i64: 8>, scalar_prefetch = 0 : i64, scratch_operands = 0 : i64, tpu.core_type = #tpu.core_type<tc>, window_params = [{transform_indices = @transform_0, window_bounds = array<i64: 256, 3>}, {pipeline_mode = #tpu.pipeline_mode<synchronous>, transform_indices = @transform_1, window_bounds = array<i64: 3, 8192>}, {transform_indices = @transform_2, window_bounds = array<i64: 256, 512>}]} {
    %get3A = arith.constant 0 : index
    %get3A_0 = arith.constant 0 : index
    %get3A_1 = vector.load %arg1[%get3A, %get3A_0] : memref<256x3xf32, #tpu.memory_space<vmem>>, vector<256x3xf32>
    %get3A_2 = arith.constant 0 : index
    %get3A_3 = arith.constant 0 : index
    %get3A_4 = vector.load %arg2[%get3A_2, %get3A_3] : memref<3x8192xf32, #tpu.memory_space<vmem>>, vector<3x8192xf32>
    %slice3A = vector.extract_strided_slice %get3A_4 {offsets = [0, 0], sizes = [1, 8192], strides = [1, 1]} : vector<3x8192xf32> to vector<1x8192xf32>
    %slice3A_5 = vector.extract_strided_slice %get3A_4 {offsets = [0, 0], sizes = [1, 8192], strides = [1, 1]} : vector<3x8192xf32> to vector<1x8192xf32>
    %mul3A = arith.mulf %slice3A, %slice3A_5 : vector<1x8192xf32>
    %slice3A_6 = vector.extract_strided_slice %get3A_4 {offsets = [1, 0], sizes = [1, 8192], strides = [1, 1]} : vector<3x8192xf32> to vector<1x8192xf32>
    %slice3A_7 = vector.extract_strided_slice %get3A_4 {offsets = [1, 0], sizes = [1, 8192], strides = [1, 1]} : vector<3x8192xf32> to vector<1x8192xf32>
    %mul3A_8 = arith.mulf %slice3A_6, %slice3A_7 : vector<1x8192xf32>
    %add3A = arith.addf %mul3A, %mul3A_8 : vector<1x8192xf32>
    %slice3A_9 = vector.extract_strided_slice %get3A_4 {offsets = [2, 0], sizes = [1, 8192], strides = [1, 1]} : vector<3x8192xf32> to vector<1x8192xf32>
    %slice3A_10 = vector.extract_strided_slice %get3A_4 {offsets = [2, 0], sizes = [1, 8192], strides = [1, 1]} : vector<3x8192xf32> to vector<1x8192xf32>
    %mul3A_11 = arith.mulf %slice3A_9, %slice3A_10 : vector<1x8192xf32>
    %add3A_12 = arith.addf %add3A, %mul3A_11 : vector<1x8192xf32>
    %mul3A_13 = arith.mulf %get3A_1, %get3A_1 : vector<256x3xf32>
    %reduce_sum3A = arith.constant dense<0.000000e+00> : vector<256xf32>
    %reduce_sum3A_14 = vector.multi_reduction <add>, %mul3A_13, %reduce_sum3A [1] : vector<256x3xf32> to vector<256xf32>
    %broadcast_in_dim3A = vector.shape_cast %reduce_sum3A_14 : vector<256xf32> to vector<256x1xf32>
    %dot_general3A = arith.constant dense<0.000000e+00> : vector<256x8192xf32>
    %dot_general3A_15 = tpu.matmul %get3A_1, %get3A_4, %dot_general3A {dimension_numbers = #tpu.dot_dimension_numbers<[1], [0], [0], [1], [0, 0, 1, 1], [], []>, precision = #tpu.contract_precision<fp32>, transpose_lhs_hint = false} : vector<256x3xf32>, vector<3x8192xf32>, vector<256x8192xf32> -> vector<256x8192xf32>
    %mul3A_16 = arith.constant 2.000000e+00 : f32
    %mul3A_17 = vector.broadcast %mul3A_16 : f32 to vector<256x8192xf32>
    %mul3A_18 = arith.mulf %mul3A_17, %dot_general3A_15 : vector<256x8192xf32>
    %sub3A = vector.broadcast %broadcast_in_dim3A : vector<256x1xf32> to vector<256x8192xf32>
    %sub3A_19 = arith.subf %sub3A, %mul3A_18 : vector<256x8192xf32>
    %add3A_20 = vector.broadcast %add3A_12 : vector<1x8192xf32> to vector<256x8192xf32>
    %add3A_21 = arith.addf %sub3A_19, %add3A_20 : vector<256x8192xf32>
    %reshape3A = vector.shape_cast %add3A_21 : vector<256x8192xf32> to vector<256x16x512xf32>
    %reduce_min3A = arith.constant dense<0x7F800000> : vector<256x512xf32>
    %reduce_min3A_22 = vector.multi_reduction <minimumf>, %reshape3A, %reduce_min3A [1] : vector<256x16x512xf32> to vector<256x512xf32>
    %swap3A = arith.constant 0 : index
    %swap3A_23 = arith.constant 0 : index
    %swap3A_24 = vector.load %arg3[%swap3A, %swap3A_23] : memref<256x512xf32, #tpu.memory_space<vmem>>, vector<256x512xf32>
    tpu.vector_store %arg3[%swap3A, %swap3A_23], %reduce_min3A_22 {strides = array<i32>} : memref<256x512xf32, #tpu.memory_space<vmem>>, vector<256x512xf32>,
    return
  }
  func.func @transform_0(%arg0: i32) -> (i32, i32) {
    %c0_i32 = arith.constant 0 : i32
    %c0_i32_0 = arith.constant 0 : i32
    return %arg0, %c0_i32 : i32, i32
  }
  func.func @transform_1(%arg0: i32) -> (i32, i32) {
    %c0_i32 = arith.constant 0 : i32
    %c0_i32_0 = arith.constant 0 : i32
    %c0_i32_1 = arith.constant 0 : i32
    return %c0_i32, %c0_i32_0 : i32, i32
  }
  func.func @transform_2(%arg0: i32) -> (i32, i32) {
    %c0_i32 = arith.constant 0 : i32
    %c0_i32_0 = arith.constant 0 : i32
    return %arg0, %c0_i32 : i32, i32
  }
}

module attributes {stable_mosaic.version = 14 : i64} {
  func.func @_mlp_body(%arg0: i32, %arg1: memref<16384x8xf32, #tpu.memory_space<vmem>>, %arg2: memref<256x1xi32, #tpu.memory_space<vmem>>, %arg3: memref<8x64xf32, #tpu.memory_space<vmem>>, %arg4: memref<1x64xf32, #tpu.memory_space<vmem>>, %arg5: memref<64x64xf32, #tpu.memory_space<vmem>>, %arg6: memref<1x64xf32, #tpu.memory_space<vmem>>, %arg7: memref<64x128xf32, #tpu.memory_space<vmem>>, %arg8: memref<1x128xf32, #tpu.memory_space<vmem>>, %arg9: memref<256x128xf32, #tpu.memory_space<vmem>>) attributes {dimension_semantics = [#tpu.dimension_semantics<arbitrary>], iteration_bounds = array<i64: 8>, scalar_prefetch = 0 : i64, scratch_operands = 0 : i64, tpu.core_type = #tpu.core_type<tc>, window_params = [{transform_indices = @transform_0, window_bounds = array<i64: 16384, 8>}, {transform_indices = @transform_1, window_bounds = array<i64: 256, 1>}, {pipeline_mode = #tpu.pipeline_mode<synchronous>, transform_indices = @transform_2, window_bounds = array<i64: 8, 64>}, {pipeline_mode = #tpu.pipeline_mode<synchronous>, transform_indices = @transform_3, window_bounds = array<i64: 1, 64>}, {pipeline_mode = #tpu.pipeline_mode<synchronous>, transform_indices = @transform_4, window_bounds = array<i64: 64, 64>}, {pipeline_mode = #tpu.pipeline_mode<synchronous>, transform_indices = @transform_5, window_bounds = array<i64: 1, 64>}, {pipeline_mode = #tpu.pipeline_mode<synchronous>, transform_indices = @transform_6, window_bounds = array<i64: 64, 128>}, {pipeline_mode = #tpu.pipeline_mode<synchronous>, transform_indices = @transform_7, window_bounds = array<i64: 1, 128>}, {transform_indices = @transform_8, window_bounds = array<i64: 256, 128>}]} {
    %get3A = arith.constant 0 : index
    %get3A_0 = arith.constant 0 : index
    %get3A_1 = vector.load %arg1[%get3A, %get3A_0] : memref<16384x8xf32, #tpu.memory_space<vmem>>, vector<16384x8xf32>
    %get3A_2 = arith.constant 0 : index
    %get3A_3 = arith.constant 0 : index
    %get3A_4 = vector.load %arg3[%get3A_2, %get3A_3] : memref<8x64xf32, #tpu.memory_space<vmem>>, vector<8x64xf32>
    %dot_general3A = arith.constant dense<0.000000e+00> : vector<16384x64xf32>
    %dot_general3A_5 = tpu.matmul %get3A_1, %get3A_4, %dot_general3A {dimension_numbers = #tpu.dot_dimension_numbers<[1], [0], [0], [1], [0, 0, 1, 1], [], []>, transpose_lhs_hint = false} : vector<16384x8xf32>, vector<8x64xf32>, vector<16384x64xf32> -> vector<16384x64xf32>
    %get3A_6 = arith.constant 0 : index
    %get3A_7 = arith.constant 0 : index
    %get3A_8 = vector.load %arg4[%get3A_6, %get3A_7] : memref<1x64xf32, #tpu.memory_space<vmem>>, vector<1x64xf32>
    %add3A = vector.broadcast %get3A_8 : vector<1x64xf32> to vector<16384x64xf32>
    %add3A_9 = arith.addf %dot_general3A_5, %add3A : vector<16384x64xf32>
    %max3A = arith.constant 0.000000e+00 : f32
    %max3A_10 = vector.broadcast %max3A : f32 to vector<16384x64xf32>
    %max3A_11 = arith.maximumf %add3A_9, %max3A_10 : vector<16384x64xf32>
    %get3A_12 = arith.constant 0 : index
    %get3A_13 = arith.constant 0 : index
    %get3A_14 = vector.load %arg5[%get3A_12, %get3A_13] : memref<64x64xf32, #tpu.memory_space<vmem>>, vector<64x64xf32>
    %dot_general3A_15 = arith.constant dense<0.000000e+00> : vector<16384x64xf32>
    %dot_general3A_16 = tpu.matmul %max3A_11, %get3A_14, %dot_general3A_15 {dimension_numbers = #tpu.dot_dimension_numbers<[1], [0], [0], [1], [0, 0, 1, 1], [], []>, transpose_lhs_hint = false} : vector<16384x64xf32>, vector<64x64xf32>, vector<16384x64xf32> -> vector<16384x64xf32>
    %get3A_17 = arith.constant 0 : index
    %get3A_18 = arith.constant 0 : index
    %get3A_19 = vector.load %arg6[%get3A_17, %get3A_18] : memref<1x64xf32, #tpu.memory_space<vmem>>, vector<1x64xf32>
    %add3A_20 = vector.broadcast %get3A_19 : vector<1x64xf32> to vector<16384x64xf32>
    %add3A_21 = arith.addf %dot_general3A_16, %add3A_20 : vector<16384x64xf32>
    %max3A_22 = arith.constant 0.000000e+00 : f32
    %max3A_23 = vector.broadcast %max3A_22 : f32 to vector<16384x64xf32>
    %max3A_24 = arith.maximumf %add3A_21, %max3A_23 : vector<16384x64xf32>
    %get3A_25 = arith.constant 0 : index
    %get3A_26 = arith.constant 0 : index
    %get3A_27 = vector.load %arg7[%get3A_25, %get3A_26] : memref<64x128xf32, #tpu.memory_space<vmem>>, vector<64x128xf32>
    %dot_general3A_28 = arith.constant dense<0.000000e+00> : vector<16384x128xf32>
    %dot_general3A_29 = tpu.matmul %max3A_24, %get3A_27, %dot_general3A_28 {dimension_numbers = #tpu.dot_dimension_numbers<[1], [0], [0], [1], [0, 0, 1, 1], [], []>, transpose_lhs_hint = false} : vector<16384x64xf32>, vector<64x128xf32>, vector<16384x128xf32> -> vector<16384x128xf32>
    %get3A_30 = arith.constant 0 : index
    %get3A_31 = arith.constant 0 : index
    %get3A_32 = vector.load %arg8[%get3A_30, %get3A_31] : memref<1x128xf32, #tpu.memory_space<vmem>>, vector<1x128xf32>
    %add3A_33 = vector.broadcast %get3A_32 : vector<1x128xf32> to vector<16384x128xf32>
    %add3A_34 = arith.addf %dot_general3A_29, %add3A_33 : vector<16384x128xf32>
    %reshape3A = vector.shape_cast %add3A_34 : vector<16384x128xf32> to vector<256x64x128xf32>
    %get3A_35 = arith.constant 0 : index
    %get3A_36 = arith.constant 0 : index
    %get3A_37 = vector.load %arg2[%get3A_35, %get3A_36] : memref<256x1xi32, #tpu.memory_space<vmem>>, vector<256x1xi32>
    %reshape3A_38 = vector.shape_cast %get3A_37 : vector<256x1xi32> to vector<256x1x1xi32>
    %iota3A = tpu.iota {dimensions = array<i32: 1>} : vector<256x64x1xi32>
    %lt3A = vector.broadcast %reshape3A_38 : vector<256x1x1xi32> to vector<256x64x1xi32>
    %lt3A_39 = arith.cmpi slt, %iota3A, %lt3A : vector<256x64x1xi32>
    %jit3A = arith.constant 0xFF800000 : f32
    %broadcast_in_dim3A = vector.shape_cast %lt3A_39 : vector<256x64x1xi1> to vector<256x64x1xi1>
    %broadcast_in_dim3A_40 = vector.broadcast %broadcast_in_dim3A : vector<256x64x1xi1> to vector<256x64x128xi1>
    %broadcast_in_dim3A_41 = vector.broadcast %jit3A : f32 to vector<256x64x128xf32>
    %select_n3A = arith.select %broadcast_in_dim3A_40, %reshape3A, %broadcast_in_dim3A_41 : vector<256x64x128xi1>, vector<256x64x128xf32>
    %reduce_max3A = arith.constant dense<0xFF800000> : vector<256x128xf32>
    %reduce_max3A_42 = vector.multi_reduction <maximumf>, %select_n3A, %reduce_max3A [1] : vector<256x64x128xf32> to vector<256x128xf32>
    %reshape3A_43 = vector.shape_cast %reshape3A_38 : vector<256x1x1xi32> to vector<256x1xi32>
    %gt3A = arith.constant 0 : i32
    %gt3A_44 = vector.broadcast %gt3A : i32 to vector<256x1xi32>
    %gt3A_45 = arith.cmpi sgt, %reshape3A_43, %gt3A_44 : vector<256x1xi32>
    %jit3A_46 = arith.constant 0.000000e+00 : f32
    %broadcast_in_dim3A_47 = vector.shape_cast %gt3A_45 : vector<256x1xi1> to vector<256x1xi1>
    %broadcast_in_dim3A_48 = vector.broadcast %broadcast_in_dim3A_47 : vector<256x1xi1> to vector<256x128xi1>
    %broadcast_in_dim3A_49 = vector.broadcast %jit3A_46 : f32 to vector<256x128xf32>
    %select_n3A_50 = arith.select %broadcast_in_dim3A_48, %reduce_max3A_42, %broadcast_in_dim3A_49 : vector<256x128xi1>, vector<256x128xf32>
    %swap3A = arith.constant 0 : index
    %swap3A_51 = arith.constant 0 : index
    %swap3A_52 = vector.load %arg9[%swap3A, %swap3A_51] : memref<256x128xf32, #tpu.memory_space<vmem>>, vector<256x128xf32>
    tpu.vector_store %arg9[%swap3A, %swap3A_51], %select_n3A_50 {strides = array<i32>} : memref<256x128xf32, #tpu.memory_space<vmem>>, vector<256x128xf32>,
    return
  }
  func.func @transform_0(%arg0: i32) -> (i32, i32) {
    %c0_i32 = arith.constant 0 : i32
    %c0_i32_0 = arith.constant 0 : i32
    return %arg0, %c0_i32 : i32, i32
  }
  func.func @transform_1(%arg0: i32) -> (i32, i32) {
    %c0_i32 = arith.constant 0 : i32
    %c0_i32_0 = arith.constant 0 : i32
    return %arg0, %c0_i32 : i32, i32
  }
  func.func @transform_2(%arg0: i32) -> (i32, i32) {
    %c0_i32 = arith.constant 0 : i32
    %c0_i32_0 = arith.constant 0 : i32
    %c0_i32_1 = arith.constant 0 : i32
    return %c0_i32, %c0_i32_0 : i32, i32
  }
  func.func @transform_3(%arg0: i32) -> (i32, i32) {
    %c0_i32 = arith.constant 0 : i32
    %c0_i32_0 = arith.constant 0 : i32
    %c0_i32_1 = arith.constant 0 : i32
    return %c0_i32, %c0_i32_0 : i32, i32
  }
  func.func @transform_4(%arg0: i32) -> (i32, i32) {
    %c0_i32 = arith.constant 0 : i32
    %c0_i32_0 = arith.constant 0 : i32
    %c0_i32_1 = arith.constant 0 : i32
    return %c0_i32, %c0_i32_0 : i32, i32
  }
  func.func @transform_5(%arg0: i32) -> (i32, i32) {
    %c0_i32 = arith.constant 0 : i32
    %c0_i32_0 = arith.constant 0 : i32
    %c0_i32_1 = arith.constant 0 : i32
    return %c0_i32, %c0_i32_0 : i32, i32
  }
  func.func @transform_6(%arg0: i32) -> (i32, i32) {
    %c0_i32 = arith.constant 0 : i32
    %c0_i32_0 = arith.constant 0 : i32
    %c0_i32_1 = arith.constant 0 : i32
    return %c0_i32, %c0_i32_0 : i32, i32
  }
  func.func @transform_7(%arg0: i32) -> (i32, i32) {
    %c0_i32 = arith.constant 0 : i32
    %c0_i32_0 = arith.constant 0 : i32
    %c0_i32_1 = arith.constant 0 : i32
    return %c0_i32, %c0_i32_0 : i32, i32
  }
  func.func @transform_8(%arg0: i32) -> (i32, i32) {
    %c0_i32 = arith.constant 0 : i32
    %c0_i32_0 = arith.constant 0 : i32
    return %arg0, %c0_i32 : i32, i32
  }
}

</mosaic_0001>

<sc_bundles>
// kernel: gather_offload_async_start
scs
__scs_entry_jumppad:
0x0: {  	(pc) =	sbr.rel $0x88, $3  }
0x1: {  	(tag) =	ssettag $0x0;
	lr =	simm.s32 $0x1  }
0x2: {  	[smem:$0x3F98] =	sst lr;
	_ =	strace $0xD0000000  }
0x3: {  	_ = 	snop  }
0x4: {  	_ = 	snop  }
0x5: {  	_ = 	snop  }
0x6: {  	_ = 	snop  }
0x7: {  	_ = 	snop  }
__scs_overlays_trampoline_lowered:
0x8: {  	[smem:$0x3FA7] =	sst s0  }
0x9: {  	[smem:$0x3FA8] =	sst s1  }
0xa: {  	[smem:$0x3FA9] =	sst s2  }
0xb: {  	[smem:$0x3FAA] =	sst s3  }
0xc: {  	[smem:$0x3FAB] =	sst s4  }
0xd: {  	[smem:$0x3FAC] =	sst s5  }
0xe: {  	[smem:$0x3FAD] =	sst s6  }
0xf: {  	[smem:$0x3FAE] =	sst s7  }
0x10: {  	[smem:$0x3FAF] =	sst s8  }
0x11: {  	[smem:$0x3FB0] =	sst s9;
	s0 =	simm.s32 @!p0 $0x0  }
0x12: {  	s1 =	sld [smem:$0x3F96];
	s0 =	simm.s32 @p0 $0x1  }
0x13: {  	[smem:$0x3FB1] =	sst s0;
	s0 =	simm.s32 @!p1 $0x0  }
0x14: {  	s2 =	sld [smem:$0x3F95];
	s0 =	simm.s32 @p1 $0x1  }
0x15: {  	[smem:$0x3FB2] =	sst s0;
	s0 =	simm.s32 @!p2 $0x0  }
0x16: {  	s3 =	sld [smem:$0x3FDB];
	s0 =	simm.s32 @p2 $0x1  }
0x17: {  	s4 =	simm.s32 $0x1BF5;
	[smem:$0x3FB4] =	sst s0  }
0x18: {  	s0 =	sld [smem:$0x3F97];
	_ =	swait.ge [sflag:s4], $0x0  }
0x19: {  	s7 =	sld [smem:$0x3F98]  }
0x1a: {  	s8 =	sadd.s32 $0xFFFFE003, lr  }
0x1b: {  	s9 =	sadd.s32 $0xFFFFFEF7, lr;
	s5 =	simm.s32 $0xFFFFFFFF;
	p2 =	slt.u32 s8, $0xFFFFF086  }
0x1c: {  	p1 =	slt.u32 s9, $0xF7A;
	s5 =	simm.s32 @!p2 $0x0  }
0x1d: {  	s5 =	simm.s32 @p1 $0x1;
	p0 =	seq.s32 s7, s2  }
0x1e: {  	s7 =	smul.u32 @!p0 $0xF7A, s2;
	p2 =	seq.s32 @!p0 s5, $0x0  }
0x1f: {  	s9 =	smul.u32 $0xF7A, s1;
	s8 =	simm.s32 @!p0 $0x1BF5;
	p2 =	por !p2, p0  }
0x20: {  	[sflag:s8] =	ssyncset.s32 @!p0 $0xFFFFF086;
	s6 =	sadd.s32 @!p0 s3, s7;
	s7 =	simm.s32 @!p0 $0x108  }
0x21: {  	s3 =	sadd.s32 s3, s9;
	s6 =	sadd.s32 @!p0 $0x88, s6;
	s7 =	simm.s32 @p2 $0x1082  }
0x22: {  	[simem:s7], [sflag:s8] =	dma.local @!p0 [hbm:s6], $0xF7A  }
0x23: {  	s9 =	sor.u32 $0xD0000000, s2;
	s6 =	simm.s32 $0x108;
	_ =	swait.ge @!p0 [sflag:s8], $0x0  }
0x24: {  	s3 =	sadd.s32 $0x88, s3;
	s6 =	simm.s32 @!p1 $0x1082;
	[sflag:s4] =	ssyncset.s32 $0xFFFFF086  }
0x25: {  	[simem:s6], [sflag:s4] =	dma.local [hbm:s3], $0xF7A  }
0x26: {  	[smem:$0x3F98] =	sst s1;
	(tag) =	ssettag s2;
	_ =	strace s9  }
0x27: {  	s1 =	sld [smem:$0x3FA8]  }
0x28: {  	s2 =	sld [smem:$0x3FA9]  }
0x29: {  	s4 =	sld [smem:$0x3FAB]  }
0x2a: {  	p0 =	seq.s32 s5, $0x0;
	s5 =	sld [smem:$0x3FAC]  }
0x2b: {  	s6 =	sld [smem:$0x3FAD]  }
0x2c: {  	s7 =	sld [smem:$0x3FAE]  }
0x2d: {  	s3 =	simm.s32 $0x108;
	s8 =	sld [smem:$0x3FAF]  }
0x2e: {  	s3 =	simm.s32 @!p0 $0x1082;
	s9 =	sld [smem:$0x3FB0]  }
0x2f: {  	lr =	sadd.s32 s0, s3;
	s0 =	sld [smem:$0x3FA7]  }
0x30: {  	s3 =	sld [smem:$0x3FAA]  }
0x31: {  	[smem:$0x3FB3] =	sst s10  }
0x32: {  	s10 =	sld [smem:$0x3FB1];
	_ =	sdelay $0x3  }
0x33: {  	p0 =	seq.s32 s10, $0x1;
	s10 =	sld [smem:$0x3FB3];
	_ =	sdelay $0x3  }
0x34: {  	[smem:$0x3FB3] =	sst s10  }
0x35: {  	s10 =	sld [smem:$0x3FB2];
	_ =	sdelay $0x3  }
0x36: {  	p1 =	seq.s32 s10, $0x1;
	s10 =	sld [smem:$0x3FB3];
	_ =	sdelay $0x3  }
0x37: {  	[smem:$0x3FB3] =	sst s10  }
0x38: {  	s10 =	sld [smem:$0x3FB4]  }
0x39: {  	_ = 	snop;
	(pc) =	sbr.ind lr, $3  }
0x3a: {  	_ = 	snop  }
0x3b: {  	_ = 	snop  }
0x3c: {  	p2 =	seq.s32 s10, $0x1;
	s10 =	sld [smem:$0x3FB3]  }
0x3d: {  	_ =	shalt  }
0x3e: {  	_ =	shalt  }
0x3f: {  	_ =	shalt  }
0x40: {  	_ =	shalt  }
0x41: {  	_ =	shalt  }
0x42: {  	_ =	shalt  }
0x43: {  	_ =	shalt  }
0x44: {  	_ =	shalt  }
0x45: {  	_ =	shalt  }
0x46: {  	_ =	shalt  }
0x47: {  	_ =	shalt  }
0x48: {  	_ =	shalt  }
0x49: {  	_ =	shalt  }
0x4a: {  	_ =	shalt  }
0x4b: {  	_ =	shalt  }
0x4c: {  	_ =	shalt  }
0x4d: {  	_ =	shalt  }
0x4e: {  	_ =	shalt  }
0x4f: {  	_ =	shalt  }
0x50: {  	_ =	shalt  }
0x51: {  	_ =	shalt  }
0x52: {  	_ =	shalt  }
0x53: {  	_ =	shalt  }
0x54: {  	_ =	shalt  }
0x55: {  	_ =	shalt  }
0x56: {  	_ =	shalt  }
0x57: {  	_ =	shalt  }
0x58: {  	_ =	shalt  }
0x59: {  	_ =	shalt  }
0x5a: {  	_ =	shalt  }
0x5b: {  	_ =	shalt  }
0x5c: {  	_ =	shalt  }
0x5d: {  	_ =	shalt  }
0x5e: {  	_ =	shalt  }
0x5f: {  	_ =	shalt  }
0x60: {  	_ =	shalt  }
0x61: {  	_ =	shalt  }
0x62: {  	_ =	shalt  }
0x63: {  	_ =	shalt  }
0x64: {  	_ =	shalt  }
0x65: {  	_ =	shalt  }
0x66: {  	_ =	shalt  }
0x67: {  	_ =	shalt  }
0x68: {  	_ =	shalt  }
0x69: {  	_ =	shalt  }
0x6a: {  	_ =	shalt  }
0x6b: {  	_ =	shalt  }
0x6c: {  	_ =	shalt  }
0x6d: {  	_ =	shalt  }
0x6e: {  	_ =	shalt  }
0x6f: {  	_ =	shalt  }
0x70: {  	_ =	shalt  }
0x71: {  	_ =	shalt  }
0x72: {  	_ =	shalt  }
0x73: {  	_ =	shalt  }
0x74: {  	_ =	shalt  }
0x75: {  	_ =	shalt  }
0x76: {  	_ =	shalt  }
0x77: {  	_ =	shalt  }
0x78: {  	_ =	shalt  }
0x79: {  	_ =	shalt  }
0x7a: {  	_ =	shalt  }
0x7b: {  	_ =	shalt  }
0x7c: {  	_ =	shalt  }
0x7d: {  	_ =	shalt  }
0x7e: {  	_ =	shalt  }
0x7f: {  	_ =	shalt  }
0x80: {  	_ =	shalt  }
0x81: {  	_ =	shalt  }
0x82: {  	_ =	shalt  }
0x83: {  	_ =	shalt  }
0x84: {  	_ =	shalt  }
0x85: {  	_ =	shalt  }
0x86: {  	_ =	shalt  }
0x87: {  	_ =	shalt  }
.Lfunc_end0:
.L_simem_size_0:
called_computation_lowered:
.L_overlay_start_0:
0x88: {  	s2 =	sld [smem:$0x3FD9]  }
0x89: {  	s3 =	sld [smem:$0x3FFE];
	_ =	sdelay $0x1  }
0x8a: {  	s1 =	srdreg.scid  }
0x8b: {  	s0 =	sand.u32 $0x1, s1  }
0x8c: {  	s14 =	sshll.u32 s0, $0xA;
	s2 =	sadd.s32 s3, s2  }
0x8d: {  	s2 =	sadd.s32 s2, s14  }
0x8e: {  	[smem:$0x3FBF] =	sst s2  }
0x8f: {  	_ = 	snop  }
0x90: {  	s2 =	sld [smem:$0x3FD0];
	_ =	sdelay $0x2  }
0x91: {  	s4 =	simm.s32 $0xA;
	s5 =	simm.s32 $0x10;
	s15 =	sld [smem:$0x3FC7]  }
0x92: {  	[smem:s5], [sflag:s4] =	dma.local [hbm:s2], $0x1  }
0x93: {  	_ =	swait.eq [sflag:s4], $0x1  }
0x94: {  	[sflag:s4] =	ssyncset.done $0x0  }
0x95: {  	[sflag:s4] =	ssyncadd.s32 $0xFFFFFFFF  }
0x96: {  	s16 =	sld [smem:$0x12];
	(tm) =	ssettm $0x1  }
0x97: {  	s17 =	sld [smem:$0x3FFB];
	_ =	sdelay $0x3  }
0x98: {  	_ =	strace s17  }
0x99: {  	s4 =	sld [smem:$0x3FFC];
	_ =	sdelay $0x3  }
0x9a: {  	_ =	strace s4  }
0x9b: {  	s4 =	sld [smem:$0x3FFD];
	_ =	sdelay $0x3  }
0x9c: {  	_ =	strace s4  }
0x9d: {  	_ =	strace $0x8FFFFFFF  }
0x9e: {  	s18 =	sld [smem:$0x3FDB];
	_ =	sdelay $0x1  }
0x9f: {  	s19 =	simm.s32 $_scs_section_size  }
0xa0: {  	s6 =	simm.s32 $_size__tile_overlayer_lowered;
	s7 =	simm.s32 $_tile_overlayer_lowered  }
0xa1: {  	s22 =	simm.s32 $0x1BFF;
	s21 =	sshll.u32 s7, $0x1;
	s4 =	sadd.s32 s19, s18  }
0xa2: {  	s8 =	simm.s32 $0x0;
	s20 =	sshll.u32 s6, $0x1;
	s6 =	sadd.s32 s21, s4  }
0xa3: {  	[timem:s8], [sflag:s22] =	dma.local [hbm:s6], s20  }
0xa4: {  	_ =	swait.ge [sflag:s22], s20  }
0xa5: {  	s5 =	ssub.s32 $0x0, s20;
	[sflag:s22] =	ssyncset.done $0x0  }
0xa6: {  	[sflag:s22] =	ssyncadd.s32 s5;
	_ =	sdelay $0x1  }
0xa7: {  	s23 =	simm.s32 $0x1B8B  }
0xa8: {  	_ =	swait.ge [sflag:s23], $0x1  }
0xa9: {  	[sflag:s23] =	ssyncset.done $0x0  }
0xaa: {  	s25 =	simm.s32 $0x1B8E;
	s24 =	sld [smem:$0x3FFE];
	[sflag:s23] =	ssyncadd.s32 $0xFFFFFFFF  }
0xab: {  	s26 =	simm.s32 $execute0_lowered;
	[smem:$0x3FD2] =	sst s25  }
0xac: {  	s6 =	sshll.u32 s26, $0x1;
	_ =	strace $0x80000049;
	[dreg:$0x1] =	wrdreg $0xFFFFFFFF  }
0xad: {  	s28 =	simm.s32 $_size_execute0_lowered;
	s4 =	sadd.s32 s4, s6;
	[dreg:$0x0] =	wrdreg $0x0  }
0xae: {  	s6 =	sshll.u32 s28, $0x1;
	[dreg:$0x2] =	wrdreg s4  }
0xaf: {  	[dreg:$0x3] =	wrdreg s6  }
0xb0: {  	[dreg:$0x4] =	wrdreg $0xC0  }
0xb1: {  	_ =	task [dreg:s8], $0x5FFFF  }
0xb2: {  	[dreg:$0x1] =	wrdreg $0xFFFFFFFF  }
0xb3: {  	[dreg:$0x0] =	wrdreg $0x60  }
0xb4: {  	[dreg:$0x2] =	wrdreg s15  }
0xb5: {  	[dreg:$0x3] =	wrdreg s24  }
0xb6: {  	[dreg:$0x4] =	wrdreg s16  }
0xb7: {  	[dreg:$0x5] =	wrdreg $0x9  }
0xb8: {  	_ =	task.clear_ibuf [dreg:s8], $0x6FFFF;
	_ =	strace $0x90000049  }
0xb9: {  	s29 =	simm.s32 $0x9;
	_ =	strace $0x8000004B  }
0xba: {  	_ =	swait.ge [sflag:s29], $0x1  }
0xbb: {  	[sflag:s29] =	ssyncadd.s32 $0xFFFFFFFF  }
0xbc: {  	_ =	strace $0x9000004B  }
0xbd: {  	_ =	sfence  }
0xbe: {  	s30 =	sld [smem:$0x0];
	_ =	sdelay $0x2  }
0xbf: {  	s31 =	sshll.u32 s1, $0xD;
	s1 =	sshrl.u32 s1, $0x2  }
0xc0: {  	s3 =	sand.u32 $0x4000, s31;
	s1 =	sadd.s32 s1, s30  }
0xc1: {  	s0 =	sor.u32 s3, s0;
	s1 =	sshll.u32 s1, $0x11  }
0xc2: {  	s0 =	sor.u32 s1, s0  }
0xc3: {  	s0 =	sadd.s32 $0x8F2B, s0  }
0xc4: {  	[sflag:s0] =	ssyncadd.remote.s32 $0x1  }
0xc5: {  	_ =	sfence.sel $0xFFFF  }
0xc6: {  	[dreg:$0x0] =	wrdreg $0xFFFFFFFF;
	(pc) =	sbr.abs _section_cstart, $3  }
0xc7: {  	[dreg:$0x1] =	wrdreg $0xFFFFFFFF  }
0xc8: {  	_ =	task.clear_ibuf [dreg:s8], $0x2FFFF;
	_ =	strace $0x9FFFFFFF  }
0xc9: {  	(tm) =	ssettm $0x7FFFFFFF  }
tec
execute0_lowered:
.L_overlay_start_1:
0x0: {  	(tag) =	ssettag $0x1  }
0x1: {  	s1 =	srdreg.scid;
	s2 =	rddreg [dreg:$0x0]  }
0x2: {  	s0 =	stileid.u32;
	s6 =	rddreg [dreg:$0x1];
	s1 =	sshll.u32 s1, $0x5  }
0x3: {  	s3 =	rddreg [dreg:$0x2];
	s4 =	sshll.u32 s0, $0x6;
	s1 =	sand.u32 $0x20, s1  }
0x4: {  	s7 =	simm.s32 $0x1;
	s30 =	simm.s32 $0x2;
	s4 =	sor.u32 s4, s1  }
0x5: {  	s31 =	simm.s32 $0x3;
	s11 =	simm.s32 $0x0;
	s5 =	ssub.s32 $0x800, s4  }
0x6: {  	s9 =	simm.s32 $0x0;
	s6 =	sadd.s32 $0x40C00, s6;
	s8 =	sand.u32 $0x3E0, s5  }
0x7: {  	s1 =	rddreg [dreg:$0x3];
	_ =	strace $0x8000004A;
	p0 =	sne.s32 s8, $0x0  }
0x8: {  	[sflag:s7] =	ssyncpa.u1 $0x0;
	s5 =	sshrl.u32 s5, $0xA;
	s7 =	simm.s32 @!p0 $0x0  }
0x9: {  	s10 =	smov.u32 s4;
	[sflag:s30] =	ssyncpa.u1 $0x0;
	s5 =	sadd.s32 s7, s5  }
0xa: {  	[sflag:s31] =	ssyncpa.u1 $0x0;
	s8 =	simm.s32 $0x0;
	s7 =	sadd.s32 $0x1, s5  }
.LBB2_1:
0xb: {  	p0 =	sge.u32 s9, s5  }
0xc: {  	s31 =	sadd.s32 $0xFFFFFFFF, s9;
	s12 =	sxor.u32 @!p0 $0xFFFFFFFF, s8;
	s13 =	sshrl.u32 @!p0 s10, $0x3  }
0xd: {  	s14 =	sand.u32 @!p0 $0x7, s10;
	s12 =	sand.u32 @!p0 $0x20, s12;
	s13 =	sadd.s32 @!p0 s6, s13  }
0xe: {  	[tilespmem:s12], [sflag:$0x2] =	stream.linear.gather @!p0 [hbm4b:s13+s14], $0x20, $0x38;
	[tilespmem:$0x80] =	vst v63  }
0xf: {  	p0 =	sge.u32 s31, s5  }
0x10: {  	s12 =	simm.s32 @!p0 $0x2  }
0x11: {  	_ =	swait.ge @!p0 [sflag:s12], $0x20  }
0x12: {  	[sflag:s12] =	ssyncset.done @!p0 $0x0  }
0x13: {  	[sflag:s12] =	ssyncadd.s32 @!p0 $0xFFFFFFE0;
	s12 =	sand.u32 @!p0 $0x20, s8  }
0x14: {  	(ifvalue) =	ssetifvalue @!p0 $0x7FFFFFFF;
	v0 =	vld.msk @!p0 [tilespmem:s12+$0x0 ss:$0x1], $0xffff;
	_ =	sdelay $0x4  }
0x15: {  	vm0 =	vgt.s32 @!p0 v0, $0x0  }
0x16: {  	v0 =	vnsel @!p0 vm0, $0x0, v0  }
0x17: {  	v0 =	vmin.u32 @!p0 v0, $0x1FFF;
	_ =	sdelay $0x2  }
0x18: {  	s14 =	simm.s32 @!p0 $0x0  }
0x19: {  	s13 =	sor.u32 @!p0 $0x40, s12;
	(ifvalue) =	ssetifvalue @!p0 $0x7FFFFFFF;
	s15 =	sor.u32 @!p0 $0x10, s12;
	vm0 =	vmmov @!p0 $0xffff  }
0x1a: {  	[tilespmem:s13], [sflag:$0x1] =	stream.indirect_vreg.gather @!p0 [hbm4b:s2+s14], $0x1, v0, vm0, $0x4038;
	[tilespmem:$0x80] =	vst v63  }
0x1b: {  	v0 =	vld.msk @!p0 [tilespmem:s15+$0x0 ss:$0x1], $0xffff;
	_ =	sdelay $0x4  }
0x1c: {  	vm1 =	vgt.s32 @!p0 v0, $0x0  }
0x1d: {  	v0 =	vnsel @!p0 vm1, $0x0, v0  }
0x1e: {  	v0 =	vmin.u32 @!p0 v0, $0x1FFF;
	_ =	sdelay $0x3  }
0x1f: {  	s12 =	sor.u32 @!p0 $0x50, s12;
	(ifvalue) =	ssetifvalue @!p0 $0x7FFFFFFF  }
0x20: {  	[tilespmem:s12], [sflag:$0x1] =	stream.indirect_vreg.gather @!p0 [hbm4b:s2+s14], $0x1, v0, vm0, $0x4038;
	[tilespmem:$0x80] =	vst v63  }
0x21: {  	s12 =	simm.s32 @!p0 $0x1  }
0x22: {  	_ =	swait.ge @!p0 [sflag:s12], $0x20  }
0x23: {  	s14 =	sshrl.u32 @!p0 s11, $0x3;
	[sflag:s12] =	ssyncset.done @!p0 $0x0  }
0x24: {  	s11 =	sand.u32 @!p0 $0x7, s11;
	[sflag:s12] =	ssyncadd.s32 @!p0 $0xFFFFFFE0;
	s12 =	sadd.s32 @!p0 s3, s14  }
0x25: {  	[hbm4b:s12+s11] =	stream.linear.scatter @!p0 [tilespmem:s13], [sflag:$0x3], $0x20, $0x38;
	[tilespmem:$0x80] =	vst v63  }
0x26: {  	s13 =	sadd.s32 $0x400, s10  }
0x27: {  	p1 =	sgt.s32 s13, $0x7FF  }
0x28: {  	s13 =	smov.u32 @p1 s4;
	p1 =	sne.s32 s9, s7  }
.Ltmp0:
0x29: {  	p0 =	slt.u32 s9, $0x2;
	(pc) =	sbr.rel @p1 .LBB2_1-.Ltmp0, $4  }
0x2a: {  	s12 =	simm.s32 @!p0 $0x3  }
0x2b: {  	_ =	swait.ge @!p0 [sflag:s12], $0x20  }
0x2c: {  	s8 =	sadd.s32 $0x20, s8;
	s11 =	smov.u32 s10;
	[sflag:s12] =	ssyncset.done @!p0 $0x0  }
0x2d: {  	s9 =	sadd.s32 $0x1, s9;
	s10 =	smov.u32 s13;
	[sflag:s12] =	ssyncadd.s32 @!p0 $0xFFFFFFE0  }
0x2e: {  	_ =	sfence.sel $0x180000  }
0x2f: {  	s2 =	simm.s32 $0x2;
	[bflag:$0x0] =	sbarrier.arrive $0xFFFF  }
0x30: {  	s30 =	simm.s32 $0x3;
	[sflag:s2] =	ssyncpa.u1 $0x1  }
0x31: {  	s31 =	simm.s32 $0x1;
	[sflag:s30] =	ssyncpa.u1 $0x1  }
0x32: {  	[sflag:s31] =	ssyncpa.u1 $0x1  }
0x33: {  	p0 =	sne.s32 s0, $0x0;
	_ =	strace $0x9000004A  }
0x34: {  	s0 =	sadd.s32 @!p0 $0x100000, s1;
	[bflag:$0x2] =	sbarrier.arrive $0xFFFF  }
0x35: {  	[sflag:s0] =	ssyncadd.tile.s32 @!p0 $0x1;
	_ =	shalt  }
.Lfunc_end2:
_tile_overlayer_lowered:
.L_overlay_start_2:
0x36: {  	(tag) =	ssettag $0x2  }
0x37: {  	s0 =	rddreg [dreg:$0x0];
	s2 =	stileid.u32  }
0x38: {  	s1 =	rddreg [dreg:$0x1];
	p0 =	sne.s32 s2, $0x0  }
0x39: {  	s3 =	rddreg [dreg:$0x2];
	[bflag:$0x3] =	sbarrier.arrive $0xFFFF;
	s2 =	simm.s32 @!p0 $0x1C01  }
0x3a: {  	[timem:s3], [sflag:s2] =	dma.local @!p0 [hbm:s0], s1  }
0x3b: {  	s0 =	simm.s32 @!p0 $0x1  }
0x3c: {  	_ =	swait.ge @!p0 [sflag:s0], s1  }
0x3d: {  	s1 =	ssub.s32 @!p0 $0x0, s1;
	[sflag:s0] =	ssyncset.done @!p0 $0x0  }
0x3e: {  	[sflag:s0] =	ssyncadd.s32 @!p0 s1  }
0x3f: {  	[bflag:$0x3] =	sbarrier.arrive $0xFFFF  }
0x40: {  	_ =	shalt  }

// kernel: kernel.6.cloned.1.call-start
scs
__scs_entry_jumppad:
0x0: {  	(pc) =	sbr.rel $0x88, $3  }
0x1: {  	(tag) =	ssettag $0x0;
	lr =	simm.s32 $0x1  }
0x2: {  	[smem:$0x3F98] =	sst lr;
	_ =	strace $0xD0000000  }
0x3: {  	_ = 	snop  }
0x4: {  	_ = 	snop  }
0x5: {  	_ = 	snop  }
0x6: {  	_ = 	snop  }
0x7: {  	_ = 	snop  }
__scs_overlays_trampoline_lowered:
0x8: {  	[smem:$0x3FA7] =	sst s0  }
0x9: {  	[smem:$0x3FA8] =	sst s1  }
0xa: {  	[smem:$0x3FA9] =	sst s2  }
0xb: {  	[smem:$0x3FAA] =	sst s3  }
0xc: {  	[smem:$0x3FAB] =	sst s4  }
0xd: {  	[smem:$0x3FAC] =	sst s5  }
0xe: {  	[smem:$0x3FAD] =	sst s6  }
0xf: {  	[smem:$0x3FAE] =	sst s7  }
0x10: {  	[smem:$0x3FAF] =	sst s8  }
0x11: {  	[smem:$0x3FB0] =	sst s9;
	s0 =	simm.s32 @!p0 $0x0  }
0x12: {  	s1 =	sld [smem:$0x3F96];
	s0 =	simm.s32 @p0 $0x1  }
0x13: {  	[smem:$0x3FB1] =	sst s0;
	s0 =	simm.s32 @!p1 $0x0  }
0x14: {  	s2 =	sld [smem:$0x3F95];
	s0 =	simm.s32 @p1 $0x1  }
0x15: {  	[smem:$0x3FB2] =	sst s0;
	s0 =	simm.s32 @!p2 $0x0  }
0x16: {  	s3 =	sld [smem:$0x3FDB];
	s0 =	simm.s32 @p2 $0x1  }
0x17: {  	s4 =	simm.s32 $0x1BF5;
	[smem:$0x3FB4] =	sst s0  }
0x18: {  	s0 =	sld [smem:$0x3F97];
	_ =	swait.ge [sflag:s4], $0x0  }
0x19: {  	s7 =	sld [smem:$0x3F98]  }
0x1a: {  	s8 =	sadd.s32 $0xFFFFE003, lr  }
0x1b: {  	s9 =	sadd.s32 $0xFFFFFEF7, lr;
	s5 =	simm.s32 $0xFFFFFFFF;
	p2 =	slt.u32 s8, $0xFFFFF086  }
0x1c: {  	p1 =	slt.u32 s9, $0xF7A;
	s5 =	simm.s32 @!p2 $0x0  }
0x1d: {  	s5 =	simm.s32 @p1 $0x1;
	p0 =	seq.s32 s7, s2  }
0x1e: {  	s7 =	smul.u32 @!p0 $0xF7A, s2;
	p2 =	seq.s32 @!p0 s5, $0x0  }
0x1f: {  	s9 =	smul.u32 $0xF7A, s1;
	s8 =	simm.s32 @!p0 $0x1BF5;
	p2 =	por !p2, p0  }
0x20: {  	[sflag:s8] =	ssyncset.s32 @!p0 $0xFFFFF086;
	s6 =	sadd.s32 @!p0 s3, s7;
	s7 =	simm.s32 @!p0 $0x108  }
0x21: {  	s3 =	sadd.s32 s3, s9;
	s6 =	sadd.s32 @!p0 $0x88, s6;
	s7 =	simm.s32 @p2 $0x1082  }
0x22: {  	[simem:s7], [sflag:s8] =	dma.local @!p0 [hbm:s6], $0xF7A  }
0x23: {  	s9 =	sor.u32 $0xD0000000, s2;
	s6 =	simm.s32 $0x108;
	_ =	swait.ge @!p0 [sflag:s8], $0x0  }
0x24: {  	s3 =	sadd.s32 $0x88, s3;
	s6 =	simm.s32 @!p1 $0x1082;
	[sflag:s4] =	ssyncset.s32 $0xFFFFF086  }
0x25: {  	[simem:s6], [sflag:s4] =	dma.local [hbm:s3], $0xF7A  }
0x26: {  	[smem:$0x3F98] =	sst s1;
	(tag) =	ssettag s2;
	_ =	strace s9  }
0x27: {  	s1 =	sld [smem:$0x3FA8]  }
0x28: {  	s2 =	sld [smem:$0x3FA9]  }
0x29: {  	s4 =	sld [smem:$0x3FAB]  }
0x2a: {  	p0 =	seq.s32 s5, $0x0;
	s5 =	sld [smem:$0x3FAC]  }
0x2b: {  	s6 =	sld [smem:$0x3FAD]  }
0x2c: {  	s7 =	sld [smem:$0x3FAE]  }
0x2d: {  	s3 =	simm.s32 $0x108;
	s8 =	sld [smem:$0x3FAF]  }
0x2e: {  	s3 =	simm.s32 @!p0 $0x1082;
	s9 =	sld [smem:$0x3FB0]  }
0x2f: {  	lr =	sadd.s32 s0, s3;
	s0 =	sld [smem:$0x3FA7]  }
0x30: {  	s3 =	sld [smem:$0x3FAA]  }
0x31: {  	[smem:$0x3FB3] =	sst s10  }
0x32: {  	s10 =	sld [smem:$0x3FB1];
	_ =	sdelay $0x3  }
0x33: {  	p0 =	seq.s32 s10, $0x1;
	s10 =	sld [smem:$0x3FB3];
	_ =	sdelay $0x3  }
0x34: {  	[smem:$0x3FB3] =	sst s10  }
0x35: {  	s10 =	sld [smem:$0x3FB2];
	_ =	sdelay $0x3  }
0x36: {  	p1 =	seq.s32 s10, $0x1;
	s10 =	sld [smem:$0x3FB3];
	_ =	sdelay $0x3  }
0x37: {  	[smem:$0x3FB3] =	sst s10  }
0x38: {  	s10 =	sld [smem:$0x3FB4]  }
0x39: {  	_ = 	snop;
	(pc) =	sbr.ind lr, $3  }
0x3a: {  	_ = 	snop  }
0x3b: {  	_ = 	snop  }
0x3c: {  	p2 =	seq.s32 s10, $0x1;
	s10 =	sld [smem:$0x3FB3]  }
0x3d: {  	_ =	shalt  }
0x3e: {  	_ =	shalt  }
0x3f: {  	_ =	shalt  }
0x40: {  	_ =	shalt  }
0x41: {  	_ =	shalt  }
0x42: {  	_ =	shalt  }
0x43: {  	_ =	shalt  }
0x44: {  	_ =	shalt  }
0x45: {  	_ =	shalt  }
0x46: {  	_ =	shalt  }
0x47: {  	_ =	shalt  }
0x48: {  	_ =	shalt  }
0x49: {  	_ =	shalt  }
0x4a: {  	_ =	shalt  }
0x4b: {  	_ =	shalt  }
0x4c: {  	_ =	shalt  }
0x4d: {  	_ =	shalt  }
0x4e: {  	_ =	shalt  }
0x4f: {  	_ =	shalt  }
0x50: {  	_ =	shalt  }
0x51: {  	_ =	shalt  }
0x52: {  	_ =	shalt  }
0x53: {  	_ =	shalt  }
0x54: {  	_ =	shalt  }
0x55: {  	_ =	shalt  }
0x56: {  	_ =	shalt  }
0x57: {  	_ =	shalt  }
0x58: {  	_ =	shalt  }
0x59: {  	_ =	shalt  }
0x5a: {  	_ =	shalt  }
0x5b: {  	_ =	shalt  }
0x5c: {  	_ =	shalt  }
0x5d: {  	_ =	shalt  }
0x5e: {  	_ =	shalt  }
0x5f: {  	_ =	shalt  }
0x60: {  	_ =	shalt  }
0x61: {  	_ =	shalt  }
0x62: {  	_ =	shalt  }
0x63: {  	_ =	shalt  }
0x64: {  	_ =	shalt  }
0x65: {  	_ =	shalt  }
0x66: {  	_ =	shalt  }
0x67: {  	_ =	shalt  }
0x68: {  	_ =	shalt  }
0x69: {  	_ =	shalt  }
0x6a: {  	_ =	shalt  }
0x6b: {  	_ =	shalt  }
0x6c: {  	_ =	shalt  }
0x6d: {  	_ =	shalt  }
0x6e: {  	_ =	shalt  }
0x6f: {  	_ =	shalt  }
0x70: {  	_ =	shalt  }
0x71: {  	_ =	shalt  }
0x72: {  	_ =	shalt  }
0x73: {  	_ =	shalt  }
0x74: {  	_ =	shalt  }
0x75: {  	_ =	shalt  }
0x76: {  	_ =	shalt  }
0x77: {  	_ =	shalt  }
0x78: {  	_ =	shalt  }
0x79: {  	_ =	shalt  }
0x7a: {  	_ =	shalt  }
0x7b: {  	_ =	shalt  }
0x7c: {  	_ =	shalt  }
0x7d: {  	_ =	shalt  }
0x7e: {  	_ =	shalt  }
0x7f: {  	_ =	shalt  }
0x80: {  	_ =	shalt  }
0x81: {  	_ =	shalt  }
0x82: {  	_ =	shalt  }
0x83: {  	_ =	shalt  }
0x84: {  	_ =	shalt  }
0x85: {  	_ =	shalt  }
0x86: {  	_ =	shalt  }
0x87: {  	_ =	shalt  }
.Lfunc_end0:
.L_simem_size_0:
called_computation.1_lowered:
.L_overlay_start_0:
0x88: {  	s2 =	sld [smem:$0x3FD9]  }
0x89: {  	s3 =	sld [smem:$0x3FFE];
	_ =	sdelay $0x1  }
0x8a: {  	s1 =	srdreg.scid  }
0x8b: {  	s0 =	sand.u32 $0x1, s1  }
0x8c: {  	s14 =	sshll.u32 s0, $0xA;
	s2 =	sadd.s32 s3, s2  }
0x8d: {  	s2 =	sadd.s32 s2, s14  }
0x8e: {  	[smem:$0x3FBF] =	sst s2  }
0x8f: {  	_ = 	snop  }
0x90: {  	s2 =	sld [smem:$0x3FD0];
	_ =	sdelay $0x2  }
0x91: {  	s15 =	simm.s32 $0xA;
	s4 =	simm.s32 $0x10  }
0x92: {  	[smem:s4], [sflag:s15] =	dma.local [hbm:s2], $0x1  }
0x93: {  	_ =	swait.eq [sflag:s15], $0x1  }
0x94: {  	[sflag:s15] =	ssyncset.done $0x0  }
0x95: {  	s16 =	sld [smem:$0x10];
	[sflag:s15] =	ssyncadd.s32 $0xFFFFFFFF  }
0x96: {  	s17 =	sld [smem:$0x12];
	(tm) =	ssettm $0x1  }
0x97: {  	s18 =	sld [smem:$0x3FFB];
	_ =	sdelay $0x3  }
0x98: {  	_ =	strace s18  }
0x99: {  	s4 =	sld [smem:$0x3FFC];
	_ =	sdelay $0x3  }
0x9a: {  	_ =	strace s4  }
0x9b: {  	s4 =	sld [smem:$0x3FFD];
	_ =	sdelay $0x3  }
0x9c: {  	_ =	strace s4  }
0x9d: {  	_ =	strace $0x8FFFFFFF  }
0x9e: {  	s19 =	sld [smem:$0x3FDB];
	_ =	sdelay $0x1  }
0x9f: {  	s5 =	simm.s32 $_scs_section_size  }
0xa0: {  	s6 =	simm.s32 $_size__tile_overlayer_lowered;
	s7 =	simm.s32 $_tile_overlayer_lowered  }
0xa1: {  	s22 =	simm.s32 $0x1BFF;
	s21 =	sshll.u32 s7, $0x1;
	s4 =	sadd.s32 s5, s19  }
0xa2: {  	s8 =	simm.s32 $0x0;
	s20 =	sshll.u32 s6, $0x1;
	s6 =	sadd.s32 s21, s4  }
0xa3: {  	[timem:s8], [sflag:s22] =	dma.local [hbm:s6], s20  }
0xa4: {  	_ =	swait.ge [sflag:s22], s20  }
0xa5: {  	s5 =	ssub.s32 $0x0, s20;
	[sflag:s22] =	ssyncset.done $0x0  }
0xa6: {  	[sflag:s22] =	ssyncadd.s32 s5;
	_ =	sdelay $0x1  }
0xa7: {  	s23 =	simm.s32 $0x1B8B  }
0xa8: {  	_ =	swait.ge [sflag:s23], $0x1  }
0xa9: {  	[sflag:s23] =	ssyncset.done $0x0  }
0xaa: {  	s25 =	simm.s32 $0x1B8E;
	s24 =	sld [smem:$0x3FFE];
	[sflag:s23] =	ssyncadd.s32 $0xFFFFFFFF  }
0xab: {  	s26 =	simm.s32 $execute0_lowered;
	[smem:$0x3FD2] =	sst s25  }
0xac: {  	s6 =	sshll.u32 s26, $0x1;
	_ =	strace $0x80000046;
	[dreg:$0x1] =	wrdreg $0xFFFFFFFF  }
0xad: {  	s28 =	simm.s32 $_size_execute0_lowered;
	s4 =	sadd.s32 s4, s6;
	[dreg:$0x0] =	wrdreg $0x0  }
0xae: {  	s6 =	sshll.u32 s28, $0x1;
	[dreg:$0x2] =	wrdreg s4  }
0xaf: {  	[dreg:$0x3] =	wrdreg s6  }
0xb0: {  	[dreg:$0x4] =	wrdreg $0xC0  }
0xb1: {  	_ =	task [dreg:s8], $0x5FFFF  }
0xb2: {  	[dreg:$0x1] =	wrdreg $0xFFFFFFFF  }
0xb3: {  	[dreg:$0x0] =	wrdreg $0x60  }
0xb4: {  	[dreg:$0x2] =	wrdreg s24  }
0xb5: {  	[dreg:$0x3] =	wrdreg s16  }
0xb6: {  	[dreg:$0x4] =	wrdreg s17  }
0xb7: {  	[dreg:$0x5] =	wrdreg $0x9  }
0xb8: {  	_ =	task.clear_ibuf [dreg:s8], $0x6FFFF;
	_ =	strace $0x90000046  }
0xb9: {  	s29 =	simm.s32 $0x9;
	_ =	strace $0x80000048  }
0xba: {  	_ =	swait.ge [sflag:s29], $0x1  }
0xbb: {  	[sflag:s29] =	ssyncadd.s32 $0xFFFFFFFF  }
0xbc: {  	_ =	strace $0x90000048  }
0xbd: {  	_ =	sfence  }
0xbe: {  	s30 =	sld [smem:$0x0];
	_ =	sdelay $0x2  }
0xbf: {  	s31 =	sshll.u32 s1, $0xD;
	s1 =	sshrl.u32 s1, $0x2  }
0xc0: {  	s3 =	sand.u32 $0x4000, s31;
	s1 =	sadd.s32 s1, s30  }
0xc1: {  	s0 =	sor.u32 s3, s0;
	s1 =	sshll.u32 s1, $0x11  }
0xc2: {  	s0 =	sor.u32 s1, s0  }
0xc3: {  	s0 =	sadd.s32 $0x8F2B, s0  }
0xc4: {  	[sflag:s0] =	ssyncadd.remote.s32 $0x1  }
0xc5: {  	_ =	sfence.sel $0xFFFF  }
0xc6: {  	[dreg:$0x0] =	wrdreg $0xFFFFFFFF;
	(pc) =	sbr.abs _section_cstart, $3  }
0xc7: {  	[dreg:$0x1] =	wrdreg $0xFFFFFFFF  }
0xc8: {  	_ =	task.clear_ibuf [dreg:s8], $0x2FFFF;
	_ =	strace $0x9FFFFFFF  }
0xc9: {  	(tm) =	ssettm $0x7FFFFFFF  }
tec
execute0_lowered:
.L_overlay_start_1:
0x0: {  	(tag) =	ssettag $0x1  }
0x1: {  	s0 =	rddreg [dreg:$0x0]  }
0x2: {  	s2 =	rddreg [dreg:$0x1]  }
0x3: {  	s19 =	rddreg [dreg:$0x2]  }
0x4: {  	s1 =	simm.s32 $0x0;
	s5 =	srdreg.scid;
	s28 =	stileid.u32  }
0x5: {  	s21 =	simm.s32 $0x1;
	s22 =	simm.s32 $0x2000;
	s23 =	simm.s32 $0x4000  }
0x6: {  	s30 =	simm.s32 $0x0;
	[smem:$0x7FF] =	sst s1;
	s3 =	sadd.s32 $0x3400, s0  }
0x7: {  	s4 =	sadd.s32 $0x3C00, s0;
	s9 =	sand.u32 $0x1, s5;
	s7 =	sshll.u32 s28, $0x1  }
0x8: {  	s5 =	sadd.s32 $0x3800, s0;
	s6 =	sadd.s32 $0x27800, s0;
	s8 =	sadd.s32 $0x27000, s0  }
0x9: {  	_ =	strace $0x80000047;
	[dreg:$0x4] =	wrdreg s3;
	s18 =	sor.u32 s9, s7  }
0xa: {  	s7 =	sadd.s32 $0x27400, s0;
	s9 =	ssub.s32 $0x2, s9;
	s10 =	sshll.u32 s18, $0x7  }
0xb: {  	s11 =	sshll.u32 s18, $0xC;
	s13 =	smul.u32 $0x280, s18;
	s29 =	sshrl.u32 s9, $0x1  }
0xc: {  	s31 =	sshll.u32 s18, $0x3;
	s12 =	sadd.s32 s10, s0;
	s14 =	sadd.s32 s11, s0  }
.Ltmp0:
0xd: {  	s20 =	ssub.s32 s9, s29;
	s19 =	sadd.s32 s19, s31;
	(pc) =	sbr.rel .LBB2_1-.Ltmp0, $4  }
0xe: {  	s0 =	sadd.s32 s13, s0;
	s9 =	sadd.s32 $0x24000, s12;
	s10 =	sadd.s32 $0x25000, s12  }
0xf: {  	s11 =	sadd.s32 $0x26000, s12;
	s12 =	sadd.s32 $0x4000, s14;
	s13 =	sadd.s32 s2, s13  }
0x10: {  	s20 =	smax.u32 s20, $0x1;
	s14 =	sadd.s32 $0x27C00, s0;
	s15 =	sadd.s32 $0x2CC00, s0  }
0x11: {  	v0 =	vimm.s32 $0x0;
	v1 =	vlaneseq.u32;
	s16 =	sadd.s32 $0x31C00, s0;
	s17 =	sadd.s32 $0x36C00, s0;
	s18 =	sadd.s32 $0x3BC00, s0  }
.LBB2_10:
0x12: {  	s0 =	simm.s32 $0x14D00  }
0x13: {  	[hbm4b:s13+s1] =	stream.linear.scatter [tilespmem:s0], [sflag:$0x1], $0x1400, $0x38;
	[tilespmem:$0x1C580] =	vst v63  }
0x14: {  	_ =	swait.ge [sflag:s21], $0x1400  }
0x15: {  	[sflag:s21] =	ssyncset.done $0x0  }
0x16: {  	s24 =	simm.s32 $0x16100;
	[sflag:s21] =	ssyncadd.s32 $0xFFFFEC00  }
0x17: {  	[hbm4b:s14+s1] =	stream.linear.scatter [tilespmem:s24], [sflag:$0x1], $0x1400, $0x38;
	[tilespmem:$0x1C580] =	vst v63  }
0x18: {  	_ =	swait.ge [sflag:s21], $0x1400  }
0x19: {  	[sflag:s21] =	ssyncset.done $0x0  }
0x1a: {  	s25 =	simm.s32 $0x17500;
	[sflag:s21] =	ssyncadd.s32 $0xFFFFEC00  }
0x1b: {  	[hbm4b:s15+s1] =	stream.linear.scatter [tilespmem:s25], [sflag:$0x1], $0x1400, $0x38;
	[tilespmem:$0x1C580] =	vst v63  }
0x1c: {  	_ =	swait.ge [sflag:s21], $0x1400  }
0x1d: {  	[sflag:s21] =	ssyncset.done $0x0  }
0x1e: {  	s26 =	simm.s32 $0x18900;
	[sflag:s21] =	ssyncadd.s32 $0xFFFFEC00  }
0x1f: {  	[hbm4b:s16+s1] =	stream.linear.scatter [tilespmem:s26], [sflag:$0x1], $0x1400, $0x38;
	[tilespmem:$0x1C580] =	vst v63  }
0x20: {  	_ =	swait.ge [sflag:s21], $0x1400  }
0x21: {  	[sflag:s21] =	ssyncset.done $0x0  }
0x22: {  	s28 =	simm.s32 $0x19D00;
	[sflag:s21] =	ssyncadd.s32 $0xFFFFEC00  }
0x23: {  	[hbm4b:s17+s1] =	stream.linear.scatter [tilespmem:s28], [sflag:$0x1], $0x1400, $0x38;
	[tilespmem:$0x1C580] =	vst v63  }
0x24: {  	_ =	swait.ge [sflag:s21], $0x1400  }
0x25: {  	[sflag:s21] =	ssyncset.done $0x0  }
0x26: {  	s29 =	simm.s32 $0x1B100;
	[sflag:s21] =	ssyncadd.s32 $0xFFFFEC00  }
0x27: {  	[hbm4b:s18+s1] =	stream.linear.scatter [tilespmem:s29], [sflag:$0x1], $0x1400, $0x38;
	[tilespmem:$0x1C580] =	vst v63  }
0x28: {  	s30 =	sadd.s32 $0x1, s30;
	_ =	swait.ge [sflag:s21], $0x1400  }
0x29: {  	p0 =	sne.s32 s30, s20;
	[sflag:s21] =	ssyncset.done $0x0  }
.Ltmp1:
0x2a: {  	s31 =	simm.s32 $0x1C500;
	[sflag:s21] =	ssyncadd.s32 $0xFFFFEC00;
	(pc) =	sbr.rel @!p0 .LBB2_11-.Ltmp1, $4  }
0x2b: {  	[hbm4b:s19+s1] =	stream.linear.scatter [tilespmem:s31], [sflag:$0x1], $0x40, $0x38;
	[tilespmem:$0x1C580] =	vst v63  }
0x2c: {  	_ =	swait.ge [sflag:s21], $0x40  }
0x2d: {  	[sflag:s21] =	ssyncset.done $0x0  }
0x2e: {  	[sflag:s21] =	ssyncadd.s32 $0xFFFFFFC0  }
.LBB2_1:
0x2f: {  	s0 =	rddreg [dreg:$0x4]  }
0x30: {  	[tilespmem:s1], [sflag:$0x1] =	stream.linear.gather [hbm4b:s0+s1], $0x2000, $0x38;
	[tilespmem:$0x1C580] =	vst v63  }
0x31: {  	_ =	swait.ge [sflag:s21], $0x2000  }
0x32: {  	[sflag:s21] =	ssyncset.done $0x0  }
0x33: {  	[sflag:s21] =	ssyncadd.s32 $0xFFFFE000  }
0x34: {  	[tilespmem:s22], [sflag:$0x1] =	stream.linear.gather [hbm4b:s4+s1], $0x2000, $0x38;
	[tilespmem:$0x1C580] =	vst v63  }
0x35: {  	_ =	swait.ge [sflag:s21], $0x2000  }
0x36: {  	[sflag:s21] =	ssyncset.done $0x0  }
0x37: {  	[sflag:s21] =	ssyncadd.s32 $0xFFFFE000  }
0x38: {  	[tilespmem:s23], [sflag:$0x1] =	stream.linear.gather [hbm4b:s5+s1], $0x2000, $0x38;
	[tilespmem:$0x1C580] =	vst v63  }
0x39: {  	_ =	swait.ge [sflag:s21], $0x2000  }
0x3a: {  	[sflag:s21] =	ssyncset.done $0x0  }
0x3b: {  	s2 =	simm.s32 $0x6000;
	[sflag:s21] =	ssyncadd.s32 $0xFFFFE000  }
0x3c: {  	[tilespmem:s2], [sflag:$0x1] =	stream.linear.gather [hbm4b:s6+s1], $0x2000, $0x38;
	[tilespmem:$0x1C580] =	vst v63  }
0x3d: {  	_ =	swait.ge [sflag:s21], $0x2000  }
0x3e: {  	[sflag:s21] =	ssyncset.done $0x0  }
0x3f: {  	s3 =	simm.s32 $0x8000;
	[sflag:s21] =	ssyncadd.s32 $0xFFFFE000  }
0x40: {  	[tilespmem:s3], [sflag:$0x1] =	stream.linear.gather [hbm4b:s7+s1], $0x2000, $0x38;
	[tilespmem:$0x1C580] =	vst v63  }
0x41: {  	_ =	swait.ge [sflag:s21], $0x2000  }
0x42: {  	[sflag:s21] =	ssyncset.done $0x0  }
0x43: {  	s24 =	simm.s32 $0xA000;
	[sflag:s21] =	ssyncadd.s32 $0xFFFFE000  }
0x44: {  	[tilespmem:s24], [sflag:$0x1] =	stream.linear.gather [hbm4b:s8+s1], $0x2000, $0x38;
	[tilespmem:$0x1C580] =	vst v63  }
0x45: {  	_ =	swait.ge [sflag:s21], $0x2000  }
0x46: {  	[sflag:s21] =	ssyncset.done $0x0  }
0x47: {  	s25 =	simm.s32 $0xC000;
	[sflag:s21] =	ssyncadd.s32 $0xFFFFE000  }
0x48: {  	[tilespmem:s25], [sflag:$0x1] =	stream.linear.gather [hbm4b:s9+s1], $0x400, $0x38;
	[tilespmem:$0x1C580] =	vst v63  }
0x49: {  	_ =	swait.ge [sflag:s21], $0x400  }
0x4a: {  	[sflag:s21] =	ssyncset.done $0x0  }
0x4b: {  	s26 =	simm.s32 $0xC400;
	[sflag:s21] =	ssyncadd.s32 $0xFFFFFC00  }
0x4c: {  	[tilespmem:s26], [sflag:$0x1] =	stream.linear.gather [hbm4b:s10+s1], $0x400, $0x38;
	[tilespmem:$0x1C580] =	vst v63  }
0x4d: {  	_ =	swait.ge [sflag:s21], $0x400  }
0x4e: {  	[sflag:s21] =	ssyncset.done $0x0  }
0x4f: {  	s28 =	simm.s32 $0xC800;
	[sflag:s21] =	ssyncadd.s32 $0xFFFFFC00  }
0x50: {  	[tilespmem:s28], [sflag:$0x1] =	stream.linear.gather [hbm4b:s11+s1], $0x400, $0x38;
	[tilespmem:$0x1C580] =	vst v63  }
0x51: {  	_ =	swait.ge [sflag:s21], $0x400  }
0x52: {  	[sflag:s21] =	ssyncset.done $0x0  }
.Ltmp2:
0x53: {  	s29 =	simm.s32 $0xCC00;
	[sflag:s21] =	ssyncadd.s32 $0xFFFFFC00;
	(pc) =	sbr.rel .LBB2_2-.Ltmp2, $4  }
0x54: {  	[tilespmem:s29], [sflag:$0x1] =	stream.linear.gather [hbm4b:s12+s1], $0x8000, $0x38;
	[tilespmem:$0x1C580] =	vst v63  }
0x55: {  	_ =	swait.ge [sflag:s21], $0x8000  }
0x56: {  	[sflag:s21] =	ssyncset.done $0x0  }
0x57: {  	v2 =	vimm.s32 $0x0;
	s31 =	simm.s32 $0x0;
	[sflag:s21] =	ssyncadd.s32 $0xFFFF8000  }
.LBB2_5:
0x58: {  	s25 =	simm.s32 $0x0  }
.LBB2_9:
0x59: {  	s0 =	sand.u32 $0xF, s31  }
0x5a: {  	v3 =	vmov s0  }
0x5b: {  	vm0 =	veq.s32 v3, v1  }
0x5c: {  	p0 =	sne.s32 s0, $0xF;
	v2 =	vsel vm0, s25, v2  }
0x5d: {  	[tilespmem:s31+$0x1C4F1] =	vst @!p0 v2;
	s31 =	sadd.s32 $0x1, s31  }
0x5e: {  	p0 =	sne.s32 s31, $0x40  }
.Ltmp3:
0x5f: {  	_ = 	snop;
	(pc) =	sbr.rel @!p0 .LBB2_10-.Ltmp3, $1  }
0x60: {  	_ =	sdelay $0x3  }
.LBB2_2:
0x61: {  	s0 =	sshll.u32 s31, $0x9  }
0x62: {  	s2 =	simm.s32 $0x0;
	s0 =	sand.u32 $0x3FFFFE00, s0  }
0x63: {  	s24 =	sand.u32 $0x180, s2;
	s0 =	sadd.s32 $0xCC00, s0  }
0x64: {  	s25 =	sand.u32 $0x70, s2;
	s24 =	sadd.s32 s24, s0  }
0x65: {  	s24 =	sadd.s32 s25, s24  }
0x66: {  	v6 =	vld [tilespmem:s24+$0x0];
	_ =	sdelay $0x4  }
0x67: {  	vm0 =	vle.f32 v6, $1.009999960e-02  }
0x68: {  	v3 =	vsel vm0, $0x1, v0  }
0x69: {  	(xrf0) =	vadd.scan.msk.s32 $0xffff, v3;
	_ =	sdelay $0x5  }
0x6a: {  	v3, _, _ =	vpop (xrf0)  }
0x6b: {  	(v2sf) =	vpush v3, $0xF;
	_ =	sdelay $0xd  }
0x6c: {  	s29 =	sshll.u32 s31, $0x4  }
0x6d: {  	p0 =	por $0x0, $0x0;
	v4 =	vld [tilespmem:s29+$0xC400];
	s25 =	spop (v2sf)  }
0x6e: {  	s26 =	simm.s32 $0x10;
	v5 =	vld [tilespmem:s29+$0xC800];
	p1 =	slt.s32 @!p0 s25, $0x1  }
0x6f: {  	v3 =	vld [tilespmem:s29+$0xC000];
	s24 =	sadd.s32 $0x0, s25;
	s25 =	simm.s32 $0x0;
	p1 =	por p1, p0  }
.LBB2_3:
0x70: {  	s28 =	sand.u32 $0x180, s26;
	v7 =	vlaneseq.u32 @!p1;
	s29 =	smov.u32 s26;
	s26 =	sadd.s32 $0x10, s26  }
0x71: {  	vm0 =	vle.f32 @!p1 v6, $1.009999960e-02;
	s3 =	sand.u32 $0x70, s29;
	s28 =	sadd.s32 s28, s0;
	p0 =	sne.s32 s26, $0x200;
	v6 =	vor.u32 @!p1 s2, v7  }
0x72: {  	s2 =	smov.u32 s29;
	s3 =	sadd.s32 s3, s28;
	[tilespmem:s25+$0x14C00] =	vst.msk @!p1 vm0, v6;
	s25 =	smov.u32 s24  }
0x73: {  	v6 =	vld [tilespmem:s3+$0x0];
	_ =	sdelay $0x4  }
0x74: {  	vm0 =	vle.f32 v6, $1.009999960e-02  }
0x75: {  	v7 =	vsel vm0, $0x1, v0  }
0x76: {  	(xrf0) =	vadd.scan.msk.s32 $0xffff, v7;
	_ =	sdelay $0x5  }
0x77: {  	v7, _, _ =	vpop (xrf0)  }
0x78: {  	(v2sf) =	vpush v7, $0xF;
	_ =	sdelay $0xc  }
.Ltmp4:
0x79: {  	(pc) =	sbr.rel @p0 .LBB2_3-.Ltmp4, $4  }
0x7a: {  	_ = 	snop  }
0x7b: {  	p1 =	sgt.s32 s24, $0x7F;
	s3 =	spop (v2sf)  }
0x7c: {  	p2 =	slt.s32 @!p1 s3, $0x1;
	s24 =	sadd.s32 s24, s3  }
0x7d: {  	p1 =	por p2, p1  }
0x7e: {  	p0 =	slt.s32 s24, $0x80  }
0x7f: {  	p2 =	slt.s32 s24, $0xFFFFFFF2;
	s24 =	simm.s32 @!p0 $0x80  }
0x80: {  	s0 =	sadd.s32 $0xF, s24  }
0x81: {  	s3 =	sand.u32 $0xF, s0  }
0x82: {  	s29 =	sshra.s32 s0, $0x1F;
	p6 =	sne.s32 s3, $0x0  }
0x83: {  	s3 =	sshrl.u32 s29, $0x1C;
	p0 =	por !p2, !p6  }
0x84: {  	s0 =	sadd.s32 s3, s0;
	s3 =	simm.s32 $0x1;
	p0 =	por !p0, !p0  }
0x85: {  	s0 =	sshra.s32 s0, $0x4;
	s3 =	simm.s32 @!p0 $0x0  }
0x86: {  	s0 =	ssub.s32 s0, s3  }
0x87: {  	p0 =	slt.s32 s0, $0x1  }
.Ltmp5:
0x88: {  	_ = 	snop;
	(pc) =	sbr.rel @p0 .LBB2_5-.Ltmp5, $4  }
0x89: {  	_ = 	snop  }
0x8a: {  	v7 =	vlaneseq.u32 @!p1  }
0x8b: {  	vm0 =	vle.f32 @!p1 v6, $1.009999960e-02;
	v7 =	vor.u32 @!p1 s2, v7  }
0x8c: {  	[tilespmem:s25+$0x14C00] =	vst.msk @!p1 vm0, v7  }
0x8d: {  	s3 =	smul.u32 $0x50, s31;
	_ =	sdelay $0x1  }
0x8e: {  	v6 =	vmov s24;
	s2 =	simm.s32 $0x14C00;
	s25 =	simm.s32 $0x0;
	s24 =	simm.s32 $0x0;
	v7 =	vmov s3  }
.LBB2_7:
0x8f: {  	v8 =	vld [tilespmem:s2+$0x0];
	_ =	sdelay $0x2  }
0x90: {  	v9 =	vor.u32 s24, v1  }
0x91: {  	vm0 =	vlt.s32 v9, v6  }
0x92: {  	v8 =	vnsel vm0, $0x0, v8;
	_ =	sdelay $0x4  }
0x93: {  	v49 =	vld.idx.msk [tilespmem:v8+s1+$0x0], $0xffff  }
0x94: {  	v10 =	vld.idx.msk [tilespmem:v8+s22+$0x0], $0xffff;
	_ =	sdelay $0x1  }
0x95: {  	v11 =	vld.idx.msk [tilespmem:v8+s23+$0x0], $0xffff;
	_ =	sdelay $0x2  }
0x96: {  	v9 =	vsub.f32 v49, v3;
	v10 =	vsub.f32 v10, v4;
	_ =	sdelay $0x1  }
0x97: {  	v11 =	vsub.f32 v11, v5;
	v12 =	vmul.f32 v9, v9;
	v13 =	vmul.f32 v10, v10;
	_ =	sdelay $0x1  }
0x98: {  	v50 =	vmul.f32 v11, v11;
	v12 =	vadd.f32 v13, v12;
	_ =	sdelay $0x1  }
0x99: {  	v12 =	vadd.f32 v50, v12;
	_ =	sdelay $0x1  }
0x9a: {  	vm1 =	vle.f32 v12, $9.999999770e-03  }
0x9b: {  	vm1 =	vmand vm0, vm1  }
0x9c: {  	v51 =	vsel vm1, $0x1, v0  }
0x9d: {  	(xrf0) =	vadd.scan.msk.s32 $0xffff, v51;
	_ =	sdelay $0x5  }
0x9e: {  	v12, _, _ =	vpop (xrf0)  }
0x9f: {  	(v2sf) =	vpush v12, $0xF;
	_ =	sdelay $0xe  }
0xa0: {  	p0 =	sgt.s32 s25, $0x3F;
	s3 =	spop (v2sf)  }
0xa1: {  	p1 =	slt.s32 @!p0 s3, $0x1  }
0xa2: {  	p0 =	por p1, p0  }
0xa3: {  	s26 =	simm.s32 @!p0 $0x6000  }
0xa4: {  	v12 =	vld.idx.msk @!p0 [tilespmem:v8+s26+$0x0], $0xffff;
	_ =	sdelay $0x4  }
0xa5: {  	s26 =	simm.s32 @!p0 $0x8000;
	[tilespmem:v7+s25+$0x14D00 ss:$0x1] =	vst.idx.msk @!p0 vm1, v12  }
0xa6: {  	v12 =	vld.idx.msk @!p0 [tilespmem:v8+s26+$0x0], $0xffff;
	_ =	sdelay $0x4  }
0xa7: {  	s26 =	simm.s32 @!p0 $0xA000;
	[tilespmem:v7+s25+$0x16100 ss:$0x1] =	vst.idx.msk @!p0 vm1, v12  }
0xa8: {  	v12 =	vld.idx.msk @!p0 [tilespmem:v8+s26+$0x0], $0xffff;
	_ =	sdelay $0x1  }
0xa9: {  	v52 =	vand.u32 $0xFFFFFF80, v8;
	v8 =	vand.u32 $0x7F, v8  }
0xaa: {  	v14 =	vor.u32 v8, v52  }
0xab: {  	v14 =	vadd.s32 $0x200, v14  }
0xac: {  	[tilespmem:v7+s25+$0x17500 ss:$0x1] =	vst.idx.msk @!p0 vm1, v12  }
0xad: {  	[tilespmem:v7+s25+$0x18900 ss:$0x1] =	vst.idx.msk @!p0 vm1, v9  }
0xae: {  	[tilespmem:v7+s25+$0x19D00 ss:$0x1] =	vst.idx.msk @!p0 vm1, v10  }
0xaf: {  	[tilespmem:v7+s25+$0x1B100 ss:$0x1] =	vst.idx.msk @!p0 vm1, v11  }
0xb0: {  	v9 =	vld.idx.msk [tilespmem:v14+s1+$0x0], $0xffff  }
0xb1: {  	v10 =	vld.idx.msk [tilespmem:v14+s22+$0x0], $0xffff;
	_ =	sdelay $0x1  }
0xb2: {  	v11 =	vld.idx.msk [tilespmem:v14+s23+$0x0], $0xffff;
	_ =	sdelay $0x2  }
0xb3: {  	v9 =	vsub.f32 v9, v3;
	v10 =	vsub.f32 v10, v4;
	_ =	sdelay $0x1  }
0xb4: {  	v11 =	vsub.f32 v11, v5;
	v53 =	vmul.f32 v9, v9;
	v15 =	vmul.f32 v10, v10;
	_ =	sdelay $0x1  }
0xb5: {  	v54 =	vmul.f32 v11, v11;
	v12 =	vadd.f32 v15, v53;
	_ =	sdelay $0x1  }
0xb6: {  	v12 =	vadd.f32 v54, v12;
	_ =	sdelay $0x1  }
0xb7: {  	vm13 =	vle.f32 v12, $9.999999770e-03  }
0xb8: {  	vm1 =	vmand vm0, vm13  }
0xb9: {  	v55 =	vsel vm1, $0x1, v0  }
0xba: {  	(xrf0) =	vadd.scan.msk.s32 $0xffff, v55;
	_ =	sdelay $0x5  }
0xbb: {  	v12, _, _ =	vpop (xrf0)  }
0xbc: {  	(v2sf) =	vpush v12, $0xF;
	_ =	sdelay $0xd  }
0xbd: {  	s3 =	sadd.s32 s25, s3  }
0xbe: {  	p0 =	sgt.s32 s3, $0x3F;
	s25 =	spop (v2sf)  }
0xbf: {  	p1 =	slt.s32 @!p0 s25, $0x1  }
0xc0: {  	p0 =	por p1, p0  }
0xc1: {  	s26 =	simm.s32 @!p0 $0x6000  }
0xc2: {  	v12 =	vld.idx.msk @!p0 [tilespmem:v14+s26+$0x0], $0xffff;
	_ =	sdelay $0x4  }
0xc3: {  	s26 =	simm.s32 @!p0 $0x8000;
	[tilespmem:v7+s3+$0x14D00 ss:$0x1] =	vst.idx.msk @!p0 vm1, v12  }
0xc4: {  	v12 =	vld.idx.msk @!p0 [tilespmem:v14+s26+$0x0], $0xffff;
	_ =	sdelay $0x4  }
0xc5: {  	s26 =	simm.s32 @!p0 $0xA000;
	[tilespmem:v7+s3+$0x16100 ss:$0x1] =	vst.idx.msk @!p0 vm1, v12  }
0xc6: {  	v12 =	vld.idx.msk @!p0 [tilespmem:v14+s26+$0x0], $0xffff;
	_ =	sdelay $0x2  }
0xc7: {  	v8 =	vadd.s32 v8, v52  }
0xc8: {  	v13 =	vadd.s32 $0x400, v8  }
0xc9: {  	[tilespmem:v7+s3+$0x17500 ss:$0x1] =	vst.idx.msk @!p0 vm1, v12  }
0xca: {  	[tilespmem:v7+s3+$0x18900 ss:$0x1] =	vst.idx.msk @!p0 vm1, v9  }
0xcb: {  	[tilespmem:v7+s3+$0x19D00 ss:$0x1] =	vst.idx.msk @!p0 vm1, v10  }
0xcc: {  	[tilespmem:v7+s3+$0x1B100 ss:$0x1] =	vst.idx.msk @!p0 vm1, v11  }
0xcd: {  	v9 =	vld.idx.msk [tilespmem:v13+s1+$0x0], $0xffff  }
0xce: {  	v10 =	vld.idx.msk [tilespmem:v13+s22+$0x0], $0xffff;
	_ =	sdelay $0x1  }
0xcf: {  	v11 =	vld.idx.msk [tilespmem:v13+s23+$0x0], $0xffff;
	_ =	sdelay $0x2  }
0xd0: {  	v9 =	vsub.f32 v9, v3;
	v10 =	vsub.f32 v10, v4;
	_ =	sdelay $0x1  }
0xd1: {  	v11 =	vsub.f32 v11, v5;
	v56 =	vmul.f32 v9, v9;
	v57 =	vmul.f32 v10, v10;
	_ =	sdelay $0x1  }
0xd2: {  	v58 =	vmul.f32 v11, v11;
	v12 =	vadd.f32 v57, v56;
	_ =	sdelay $0x1  }
0xd3: {  	v12 =	vadd.f32 v58, v12;
	_ =	sdelay $0x1  }
0xd4: {  	vm14 =	vle.f32 v12, $9.999999770e-03  }
0xd5: {  	vm1 =	vmand vm0, vm14  }
0xd6: {  	v59 =	vsel vm1, $0x1, v0  }
0xd7: {  	(xrf0) =	vadd.scan.msk.s32 $0xffff, v59;
	_ =	sdelay $0x5  }
0xd8: {  	v12, _, _ =	vpop (xrf0)  }
0xd9: {  	(v2sf) =	vpush v12, $0xF;
	_ =	sdelay $0xd  }
0xda: {  	s3 =	sadd.s32 s3, s25  }
0xdb: {  	p0 =	sgt.s32 s3, $0x3F;
	s25 =	spop (v2sf)  }
0xdc: {  	p1 =	slt.s32 @!p0 s25, $0x1  }
0xdd: {  	p0 =	por p1, p0  }
0xde: {  	s26 =	simm.s32 @!p0 $0x6000  }
0xdf: {  	v12 =	vld.idx.msk @!p0 [tilespmem:v13+s26+$0x0], $0xffff;
	_ =	sdelay $0x4  }
0xe0: {  	s26 =	simm.s32 @!p0 $0x8000;
	[tilespmem:v7+s3+$0x14D00 ss:$0x1] =	vst.idx.msk @!p0 vm1, v12  }
0xe1: {  	v12 =	vld.idx.msk @!p0 [tilespmem:v13+s26+$0x0], $0xffff;
	_ =	sdelay $0x4  }
0xe2: {  	s26 =	simm.s32 @!p0 $0xA000;
	[tilespmem:v7+s3+$0x16100 ss:$0x1] =	vst.idx.msk @!p0 vm1, v12  }
0xe3: {  	v12 =	vld.idx.msk @!p0 [tilespmem:v13+s26+$0x0], $0xffff;
	_ =	sdelay $0x3  }
0xe4: {  	v13 =	vadd.s32 $0x600, v8  }
0xe5: {  	[tilespmem:v7+s3+$0x17500 ss:$0x1] =	vst.idx.msk @!p0 vm1, v12  }
0xe6: {  	[tilespmem:v7+s3+$0x18900 ss:$0x1] =	vst.idx.msk @!p0 vm1, v9  }
0xe7: {  	[tilespmem:v7+s3+$0x19D00 ss:$0x1] =	vst.idx.msk @!p0 vm1, v10  }
0xe8: {  	[tilespmem:v7+s3+$0x1B100 ss:$0x1] =	vst.idx.msk @!p0 vm1, v11  }
0xe9: {  	v9 =	vld.idx.msk [tilespmem:v13+s1+$0x0], $0xffff  }
0xea: {  	v10 =	vld.idx.msk [tilespmem:v13+s22+$0x0], $0xffff;
	_ =	sdelay $0x1  }
0xeb: {  	v11 =	vld.idx.msk [tilespmem:v13+s23+$0x0], $0xffff;
	_ =	sdelay $0x2  }
0xec: {  	v9 =	vsub.f32 v9, v3;
	v10 =	vsub.f32 v10, v4;
	_ =	sdelay $0x1  }
0xed: {  	v11 =	vsub.f32 v11, v5;
	v60 =	vmul.f32 v9, v9;
	v61 =	vmul.f32 v10, v10;
	_ =	sdelay $0x1  }
0xee: {  	v62 =	vmul.f32 v11, v11;
	v12 =	vadd.f32 v61, v60;
	_ =	sdelay $0x1  }
0xef: {  	v12 =	vadd.f32 v62, v12;
	_ =	sdelay $0x1  }
0xf0: {  	vm15 =	vle.f32 v12, $9.999999770e-03  }
0xf1: {  	vm1 =	vmand vm0, vm15  }
0xf2: {  	v63 =	vsel vm1, $0x1, v0  }
0xf3: {  	(xrf0) =	vadd.scan.msk.s32 $0xffff, v63;
	_ =	sdelay $0x5  }
0xf4: {  	v12, _, _ =	vpop (xrf0)  }
0xf5: {  	(v2sf) =	vpush v12, $0xF;
	_ =	sdelay $0xd  }
0xf6: {  	s3 =	sadd.s32 s3, s25  }
0xf7: {  	p0 =	sgt.s32 s3, $0x3F;
	s25 =	spop (v2sf)  }
0xf8: {  	p1 =	slt.s32 @!p0 s25, $0x1  }
0xf9: {  	p0 =	por p1, p0  }
0xfa: {  	s26 =	simm.s32 @!p0 $0x6000  }
0xfb: {  	v12 =	vld.idx.msk @!p0 [tilespmem:v13+s26+$0x0], $0xffff;
	_ =	sdelay $0x4  }
0xfc: {  	s26 =	simm.s32 @!p0 $0x8000;
	[tilespmem:v7+s3+$0x14D00 ss:$0x1] =	vst.idx.msk @!p0 vm1, v12  }
0xfd: {  	v12 =	vld.idx.msk @!p0 [tilespmem:v13+s26+$0x0], $0xffff;
	_ =	sdelay $0x4  }
0xfe: {  	s26 =	simm.s32 @!p0 $0xA000;
	[tilespmem:v7+s3+$0x16100 ss:$0x1] =	vst.idx.msk @!p0 vm1, v12  }
0xff: {  	v12 =	vld.idx.msk @!p0 [tilespmem:v13+s26+$0x0], $0xffff;
	_ =	sdelay $0x3  }
0x100: {  	v13 =	vadd.s32 $0x800, v8  }
0x101: {  	[tilespmem:v7+s3+$0x17500 ss:$0x1] =	vst.idx.msk @!p0 vm1, v12  }
0x102: {  	[tilespmem:v7+s3+$0x18900 ss:$0x1] =	vst.idx.msk @!p0 vm1, v9  }
0x103: {  	[tilespmem:v7+s3+$0x19D00 ss:$0x1] =	vst.idx.msk @!p0 vm1, v10  }
0x104: {  	[tilespmem:v7+s3+$0x1B100 ss:$0x1] =	vst.idx.msk @!p0 vm1, v11  }
0x105: {  	v9 =	vld.idx.msk [tilespmem:v13+s1+$0x0], $0xffff  }
0x106: {  	v10 =	vld.idx.msk [tilespmem:v13+s22+$0x0], $0xffff;
	_ =	sdelay $0x1  }
0x107: {  	v11 =	vld.idx.msk [tilespmem:v13+s23+$0x0], $0xffff;
	_ =	sdelay $0x2  }
0x108: {  	v9 =	vsub.f32 v9, v3;
	v10 =	vsub.f32 v10, v4;
	_ =	sdelay $0x1  }
0x109: {  	v11 =	vsub.f32 v11, v5;
	v16 =	vmul.f32 v9, v9;
	v17 =	vmul.f32 v10, v10;
	_ =	sdelay $0x1  }
0x10a: {  	v18 =	vmul.f32 v11, v11;
	v12 =	vadd.f32 v17, v16;
	_ =	sdelay $0x1  }
0x10b: {  	v12 =	vadd.f32 v18, v12;
	_ =	sdelay $0x1  }
0x10c: {  	vm4 =	vle.f32 v12, $9.999999770e-03  }
0x10d: {  	vm1 =	vmand vm0, vm4  }
0x10e: {  	v19 =	vsel vm1, $0x1, v0  }
0x10f: {  	(xrf0) =	vadd.scan.msk.s32 $0xffff, v19;
	_ =	sdelay $0x5  }
0x110: {  	v12, _, _ =	vpop (xrf0)  }
0x111: {  	(v2sf) =	vpush v12, $0xF;
	_ =	sdelay $0xd  }
0x112: {  	s3 =	sadd.s32 s3, s25  }
0x113: {  	p0 =	sgt.s32 s3, $0x3F;
	s25 =	spop (v2sf)  }
0x114: {  	p1 =	slt.s32 @!p0 s25, $0x1  }
0x115: {  	p0 =	por p1, p0  }
0x116: {  	s26 =	simm.s32 @!p0 $0x6000  }
0x117: {  	v12 =	vld.idx.msk @!p0 [tilespmem:v13+s26+$0x0], $0xffff;
	_ =	sdelay $0x4  }
0x118: {  	s26 =	simm.s32 @!p0 $0x8000;
	[tilespmem:v7+s3+$0x14D00 ss:$0x1] =	vst.idx.msk @!p0 vm1, v12  }
0x119: {  	v12 =	vld.idx.msk @!p0 [tilespmem:v13+s26+$0x0], $0xffff;
	_ =	sdelay $0x4  }
0x11a: {  	s26 =	simm.s32 @!p0 $0xA000;
	[tilespmem:v7+s3+$0x16100 ss:$0x1] =	vst.idx.msk @!p0 vm1, v12  }
0x11b: {  	v12 =	vld.idx.msk @!p0 [tilespmem:v13+s26+$0x0], $0xffff;
	_ =	sdelay $0x3  }
0x11c: {  	v13 =	vadd.s32 $0xA00, v8  }
0x11d: {  	[tilespmem:v7+s3+$0x17500 ss:$0x1] =	vst.idx.msk @!p0 vm1, v12  }
0x11e: {  	[tilespmem:v7+s3+$0x18900 ss:$0x1] =	vst.idx.msk @!p0 vm1, v9  }
0x11f: {  	[tilespmem:v7+s3+$0x19D00 ss:$0x1] =	vst.idx.msk @!p0 vm1, v10  }
0x120: {  	[tilespmem:v7+s3+$0x1B100 ss:$0x1] =	vst.idx.msk @!p0 vm1, v11  }
0x121: {  	v9 =	vld.idx.msk [tilespmem:v13+s1+$0x0], $0xffff  }
0x122: {  	v10 =	vld.idx.msk [tilespmem:v13+s22+$0x0], $0xffff;
	_ =	sdelay $0x1  }
0x123: {  	v11 =	vld.idx.msk [tilespmem:v13+s23+$0x0], $0xffff;
	_ =	sdelay $0x2  }
0x124: {  	v9 =	vsub.f32 v9, v3;
	v10 =	vsub.f32 v10, v4;
	_ =	sdelay $0x1  }
0x125: {  	v11 =	vsub.f32 v11, v5;
	v20 =	vmul.f32 v9, v9;
	v21 =	vmul.f32 v10, v10;
	_ =	sdelay $0x1  }
0x126: {  	v22 =	vmul.f32 v11, v11;
	v12 =	vadd.f32 v21, v20;
	_ =	sdelay $0x1  }
0x127: {  	v12 =	vadd.f32 v22, v12;
	_ =	sdelay $0x1  }
0x128: {  	vm5 =	vle.f32 v12, $9.999999770e-03  }
0x129: {  	vm1 =	vmand vm0, vm5  }
0x12a: {  	v23 =	vsel vm1, $0x1, v0  }
0x12b: {  	(xrf0) =	vadd.scan.msk.s32 $0xffff, v23;
	_ =	sdelay $0x5  }
0x12c: {  	v12, _, _ =	vpop (xrf0)  }
0x12d: {  	(v2sf) =	vpush v12, $0xF;
	_ =	sdelay $0xd  }
0x12e: {  	s3 =	sadd.s32 s3, s25  }
0x12f: {  	p0 =	sgt.s32 s3, $0x3F;
	s25 =	spop (v2sf)  }
0x130: {  	p1 =	slt.s32 @!p0 s25, $0x1  }
0x131: {  	p0 =	por p1, p0  }
0x132: {  	s26 =	simm.s32 @!p0 $0x6000  }
0x133: {  	v12 =	vld.idx.msk @!p0 [tilespmem:v13+s26+$0x0], $0xffff;
	_ =	sdelay $0x4  }
0x134: {  	s26 =	simm.s32 @!p0 $0x8000;
	[tilespmem:v7+s3+$0x14D00 ss:$0x1] =	vst.idx.msk @!p0 vm1, v12  }
0x135: {  	v12 =	vld.idx.msk @!p0 [tilespmem:v13+s26+$0x0], $0xffff;
	_ =	sdelay $0x4  }
0x136: {  	s26 =	simm.s32 @!p0 $0xA000;
	[tilespmem:v7+s3+$0x16100 ss:$0x1] =	vst.idx.msk @!p0 vm1, v12  }
0x137: {  	v12 =	vld.idx.msk @!p0 [tilespmem:v13+s26+$0x0], $0xffff;
	_ =	sdelay $0x3  }
0x138: {  	v13 =	vadd.s32 $0xC00, v8  }
0x139: {  	[tilespmem:v7+s3+$0x17500 ss:$0x1] =	vst.idx.msk @!p0 vm1, v12  }
0x13a: {  	[tilespmem:v7+s3+$0x18900 ss:$0x1] =	vst.idx.msk @!p0 vm1, v9  }
0x13b: {  	[tilespmem:v7+s3+$0x19D00 ss:$0x1] =	vst.idx.msk @!p0 vm1, v10  }
0x13c: {  	[tilespmem:v7+s3+$0x1B100 ss:$0x1] =	vst.idx.msk @!p0 vm1, v11  }
0x13d: {  	v9 =	vld.idx.msk [tilespmem:v13+s1+$0x0], $0xffff  }
0x13e: {  	v10 =	vld.idx.msk [tilespmem:v13+s22+$0x0], $0xffff;
	_ =	sdelay $0x1  }
0x13f: {  	v11 =	vld.idx.msk [tilespmem:v13+s23+$0x0], $0xffff;
	_ =	sdelay $0x2  }
0x140: {  	v9 =	vsub.f32 v9, v3;
	v10 =	vsub.f32 v10, v4;
	_ =	sdelay $0x1  }
0x141: {  	v11 =	vsub.f32 v11, v5;
	v24 =	vmul.f32 v9, v9;
	v25 =	vmul.f32 v10, v10;
	_ =	sdelay $0x1  }
0x142: {  	v26 =	vmul.f32 v11, v11;
	v12 =	vadd.f32 v25, v24;
	_ =	sdelay $0x1  }
0x143: {  	v12 =	vadd.f32 v26, v12;
	_ =	sdelay $0x1  }
0x144: {  	vm6 =	vle.f32 v12, $9.999999770e-03  }
0x145: {  	vm1 =	vmand vm0, vm6  }
0x146: {  	v27 =	vsel vm1, $0x1, v0  }
0x147: {  	(xrf0) =	vadd.scan.msk.s32 $0xffff, v27;
	_ =	sdelay $0x5  }
0x148: {  	v12, _, _ =	vpop (xrf0)  }
0x149: {  	(v2sf) =	vpush v12, $0xF;
	_ =	sdelay $0xd  }
0x14a: {  	s3 =	sadd.s32 s3, s25  }
0x14b: {  	p0 =	sgt.s32 s3, $0x3F;
	s25 =	spop (v2sf)  }
0x14c: {  	p1 =	slt.s32 @!p0 s25, $0x1  }
0x14d: {  	p0 =	por p1, p0  }
0x14e: {  	s26 =	simm.s32 @!p0 $0x6000  }
0x14f: {  	v12 =	vld.idx.msk @!p0 [tilespmem:v13+s26+$0x0], $0xffff;
	_ =	sdelay $0x4  }
0x150: {  	s26 =	simm.s32 @!p0 $0x8000;
	[tilespmem:v7+s3+$0x14D00 ss:$0x1] =	vst.idx.msk @!p0 vm1, v12  }
0x151: {  	v12 =	vld.idx.msk @!p0 [tilespmem:v13+s26+$0x0], $0xffff;
	_ =	sdelay $0x4  }
0x152: {  	s26 =	simm.s32 @!p0 $0xA000;
	[tilespmem:v7+s3+$0x16100 ss:$0x1] =	vst.idx.msk @!p0 vm1, v12  }
0x153: {  	v12 =	vld.idx.msk @!p0 [tilespmem:v13+s26+$0x0], $0xffff;
	_ =	sdelay $0x3  }
0x154: {  	v13 =	vadd.s32 $0xE00, v8  }
0x155: {  	[tilespmem:v7+s3+$0x17500 ss:$0x1] =	vst.idx.msk @!p0 vm1, v12  }
0x156: {  	[tilespmem:v7+s3+$0x18900 ss:$0x1] =	vst.idx.msk @!p0 vm1, v9  }
0x157: {  	[tilespmem:v7+s3+$0x19D00 ss:$0x1] =	vst.idx.msk @!p0 vm1, v10  }
0x158: {  	[tilespmem:v7+s3+$0x1B100 ss:$0x1] =	vst.idx.msk @!p0 vm1, v11  }
0x159: {  	v9 =	vld.idx.msk [tilespmem:v13+s1+$0x0], $0xffff  }
0x15a: {  	v10 =	vld.idx.msk [tilespmem:v13+s22+$0x0], $0xffff;
	_ =	sdelay $0x1  }
0x15b: {  	v11 =	vld.idx.msk [tilespmem:v13+s23+$0x0], $0xffff;
	_ =	sdelay $0x2  }
0x15c: {  	v9 =	vsub.f32 v9, v3;
	v10 =	vsub.f32 v10, v4;
	_ =	sdelay $0x1  }
0x15d: {  	v11 =	vsub.f32 v11, v5;
	v28 =	vmul.f32 v9, v9;
	v29 =	vmul.f32 v10, v10;
	_ =	sdelay $0x1  }
0x15e: {  	v30 =	vmul.f32 v11, v11;
	v12 =	vadd.f32 v29, v28;
	_ =	sdelay $0x1  }
0x15f: {  	v12 =	vadd.f32 v30, v12;
	_ =	sdelay $0x1  }
0x160: {  	vm7 =	vle.f32 v12, $9.999999770e-03  }
0x161: {  	vm1 =	vmand vm0, vm7  }
0x162: {  	v31 =	vsel vm1, $0x1, v0  }
0x163: {  	(xrf0) =	vadd.scan.msk.s32 $0xffff, v31;
	_ =	sdelay $0x5  }
0x164: {  	v12, _, _ =	vpop (xrf0)  }
0x165: {  	(v2sf) =	vpush v12, $0xF;
	_ =	sdelay $0xd  }
0x166: {  	s3 =	sadd.s32 s3, s25  }
0x167: {  	p0 =	sgt.s32 s3, $0x3F;
	s25 =	spop (v2sf)  }
0x168: {  	p1 =	slt.s32 @!p0 s25, $0x1  }
0x169: {  	p0 =	por p1, p0  }
0x16a: {  	s26 =	simm.s32 @!p0 $0x6000  }
0x16b: {  	v12 =	vld.idx.msk @!p0 [tilespmem:v13+s26+$0x0], $0xffff;
	_ =	sdelay $0x4  }
0x16c: {  	s26 =	simm.s32 @!p0 $0x8000;
	[tilespmem:v7+s3+$0x14D00 ss:$0x1] =	vst.idx.msk @!p0 vm1, v12  }
0x16d: {  	v12 =	vld.idx.msk @!p0 [tilespmem:v13+s26+$0x0], $0xffff;
	_ =	sdelay $0x4  }
0x16e: {  	s26 =	simm.s32 @!p0 $0xA000;
	[tilespmem:v7+s3+$0x16100 ss:$0x1] =	vst.idx.msk @!p0 vm1, v12  }
0x16f: {  	v12 =	vld.idx.msk @!p0 [tilespmem:v13+s26+$0x0], $0xffff;
	_ =	sdelay $0x3  }
0x170: {  	v13 =	vadd.s32 $0x1000, v8  }
0x171: {  	[tilespmem:v7+s3+$0x17500 ss:$0x1] =	vst.idx.msk @!p0 vm1, v12  }
0x172: {  	[tilespmem:v7+s3+$0x18900 ss:$0x1] =	vst.idx.msk @!p0 vm1, v9  }
0x173: {  	[tilespmem:v7+s3+$0x19D00 ss:$0x1] =	vst.idx.msk @!p0 vm1, v10  }
0x174: {  	[tilespmem:v7+s3+$0x1B100 ss:$0x1] =	vst.idx.msk @!p0 vm1, v11  }
0x175: {  	v9 =	vld.idx.msk [tilespmem:v13+s1+$0x0], $0xffff  }
0x176: {  	v10 =	vld.idx.msk [tilespmem:v13+s22+$0x0], $0xffff;
	_ =	sdelay $0x1  }
0x177: {  	v11 =	vld.idx.msk [tilespmem:v13+s23+$0x0], $0xffff;
	_ =	sdelay $0x2  }
0x178: {  	v9 =	vsub.f32 v9, v3;
	v10 =	vsub.f32 v10, v4;
	_ =	sdelay $0x1  }
0x179: {  	v11 =	vsub.f32 v11, v5;
	v32 =	vmul.f32 v9, v9;
	v33 =	vmul.f32 v10, v10;
	_ =	sdelay $0x1  }
0x17a: {  	v34 =	vmul.f32 v11, v11;
	v12 =	vadd.f32 v33, v32;
	_ =	sdelay $0x1  }
0x17b: {  	v12 =	vadd.f32 v34, v12;
	_ =	sdelay $0x1  }
0x17c: {  	vm8 =	vle.f32 v12, $9.999999770e-03  }
0x17d: {  	vm1 =	vmand vm0, vm8  }
0x17e: {  	v35 =	vsel vm1, $0x1, v0  }
0x17f: {  	(xrf0) =	vadd.scan.msk.s32 $0xffff, v35;
	_ =	sdelay $0x5  }
0x180: {  	v12, _, _ =	vpop (xrf0)  }
0x181: {  	(v2sf) =	vpush v12, $0xF;
	_ =	sdelay $0xd  }
0x182: {  	s3 =	sadd.s32 s3, s25  }
0x183: {  	p0 =	sgt.s32 s3, $0x3F;
	s25 =	spop (v2sf)  }
0x184: {  	p1 =	slt.s32 @!p0 s25, $0x1  }
0x185: {  	p0 =	por p1, p0  }
0x186: {  	s26 =	simm.s32 @!p0 $0x6000  }
0x187: {  	v12 =	vld.idx.msk @!p0 [tilespmem:v13+s26+$0x0], $0xffff;
	_ =	sdelay $0x4  }
0x188: {  	s26 =	simm.s32 @!p0 $0x8000;
	[tilespmem:v7+s3+$0x14D00 ss:$0x1] =	vst.idx.msk @!p0 vm1, v12  }
0x189: {  	v12 =	vld.idx.msk @!p0 [tilespmem:v13+s26+$0x0], $0xffff;
	_ =	sdelay $0x4  }
0x18a: {  	s26 =	simm.s32 @!p0 $0xA000;
	[tilespmem:v7+s3+$0x16100 ss:$0x1] =	vst.idx.msk @!p0 vm1, v12  }
0x18b: {  	v12 =	vld.idx.msk @!p0 [tilespmem:v13+s26+$0x0], $0xffff;
	_ =	sdelay $0x3  }
0x18c: {  	v13 =	vadd.s32 $0x1200, v8  }
0x18d: {  	[tilespmem:v7+s3+$0x17500 ss:$0x1] =	vst.idx.msk @!p0 vm1, v12  }
0x18e: {  	[tilespmem:v7+s3+$0x18900 ss:$0x1] =	vst.idx.msk @!p0 vm1, v9  }
0x18f: {  	[tilespmem:v7+s3+$0x19D00 ss:$0x1] =	vst.idx.msk @!p0 vm1, v10  }
0x190: {  	[tilespmem:v7+s3+$0x1B100 ss:$0x1] =	vst.idx.msk @!p0 vm1, v11  }
0x191: {  	v9 =	vld.idx.msk [tilespmem:v13+s1+$0x0], $0xffff  }
0x192: {  	v10 =	vld.idx.msk [tilespmem:v13+s22+$0x0], $0xffff;
	_ =	sdelay $0x1  }
0x193: {  	v11 =	vld.idx.msk [tilespmem:v13+s23+$0x0], $0xffff;
	_ =	sdelay $0x2  }
0x194: {  	v9 =	vsub.f32 v9, v3;
	v10 =	vsub.f32 v10, v4;
	_ =	sdelay $0x1  }
0x195: {  	v11 =	vsub.f32 v11, v5;
	v36 =	vmul.f32 v9, v9;
	v37 =	vmul.f32 v10, v10;
	_ =	sdelay $0x1  }
0x196: {  	v38 =	vmul.f32 v11, v11;
	v12 =	vadd.f32 v37, v36;
	_ =	sdelay $0x1  }
0x197: {  	v12 =	vadd.f32 v38, v12;
	_ =	sdelay $0x1  }
0x198: {  	vm9 =	vle.f32 v12, $9.999999770e-03  }
0x199: {  	vm1 =	vmand vm0, vm9  }
0x19a: {  	v39 =	vsel vm1, $0x1, v0  }
0x19b: {  	(xrf0) =	vadd.scan.msk.s32 $0xffff, v39;
	_ =	sdelay $0x5  }
0x19c: {  	v12, _, _ =	vpop (xrf0)  }
0x19d: {  	(v2sf) =	vpush v12, $0xF;
	_ =	sdelay $0xd  }
0x19e: {  	s3 =	sadd.s32 s3, s25  }
0x19f: {  	p0 =	sgt.s32 s3, $0x3F;
	s25 =	spop (v2sf)  }
0x1a0: {  	p1 =	slt.s32 @!p0 s25, $0x1  }
0x1a1: {  	p0 =	por p1, p0  }
0x1a2: {  	s26 =	simm.s32 @!p0 $0x6000  }
0x1a3: {  	v12 =	vld.idx.msk @!p0 [tilespmem:v13+s26+$0x0], $0xffff;
	_ =	sdelay $0x4  }
0x1a4: {  	s26 =	simm.s32 @!p0 $0x8000;
	[tilespmem:v7+s3+$0x14D00 ss:$0x1] =	vst.idx.msk @!p0 vm1, v12  }
0x1a5: {  	v12 =	vld.idx.msk @!p0 [tilespmem:v13+s26+$0x0], $0xffff;
	_ =	sdelay $0x4  }
0x1a6: {  	s26 =	simm.s32 @!p0 $0xA000;
	[tilespmem:v7+s3+$0x16100 ss:$0x1] =	vst.idx.msk @!p0 vm1, v12  }
0x1a7: {  	v12 =	vld.idx.msk @!p0 [tilespmem:v13+s26+$0x0], $0xffff;
	_ =	sdelay $0x3  }
0x1a8: {  	v13 =	vadd.s32 $0x1400, v8  }
0x1a9: {  	[tilespmem:v7+s3+$0x17500 ss:$0x1] =	vst.idx.msk @!p0 vm1, v12  }
0x1aa: {  	[tilespmem:v7+s3+$0x18900 ss:$0x1] =	vst.idx.msk @!p0 vm1, v9  }
0x1ab: {  	[tilespmem:v7+s3+$0x19D00 ss:$0x1] =	vst.idx.msk @!p0 vm1, v10  }
0x1ac: {  	[tilespmem:v7+s3+$0x1B100 ss:$0x1] =	vst.idx.msk @!p0 vm1, v11  }
0x1ad: {  	v9 =	vld.idx.msk [tilespmem:v13+s1+$0x0], $0xffff  }
0x1ae: {  	v10 =	vld.idx.msk [tilespmem:v13+s22+$0x0], $0xffff;
	_ =	sdelay $0x1  }
0x1af: {  	v11 =	vld.idx.msk [tilespmem:v13+s23+$0x0], $0xffff;
	_ =	sdelay $0x2  }
0x1b0: {  	v9 =	vsub.f32 v9, v3;
	v10 =	vsub.f32 v10, v4;
	_ =	sdelay $0x1  }
0x1b1: {  	v11 =	vsub.f32 v11, v5;
	v40 =	vmul.f32 v9, v9;
	v41 =	vmul.f32 v10, v10;
	_ =	sdelay $0x1  }
0x1b2: {  	v42 =	vmul.f32 v11, v11;
	v12 =	vadd.f32 v41, v40;
	_ =	sdelay $0x1  }
0x1b3: {  	v12 =	vadd.f32 v42, v12;
	_ =	sdelay $0x1  }
0x1b4: {  	vm10 =	vle.f32 v12, $9.999999770e-03  }
0x1b5: {  	vm1 =	vmand vm0, vm10  }
0x1b6: {  	v43 =	vsel vm1, $0x1, v0  }
0x1b7: {  	(xrf0) =	vadd.scan.msk.s32 $0xffff, v43;
	_ =	sdelay $0x5  }
0x1b8: {  	v12, _, _ =	vpop (xrf0)  }
0x1b9: {  	(v2sf) =	vpush v12, $0xF;
	_ =	sdelay $0xd  }
0x1ba: {  	s3 =	sadd.s32 s3, s25  }
0x1bb: {  	p0 =	sgt.s32 s3, $0x3F;
	s25 =	spop (v2sf)  }
0x1bc: {  	p1 =	slt.s32 @!p0 s25, $0x1  }
0x1bd: {  	p0 =	por p1, p0  }
0x1be: {  	s26 =	simm.s32 @!p0 $0x6000  }
0x1bf: {  	v12 =	vld.idx.msk @!p0 [tilespmem:v13+s26+$0x0], $0xffff;
	_ =	sdelay $0x4  }
0x1c0: {  	s26 =	simm.s32 @!p0 $0x8000;
	[tilespmem:v7+s3+$0x14D00 ss:$0x1] =	vst.idx.msk @!p0 vm1, v12  }
0x1c1: {  	v12 =	vld.idx.msk @!p0 [tilespmem:v13+s26+$0x0], $0xffff;
	_ =	sdelay $0x4  }
0x1c2: {  	s26 =	simm.s32 @!p0 $0xA000;
	[tilespmem:v7+s3+$0x16100 ss:$0x1] =	vst.idx.msk @!p0 vm1, v12  }
0x1c3: {  	v12 =	vld.idx.msk @!p0 [tilespmem:v13+s26+$0x0], $0xffff;
	_ =	sdelay $0x3  }
0x1c4: {  	v13 =	vadd.s32 $0x1600, v8  }
0x1c5: {  	[tilespmem:v7+s3+$0x17500 ss:$0x1] =	vst.idx.msk @!p0 vm1, v12  }
0x1c6: {  	[tilespmem:v7+s3+$0x18900 ss:$0x1] =	vst.idx.msk @!p0 vm1, v9  }
0x1c7: {  	[tilespmem:v7+s3+$0x19D00 ss:$0x1] =	vst.idx.msk @!p0 vm1, v10  }
0x1c8: {  	[tilespmem:v7+s3+$0x1B100 ss:$0x1] =	vst.idx.msk @!p0 vm1, v11  }
0x1c9: {  	v9 =	vld.idx.msk [tilespmem:v13+s1+$0x0], $0xffff  }
0x1ca: {  	v10 =	vld.idx.msk [tilespmem:v13+s22+$0x0], $0xffff;
	_ =	sdelay $0x1  }
0x1cb: {  	v11 =	vld.idx.msk [tilespmem:v13+s23+$0x0], $0xffff;
	_ =	sdelay $0x2  }
0x1cc: {  	v9 =	vsub.f32 v9, v3;
	v10 =	vsub.f32 v10, v4;
	_ =	sdelay $0x1  }
0x1cd: {  	v11 =	vsub.f32 v11, v5;
	v44 =	vmul.f32 v9, v9;
	v45 =	vmul.f32 v10, v10;
	_ =	sdelay $0x1  }
0x1ce: {  	v46 =	vmul.f32 v11, v11;
	v12 =	vadd.f32 v45, v44;
	_ =	sdelay $0x1  }
0x1cf: {  	v12 =	vadd.f32 v46, v12;
	_ =	sdelay $0x1  }
0x1d0: {  	vm11 =	vle.f32 v12, $9.999999770e-03  }
0x1d1: {  	vm1 =	vmand vm0, vm11  }
0x1d2: {  	v47 =	vsel vm1, $0x1, v0  }
0x1d3: {  	(xrf0) =	vadd.scan.msk.s32 $0xffff, v47;
	_ =	sdelay $0x5  }
0x1d4: {  	v12, _, _ =	vpop (xrf0)  }
0x1d5: {  	(v2sf) =	vpush v12, $0xF;
	_ =	sdelay $0xd  }
0x1d6: {  	s3 =	sadd.s32 s3, s25  }
0x1d7: {  	p0 =	sgt.s32 s3, $0x3F;
	s25 =	spop (v2sf)  }
0x1d8: {  	p1 =	slt.s32 @!p0 s25, $0x1  }
0x1d9: {  	p0 =	por p1, p0  }
0x1da: {  	s26 =	simm.s32 @!p0 $0x6000  }
0x1db: {  	v12 =	vld.idx.msk @!p0 [tilespmem:v13+s26+$0x0], $0xffff;
	_ =	sdelay $0x4  }
0x1dc: {  	s26 =	simm.s32 @!p0 $0x8000;
	[tilespmem:v7+s3+$0x14D00 ss:$0x1] =	vst.idx.msk @!p0 vm1, v12  }
0x1dd: {  	v12 =	vld.idx.msk @!p0 [tilespmem:v13+s26+$0x0], $0xffff;
	_ =	sdelay $0x4  }
0x1de: {  	s26 =	simm.s32 @!p0 $0xA000;
	[tilespmem:v7+s3+$0x16100 ss:$0x1] =	vst.idx.msk @!p0 vm1, v12  }
0x1df: {  	v12 =	vld.idx.msk @!p0 [tilespmem:v13+s26+$0x0], $0xffff;
	_ =	sdelay $0x3  }
0x1e0: {  	v13 =	vadd.s32 $0x1800, v8  }
0x1e1: {  	[tilespmem:v7+s3+$0x17500 ss:$0x1] =	vst.idx.msk @!p0 vm1, v12  }
0x1e2: {  	[tilespmem:v7+s3+$0x18900 ss:$0x1] =	vst.idx.msk @!p0 vm1, v9  }
0x1e3: {  	[tilespmem:v7+s3+$0x19D00 ss:$0x1] =	vst.idx.msk @!p0 vm1, v10  }
0x1e4: {  	[tilespmem:v7+s3+$0x1B100 ss:$0x1] =	vst.idx.msk @!p0 vm1, v11  }
0x1e5: {  	v9 =	vld.idx.msk [tilespmem:v13+s1+$0x0], $0xffff  }
0x1e6: {  	v10 =	vld.idx.msk [tilespmem:v13+s22+$0x0], $0xffff;
	_ =	sdelay $0x1  }
0x1e7: {  	v11 =	vld.idx.msk [tilespmem:v13+s23+$0x0], $0xffff;
	_ =	sdelay $0x2  }
0x1e8: {  	v9 =	vsub.f32 v9, v3;
	v10 =	vsub.f32 v10, v4;
	_ =	sdelay $0x1  }
0x1e9: {  	v11 =	vsub.f32 v11, v5;
	v48 =	vmul.f32 v9, v9;
	v49 =	vmul.f32 v10, v10;
	_ =	sdelay $0x1  }
0x1ea: {  	v50 =	vmul.f32 v11, v11;
	v12 =	vadd.f32 v49, v48;
	_ =	sdelay $0x1  }
0x1eb: {  	v12 =	vadd.f32 v50, v12;
	_ =	sdelay $0x1  }
0x1ec: {  	vm12 =	vle.f32 v12, $9.999999770e-03  }
0x1ed: {  	vm1 =	vmand vm0, vm12  }
0x1ee: {  	v51 =	vsel vm1, $0x1, v0  }
0x1ef: {  	(xrf0) =	vadd.scan.msk.s32 $0xffff, v51;
	_ =	sdelay $0x5  }
0x1f0: {  	v12, _, _ =	vpop (xrf0)  }
0x1f1: {  	(v2sf) =	vpush v12, $0xF;
	_ =	sdelay $0xd  }
0x1f2: {  	s3 =	sadd.s32 s3, s25  }
0x1f3: {  	p0 =	sgt.s32 s3, $0x3F;
	s25 =	spop (v2sf)  }
0x1f4: {  	p1 =	slt.s32 @!p0 s25, $0x1  }
0x1f5: {  	p0 =	por p1, p0  }
0x1f6: {  	s26 =	simm.s32 @!p0 $0x6000  }
0x1f7: {  	v12 =	vld.idx.msk @!p0 [tilespmem:v13+s26+$0x0], $0xffff;
	_ =	sdelay $0x4  }
0x1f8: {  	s26 =	simm.s32 @!p0 $0x8000;
	[tilespmem:v7+s3+$0x14D00 ss:$0x1] =	vst.idx.msk @!p0 vm1, v12  }
0x1f9: {  	v12 =	vld.idx.msk @!p0 [tilespmem:v13+s26+$0x0], $0xffff;
	_ =	sdelay $0x4  }
0x1fa: {  	s26 =	simm.s32 @!p0 $0xA000;
	[tilespmem:v7+s3+$0x16100 ss:$0x1] =	vst.idx.msk @!p0 vm1, v12  }
0x1fb: {  	v12 =	vld.idx.msk @!p0 [tilespmem:v13+s26+$0x0], $0xffff;
	_ =	sdelay $0x3  }
0x1fc: {  	v13 =	vadd.s32 $0x1A00, v8  }
0x1fd: {  	[tilespmem:v7+s3+$0x17500 ss:$0x1] =	vst.idx.msk @!p0 vm1, v12  }
0x1fe: {  	[tilespmem:v7+s3+$0x18900 ss:$0x1] =	vst.idx.msk @!p0 vm1, v9  }
0x1ff: {  	[tilespmem:v7+s3+$0x19D00 ss:$0x1] =	vst.idx.msk @!p0 vm1, v10  }
0x200: {  	[tilespmem:v7+s3+$0x1B100 ss:$0x1] =	vst.idx.msk @!p0 vm1, v11  }
0x201: {  	v9 =	vld.idx.msk [tilespmem:v13+s1+$0x0], $0xffff  }
0x202: {  	v10 =	vld.idx.msk [tilespmem:v13+s22+$0x0], $0xffff;
	_ =	sdelay $0x1  }
0x203: {  	v11 =	vld.idx.msk [tilespmem:v13+s23+$0x0], $0xffff;
	_ =	sdelay $0x2  }
0x204: {  	v9 =	vsub.f32 v9, v3;
	v10 =	vsub.f32 v10, v4;
	_ =	sdelay $0x1  }
0x205: {  	v11 =	vsub.f32 v11, v5;
	v52 =	vmul.f32 v9, v9;
	v53 =	vmul.f32 v10, v10;
	_ =	sdelay $0x1  }
0x206: {  	v54 =	vmul.f32 v11, v11;
	v12 =	vadd.f32 v53, v52;
	_ =	sdelay $0x1  }
0x207: {  	v12 =	vadd.f32 v54, v12;
	_ =	sdelay $0x1  }
0x208: {  	vm13 =	vle.f32 v12, $9.999999770e-03  }
0x209: {  	vm1 =	vmand vm0, vm13  }
0x20a: {  	v55 =	vsel vm1, $0x1, v0  }
0x20b: {  	(xrf0) =	vadd.scan.msk.s32 $0xffff, v55;
	_ =	sdelay $0x5  }
0x20c: {  	v12, _, _ =	vpop (xrf0)  }
0x20d: {  	(v2sf) =	vpush v12, $0xF;
	_ =	sdelay $0xd  }
0x20e: {  	s3 =	sadd.s32 s3, s25  }
0x20f: {  	p0 =	sgt.s32 s3, $0x3F;
	s25 =	spop (v2sf)  }
0x210: {  	p1 =	slt.s32 @!p0 s25, $0x1  }
0x211: {  	p0 =	por p1, p0  }
0x212: {  	s26 =	simm.s32 @!p0 $0x6000  }
0x213: {  	v12 =	vld.idx.msk @!p0 [tilespmem:v13+s26+$0x0], $0xffff;
	_ =	sdelay $0x4  }
0x214: {  	s26 =	simm.s32 @!p0 $0x8000;
	[tilespmem:v7+s3+$0x14D00 ss:$0x1] =	vst.idx.msk @!p0 vm1, v12  }
0x215: {  	v12 =	vld.idx.msk @!p0 [tilespmem:v13+s26+$0x0], $0xffff;
	_ =	sdelay $0x4  }
0x216: {  	s26 =	simm.s32 @!p0 $0xA000;
	[tilespmem:v7+s3+$0x16100 ss:$0x1] =	vst.idx.msk @!p0 vm1, v12  }
0x217: {  	v12 =	vld.idx.msk @!p0 [tilespmem:v13+s26+$0x0], $0xffff;
	_ =	sdelay $0x3  }
0x218: {  	v13 =	vadd.s32 $0x1C00, v8  }
0x219: {  	[tilespmem:v7+s3+$0x17500 ss:$0x1] =	vst.idx.msk @!p0 vm1, v12  }
0x21a: {  	[tilespmem:v7+s3+$0x18900 ss:$0x1] =	vst.idx.msk @!p0 vm1, v9  }
0x21b: {  	[tilespmem:v7+s3+$0x19D00 ss:$0x1] =	vst.idx.msk @!p0 vm1, v10  }
0x21c: {  	[tilespmem:v7+s3+$0x1B100 ss:$0x1] =	vst.idx.msk @!p0 vm1, v11  }
0x21d: {  	v9 =	vld.idx.msk [tilespmem:v13+s1+$0x0], $0xffff  }
0x21e: {  	v10 =	vld.idx.msk [tilespmem:v13+s22+$0x0], $0xffff;
	_ =	sdelay $0x1  }
0x21f: {  	v11 =	vld.idx.msk [tilespmem:v13+s23+$0x0], $0xffff;
	_ =	sdelay $0x2  }
0x220: {  	v9 =	vsub.f32 v9, v3;
	v10 =	vsub.f32 v10, v4;
	_ =	sdelay $0x1  }
0x221: {  	v11 =	vsub.f32 v11, v5;
	v56 =	vmul.f32 v9, v9;
	v57 =	vmul.f32 v10, v10;
	_ =	sdelay $0x1  }
0x222: {  	v58 =	vmul.f32 v11, v11;
	v12 =	vadd.f32 v57, v56;
	_ =	sdelay $0x1  }
0x223: {  	v12 =	vadd.f32 v58, v12;
	_ =	sdelay $0x1  }
0x224: {  	vm14 =	vle.f32 v12, $9.999999770e-03  }
0x225: {  	vm1 =	vmand vm0, vm14  }
0x226: {  	v59 =	vsel vm1, $0x1, v0  }
0x227: {  	(xrf0) =	vadd.scan.msk.s32 $0xffff, v59;
	_ =	sdelay $0x5  }
0x228: {  	v12, _, _ =	vpop (xrf0)  }
0x229: {  	(v2sf) =	vpush v12, $0xF;
	_ =	sdelay $0xd  }
0x22a: {  	s3 =	sadd.s32 s3, s25  }
0x22b: {  	p0 =	sgt.s32 s3, $0x3F;
	s25 =	spop (v2sf)  }
0x22c: {  	p1 =	slt.s32 @!p0 s25, $0x1  }
0x22d: {  	p0 =	por p1, p0  }
0x22e: {  	s26 =	simm.s32 @!p0 $0x6000  }
0x22f: {  	v12 =	vld.idx.msk @!p0 [tilespmem:v13+s26+$0x0], $0xffff;
	_ =	sdelay $0x4  }
0x230: {  	s26 =	simm.s32 @!p0 $0x8000;
	[tilespmem:v7+s3+$0x14D00 ss:$0x1] =	vst.idx.msk @!p0 vm1, v12  }
0x231: {  	v12 =	vld.idx.msk @!p0 [tilespmem:v13+s26+$0x0], $0xffff;
	_ =	sdelay $0x4  }
0x232: {  	s26 =	simm.s32 @!p0 $0xA000;
	[tilespmem:v7+s3+$0x16100 ss:$0x1] =	vst.idx.msk @!p0 vm1, v12  }
0x233: {  	v12 =	vld.idx.msk @!p0 [tilespmem:v13+s26+$0x0], $0xffff;
	_ =	sdelay $0x3  }
0x234: {  	v8 =	vadd.s32 $0x1E00, v8  }
0x235: {  	[tilespmem:v7+s3+$0x17500 ss:$0x1] =	vst.idx.msk @!p0 vm1, v12  }
0x236: {  	[tilespmem:v7+s3+$0x18900 ss:$0x1] =	vst.idx.msk @!p0 vm1, v9  }
0x237: {  	[tilespmem:v7+s3+$0x19D00 ss:$0x1] =	vst.idx.msk @!p0 vm1, v10  }
0x238: {  	[tilespmem:v7+s3+$0x1B100 ss:$0x1] =	vst.idx.msk @!p0 vm1, v11  }
0x239: {  	v9 =	vld.idx.msk [tilespmem:v8+s1+$0x0], $0xffff  }
0x23a: {  	v10 =	vld.idx.msk [tilespmem:v8+s22+$0x0], $0xffff;
	_ =	sdelay $0x1  }
0x23b: {  	v11 =	vld.idx.msk [tilespmem:v8+s23+$0x0], $0xffff;
	_ =	sdelay $0x2  }
0x23c: {  	v9 =	vsub.f32 v9, v3;
	v10 =	vsub.f32 v10, v4;
	_ =	sdelay $0x1  }
0x23d: {  	v11 =	vsub.f32 v11, v5;
	v60 =	vmul.f32 v9, v9;
	v61 =	vmul.f32 v10, v10;
	_ =	sdelay $0x1  }
0x23e: {  	v62 =	vmul.f32 v11, v11;
	v12 =	vadd.f32 v61, v60;
	_ =	sdelay $0x1  }
0x23f: {  	v12 =	vadd.f32 v62, v12;
	_ =	sdelay $0x1  }
0x240: {  	vm15 =	vle.f32 v12, $9.999999770e-03  }
0x241: {  	vm0 =	vmand vm0, vm15  }
0x242: {  	v63 =	vsel vm0, $0x1, v0  }
0x243: {  	(xrf0) =	vadd.scan.msk.s32 $0xffff, v63;
	_ =	sdelay $0x5  }
0x244: {  	v12, _, _ =	vpop (xrf0)  }
0x245: {  	(v2sf) =	vpush v12, $0xF;
	_ =	sdelay $0xd  }
0x246: {  	s3 =	sadd.s32 s3, s25  }
0x247: {  	p0 =	sgt.s32 s3, $0x3F;
	s25 =	spop (v2sf)  }
0x248: {  	p1 =	slt.s32 @!p0 s25, $0x1  }
0x249: {  	p0 =	por p1, p0  }
0x24a: {  	s26 =	simm.s32 @!p0 $0x6000  }
0x24b: {  	v12 =	vld.idx.msk @!p0 [tilespmem:v8+s26+$0x0], $0xffff;
	_ =	sdelay $0x4  }
0x24c: {  	s26 =	simm.s32 @!p0 $0x8000;
	[tilespmem:v7+s3+$0x14D00 ss:$0x1] =	vst.idx.msk @!p0 vm0, v12  }
0x24d: {  	v12 =	vld.idx.msk @!p0 [tilespmem:v8+s26+$0x0], $0xffff;
	_ =	sdelay $0x4  }
0x24e: {  	s26 =	simm.s32 @!p0 $0xA000;
	[tilespmem:v7+s3+$0x16100 ss:$0x1] =	vst.idx.msk @!p0 vm0, v12  }
0x24f: {  	v8 =	vld.idx.msk @!p0 [tilespmem:v8+s26+$0x0], $0xffff;
	_ =	sdelay $0x1  }
0x250: {  	s0 =	sadd.s32 $0xFFFFFFFF, s0  }
0x251: {  	p1 =	sne.s32 s0, $0x0  }
.Ltmp6:
0x252: {  	_ = 	snop;
	(pc) =	sbr.rel @p1 .LBB2_7-.Ltmp6, $4  }
0x253: {  	[tilespmem:v7+s3+$0x17500 ss:$0x1] =	vst.idx.msk @!p0 vm0, v8  }
0x254: {  	[tilespmem:v7+s3+$0x18900 ss:$0x1] =	vst.idx.msk @!p0 vm0, v9  }
0x255: {  	[tilespmem:v7+s3+$0x19D00 ss:$0x1] =	vst.idx.msk @!p0 vm0, v10  }
0x256: {  	s2 =	sadd.s32 $0x10, s2;
	s24 =	sadd.s32 $0x10, s24;
	s25 =	sadd.s32 s3, s25;
	[tilespmem:v7+s3+$0x1B100 ss:$0x1] =	vst.idx.msk @!p0 vm0, v11  }
.Ltmp7:
0x257: {  	(pc) =	sbr.rel .LBB2_9-.Ltmp7, $3  }
0x258: {  	_ =	sdelay $0x1  }
0x259: {  	p0 =	slt.s32 s25, $0x40  }
0x25a: {  	s25 =	simm.s32 @!p0 $0x40  }
.LBB2_11:
0x25b: {  	_ =	sfence.sel $0x180000  }
0x25c: {  	[bflag:$0x0] =	sbarrier.arrive $0xFFFF  }
0x25d: {  	_ =	strace $0x90000047  }
0x25e: {  	s0 =	stileid.u32;
	[bflag:$0x2] =	sbarrier.arrive $0xFFFF  }
0x25f: {  	p0 =	sne.s32 s0, $0x0;
	s0 =	rddreg [dreg:$0x3]  }
0x260: {  	s0 =	sadd.s32 @!p0 $0x100000, s0  }
0x261: {  	[sflag:s0] =	ssyncadd.tile.s32 @!p0 $0x1;
	_ =	shalt  }
.Lfunc_end2:
_tile_overlayer_lowered:
.L_overlay_start_2:
0x262: {  	(tag) =	ssettag $0x2  }
0x263: {  	s0 =	rddreg [dreg:$0x0];
	s2 =	stileid.u32  }
0x264: {  	s1 =	rddreg [dreg:$0x1];
	p0 =	sne.s32 s2, $0x0  }
0x265: {  	s3 =	rddreg [dreg:$0x2];
	[bflag:$0x3] =	sbarrier.arrive $0xFFFF;
	s2 =	simm.s32 @!p0 $0x1C01  }
0x266: {  	[timem:s3], [sflag:s2] =	dma.local @!p0 [hbm:s0], s1  }
0x267: {  	s0 =	simm.s32 @!p0 $0x1  }
0x268: {  	_ =	swait.ge @!p0 [sflag:s0], s1  }
0x269: {  	s1 =	ssub.s32 @!p0 $0x0, s1;
	[sflag:s0] =	ssyncset.done @!p0 $0x0  }
0x26a: {  	[sflag:s0] =	ssyncadd.s32 @!p0 s1  }
0x26b: {  	[bflag:$0x3] =	sbarrier.arrive $0xFFFF  }
0x26c: {  	_ =	shalt  }

</sc_bundles>
